<compile_context>
chip_gen: v7x
topology: tpu7x:2x2x1
jax: 0.10.2.dev20260603
libtpu: 0.0.44.dev20260713+nightly
codegen_flags: <defaults>
</compile_context>

<pallas_src>
import functools

import jax
import jax.numpy as jnp
from jax import lax
from jax.experimental import pallas as pl
from jax.experimental.pallas import tpu as pltpu
from jax.experimental.pallas import tpu_sc as plsc

N_NODES = 10000
IN_DIM = 128
OUT_DIM = 128
N_EDGES = 320000

CHUNK = 128
NW = 32
NPW = 81
N_CHUNKS_P = NW * NPW
PAD_EDGES = N_CHUNKS_P * CHUNK - N_EDGES
N_TRASH = 48
ACC_ROWS = N_NODES + N_TRASH
VPC = IN_DIM // 16

N_PIECES = N_NODES // CHUNK
TAIL_BASE = N_PIECES * CHUNK
ZTAIL_ROWS = ACC_ROWS - TAIL_BASE
DTAIL_ROWS = N_NODES - TAIL_BASE

_sc_mesh = plsc.VectorSubcoreMesh(core_axis_name="c", subcore_axis_name="s")


@functools.partial(
    pl.kernel,
    out_type=jax.ShapeDtypeStruct((2 * N_NODES, IN_DIM), jnp.float32),
    mesh=_sc_mesh,
    scratch_types=[
        pltpu.VMEM((3, CHUNK), jnp.int32),
        pltpu.VMEM((3, CHUNK), jnp.int32),
        pltpu.VMEM((3, CHUNK), jnp.int32),
        pltpu.VMEM((3, CHUNK, IN_DIM), jnp.float32),
        pltpu.SemaphoreType.DMA,
        pltpu.SemaphoreType.DMA,
        pltpu.SemaphoreType.DMA,
        pltpu.SemaphoreType.DMA,
        pltpu.SemaphoreType.DMA,
        pltpu.SemaphoreType.DMA,
        pltpu.SemaphoreType.DMA,
        pltpu.SemaphoreType.DMA,
        pltpu.SemaphoreType.DMA,
        pltpu.VMEM_SHARED((ACC_ROWS, IN_DIM), jnp.float32),
    ],
)
def _sc_aggregate(pk_hbm, x_hbm, out_hbm, pbuf, sbuf, dbuf, rows,
                  psem0, psem1, psem2, gsem0, gsem1, gsem2,
                  ssem0, ssem1, ssem2, acc):
    psem = (psem0, psem1, psem2)
    gsem = (gsem0, gsem1, gsem2)
    ssem = (ssem0, ssem1, ssem2)
    core = lax.axis_index("c")
    sub = lax.axis_index("s")
    wid = core * 16 + sub
    base0 = wid * NPW

    zero16 = jnp.zeros((16,), jnp.float32)

    def zbody(i, carry):
        r = i // VPC
        j = i - r * VPC
        rows[0, r, pl.ds(j * 16, 16)] = zero16
        return carry

    lax.fori_loop(0, CHUNK * VPC, zbody, 0)
    zsrc = rows.at[0]
    npiece = jnp.where(sub < 14, 5, 4)

    def zpiece(q, carry):
        pltpu.async_copy(zsrc, acc.at[pl.ds((sub + q * 16) * CHUNK, CHUNK)], ssem0)
        return carry

    lax.fori_loop(0, npiece, zpiece, 0)

    @pl.when(sub == 15)
    def _zero_tail():
        pltpu.async_copy(zsrc.at[pl.ds(0, ZTAIL_ROWS)],
                         acc.at[pl.ds(TAIL_BASE, ZTAIL_ROWS)], ssem1)

    def P(k, m):
        pltpu.async_copy(pk_hbm.at[pl.ds((base0 + k) * CHUNK, CHUNK)],
                         pbuf.at[m], psem[m])

    def U(k, m):
        pltpu.make_async_copy(pk_hbm.at[pl.ds((base0 + k) * CHUNK, CHUNK)],
                              pbuf.at[m], psem[m]).wait()
        for j in range(VPC):
            p = pbuf[m, pl.ds(j * 16, 16)]
            sbuf[m, pl.ds(j * 16, 16)] = p & 16383
            dbuf[m, pl.ds(j * 16, 16)] = p >> 14

    def G(m):
        pltpu.async_copy(x_hbm.at[sbuf.at[m]], rows.at[m], gsem[m])

    def GW(m):
        pltpu.make_async_copy(x_hbm.at[sbuf.at[m]], rows.at[m], gsem[m]).wait()

    def S(m):
        pltpu.async_copy(rows.at[m], acc.at[dbuf.at[m]], ssem[m], add=True)

    def SW(m):
        pltpu.make_async_copy(rows.at[m], acc.at[dbuf.at[m]], ssem[m]).wait()

    P(0, 0)
    P(1, 1)
    P(2, 2)
    U(0, 0)
    P(3, 0)
    U(1, 1)
    P(4, 1)
    G(1)

    def zdrain(q, carry):
        pltpu.make_async_copy(zsrc, acc.at[pl.ds(sub * CHUNK, CHUNK)], ssem0).wait()
        return carry

    lax.fori_loop(0, npiece, zdrain, 0)

    @pl.when(sub == 15)
    def _zero_tail_wait():
        pltpu.make_async_copy(zsrc.at[pl.ds(0, ZTAIL_ROWS)],
                              acc.at[pl.ds(TAIL_BASE, ZTAIL_ROWS)], ssem1).wait()

    plsc.subcore_barrier()

    G(0)
    GW(0)
    S(0)
    U(2, 2)
    P(5, 2)
    G(2)

    def body(t, carry):
        k = 3 * t
        for off, m, m2 in ((1, 1, 0), (2, 2, 1), (3, 0, 2)):
            GW(m)
            S(m)
            SW(m2)
            U(k + off + 2, m2)
            P(k + off + 5, m2)
            G(m2)
        return carry

    lax.fori_loop(0, 25, body, 0)

    for k in range(76, 81):
        m = k % 3
        m2 = (k + 2) % 3
        GW(m)
        S(m)
        SW(m2)
        if k + 2 <= 80:
            U(k + 2, m2)
            G(m2)
    SW(80 % 3)

    plsc.subcore_barrier()

    out0 = core * N_NODES

    for q in range(5):

        @pl.when(q < npiece)
        def _piece(q=q):
            base = (sub + q * 16) * CHUNK
            buf, wsem = (rows.at[0], gsem0) if q % 2 == 0 else (rows.at[1], gsem1)
            if q >= 2:
                pbase = (sub + (q - 2) * 16) * CHUNK
                pltpu.make_async_copy(
                    buf, out_hbm.at[pl.ds(out0 + pbase, CHUNK)], wsem).wait()
            pltpu.sync_copy(acc.at[pl.ds(base, CHUNK)], buf)
            pltpu.async_copy(buf, out_hbm.at[pl.ds(out0 + base, CHUNK)], wsem)

    for p in range(2, 5):

        @pl.when(jnp.logical_and(p >= npiece - 2, p < npiece))
        def _piece_wait(p=p):
            pbase = (sub + p * 16) * CHUNK
            buf, wsem = (rows.at[0], gsem0) if p % 2 == 0 else (rows.at[1], gsem1)
            pltpu.make_async_copy(
                buf, out_hbm.at[pl.ds(out0 + pbase, CHUNK)], wsem).wait()

    @pl.when(sub == 15)
    def _drain_tail():
        pltpu.sync_copy(acc.at[pl.ds(TAIL_BASE, DTAIL_ROWS)],
                        rows.at[0].at[pl.ds(0, DTAIL_ROWS)])
        pltpu.sync_copy(rows.at[0].at[pl.ds(0, DTAIL_ROWS)],
                        out_hbm.at[pl.ds(out0 + TAIL_BASE, DTAIL_ROWS)])


_M_BLK = 10000


def _tc_xw_body(x_ref, w_ref, b_ref, o_ref):
    o_ref[...] = (
        jnp.dot(x_ref[...], w_ref[...], preferred_element_type=jnp.float32)
        + b_ref[...]
    )


def _tc_xw(x, W, b2):
    return pl.pallas_call(
        _tc_xw_body,
        grid=(N_NODES // _M_BLK,),
        in_specs=[
            pl.BlockSpec((_M_BLK, IN_DIM), lambda i: (i, 0)),
            pl.BlockSpec((IN_DIM, OUT_DIM), lambda i: (0, 0)),
            pl.BlockSpec((1, OUT_DIM), lambda i: (0, 0)),
        ],
        out_specs=pl.BlockSpec((_M_BLK, OUT_DIM), lambda i: (i, 0)),
        out_shape=jax.ShapeDtypeStruct((N_NODES, OUT_DIM), jnp.float32),
    )(x, W, b2)


def _tc_agg_body(y_ref, a0_ref, a1_ref, w_ref, o_ref):
    agg = a0_ref[...] + a1_ref[...]
    o_ref[...] = y_ref[...] + jnp.dot(
        agg, w_ref[...], preferred_element_type=jnp.float32)


def _tc_aggw(y, agg2, W):
    n_blk = N_NODES // _M_BLK
    return pl.pallas_call(
        _tc_agg_body,
        grid=(n_blk,),
        in_specs=[
            pl.BlockSpec((_M_BLK, OUT_DIM), lambda i: (i, 0)),
            pl.BlockSpec((_M_BLK, IN_DIM), lambda i: (i, 0)),
            pl.BlockSpec((_M_BLK, IN_DIM), lambda i: (i + n_blk, 0)),
            pl.BlockSpec((IN_DIM, OUT_DIM), lambda i: (0, 0)),
        ],
        out_specs=pl.BlockSpec((_M_BLK, OUT_DIM), lambda i: (i, 0)),
        out_shape=jax.ShapeDtypeStruct((N_NODES, OUT_DIM), jnp.float32),
    )(y, agg2, agg2, W)


def kernel(x, edge_index, W, b):
    ei = edge_index.astype(jnp.int32)
    pad_iota = jnp.arange(PAD_EDGES, dtype=jnp.int32)
    pad_src = (pad_iota * 131) % N_NODES
    pad_dst = N_NODES + pad_iota % N_TRASH
    src_p = jnp.concatenate([ei[0], pad_src])
    dst_p = jnp.concatenate([ei[1], pad_dst])
    packed = dst_p * 16384 + src_p
    agg2 = _sc_aggregate(packed, x)
    y = _tc_xw(x, W, b.reshape(1, OUT_DIM))
    return _tc_aggw(y, agg2, W)

# --- scband reference (transcript-rebuilt; emitter-appended) ---
"""Pipeline reference for scband-na-mlpaggregator-82824149336530 (READ-ONLY COPY).

The authoritative reference and input builder live on the scoring server;
editing this copy changes nothing except your own understanding.
"""

import jax, jax.numpy as jnp
import numpy as np

IN_DIM = 128
OUT_DIM = 128
N_NODES = 10000
N_EDGES = 320000
EPS = 0.0  # GINConv default eps


def setup_inputs(seed: int = 0) -> dict:
    key = jax.random.key(seed)
    k1, k2, k3 = jax.random.split(key, 3)
    x = jax.random.normal(k1, (N_NODES, IN_DIM), dtype=jnp.float32)
    edge_index = jax.random.randint(k2, (2, N_EDGES), 0, N_NODES, dtype=jnp.int64)
    # d == 1 -> Sequential(Linear(in_dim, out_dim)); single linear layer params
    W = jax.random.normal(k3, (IN_DIM, OUT_DIM), dtype=jnp.float32) * (1.0 / np.sqrt(IN_DIM))
    b = jnp.zeros((OUT_DIM,), dtype=jnp.float32)
    return {"x": x, "edge_index": edge_index, "W": W, "b": b}


def reference(x, edge_index, W, b):
    # GINConv forward: out = nn((1 + eps) * x + sum_{j in N(i)} x_j)
    src = edge_index[0]
    dst = edge_index[1]
    msgs = jnp.take(x, src, axis=0)                      # gather source node features [E, d]
    agg = jnp.zeros_like(x).at[dst].add(msgs)            # scatter-add to destination nodes [N, d]
    h = (1.0 + EPS) * x + agg
    out = h @ W + b                                      # nn1 = Linear(in_dim, out_dim)
    return out

if __name__ == "__main__":
    import jax
    _d = setup_inputs()
    print(jax.jit(kernel)(*tuple(_d.values())))

</pallas_src>

<mosaic_0001>
#map = affine_map<(d0, d1) -> (0)>
#map1 = affine_map<(d0, d1) -> (0, 0)>
module attributes {stable_mosaic.version = 14 : i64} {
  func.func @_sc_aggregate(%arg0: i32, %arg1: i32, %arg2: memref<331776xi32, #tpu.memory_space<hbm>>, %arg3: memref<10000x128xf32, #tpu.memory_space<hbm>>, %arg4: memref<20000x128xf32, #tpu.memory_space<hbm>>, %arg5: memref<3x128xi32, #tpu.memory_space<vmem>>, %arg6: memref<3x128xi32, #tpu.memory_space<vmem>>, %arg7: memref<3x128xi32, #tpu.memory_space<vmem>>, %arg8: memref<3x128x128xf32, #tpu.memory_space<vmem>>, %arg9: memref<!tpu.dma_semaphore, #tpu.memory_space<semaphore_mem>>, %arg10: memref<!tpu.dma_semaphore, #tpu.memory_space<semaphore_mem>>, %arg11: memref<!tpu.dma_semaphore, #tpu.memory_space<semaphore_mem>>, %arg12: memref<!tpu.dma_semaphore, #tpu.memory_space<semaphore_mem>>, %arg13: memref<!tpu.dma_semaphore, #tpu.memory_space<semaphore_mem>>, %arg14: memref<!tpu.dma_semaphore, #tpu.memory_space<semaphore_mem>>, %arg15: memref<!tpu.dma_semaphore, #tpu.memory_space<semaphore_mem>>, %arg16: memref<!tpu.dma_semaphore, #tpu.memory_space<semaphore_mem>>, %arg17: memref<!tpu.dma_semaphore, #tpu.memory_space<semaphore_mem>>, %arg18: memref<10048x128xf32, #tpu.memory_space<vmem_shared>>) attributes {dimension_semantics = [#tpu.dimension_semantics<core_parallel>, #tpu.dimension_semantics<subcore_parallel>], iteration_bounds = array<i64: 2, 16>, scalar_prefetch = 0 : i64, scratch_operands = 14 : i64, tpu.core_type = #tpu.core_type<sc_vector_subcore>, window_params = [{transform_indices = #map}, {transform_indices = #map1}, {transform_indices = #map1}]} {
    %mul3A = arith.constant 16 : i32
    %mul3A_0 = arith.muli %arg0, %mul3A : i32
    %add3A = arith.addi %mul3A_0, %arg1 : i32
    %mul3A_1 = arith.constant 81 : i32
    %mul3A_2 = arith.muli %add3A, %mul3A_1 : i32
    %broadcast_in_dim3A = arith.constant 0.000000e+00 : f32
    %broadcast_in_dim3A_3 = vector.broadcast %broadcast_in_dim3A : f32 to vector<16xf32>
    %scan3A = arith.constant 0 : i32
    %scan3A_4 = arith.constant 0 : i32
    %scan3A_5 = arith.constant 1024 : i32
    %scan3A_6 = arith.addi %scan3A_4, %scan3A_5 : i32
    %scan3A_7 = arith.constant 1 : i32
    scf.for %scan3A_1649 = %scan3A_4 to %scan3A_6 step %scan3A_7  : i32 {
      %jit3A_1650 = arith.constant 8 : i32
      %div3A = arith.divsi %scan3A_1649, %jit3A_1650 : i32
      %sign3A = arith.constant 0 : i32
      %sign3A_1651 = arith.cmpi sgt, %scan3A_1649, %sign3A : i32
      %sign3A_1652 = arith.extui %sign3A_1651 : i1 to i32
      %sign3A_1653 = arith.constant 0 : i32
      %sign3A_1654 = arith.cmpi slt, %scan3A_1649, %sign3A_1653 : i32
      %sign3A_1655 = arith.extui %sign3A_1654 : i1 to i32
      %sign3A_1656 = arith.subi %sign3A_1652, %sign3A_1655 : i32
      %sign3A_1657 = arith.constant 0 : i32
      %sign3A_1658 = arith.cmpi sgt, %jit3A_1650, %sign3A_1657 : i32
      %sign3A_1659 = arith.extui %sign3A_1658 : i1 to i32
      %sign3A_1660 = arith.constant 0 : i32
      %sign3A_1661 = arith.cmpi slt, %jit3A_1650, %sign3A_1660 : i32
      %sign3A_1662 = arith.extui %sign3A_1661 : i1 to i32
      %sign3A_1663 = arith.subi %sign3A_1659, %sign3A_1662 : i32
      %ne3A = arith.cmpi ne, %sign3A_1656, %sign3A_1663 : i32
      %rem3A = arith.remsi %scan3A_1649, %jit3A_1650 : i32
      %ne3A_1664 = arith.constant 0 : i32
      %ne3A_1665 = arith.cmpi ne, %rem3A, %ne3A_1664 : i32
      %and3A_1666 = arith.andi %ne3A, %ne3A_1665 : i1
      %sub3A_1667 = arith.constant 1 : i32
      %sub3A_1668 = arith.subi %div3A, %sub3A_1667 : i32
      %select_n3A_1669 = arith.select %and3A_1666, %sub3A_1668, %div3A : i32
      %mul3A_1670 = arith.constant 8 : i32
      %mul3A_1671 = arith.muli %select_n3A_1669, %mul3A_1670 : i32
      %sub3A_1672 = arith.subi %scan3A_1649, %mul3A_1671 : i32
      %mul3A_1673 = arith.constant 16 : i32
      %mul3A_1674 = arith.muli %sub3A_1672, %mul3A_1673 : i32
      %swap3A_1675 = arith.constant 0 : i32
      %swap3A_1676 = arith.index_cast %swap3A_1675 : i32 to index
      %swap3A_1677 = arith.index_cast %select_n3A_1669 : i32 to index
      %swap3A_1678 = arith.index_cast %mul3A_1674 : i32 to index
      %swap3A_1679 = tpu.vector_load %arg8[%swap3A_1676, %swap3A_1677, %swap3A_1678] {strides = array<i32>} : memref<3x128x128xf32, #tpu.memory_space<vmem>>, vector<1x1x16xf32>,
      %swap3A_1680 = vector.shape_cast %swap3A_1679 : vector<1x1x16xf32> to vector<16xf32>
      %swap3A_1681 = vector.shape_cast %broadcast_in_dim3A_3 : vector<16xf32> to vector<1x1x16xf32>
      tpu.vector_store %arg8[%swap3A_1676, %swap3A_1677, %swap3A_1678], %swap3A_1681 {strides = array<i32>} : memref<3x128x128xf32, #tpu.memory_space<vmem>>, vector<1x1x16xf32>,
    }
    %scan3A_8 = arith.constant 1024 : i32
    %lt3A = arith.constant 14 : i32
    %lt3A_9 = arith.cmpi slt, %arg1, %lt3A : i32
    %jit3A = arith.constant 5 : i32
    %jit3A_10 = arith.constant 4 : i32
    %select_n3A = arith.select %lt3A_9, %jit3A, %jit3A_10 : i32
    %while3A = arith.constant 0 : i32
    %while3A_11 = arith.constant 0 : i32
    %while3A_12 = arith.constant 0 : i32
    %while3A_13 = arith.subi %select_n3A, %while3A_12 : i32
    %while3A_14 = arith.addi %while3A_12, %while3A_13 : i32
    %while3A_15 = arith.constant 1 : i32
    %while3A_16 = arith.divsi %while3A_13, %while3A_15 : i32
    %while3A_17 = arith.muli %while3A_16, %while3A_15 : i32
    %while3A_18 = arith.addi %while3A_12, %while3A_17 : i32
    %while3A_19 = arith.constant 1 : i32
    scf.for %while3A_1649 = %while3A_12 to %while3A_18 step %while3A_19  : i32 {
      %mul3A_1650 = arith.constant 16 : i32
      %mul3A_1651 = arith.muli %while3A_1649, %mul3A_1650 : i32
      %add3A_1652 = arith.addi %arg1, %mul3A_1651 : i32
      %mul3A_1653 = arith.constant 128 : i32
      %mul3A_1654 = arith.muli %add3A_1652, %mul3A_1653 : i32
      %dma_start3A_1655 = arith.constant 0 : i32
      %dma_start3A_1656 = arith.constant 0 : i32
      %dma_start3A_1657 = tpu.memref_slice %arg8[%while3A_11, %dma_start3A_1655, %dma_start3A_1656] : memref<3x128x128xf32, #tpu.memory_space<vmem>> -> memref<1x128x128xf32, #tpu.memory_space<vmem>>
      %dma_start3A_1658 = tpu.memref_squeeze %dma_start3A_1657 : memref<1x128x128xf32, #tpu.memory_space<vmem>> -> memref<128x128xf32, #tpu.memory_space<vmem>>
      %dma_start3A_1659 = arith.constant 0 : i32
      %dma_start3A_1660 = tpu.memref_slice %arg18[%mul3A_1654, %dma_start3A_1659] : memref<10048x128xf32, #tpu.memory_space<vmem_shared>> -> memref<128x128xf32, #tpu.memory_space<vmem_shared>>
      %dma_start3A_1661 = arith.constant 0 : i32
      %dma_start3A_1662 = tpu.memref_slice %arg18[%mul3A_1654, %dma_start3A_1661] : memref<10048x128xf32, #tpu.memory_space<vmem_shared>> -> memref<128x128xf32, #tpu.memory_space<vmem_shared>>
      %dma_start3A_1663 = arith.constant 0 : i32
      %dma_start3A_1664 = arith.constant 0 : i32
      %dma_start3A_1665 = tpu.memref_slice %arg8[%while3A_11, %dma_start3A_1663, %dma_start3A_1664] : memref<3x128x128xf32, #tpu.memory_space<vmem>> -> memref<1x128x128xf32, #tpu.memory_space<vmem>>
      %dma_start3A_1666 = tpu.memref_squeeze %dma_start3A_1665 : memref<1x128x128xf32, #tpu.memory_space<vmem>> -> memref<128x128xf32, #tpu.memory_space<vmem>>
      tpu.enqueue_dma source(%dma_start3A_1666 : memref<128x128xf32, #tpu.memory_space<vmem>>) target(%dma_start3A_1662 : memref<128x128xf32, #tpu.memory_space<vmem_shared>>) target_semaphore(%arg15 : memref<!tpu.dma_semaphore, #tpu.memory_space<semaphore_mem>>)
    }
    %while3A_20 = arith.constant 1 : i32
    scf.for %while3A_1649 = %while3A_18 to %while3A_14 step %while3A_20  : i32 {
      %mul3A_1650 = arith.constant 16 : i32
      %mul3A_1651 = arith.muli %while3A_1649, %mul3A_1650 : i32
      %add3A_1652 = arith.addi %arg1, %mul3A_1651 : i32
      %mul3A_1653 = arith.constant 128 : i32
      %mul3A_1654 = arith.muli %add3A_1652, %mul3A_1653 : i32
      %dma_start3A_1655 = arith.constant 0 : i32
      %dma_start3A_1656 = arith.constant 0 : i32
      %dma_start3A_1657 = tpu.memref_slice %arg8[%while3A_11, %dma_start3A_1655, %dma_start3A_1656] : memref<3x128x128xf32, #tpu.memory_space<vmem>> -> memref<1x128x128xf32, #tpu.memory_space<vmem>>
      %dma_start3A_1658 = tpu.memref_squeeze %dma_start3A_1657 : memref<1x128x128xf32, #tpu.memory_space<vmem>> -> memref<128x128xf32, #tpu.memory_space<vmem>>
      %dma_start3A_1659 = arith.constant 0 : i32
      %dma_start3A_1660 = tpu.memref_slice %arg18[%mul3A_1654, %dma_start3A_1659] : memref<10048x128xf32, #tpu.memory_space<vmem_shared>> -> memref<128x128xf32, #tpu.memory_space<vmem_shared>>
      %dma_start3A_1661 = arith.constant 0 : i32
      %dma_start3A_1662 = tpu.memref_slice %arg18[%mul3A_1654, %dma_start3A_1661] : memref<10048x128xf32, #tpu.memory_space<vmem_shared>> -> memref<128x128xf32, #tpu.memory_space<vmem_shared>>
      %dma_start3A_1663 = arith.constant 0 : i32
      %dma_start3A_1664 = arith.constant 0 : i32
      %dma_start3A_1665 = tpu.memref_slice %arg8[%while3A_11, %dma_start3A_1663, %dma_start3A_1664] : memref<3x128x128xf32, #tpu.memory_space<vmem>> -> memref<1x128x128xf32, #tpu.memory_space<vmem>>
      %dma_start3A_1666 = tpu.memref_squeeze %dma_start3A_1665 : memref<1x128x128xf32, #tpu.memory_space<vmem>> -> memref<128x128xf32, #tpu.memory_space<vmem>>
      tpu.enqueue_dma source(%dma_start3A_1666 : memref<128x128xf32, #tpu.memory_space<vmem>>) target(%dma_start3A_1662 : memref<128x128xf32, #tpu.memory_space<vmem_shared>>) target_semaphore(%arg15 : memref<!tpu.dma_semaphore, #tpu.memory_space<semaphore_mem>>)
    }
    %eq3A = arith.constant 15 : i32
    %eq3A_21 = arith.cmpi eq, %arg1, %eq3A : i32
    %convert_element_type3A = arith.extui %eq3A_21 : i1 to i32
    %cond3A = arith.constant 0 : i32
    %cond3A_22 = arith.constant 0 : i32
    %cond3A_23 = arith.cmpi ne, %convert_element_type3A, %cond3A_22 : i32
    scf.if %cond3A_23 {
      %dma_start3A_1649 = arith.constant 0 : i32
      %dma_start3A_1650 = arith.constant 0 : i32
      %dma_start3A_1651 = tpu.memref_slice %arg8[%cond3A, %dma_start3A_1649, %dma_start3A_1650] : memref<3x128x128xf32, #tpu.memory_space<vmem>> -> memref<1x128x128xf32, #tpu.memory_space<vmem>>
      %dma_start3A_1652 = tpu.memref_squeeze %dma_start3A_1651 : memref<1x128x128xf32, #tpu.memory_space<vmem>> -> memref<128x128xf32, #tpu.memory_space<vmem>>
      %dma_start3A_1653 = arith.constant 0 : i32
      %dma_start3A_1654 = arith.constant 0 : i32
      %dma_start3A_1655 = tpu.memref_slice %dma_start3A_1652[%dma_start3A_1653, %dma_start3A_1654] : memref<128x128xf32, #tpu.memory_space<vmem>> -> memref<64x128xf32, #tpu.memory_space<vmem>>
      %dma_start3A_1656 = arith.constant 9984 : i32
      %dma_start3A_1657 = arith.constant 0 : i32
      %dma_start3A_1658 = tpu.memref_slice %arg18[%dma_start3A_1656, %dma_start3A_1657] : memref<10048x128xf32, #tpu.memory_space<vmem_shared>> -> memref<64x128xf32, #tpu.memory_space<vmem_shared>>
      %dma_start3A_1659 = arith.constant 9984 : i32
      %dma_start3A_1660 = arith.constant 0 : i32
      %dma_start3A_1661 = tpu.memref_slice %arg18[%dma_start3A_1659, %dma_start3A_1660] : memref<10048x128xf32, #tpu.memory_space<vmem_shared>> -> memref<64x128xf32, #tpu.memory_space<vmem_shared>>
      %dma_start3A_1662 = arith.constant 0 : i32
      %dma_start3A_1663 = arith.constant 0 : i32
      %dma_start3A_1664 = tpu.memref_slice %arg8[%cond3A, %dma_start3A_1662, %dma_start3A_1663] : memref<3x128x128xf32, #tpu.memory_space<vmem>> -> memref<1x128x128xf32, #tpu.memory_space<vmem>>
      %dma_start3A_1665 = tpu.memref_squeeze %dma_start3A_1664 : memref<1x128x128xf32, #tpu.memory_space<vmem>> -> memref<128x128xf32, #tpu.memory_space<vmem>>
      %dma_start3A_1666 = arith.constant 0 : i32
      %dma_start3A_1667 = arith.constant 0 : i32
      %dma_start3A_1668 = tpu.memref_slice %dma_start3A_1665[%dma_start3A_1666, %dma_start3A_1667] : memref<128x128xf32, #tpu.memory_space<vmem>> -> memref<64x128xf32, #tpu.memory_space<vmem>>
      tpu.enqueue_dma source(%dma_start3A_1668 : memref<64x128xf32, #tpu.memory_space<vmem>>) target(%dma_start3A_1661 : memref<64x128xf32, #tpu.memory_space<vmem_shared>>) target_semaphore(%arg16 : memref<!tpu.dma_semaphore, #tpu.memory_space<semaphore_mem>>)
    } else {
    }
    %add3A_24 = arith.constant 0 : i32
    %add3A_25 = arith.addi %mul3A_2, %add3A_24 : i32
    %mul3A_26 = arith.constant 128 : i32
    %mul3A_27 = arith.muli %add3A_25, %mul3A_26 : i32
    %dma_start3A = arith.constant 0 : i32
    %dma_start3A_28 = arith.constant 0 : i32
    %dma_start3A_29 = tpu.memref_slice %arg5[%dma_start3A, %dma_start3A_28] : memref<3x128xi32, #tpu.memory_space<vmem>> -> memref<1x128xi32, #tpu.memory_space<vmem>>
    %dma_start3A_30 = tpu.memref_squeeze %dma_start3A_29 : memref<1x128xi32, #tpu.memory_space<vmem>> -> memref<128xi32, #tpu.memory_space<vmem>>
    %dma_start3A_31 = tpu.memref_slice %arg2[%mul3A_27] : memref<331776xi32, #tpu.memory_space<hbm>> -> memref<128xi32, #tpu.memory_space<hbm>>
    %dma_start3A_32 = arith.constant 0 : i32
    %dma_start3A_33 = tpu.memref_slice %arg5[%dma_start3A, %dma_start3A_32] : memref<3x128xi32, #tpu.memory_space<vmem>> -> memref<1x128xi32, #tpu.memory_space<vmem>>
    %dma_start3A_34 = tpu.memref_squeeze %dma_start3A_33 : memref<1x128xi32, #tpu.memory_space<vmem>> -> memref<128xi32, #tpu.memory_space<vmem>>
    %dma_start3A_35 = tpu.memref_slice %arg2[%mul3A_27] : memref<331776xi32, #tpu.memory_space<hbm>> -> memref<128xi32, #tpu.memory_space<hbm>>
    tpu.enqueue_dma source(%dma_start3A_35 : memref<128xi32, #tpu.memory_space<hbm>>) target(%dma_start3A_34 : memref<128xi32, #tpu.memory_space<vmem>>) target_semaphore(%arg9 : memref<!tpu.dma_semaphore, #tpu.memory_space<semaphore_mem>>)
    %add3A_36 = arith.constant 1 : i32
    %add3A_37 = arith.addi %mul3A_2, %add3A_36 : i32
    %mul3A_38 = arith.constant 128 : i32
    %mul3A_39 = arith.muli %add3A_37, %mul3A_38 : i32
    %dma_start3A_40 = arith.constant 1 : i32
    %dma_start3A_41 = arith.constant 0 : i32
    %dma_start3A_42 = tpu.memref_slice %arg5[%dma_start3A_40, %dma_start3A_41] : memref<3x128xi32, #tpu.memory_space<vmem>> -> memref<1x128xi32, #tpu.memory_space<vmem>>
    %dma_start3A_43 = tpu.memref_squeeze %dma_start3A_42 : memref<1x128xi32, #tpu.memory_space<vmem>> -> memref<128xi32, #tpu.memory_space<vmem>>
    %dma_start3A_44 = tpu.memref_slice %arg2[%mul3A_39] : memref<331776xi32, #tpu.memory_space<hbm>> -> memref<128xi32, #tpu.memory_space<hbm>>
    %dma_start3A_45 = arith.constant 0 : i32
    %dma_start3A_46 = tpu.memref_slice %arg5[%dma_start3A_40, %dma_start3A_45] : memref<3x128xi32, #tpu.memory_space<vmem>> -> memref<1x128xi32, #tpu.memory_space<vmem>>
    %dma_start3A_47 = tpu.memref_squeeze %dma_start3A_46 : memref<1x128xi32, #tpu.memory_space<vmem>> -> memref<128xi32, #tpu.memory_space<vmem>>
    %dma_start3A_48 = tpu.memref_slice %arg2[%mul3A_39] : memref<331776xi32, #tpu.memory_space<hbm>> -> memref<128xi32, #tpu.memory_space<hbm>>
    tpu.enqueue_dma source(%dma_start3A_48 : memref<128xi32, #tpu.memory_space<hbm>>) target(%dma_start3A_47 : memref<128xi32, #tpu.memory_space<vmem>>) target_semaphore(%arg10 : memref<!tpu.dma_semaphore, #tpu.memory_space<semaphore_mem>>)
    %add3A_49 = arith.constant 2 : i32
    %add3A_50 = arith.addi %mul3A_2, %add3A_49 : i32
    %mul3A_51 = arith.constant 128 : i32
    %mul3A_52 = arith.muli %add3A_50, %mul3A_51 : i32
    %dma_start3A_53 = arith.constant 2 : i32
    %dma_start3A_54 = arith.constant 0 : i32
    %dma_start3A_55 = tpu.memref_slice %arg5[%dma_start3A_53, %dma_start3A_54] : memref<3x128xi32, #tpu.memory_space<vmem>> -> memref<1x128xi32, #tpu.memory_space<vmem>>
    %dma_start3A_56 = tpu.memref_squeeze %dma_start3A_55 : memref<1x128xi32, #tpu.memory_space<vmem>> -> memref<128xi32, #tpu.memory_space<vmem>>
    %dma_start3A_57 = tpu.memref_slice %arg2[%mul3A_52] : memref<331776xi32, #tpu.memory_space<hbm>> -> memref<128xi32, #tpu.memory_space<hbm>>
    %dma_start3A_58 = arith.constant 0 : i32
    %dma_start3A_59 = tpu.memref_slice %arg5[%dma_start3A_53, %dma_start3A_58] : memref<3x128xi32, #tpu.memory_space<vmem>> -> memref<1x128xi32, #tpu.memory_space<vmem>>
    %dma_start3A_60 = tpu.memref_squeeze %dma_start3A_59 : memref<1x128xi32, #tpu.memory_space<vmem>> -> memref<128xi32, #tpu.memory_space<vmem>>
    %dma_start3A_61 = tpu.memref_slice %arg2[%mul3A_52] : memref<331776xi32, #tpu.memory_space<hbm>> -> memref<128xi32, #tpu.memory_space<hbm>>
    tpu.enqueue_dma source(%dma_start3A_61 : memref<128xi32, #tpu.memory_space<hbm>>) target(%dma_start3A_60 : memref<128xi32, #tpu.memory_space<vmem>>) target_semaphore(%arg11 : memref<!tpu.dma_semaphore, #tpu.memory_space<semaphore_mem>>)
    %add3A_62 = arith.constant 0 : i32
    %add3A_63 = arith.addi %mul3A_2, %add3A_62 : i32
    %mul3A_64 = arith.constant 128 : i32
    %mul3A_65 = arith.muli %add3A_63, %mul3A_64 : i32
    %dma_wait3A = arith.constant 0 : i32
    %dma_wait3A_66 = arith.constant 0 : i32
    %dma_wait3A_67 = tpu.memref_slice %arg5[%dma_wait3A, %dma_wait3A_66] : memref<3x128xi32, #tpu.memory_space<vmem>> -> memref<1x128xi32, #tpu.memory_space<vmem>>
    %dma_wait3A_68 = tpu.memref_squeeze %dma_wait3A_67 : memref<1x128xi32, #tpu.memory_space<vmem>> -> memref<128xi32, #tpu.memory_space<vmem>>
    %dma_wait3A_69 = tpu.memref_slice %arg2[%mul3A_65] : memref<331776xi32, #tpu.memory_space<hbm>> -> memref<128xi32, #tpu.memory_space<hbm>>
    %dma_wait3A_70 = arith.constant 0 : i32
    %dma_wait3A_71 = tpu.memref_slice %arg5[%dma_wait3A, %dma_wait3A_70] : memref<3x128xi32, #tpu.memory_space<vmem>> -> memref<1x128xi32, #tpu.memory_space<vmem>>
    %dma_wait3A_72 = tpu.memref_squeeze %dma_wait3A_71 : memref<1x128xi32, #tpu.memory_space<vmem>> -> memref<128xi32, #tpu.memory_space<vmem>>
    %dma_wait3A_73 = tpu.memref_slice %arg2[%mul3A_65] : memref<331776xi32, #tpu.memory_space<hbm>> -> memref<128xi32, #tpu.memory_space<hbm>>
    tpu.wait_dma2 semaphore(%arg9 : memref<!tpu.dma_semaphore, #tpu.memory_space<semaphore_mem>>) src(%dma_wait3A_73 : memref<128xi32, #tpu.memory_space<hbm>>) dst(%dma_wait3A_72 : memref<128xi32, #tpu.memory_space<vmem>>)
    %get3A = arith.constant 0 : i32
    %get3A_74 = arith.index_cast %get3A : i32 to index
    %get3A_75 = arith.constant 0 : index
    %get3A_76 = tpu.vector_load %arg5[%get3A_74, %get3A_75] {strides = array<i32>} : memref<3x128xi32, #tpu.memory_space<vmem>>, vector<1x16xi32>,
    %get3A_77 = vector.shape_cast %get3A_76 : vector<1x16xi32> to vector<16xi32>
    %and3A = arith.constant 16383 : i32
    %and3A_78 = vector.broadcast %and3A : i32 to vector<16xi32>
    %and3A_79 = arith.andi %get3A_77, %and3A_78 : vector<16xi32>
    %swap3A = arith.constant 0 : i32
    %swap3A_80 = arith.index_cast %swap3A : i32 to index
    %swap3A_81 = arith.constant 0 : index
    %swap3A_82 = tpu.vector_load %arg6[%swap3A_80, %swap3A_81] {strides = array<i32>} : memref<3x128xi32, #tpu.memory_space<vmem>>, vector<1x16xi32>,
    %swap3A_83 = vector.shape_cast %swap3A_82 : vector<1x16xi32> to vector<16xi32>
    %swap3A_84 = vector.shape_cast %and3A_79 : vector<16xi32> to vector<1x16xi32>
    tpu.vector_store %arg6[%swap3A_80, %swap3A_81], %swap3A_84 {strides = array<i32>} : memref<3x128xi32, #tpu.memory_space<vmem>>, vector<1x16xi32>,
    %shift_right_arithmetic3A = arith.constant 14 : i32
    %shift_right_arithmetic3A_85 = vector.broadcast %shift_right_arithmetic3A : i32 to vector<16xi32>
    %shift_right_arithmetic3A_86 = arith.shrsi %get3A_77, %shift_right_arithmetic3A_85 : vector<16xi32>
    %swap3A_87 = arith.constant 0 : i32
    %swap3A_88 = arith.index_cast %swap3A_87 : i32 to index
    %swap3A_89 = arith.constant 0 : index
    %swap3A_90 = tpu.vector_load %arg7[%swap3A_88, %swap3A_89] {strides = array<i32>} : memref<3x128xi32, #tpu.memory_space<vmem>>, vector<1x16xi32>,
    %swap3A_91 = vector.shape_cast %swap3A_90 : vector<1x16xi32> to vector<16xi32>
    %swap3A_92 = vector.shape_cast %shift_right_arithmetic3A_86 : vector<16xi32> to vector<1x16xi32>
    tpu.vector_store %arg7[%swap3A_88, %swap3A_89], %swap3A_92 {strides = array<i32>} : memref<3x128xi32, #tpu.memory_space<vmem>>, vector<1x16xi32>,
    %get3A_93 = arith.constant 0 : i32
    %get3A_94 = arith.index_cast %get3A_93 : i32 to index
    %get3A_95 = arith.constant 16 : index
    %get3A_96 = tpu.vector_load %arg5[%get3A_94, %get3A_95] {strides = array<i32>} : memref<3x128xi32, #tpu.memory_space<vmem>>, vector<1x16xi32>,
    %get3A_97 = vector.shape_cast %get3A_96 : vector<1x16xi32> to vector<16xi32>
    %and3A_98 = arith.constant 16383 : i32
    %and3A_99 = vector.broadcast %and3A_98 : i32 to vector<16xi32>
    %and3A_100 = arith.andi %get3A_97, %and3A_99 : vector<16xi32>
    %swap3A_101 = arith.constant 0 : i32
    %swap3A_102 = arith.index_cast %swap3A_101 : i32 to index
    %swap3A_103 = arith.constant 16 : index
    %swap3A_104 = tpu.vector_load %arg6[%swap3A_102, %swap3A_103] {strides = array<i32>} : memref<3x128xi32, #tpu.memory_space<vmem>>, vector<1x16xi32>,
    %swap3A_105 = vector.shape_cast %swap3A_104 : vector<1x16xi32> to vector<16xi32>
    %swap3A_106 = vector.shape_cast %and3A_100 : vector<16xi32> to vector<1x16xi32>
    tpu.vector_store %arg6[%swap3A_102, %swap3A_103], %swap3A_106 {strides = array<i32>} : memref<3x128xi32, #tpu.memory_space<vmem>>, vector<1x16xi32>,
    %shift_right_arithmetic3A_107 = arith.constant 14 : i32
    %shift_right_arithmetic3A_108 = vector.broadcast %shift_right_arithmetic3A_107 : i32 to vector<16xi32>
    %shift_right_arithmetic3A_109 = arith.shrsi %get3A_97, %shift_right_arithmetic3A_108 : vector<16xi32>
    %swap3A_110 = arith.constant 0 : i32
    %swap3A_111 = arith.index_cast %swap3A_110 : i32 to index
    %swap3A_112 = arith.constant 16 : index
    %swap3A_113 = tpu.vector_load %arg7[%swap3A_111, %swap3A_112] {strides = array<i32>} : memref<3x128xi32, #tpu.memory_space<vmem>>, vector<1x16xi32>,
    %swap3A_114 = vector.shape_cast %swap3A_113 : vector<1x16xi32> to vector<16xi32>
    %swap3A_115 = vector.shape_cast %shift_right_arithmetic3A_109 : vector<16xi32> to vector<1x16xi32>
    tpu.vector_store %arg7[%swap3A_111, %swap3A_112], %swap3A_115 {strides = array<i32>} : memref<3x128xi32, #tpu.memory_space<vmem>>, vector<1x16xi32>,
    %get3A_116 = arith.constant 0 : i32
    %get3A_117 = arith.index_cast %get3A_116 : i32 to index
    %get3A_118 = arith.constant 32 : index
    %get3A_119 = tpu.vector_load %arg5[%get3A_117, %get3A_118] {strides = array<i32>} : memref<3x128xi32, #tpu.memory_space<vmem>>, vector<1x16xi32>,
    %get3A_120 = vector.shape_cast %get3A_119 : vector<1x16xi32> to vector<16xi32>
    %and3A_121 = arith.constant 16383 : i32
    %and3A_122 = vector.broadcast %and3A_121 : i32 to vector<16xi32>
    %and3A_123 = arith.andi %get3A_120, %and3A_122 : vector<16xi32>
    %swap3A_124 = arith.constant 0 : i32
    %swap3A_125 = arith.index_cast %swap3A_124 : i32 to index
    %swap3A_126 = arith.constant 32 : index
    %swap3A_127 = tpu.vector_load %arg6[%swap3A_125, %swap3A_126] {strides = array<i32>} : memref<3x128xi32, #tpu.memory_space<vmem>>, vector<1x16xi32>,
    %swap3A_128 = vector.shape_cast %swap3A_127 : vector<1x16xi32> to vector<16xi32>
    %swap3A_129 = vector.shape_cast %and3A_123 : vector<16xi32> to vector<1x16xi32>
    tpu.vector_store %arg6[%swap3A_125, %swap3A_126], %swap3A_129 {strides = array<i32>} : memref<3x128xi32, #tpu.memory_space<vmem>>, vector<1x16xi32>,
    %shift_right_arithmetic3A_130 = arith.constant 14 : i32
    %shift_right_arithmetic3A_131 = vector.broadcast %shift_right_arithmetic3A_130 : i32 to vector<16xi32>
    %shift_right_arithmetic3A_132 = arith.shrsi %get3A_120, %shift_right_arithmetic3A_131 : vector<16xi32>
    %swap3A_133 = arith.constant 0 : i32
    %swap3A_134 = arith.index_cast %swap3A_133 : i32 to index
    %swap3A_135 = arith.constant 32 : index
    %swap3A_136 = tpu.vector_load %arg7[%swap3A_134, %swap3A_135] {strides = array<i32>} : memref<3x128xi32, #tpu.memory_space<vmem>>, vector<1x16xi32>,
    %swap3A_137 = vector.shape_cast %swap3A_136 : vector<1x16xi32> to vector<16xi32>
    %swap3A_138 = vector.shape_cast %shift_right_arithmetic3A_132 : vector<16xi32> to vector<1x16xi32>
    tpu.vector_store %arg7[%swap3A_134, %swap3A_135], %swap3A_138 {strides = array<i32>} : memref<3x128xi32, #tpu.memory_space<vmem>>, vector<1x16xi32>,
    %get3A_139 = arith.constant 0 : i32
    %get3A_140 = arith.index_cast %get3A_139 : i32 to index
    %get3A_141 = arith.constant 48 : index
    %get3A_142 = tpu.vector_load %arg5[%get3A_140, %get3A_141] {strides = array<i32>} : memref<3x128xi32, #tpu.memory_space<vmem>>, vector<1x16xi32>,
    %get3A_143 = vector.shape_cast %get3A_142 : vector<1x16xi32> to vector<16xi32>
    %and3A_144 = arith.constant 16383 : i32
    %and3A_145 = vector.broadcast %and3A_144 : i32 to vector<16xi32>
    %and3A_146 = arith.andi %get3A_143, %and3A_145 : vector<16xi32>
    %swap3A_147 = arith.constant 0 : i32
    %swap3A_148 = arith.index_cast %swap3A_147 : i32 to index
    %swap3A_149 = arith.constant 48 : index
    %swap3A_150 = tpu.vector_load %arg6[%swap3A_148, %swap3A_149] {strides = array<i32>} : memref<3x128xi32, #tpu.memory_space<vmem>>, vector<1x16xi32>,
    %swap3A_151 = vector.shape_cast %swap3A_150 : vector<1x16xi32> to vector<16xi32>
    %swap3A_152 = vector.shape_cast %and3A_146 : vector<16xi32> to vector<1x16xi32>
    tpu.vector_store %arg6[%swap3A_148, %swap3A_149], %swap3A_152 {strides = array<i32>} : memref<3x128xi32, #tpu.memory_space<vmem>>, vector<1x16xi32>,
    %shift_right_arithmetic3A_153 = arith.constant 14 : i32
    %shift_right_arithmetic3A_154 = vector.broadcast %shift_right_arithmetic3A_153 : i32 to vector<16xi32>
    %shift_right_arithmetic3A_155 = arith.shrsi %get3A_143, %shift_right_arithmetic3A_154 : vector<16xi32>
    %swap3A_156 = arith.constant 0 : i32
    %swap3A_157 = arith.index_cast %swap3A_156 : i32 to index
    %swap3A_158 = arith.constant 48 : index
    %swap3A_159 = tpu.vector_load %arg7[%swap3A_157, %swap3A_158] {strides = array<i32>} : memref<3x128xi32, #tpu.memory_space<vmem>>, vector<1x16xi32>,
    %swap3A_160 = vector.shape_cast %swap3A_159 : vector<1x16xi32> to vector<16xi32>
    %swap3A_161 = vector.shape_cast %shift_right_arithmetic3A_155 : vector<16xi32> to vector<1x16xi32>
    tpu.vector_store %arg7[%swap3A_157, %swap3A_158], %swap3A_161 {strides = array<i32>} : memref<3x128xi32, #tpu.memory_space<vmem>>, vector<1x16xi32>,
    %get3A_162 = arith.constant 0 : i32
    %get3A_163 = arith.index_cast %get3A_162 : i32 to index
    %get3A_164 = arith.constant 64 : index
    %get3A_165 = tpu.vector_load %arg5[%get3A_163, %get3A_164] {strides = array<i32>} : memref<3x128xi32, #tpu.memory_space<vmem>>, vector<1x16xi32>,
    %get3A_166 = vector.shape_cast %get3A_165 : vector<1x16xi32> to vector<16xi32>
    %and3A_167 = arith.constant 16383 : i32
    %and3A_168 = vector.broadcast %and3A_167 : i32 to vector<16xi32>
    %and3A_169 = arith.andi %get3A_166, %and3A_168 : vector<16xi32>
    %swap3A_170 = arith.constant 0 : i32
    %swap3A_171 = arith.index_cast %swap3A_170 : i32 to index
    %swap3A_172 = arith.constant 64 : index
    %swap3A_173 = tpu.vector_load %arg6[%swap3A_171, %swap3A_172] {strides = array<i32>} : memref<3x128xi32, #tpu.memory_space<vmem>>, vector<1x16xi32>,
    %swap3A_174 = vector.shape_cast %swap3A_173 : vector<1x16xi32> to vector<16xi32>
    %swap3A_175 = vector.shape_cast %and3A_169 : vector<16xi32> to vector<1x16xi32>
    tpu.vector_store %arg6[%swap3A_171, %swap3A_172], %swap3A_175 {strides = array<i32>} : memref<3x128xi32, #tpu.memory_space<vmem>>, vector<1x16xi32>,
    %shift_right_arithmetic3A_176 = arith.constant 14 : i32
    %shift_right_arithmetic3A_177 = vector.broadcast %shift_right_arithmetic3A_176 : i32 to vector<16xi32>
    %shift_right_arithmetic3A_178 = arith.shrsi %get3A_166, %shift_right_arithmetic3A_177 : vector<16xi32>
    %swap3A_179 = arith.constant 0 : i32
    %swap3A_180 = arith.index_cast %swap3A_179 : i32 to index
    %swap3A_181 = arith.constant 64 : index
    %swap3A_182 = tpu.vector_load %arg7[%swap3A_180, %swap3A_181] {strides = array<i32>} : memref<3x128xi32, #tpu.memory_space<vmem>>, vector<1x16xi32>,
    %swap3A_183 = vector.shape_cast %swap3A_182 : vector<1x16xi32> to vector<16xi32>
    %swap3A_184 = vector.shape_cast %shift_right_arithmetic3A_178 : vector<16xi32> to vector<1x16xi32>
    tpu.vector_store %arg7[%swap3A_180, %swap3A_181], %swap3A_184 {strides = array<i32>} : memref<3x128xi32, #tpu.memory_space<vmem>>, vector<1x16xi32>,
    %get3A_185 = arith.constant 0 : i32
    %get3A_186 = arith.index_cast %get3A_185 : i32 to index
    %get3A_187 = arith.constant 80 : index
    %get3A_188 = tpu.vector_load %arg5[%get3A_186, %get3A_187] {strides = array<i32>} : memref<3x128xi32, #tpu.memory_space<vmem>>, vector<1x16xi32>,
    %get3A_189 = vector.shape_cast %get3A_188 : vector<1x16xi32> to vector<16xi32>
    %and3A_190 = arith.constant 16383 : i32
    %and3A_191 = vector.broadcast %and3A_190 : i32 to vector<16xi32>
    %and3A_192 = arith.andi %get3A_189, %and3A_191 : vector<16xi32>
    %swap3A_193 = arith.constant 0 : i32
    %swap3A_194 = arith.index_cast %swap3A_193 : i32 to index
    %swap3A_195 = arith.constant 80 : index
    %swap3A_196 = tpu.vector_load %arg6[%swap3A_194, %swap3A_195] {strides = array<i32>} : memref<3x128xi32, #tpu.memory_space<vmem>>, vector<1x16xi32>,
    %swap3A_197 = vector.shape_cast %swap3A_196 : vector<1x16xi32> to vector<16xi32>
    %swap3A_198 = vector.shape_cast %and3A_192 : vector<16xi32> to vector<1x16xi32>
    tpu.vector_store %arg6[%swap3A_194, %swap3A_195], %swap3A_198 {strides = array<i32>} : memref<3x128xi32, #tpu.memory_space<vmem>>, vector<1x16xi32>,
    %shift_right_arithmetic3A_199 = arith.constant 14 : i32
    %shift_right_arithmetic3A_200 = vector.broadcast %shift_right_arithmetic3A_199 : i32 to vector<16xi32>
    %shift_right_arithmetic3A_201 = arith.shrsi %get3A_189, %shift_right_arithmetic3A_200 : vector<16xi32>
    %swap3A_202 = arith.constant 0 : i32
    %swap3A_203 = arith.index_cast %swap3A_202 : i32 to index
    %swap3A_204 = arith.constant 80 : index
    %swap3A_205 = tpu.vector_load %arg7[%swap3A_203, %swap3A_204] {strides = array<i32>} : memref<3x128xi32, #tpu.memory_space<vmem>>, vector<1x16xi32>,
    %swap3A_206 = vector.shape_cast %swap3A_205 : vector<1x16xi32> to vector<16xi32>
    %swap3A_207 = vector.shape_cast %shift_right_arithmetic3A_201 : vector<16xi32> to vector<1x16xi32>
    tpu.vector_store %arg7[%swap3A_203, %swap3A_204], %swap3A_207 {strides = array<i32>} : memref<3x128xi32, #tpu.memory_space<vmem>>, vector<1x16xi32>,
    %get3A_208 = arith.constant 0 : i32
    %get3A_209 = arith.index_cast %get3A_208 : i32 to index
    %get3A_210 = arith.constant 96 : index
    %get3A_211 = tpu.vector_load %arg5[%get3A_209, %get3A_210] {strides = array<i32>} : memref<3x128xi32, #tpu.memory_space<vmem>>, vector<1x16xi32>,
    %get3A_212 = vector.shape_cast %get3A_211 : vector<1x16xi32> to vector<16xi32>
    %and3A_213 = arith.constant 16383 : i32
    %and3A_214 = vector.broadcast %and3A_213 : i32 to vector<16xi32>
    %and3A_215 = arith.andi %get3A_212, %and3A_214 : vector<16xi32>
    %swap3A_216 = arith.constant 0 : i32
    %swap3A_217 = arith.index_cast %swap3A_216 : i32 to index
    %swap3A_218 = arith.constant 96 : index
    %swap3A_219 = tpu.vector_load %arg6[%swap3A_217, %swap3A_218] {strides = array<i32>} : memref<3x128xi32, #tpu.memory_space<vmem>>, vector<1x16xi32>,
    %swap3A_220 = vector.shape_cast %swap3A_219 : vector<1x16xi32> to vector<16xi32>
    %swap3A_221 = vector.shape_cast %and3A_215 : vector<16xi32> to vector<1x16xi32>
    tpu.vector_store %arg6[%swap3A_217, %swap3A_218], %swap3A_221 {strides = array<i32>} : memref<3x128xi32, #tpu.memory_space<vmem>>, vector<1x16xi32>,
    %shift_right_arithmetic3A_222 = arith.constant 14 : i32
    %shift_right_arithmetic3A_223 = vector.broadcast %shift_right_arithmetic3A_222 : i32 to vector<16xi32>
    %shift_right_arithmetic3A_224 = arith.shrsi %get3A_212, %shift_right_arithmetic3A_223 : vector<16xi32>
    %swap3A_225 = arith.constant 0 : i32
    %swap3A_226 = arith.index_cast %swap3A_225 : i32 to index
    %swap3A_227 = arith.constant 96 : index
    %swap3A_228 = tpu.vector_load %arg7[%swap3A_226, %swap3A_227] {strides = array<i32>} : memref<3x128xi32, #tpu.memory_space<vmem>>, vector<1x16xi32>,
    %swap3A_229 = vector.shape_cast %swap3A_228 : vector<1x16xi32> to vector<16xi32>
    %swap3A_230 = vector.shape_cast %shift_right_arithmetic3A_224 : vector<16xi32> to vector<1x16xi32>
    tpu.vector_store %arg7[%swap3A_226, %swap3A_227], %swap3A_230 {strides = array<i32>} : memref<3x128xi32, #tpu.memory_space<vmem>>, vector<1x16xi32>,
    %get3A_231 = arith.constant 0 : i32
    %get3A_232 = arith.index_cast %get3A_231 : i32 to index
    %get3A_233 = arith.constant 112 : index
    %get3A_234 = tpu.vector_load %arg5[%get3A_232, %get3A_233] {strides = array<i32>} : memref<3x128xi32, #tpu.memory_space<vmem>>, vector<1x16xi32>,
    %get3A_235 = vector.shape_cast %get3A_234 : vector<1x16xi32> to vector<16xi32>
    %and3A_236 = arith.constant 16383 : i32
    %and3A_237 = vector.broadcast %and3A_236 : i32 to vector<16xi32>
    %and3A_238 = arith.andi %get3A_235, %and3A_237 : vector<16xi32>
    %swap3A_239 = arith.constant 0 : i32
    %swap3A_240 = arith.index_cast %swap3A_239 : i32 to index
    %swap3A_241 = arith.constant 112 : index
    %swap3A_242 = tpu.vector_load %arg6[%swap3A_240, %swap3A_241] {strides = array<i32>} : memref<3x128xi32, #tpu.memory_space<vmem>>, vector<1x16xi32>,
    %swap3A_243 = vector.shape_cast %swap3A_242 : vector<1x16xi32> to vector<16xi32>
    %swap3A_244 = vector.shape_cast %and3A_238 : vector<16xi32> to vector<1x16xi32>
    tpu.vector_store %arg6[%swap3A_240, %swap3A_241], %swap3A_244 {strides = array<i32>} : memref<3x128xi32, #tpu.memory_space<vmem>>, vector<1x16xi32>,
    %shift_right_arithmetic3A_245 = arith.constant 14 : i32
    %shift_right_arithmetic3A_246 = vector.broadcast %shift_right_arithmetic3A_245 : i32 to vector<16xi32>
    %shift_right_arithmetic3A_247 = arith.shrsi %get3A_235, %shift_right_arithmetic3A_246 : vector<16xi32>
    %swap3A_248 = arith.constant 0 : i32
    %swap3A_249 = arith.index_cast %swap3A_248 : i32 to index
    %swap3A_250 = arith.constant 112 : index
    %swap3A_251 = tpu.vector_load %arg7[%swap3A_249, %swap3A_250] {strides = array<i32>} : memref<3x128xi32, #tpu.memory_space<vmem>>, vector<1x16xi32>,
    %swap3A_252 = vector.shape_cast %swap3A_251 : vector<1x16xi32> to vector<16xi32>
    %swap3A_253 = vector.shape_cast %shift_right_arithmetic3A_247 : vector<16xi32> to vector<1x16xi32>
    tpu.vector_store %arg7[%swap3A_249, %swap3A_250], %swap3A_253 {strides = array<i32>} : memref<3x128xi32, #tpu.memory_space<vmem>>, vector<1x16xi32>,
    %add3A_254 = arith.constant 3 : i32
    %add3A_255 = arith.addi %mul3A_2, %add3A_254 : i32
    %mul3A_256 = arith.constant 128 : i32
    %mul3A_257 = arith.muli %add3A_255, %mul3A_256 : i32
    %dma_start3A_258 = arith.constant 0 : i32
    %dma_start3A_259 = arith.constant 0 : i32
    %dma_start3A_260 = tpu.memref_slice %arg5[%dma_start3A_258, %dma_start3A_259] : memref<3x128xi32, #tpu.memory_space<vmem>> -> memref<1x128xi32, #tpu.memory_space<vmem>>
    %dma_start3A_261 = tpu.memref_squeeze %dma_start3A_260 : memref<1x128xi32, #tpu.memory_space<vmem>> -> memref<128xi32, #tpu.memory_space<vmem>>
    %dma_start3A_262 = tpu.memref_slice %arg2[%mul3A_257] : memref<331776xi32, #tpu.memory_space<hbm>> -> memref<128xi32, #tpu.memory_space<hbm>>
    %dma_start3A_263 = arith.constant 0 : i32
    %dma_start3A_264 = tpu.memref_slice %arg5[%dma_start3A_258, %dma_start3A_263] : memref<3x128xi32, #tpu.memory_space<vmem>> -> memref<1x128xi32, #tpu.memory_space<vmem>>
    %dma_start3A_265 = tpu.memref_squeeze %dma_start3A_264 : memref<1x128xi32, #tpu.memory_space<vmem>> -> memref<128xi32, #tpu.memory_space<vmem>>
    %dma_start3A_266 = tpu.memref_slice %arg2[%mul3A_257] : memref<331776xi32, #tpu.memory_space<hbm>> -> memref<128xi32, #tpu.memory_space<hbm>>
    tpu.enqueue_dma source(%dma_start3A_266 : memref<128xi32, #tpu.memory_space<hbm>>) target(%dma_start3A_265 : memref<128xi32, #tpu.memory_space<vmem>>) target_semaphore(%arg9 : memref<!tpu.dma_semaphore, #tpu.memory_space<semaphore_mem>>)
    %add3A_267 = arith.constant 1 : i32
    %add3A_268 = arith.addi %mul3A_2, %add3A_267 : i32
    %mul3A_269 = arith.constant 128 : i32
    %mul3A_270 = arith.muli %add3A_268, %mul3A_269 : i32
    %dma_wait3A_271 = arith.constant 1 : i32
    %dma_wait3A_272 = arith.constant 0 : i32
    %dma_wait3A_273 = tpu.memref_slice %arg5[%dma_wait3A_271, %dma_wait3A_272] : memref<3x128xi32, #tpu.memory_space<vmem>> -> memref<1x128xi32, #tpu.memory_space<vmem>>
    %dma_wait3A_274 = tpu.memref_squeeze %dma_wait3A_273 : memref<1x128xi32, #tpu.memory_space<vmem>> -> memref<128xi32, #tpu.memory_space<vmem>>
    %dma_wait3A_275 = tpu.memref_slice %arg2[%mul3A_270] : memref<331776xi32, #tpu.memory_space<hbm>> -> memref<128xi32, #tpu.memory_space<hbm>>
    %dma_wait3A_276 = arith.constant 0 : i32
    %dma_wait3A_277 = tpu.memref_slice %arg5[%dma_wait3A_271, %dma_wait3A_276] : memref<3x128xi32, #tpu.memory_space<vmem>> -> memref<1x128xi32, #tpu.memory_space<vmem>>
    %dma_wait3A_278 = tpu.memref_squeeze %dma_wait3A_277 : memref<1x128xi32, #tpu.memory_space<vmem>> -> memref<128xi32, #tpu.memory_space<vmem>>
    %dma_wait3A_279 = tpu.memref_slice %arg2[%mul3A_270] : memref<331776xi32, #tpu.memory_space<hbm>> -> memref<128xi32, #tpu.memory_space<hbm>>
    tpu.wait_dma2 semaphore(%arg10 : memref<!tpu.dma_semaphore, #tpu.memory_space<semaphore_mem>>) src(%dma_wait3A_279 : memref<128xi32, #tpu.memory_space<hbm>>) dst(%dma_wait3A_278 : memref<128xi32, #tpu.memory_space<vmem>>)
    %get3A_280 = arith.constant 1 : i32
    %get3A_281 = arith.index_cast %get3A_280 : i32 to index
    %get3A_282 = arith.constant 0 : index
    %get3A_283 = tpu.vector_load %arg5[%get3A_281, %get3A_282] {strides = array<i32>} : memref<3x128xi32, #tpu.memory_space<vmem>>, vector<1x16xi32>,
    %get3A_284 = vector.shape_cast %get3A_283 : vector<1x16xi32> to vector<16xi32>
    %and3A_285 = arith.constant 16383 : i32
    %and3A_286 = vector.broadcast %and3A_285 : i32 to vector<16xi32>
    %and3A_287 = arith.andi %get3A_284, %and3A_286 : vector<16xi32>
    %swap3A_288 = arith.constant 1 : i32
    %swap3A_289 = arith.index_cast %swap3A_288 : i32 to index
    %swap3A_290 = arith.constant 0 : index
    %swap3A_291 = tpu.vector_load %arg6[%swap3A_289, %swap3A_290] {strides = array<i32>} : memref<3x128xi32, #tpu.memory_space<vmem>>, vector<1x16xi32>,
    %swap3A_292 = vector.shape_cast %swap3A_291 : vector<1x16xi32> to vector<16xi32>
    %swap3A_293 = vector.shape_cast %and3A_287 : vector<16xi32> to vector<1x16xi32>
    tpu.vector_store %arg6[%swap3A_289, %swap3A_290], %swap3A_293 {strides = array<i32>} : memref<3x128xi32, #tpu.memory_space<vmem>>, vector<1x16xi32>,
    %shift_right_arithmetic3A_294 = arith.constant 14 : i32
    %shift_right_arithmetic3A_295 = vector.broadcast %shift_right_arithmetic3A_294 : i32 to vector<16xi32>
    %shift_right_arithmetic3A_296 = arith.shrsi %get3A_284, %shift_right_arithmetic3A_295 : vector<16xi32>
    %swap3A_297 = arith.constant 1 : i32
    %swap3A_298 = arith.index_cast %swap3A_297 : i32 to index
    %swap3A_299 = arith.constant 0 : index
    %swap3A_300 = tpu.vector_load %arg7[%swap3A_298, %swap3A_299] {strides = array<i32>} : memref<3x128xi32, #tpu.memory_space<vmem>>, vector<1x16xi32>,
    %swap3A_301 = vector.shape_cast %swap3A_300 : vector<1x16xi32> to vector<16xi32>
    %swap3A_302 = vector.shape_cast %shift_right_arithmetic3A_296 : vector<16xi32> to vector<1x16xi32>
    tpu.vector_store %arg7[%swap3A_298, %swap3A_299], %swap3A_302 {strides = array<i32>} : memref<3x128xi32, #tpu.memory_space<vmem>>, vector<1x16xi32>,
    %get3A_303 = arith.constant 1 : i32
    %get3A_304 = arith.index_cast %get3A_303 : i32 to index
    %get3A_305 = arith.constant 16 : index
    %get3A_306 = tpu.vector_load %arg5[%get3A_304, %get3A_305] {strides = array<i32>} : memref<3x128xi32, #tpu.memory_space<vmem>>, vector<1x16xi32>,
    %get3A_307 = vector.shape_cast %get3A_306 : vector<1x16xi32> to vector<16xi32>
    %and3A_308 = arith.constant 16383 : i32
    %and3A_309 = vector.broadcast %and3A_308 : i32 to vector<16xi32>
    %and3A_310 = arith.andi %get3A_307, %and3A_309 : vector<16xi32>
    %swap3A_311 = arith.constant 1 : i32
    %swap3A_312 = arith.index_cast %swap3A_311 : i32 to index
    %swap3A_313 = arith.constant 16 : index
    %swap3A_314 = tpu.vector_load %arg6[%swap3A_312, %swap3A_313] {strides = array<i32>} : memref<3x128xi32, #tpu.memory_space<vmem>>, vector<1x16xi32>,
    %swap3A_315 = vector.shape_cast %swap3A_314 : vector<1x16xi32> to vector<16xi32>
    %swap3A_316 = vector.shape_cast %and3A_310 : vector<16xi32> to vector<1x16xi32>
    tpu.vector_store %arg6[%swap3A_312, %swap3A_313], %swap3A_316 {strides = array<i32>} : memref<3x128xi32, #tpu.memory_space<vmem>>, vector<1x16xi32>,
    %shift_right_arithmetic3A_317 = arith.constant 14 : i32
    %shift_right_arithmetic3A_318 = vector.broadcast %shift_right_arithmetic3A_317 : i32 to vector<16xi32>
    %shift_right_arithmetic3A_319 = arith.shrsi %get3A_307, %shift_right_arithmetic3A_318 : vector<16xi32>
    %swap3A_320 = arith.constant 1 : i32
    %swap3A_321 = arith.index_cast %swap3A_320 : i32 to index
    %swap3A_322 = arith.constant 16 : index
    %swap3A_323 = tpu.vector_load %arg7[%swap3A_321, %swap3A_322] {strides = array<i32>} : memref<3x128xi32, #tpu.memory_space<vmem>>, vector<1x16xi32>,
    %swap3A_324 = vector.shape_cast %swap3A_323 : vector<1x16xi32> to vector<16xi32>
    %swap3A_325 = vector.shape_cast %shift_right_arithmetic3A_319 : vector<16xi32> to vector<1x16xi32>
    tpu.vector_store %arg7[%swap3A_321, %swap3A_322], %swap3A_325 {strides = array<i32>} : memref<3x128xi32, #tpu.memory_space<vmem>>, vector<1x16xi32>,
    %get3A_326 = arith.constant 1 : i32
    %get3A_327 = arith.index_cast %get3A_326 : i32 to index
    %get3A_328 = arith.constant 32 : index
    %get3A_329 = tpu.vector_load %arg5[%get3A_327, %get3A_328] {strides = array<i32>} : memref<3x128xi32, #tpu.memory_space<vmem>>, vector<1x16xi32>,
    %get3A_330 = vector.shape_cast %get3A_329 : vector<1x16xi32> to vector<16xi32>
    %and3A_331 = arith.constant 16383 : i32
    %and3A_332 = vector.broadcast %and3A_331 : i32 to vector<16xi32>
    %and3A_333 = arith.andi %get3A_330, %and3A_332 : vector<16xi32>
    %swap3A_334 = arith.constant 1 : i32
    %swap3A_335 = arith.index_cast %swap3A_334 : i32 to index
    %swap3A_336 = arith.constant 32 : index
    %swap3A_337 = tpu.vector_load %arg6[%swap3A_335, %swap3A_336] {strides = array<i32>} : memref<3x128xi32, #tpu.memory_space<vmem>>, vector<1x16xi32>,
    %swap3A_338 = vector.shape_cast %swap3A_337 : vector<1x16xi32> to vector<16xi32>
    %swap3A_339 = vector.shape_cast %and3A_333 : vector<16xi32> to vector<1x16xi32>
    tpu.vector_store %arg6[%swap3A_335, %swap3A_336], %swap3A_339 {strides = array<i32>} : memref<3x128xi32, #tpu.memory_space<vmem>>, vector<1x16xi32>,
    %shift_right_arithmetic3A_340 = arith.constant 14 : i32
    %shift_right_arithmetic3A_341 = vector.broadcast %shift_right_arithmetic3A_340 : i32 to vector<16xi32>
    %shift_right_arithmetic3A_342 = arith.shrsi %get3A_330, %shift_right_arithmetic3A_341 : vector<16xi32>
    %swap3A_343 = arith.constant 1 : i32
    %swap3A_344 = arith.index_cast %swap3A_343 : i32 to index
    %swap3A_345 = arith.constant 32 : index
    %swap3A_346 = tpu.vector_load %arg7[%swap3A_344, %swap3A_345] {strides = array<i32>} : memref<3x128xi32, #tpu.memory_space<vmem>>, vector<1x16xi32>,
    %swap3A_347 = vector.shape_cast %swap3A_346 : vector<1x16xi32> to vector<16xi32>
    %swap3A_348 = vector.shape_cast %shift_right_arithmetic3A_342 : vector<16xi32> to vector<1x16xi32>
    tpu.vector_store %arg7[%swap3A_344, %swap3A_345], %swap3A_348 {strides = array<i32>} : memref<3x128xi32, #tpu.memory_space<vmem>>, vector<1x16xi32>,
    %get3A_349 = arith.constant 1 : i32
    %get3A_350 = arith.index_cast %get3A_349 : i32 to index
    %get3A_351 = arith.constant 48 : index
    %get3A_352 = tpu.vector_load %arg5[%get3A_350, %get3A_351] {strides = array<i32>} : memref<3x128xi32, #tpu.memory_space<vmem>>, vector<1x16xi32>,
    %get3A_353 = vector.shape_cast %get3A_352 : vector<1x16xi32> to vector<16xi32>
    %and3A_354 = arith.constant 16383 : i32
    %and3A_355 = vector.broadcast %and3A_354 : i32 to vector<16xi32>
    %and3A_356 = arith.andi %get3A_353, %and3A_355 : vector<16xi32>
    %swap3A_357 = arith.constant 1 : i32
    %swap3A_358 = arith.index_cast %swap3A_357 : i32 to index
    %swap3A_359 = arith.constant 48 : index
    %swap3A_360 = tpu.vector_load %arg6[%swap3A_358, %swap3A_359] {strides = array<i32>} : memref<3x128xi32, #tpu.memory_space<vmem>>, vector<1x16xi32>,
    %swap3A_361 = vector.shape_cast %swap3A_360 : vector<1x16xi32> to vector<16xi32>
    %swap3A_362 = vector.shape_cast %and3A_356 : vector<16xi32> to vector<1x16xi32>
    tpu.vector_store %arg6[%swap3A_358, %swap3A_359], %swap3A_362 {strides = array<i32>} : memref<3x128xi32, #tpu.memory_space<vmem>>, vector<1x16xi32>,
    %shift_right_arithmetic3A_363 = arith.constant 14 : i32
    %shift_right_arithmetic3A_364 = vector.broadcast %shift_right_arithmetic3A_363 : i32 to vector<16xi32>
    %shift_right_arithmetic3A_365 = arith.shrsi %get3A_353, %shift_right_arithmetic3A_364 : vector<16xi32>
    %swap3A_366 = arith.constant 1 : i32
    %swap3A_367 = arith.index_cast %swap3A_366 : i32 to index
    %swap3A_368 = arith.constant 48 : index
    %swap3A_369 = tpu.vector_load %arg7[%swap3A_367, %swap3A_368] {strides = array<i32>} : memref<3x128xi32, #tpu.memory_space<vmem>>, vector<1x16xi32>,
    %swap3A_370 = vector.shape_cast %swap3A_369 : vector<1x16xi32> to vector<16xi32>
    %swap3A_371 = vector.shape_cast %shift_right_arithmetic3A_365 : vector<16xi32> to vector<1x16xi32>
    tpu.vector_store %arg7[%swap3A_367, %swap3A_368], %swap3A_371 {strides = array<i32>} : memref<3x128xi32, #tpu.memory_space<vmem>>, vector<1x16xi32>,
    %get3A_372 = arith.constant 1 : i32
    %get3A_373 = arith.index_cast %get3A_372 : i32 to index
    %get3A_374 = arith.constant 64 : index
    %get3A_375 = tpu.vector_load %arg5[%get3A_373, %get3A_374] {strides = array<i32>} : memref<3x128xi32, #tpu.memory_space<vmem>>, vector<1x16xi32>,
    %get3A_376 = vector.shape_cast %get3A_375 : vector<1x16xi32> to vector<16xi32>
    %and3A_377 = arith.constant 16383 : i32
    %and3A_378 = vector.broadcast %and3A_377 : i32 to vector<16xi32>
    %and3A_379 = arith.andi %get3A_376, %and3A_378 : vector<16xi32>
    %swap3A_380 = arith.constant 1 : i32
    %swap3A_381 = arith.index_cast %swap3A_380 : i32 to index
    %swap3A_382 = arith.constant 64 : index
    %swap3A_383 = tpu.vector_load %arg6[%swap3A_381, %swap3A_382] {strides = array<i32>} : memref<3x128xi32, #tpu.memory_space<vmem>>, vector<1x16xi32>,
    %swap3A_384 = vector.shape_cast %swap3A_383 : vector<1x16xi32> to vector<16xi32>
    %swap3A_385 = vector.shape_cast %and3A_379 : vector<16xi32> to vector<1x16xi32>
    tpu.vector_store %arg6[%swap3A_381, %swap3A_382], %swap3A_385 {strides = array<i32>} : memref<3x128xi32, #tpu.memory_space<vmem>>, vector<1x16xi32>,
    %shift_right_arithmetic3A_386 = arith.constant 14 : i32
    %shift_right_arithmetic3A_387 = vector.broadcast %shift_right_arithmetic3A_386 : i32 to vector<16xi32>
    %shift_right_arithmetic3A_388 = arith.shrsi %get3A_376, %shift_right_arithmetic3A_387 : vector<16xi32>
    %swap3A_389 = arith.constant 1 : i32
    %swap3A_390 = arith.index_cast %swap3A_389 : i32 to index
    %swap3A_391 = arith.constant 64 : index
    %swap3A_392 = tpu.vector_load %arg7[%swap3A_390, %swap3A_391] {strides = array<i32>} : memref<3x128xi32, #tpu.memory_space<vmem>>, vector<1x16xi32>,
    %swap3A_393 = vector.shape_cast %swap3A_392 : vector<1x16xi32> to vector<16xi32>
    %swap3A_394 = vector.shape_cast %shift_right_arithmetic3A_388 : vector<16xi32> to vector<1x16xi32>
    tpu.vector_store %arg7[%swap3A_390, %swap3A_391], %swap3A_394 {strides = array<i32>} : memref<3x128xi32, #tpu.memory_space<vmem>>, vector<1x16xi32>,
    %get3A_395 = arith.constant 1 : i32
    %get3A_396 = arith.index_cast %get3A_395 : i32 to index
    %get3A_397 = arith.constant 80 : index
    %get3A_398 = tpu.vector_load %arg5[%get3A_396, %get3A_397] {strides = array<i32>} : memref<3x128xi32, #tpu.memory_space<vmem>>, vector<1x16xi32>,
    %get3A_399 = vector.shape_cast %get3A_398 : vector<1x16xi32> to vector<16xi32>
    %and3A_400 = arith.constant 16383 : i32
    %and3A_401 = vector.broadcast %and3A_400 : i32 to vector<16xi32>
    %and3A_402 = arith.andi %get3A_399, %and3A_401 : vector<16xi32>
    %swap3A_403 = arith.constant 1 : i32
    %swap3A_404 = arith.index_cast %swap3A_403 : i32 to index
    %swap3A_405 = arith.constant 80 : index
    %swap3A_406 = tpu.vector_load %arg6[%swap3A_404, %swap3A_405] {strides = array<i32>} : memref<3x128xi32, #tpu.memory_space<vmem>>, vector<1x16xi32>,
    %swap3A_407 = vector.shape_cast %swap3A_406 : vector<1x16xi32> to vector<16xi32>
    %swap3A_408 = vector.shape_cast %and3A_402 : vector<16xi32> to vector<1x16xi32>
    tpu.vector_store %arg6[%swap3A_404, %swap3A_405], %swap3A_408 {strides = array<i32>} : memref<3x128xi32, #tpu.memory_space<vmem>>, vector<1x16xi32>,
    %shift_right_arithmetic3A_409 = arith.constant 14 : i32
    %shift_right_arithmetic3A_410 = vector.broadcast %shift_right_arithmetic3A_409 : i32 to vector<16xi32>
    %shift_right_arithmetic3A_411 = arith.shrsi %get3A_399, %shift_right_arithmetic3A_410 : vector<16xi32>
    %swap3A_412 = arith.constant 1 : i32
    %swap3A_413 = arith.index_cast %swap3A_412 : i32 to index
    %swap3A_414 = arith.constant 80 : index
    %swap3A_415 = tpu.vector_load %arg7[%swap3A_413, %swap3A_414] {strides = array<i32>} : memref<3x128xi32, #tpu.memory_space<vmem>>, vector<1x16xi32>,
    %swap3A_416 = vector.shape_cast %swap3A_415 : vector<1x16xi32> to vector<16xi32>
    %swap3A_417 = vector.shape_cast %shift_right_arithmetic3A_411 : vector<16xi32> to vector<1x16xi32>
    tpu.vector_store %arg7[%swap3A_413, %swap3A_414], %swap3A_417 {strides = array<i32>} : memref<3x128xi32, #tpu.memory_space<vmem>>, vector<1x16xi32>,
    %get3A_418 = arith.constant 1 : i32
    %get3A_419 = arith.index_cast %get3A_418 : i32 to index
    %get3A_420 = arith.constant 96 : index
    %get3A_421 = tpu.vector_load %arg5[%get3A_419, %get3A_420] {strides = array<i32>} : memref<3x128xi32, #tpu.memory_space<vmem>>, vector<1x16xi32>,
    %get3A_422 = vector.shape_cast %get3A_421 : vector<1x16xi32> to vector<16xi32>
    %and3A_423 = arith.constant 16383 : i32
    %and3A_424 = vector.broadcast %and3A_423 : i32 to vector<16xi32>
    %and3A_425 = arith.andi %get3A_422, %and3A_424 : vector<16xi32>
    %swap3A_426 = arith.constant 1 : i32
    %swap3A_427 = arith.index_cast %swap3A_426 : i32 to index
    %swap3A_428 = arith.constant 96 : index
    %swap3A_429 = tpu.vector_load %arg6[%swap3A_427, %swap3A_428] {strides = array<i32>} : memref<3x128xi32, #tpu.memory_space<vmem>>, vector<1x16xi32>,
    %swap3A_430 = vector.shape_cast %swap3A_429 : vector<1x16xi32> to vector<16xi32>
    %swap3A_431 = vector.shape_cast %and3A_425 : vector<16xi32> to vector<1x16xi32>
    tpu.vector_store %arg6[%swap3A_427, %swap3A_428], %swap3A_431 {strides = array<i32>} : memref<3x128xi32, #tpu.memory_space<vmem>>, vector<1x16xi32>,
    %shift_right_arithmetic3A_432 = arith.constant 14 : i32
    %shift_right_arithmetic3A_433 = vector.broadcast %shift_right_arithmetic3A_432 : i32 to vector<16xi32>
    %shift_right_arithmetic3A_434 = arith.shrsi %get3A_422, %shift_right_arithmetic3A_433 : vector<16xi32>
    %swap3A_435 = arith.constant 1 : i32
    %swap3A_436 = arith.index_cast %swap3A_435 : i32 to index
    %swap3A_437 = arith.constant 96 : index
    %swap3A_438 = tpu.vector_load %arg7[%swap3A_436, %swap3A_437] {strides = array<i32>} : memref<3x128xi32, #tpu.memory_space<vmem>>, vector<1x16xi32>,
    %swap3A_439 = vector.shape_cast %swap3A_438 : vector<1x16xi32> to vector<16xi32>
    %swap3A_440 = vector.shape_cast %shift_right_arithmetic3A_434 : vector<16xi32> to vector<1x16xi32>
    tpu.vector_store %arg7[%swap3A_436, %swap3A_437], %swap3A_440 {strides = array<i32>} : memref<3x128xi32, #tpu.memory_space<vmem>>, vector<1x16xi32>,
    %get3A_441 = arith.constant 1 : i32
    %get3A_442 = arith.index_cast %get3A_441 : i32 to index
    %get3A_443 = arith.constant 112 : index
    %get3A_444 = tpu.vector_load %arg5[%get3A_442, %get3A_443] {strides = array<i32>} : memref<3x128xi32, #tpu.memory_space<vmem>>, vector<1x16xi32>,
    %get3A_445 = vector.shape_cast %get3A_444 : vector<1x16xi32> to vector<16xi32>
    %and3A_446 = arith.constant 16383 : i32
    %and3A_447 = vector.broadcast %and3A_446 : i32 to vector<16xi32>
    %and3A_448 = arith.andi %get3A_445, %and3A_447 : vector<16xi32>
    %swap3A_449 = arith.constant 1 : i32
    %swap3A_450 = arith.index_cast %swap3A_449 : i32 to index
    %swap3A_451 = arith.constant 112 : index
    %swap3A_452 = tpu.vector_load %arg6[%swap3A_450, %swap3A_451] {strides = array<i32>} : memref<3x128xi32, #tpu.memory_space<vmem>>, vector<1x16xi32>,
    %swap3A_453 = vector.shape_cast %swap3A_452 : vector<1x16xi32> to vector<16xi32>
    %swap3A_454 = vector.shape_cast %and3A_448 : vector<16xi32> to vector<1x16xi32>
    tpu.vector_store %arg6[%swap3A_450, %swap3A_451], %swap3A_454 {strides = array<i32>} : memref<3x128xi32, #tpu.memory_space<vmem>>, vector<1x16xi32>,
    %shift_right_arithmetic3A_455 = arith.constant 14 : i32
    %shift_right_arithmetic3A_456 = vector.broadcast %shift_right_arithmetic3A_455 : i32 to vector<16xi32>
    %shift_right_arithmetic3A_457 = arith.shrsi %get3A_445, %shift_right_arithmetic3A_456 : vector<16xi32>
    %swap3A_458 = arith.constant 1 : i32
    %swap3A_459 = arith.index_cast %swap3A_458 : i32 to index
    %swap3A_460 = arith.constant 112 : index
    %swap3A_461 = tpu.vector_load %arg7[%swap3A_459, %swap3A_460] {strides = array<i32>} : memref<3x128xi32, #tpu.memory_space<vmem>>, vector<1x16xi32>,
    %swap3A_462 = vector.shape_cast %swap3A_461 : vector<1x16xi32> to vector<16xi32>
    %swap3A_463 = vector.shape_cast %shift_right_arithmetic3A_457 : vector<16xi32> to vector<1x16xi32>
    tpu.vector_store %arg7[%swap3A_459, %swap3A_460], %swap3A_463 {strides = array<i32>} : memref<3x128xi32, #tpu.memory_space<vmem>>, vector<1x16xi32>,
    %add3A_464 = arith.constant 4 : i32
    %add3A_465 = arith.addi %mul3A_2, %add3A_464 : i32
    %mul3A_466 = arith.constant 128 : i32
    %mul3A_467 = arith.muli %add3A_465, %mul3A_466 : i32
    %dma_start3A_468 = arith.constant 1 : i32
    %dma_start3A_469 = arith.constant 0 : i32
    %dma_start3A_470 = tpu.memref_slice %arg5[%dma_start3A_468, %dma_start3A_469] : memref<3x128xi32, #tpu.memory_space<vmem>> -> memref<1x128xi32, #tpu.memory_space<vmem>>
    %dma_start3A_471 = tpu.memref_squeeze %dma_start3A_470 : memref<1x128xi32, #tpu.memory_space<vmem>> -> memref<128xi32, #tpu.memory_space<vmem>>
    %dma_start3A_472 = tpu.memref_slice %arg2[%mul3A_467] : memref<331776xi32, #tpu.memory_space<hbm>> -> memref<128xi32, #tpu.memory_space<hbm>>
    %dma_start3A_473 = arith.constant 0 : i32
    %dma_start3A_474 = tpu.memref_slice %arg5[%dma_start3A_468, %dma_start3A_473] : memref<3x128xi32, #tpu.memory_space<vmem>> -> memref<1x128xi32, #tpu.memory_space<vmem>>
    %dma_start3A_475 = tpu.memref_squeeze %dma_start3A_474 : memref<1x128xi32, #tpu.memory_space<vmem>> -> memref<128xi32, #tpu.memory_space<vmem>>
    %dma_start3A_476 = tpu.memref_slice %arg2[%mul3A_467] : memref<331776xi32, #tpu.memory_space<hbm>> -> memref<128xi32, #tpu.memory_space<hbm>>
    tpu.enqueue_dma source(%dma_start3A_476 : memref<128xi32, #tpu.memory_space<hbm>>) target(%dma_start3A_475 : memref<128xi32, #tpu.memory_space<vmem>>) target_semaphore(%arg10 : memref<!tpu.dma_semaphore, #tpu.memory_space<semaphore_mem>>)
    %dma_start3A_477 = arith.constant 1 : i32
    %dma_start3A_478 = arith.constant 1 : i32
    %dma_start3A_479 = arith.constant 0 : i32
    %dma_start3A_480 = arith.constant 0 : i32
    %dma_start3A_481 = tpu.memref_slice %arg8[%dma_start3A_478, %dma_start3A_479, %dma_start3A_480] : memref<3x128x128xf32, #tpu.memory_space<vmem>> -> memref<1x128x128xf32, #tpu.memory_space<vmem>>
    %dma_start3A_482 = tpu.memref_squeeze %dma_start3A_481 : memref<1x128x128xf32, #tpu.memory_space<vmem>> -> memref<128x128xf32, #tpu.memory_space<vmem>>
    %dma_start3A_483 = arith.constant 0 : i32
    %dma_start3A_484 = tpu.memref_slice %arg6[%dma_start3A_477, %dma_start3A_483] : memref<3x128xi32, #tpu.memory_space<vmem>> -> memref<1x128xi32, #tpu.memory_space<vmem>>
    %dma_start3A_485 = tpu.memref_squeeze %dma_start3A_484 : memref<1x128xi32, #tpu.memory_space<vmem>> -> memref<128xi32, #tpu.memory_space<vmem>>
    %dma_start3A_486 = arith.constant 0 : i32
    %dma_start3A_487 = arith.constant 0 : i32
    %dma_start3A_488 = tpu.memref_slice %arg3[%dma_start3A_486, %dma_start3A_487] : memref<10000x128xf32, #tpu.memory_space<hbm>> -> memref<10000x128xf32, #tpu.memory_space<hbm>>
    tpu.enqueue_indirect_dma source(%dma_start3A_488 : memref<10000x128xf32, #tpu.memory_space<hbm>>) target(%dma_start3A_482 : memref<128x128xf32, #tpu.memory_space<vmem>>) offsets(%dma_start3A_485 : memref<128xi32, #tpu.memory_space<vmem>>) semaphore(%arg13 : memref<!tpu.dma_semaphore, #tpu.memory_space<semaphore_mem>>)
    %while3A_489 = arith.constant 0 : i32
    %while3A_490 = arith.constant 0 : i32
    %while3A_491 = arith.constant 0 : i32
    %while3A_492 = arith.subi %select_n3A, %while3A_491 : i32
    %while3A_493 = arith.addi %while3A_491, %while3A_492 : i32
    %while3A_494 = arith.constant 1 : i32
    %while3A_495 = arith.divsi %while3A_492, %while3A_494 : i32
    %while3A_496 = arith.muli %while3A_495, %while3A_494 : i32
    %while3A_497 = arith.addi %while3A_491, %while3A_496 : i32
    %while3A_498 = arith.constant 1 : i32
    scf.for %while3A_1649 = %while3A_491 to %while3A_497 step %while3A_498  : i32 {
      %mul3A_1650 = arith.constant 128 : i32
      %mul3A_1651 = arith.muli %arg1, %mul3A_1650 : i32
      %dma_wait3A_1652 = arith.constant 0 : i32
      %dma_wait3A_1653 = arith.constant 0 : i32
      %dma_wait3A_1654 = tpu.memref_slice %arg8[%while3A_490, %dma_wait3A_1652, %dma_wait3A_1653] : memref<3x128x128xf32, #tpu.memory_space<vmem>> -> memref<1x128x128xf32, #tpu.memory_space<vmem>>
      %dma_wait3A_1655 = tpu.memref_squeeze %dma_wait3A_1654 : memref<1x128x128xf32, #tpu.memory_space<vmem>> -> memref<128x128xf32, #tpu.memory_space<vmem>>
      %dma_wait3A_1656 = arith.constant 0 : i32
      %dma_wait3A_1657 = tpu.memref_slice %arg18[%mul3A_1651, %dma_wait3A_1656] : memref<10048x128xf32, #tpu.memory_space<vmem_shared>> -> memref<128x128xf32, #tpu.memory_space<vmem_shared>>
      %dma_wait3A_1658 = arith.constant 0 : i32
      %dma_wait3A_1659 = tpu.memref_slice %arg18[%mul3A_1651, %dma_wait3A_1658] : memref<10048x128xf32, #tpu.memory_space<vmem_shared>> -> memref<128x128xf32, #tpu.memory_space<vmem_shared>>
      %dma_wait3A_1660 = arith.constant 0 : i32
      %dma_wait3A_1661 = arith.constant 0 : i32
      %dma_wait3A_1662 = tpu.memref_slice %arg8[%while3A_490, %dma_wait3A_1660, %dma_wait3A_1661] : memref<3x128x128xf32, #tpu.memory_space<vmem>> -> memref<1x128x128xf32, #tpu.memory_space<vmem>>
      %dma_wait3A_1663 = tpu.memref_squeeze %dma_wait3A_1662 : memref<1x128x128xf32, #tpu.memory_space<vmem>> -> memref<128x128xf32, #tpu.memory_space<vmem>>
      tpu.wait_dma2 semaphore(%arg15 : memref<!tpu.dma_semaphore, #tpu.memory_space<semaphore_mem>>) src(%dma_wait3A_1663 : memref<128x128xf32, #tpu.memory_space<vmem>>) dst(%dma_wait3A_1659 : memref<128x128xf32, #tpu.memory_space<vmem_shared>>)
    }
    %while3A_499 = arith.constant 1 : i32
    scf.for %while3A_1649 = %while3A_497 to %while3A_493 step %while3A_499  : i32 {
      %mul3A_1650 = arith.constant 128 : i32
      %mul3A_1651 = arith.muli %arg1, %mul3A_1650 : i32
      %dma_wait3A_1652 = arith.constant 0 : i32
      %dma_wait3A_1653 = arith.constant 0 : i32
      %dma_wait3A_1654 = tpu.memref_slice %arg8[%while3A_490, %dma_wait3A_1652, %dma_wait3A_1653] : memref<3x128x128xf32, #tpu.memory_space<vmem>> -> memref<1x128x128xf32, #tpu.memory_space<vmem>>
      %dma_wait3A_1655 = tpu.memref_squeeze %dma_wait3A_1654 : memref<1x128x128xf32, #tpu.memory_space<vmem>> -> memref<128x128xf32, #tpu.memory_space<vmem>>
      %dma_wait3A_1656 = arith.constant 0 : i32
      %dma_wait3A_1657 = tpu.memref_slice %arg18[%mul3A_1651, %dma_wait3A_1656] : memref<10048x128xf32, #tpu.memory_space<vmem_shared>> -> memref<128x128xf32, #tpu.memory_space<vmem_shared>>
      %dma_wait3A_1658 = arith.constant 0 : i32
      %dma_wait3A_1659 = tpu.memref_slice %arg18[%mul3A_1651, %dma_wait3A_1658] : memref<10048x128xf32, #tpu.memory_space<vmem_shared>> -> memref<128x128xf32, #tpu.memory_space<vmem_shared>>
      %dma_wait3A_1660 = arith.constant 0 : i32
      %dma_wait3A_1661 = arith.constant 0 : i32
      %dma_wait3A_1662 = tpu.memref_slice %arg8[%while3A_490, %dma_wait3A_1660, %dma_wait3A_1661] : memref<3x128x128xf32, #tpu.memory_space<vmem>> -> memref<1x128x128xf32, #tpu.memory_space<vmem>>
      %dma_wait3A_1663 = tpu.memref_squeeze %dma_wait3A_1662 : memref<1x128x128xf32, #tpu.memory_space<vmem>> -> memref<128x128xf32, #tpu.memory_space<vmem>>
      tpu.wait_dma2 semaphore(%arg15 : memref<!tpu.dma_semaphore, #tpu.memory_space<semaphore_mem>>) src(%dma_wait3A_1663 : memref<128x128xf32, #tpu.memory_space<vmem>>) dst(%dma_wait3A_1659 : memref<128x128xf32, #tpu.memory_space<vmem_shared>>)
    }
    %eq3A_500 = arith.constant 15 : i32
    %eq3A_501 = arith.cmpi eq, %arg1, %eq3A_500 : i32
    %convert_element_type3A_502 = arith.extui %eq3A_501 : i1 to i32
    %cond3A_503 = arith.constant 0 : i32
    %cond3A_504 = arith.constant 0 : i32
    %cond3A_505 = arith.cmpi ne, %convert_element_type3A_502, %cond3A_504 : i32
    scf.if %cond3A_505 {
      %dma_wait3A_1649 = arith.constant 0 : i32
      %dma_wait3A_1650 = arith.constant 0 : i32
      %dma_wait3A_1651 = tpu.memref_slice %arg8[%cond3A_503, %dma_wait3A_1649, %dma_wait3A_1650] : memref<3x128x128xf32, #tpu.memory_space<vmem>> -> memref<1x128x128xf32, #tpu.memory_space<vmem>>
      %dma_wait3A_1652 = tpu.memref_squeeze %dma_wait3A_1651 : memref<1x128x128xf32, #tpu.memory_space<vmem>> -> memref<128x128xf32, #tpu.memory_space<vmem>>
      %dma_wait3A_1653 = arith.constant 0 : i32
      %dma_wait3A_1654 = arith.constant 0 : i32
      %dma_wait3A_1655 = tpu.memref_slice %dma_wait3A_1652[%dma_wait3A_1653, %dma_wait3A_1654] : memref<128x128xf32, #tpu.memory_space<vmem>> -> memref<64x128xf32, #tpu.memory_space<vmem>>
      %dma_wait3A_1656 = arith.constant 9984 : i32
      %dma_wait3A_1657 = arith.constant 0 : i32
      %dma_wait3A_1658 = tpu.memref_slice %arg18[%dma_wait3A_1656, %dma_wait3A_1657] : memref<10048x128xf32, #tpu.memory_space<vmem_shared>> -> memref<64x128xf32, #tpu.memory_space<vmem_shared>>
      %dma_wait3A_1659 = arith.constant 9984 : i32
      %dma_wait3A_1660 = arith.constant 0 : i32
      %dma_wait3A_1661 = tpu.memref_slice %arg18[%dma_wait3A_1659, %dma_wait3A_1660] : memref<10048x128xf32, #tpu.memory_space<vmem_shared>> -> memref<64x128xf32, #tpu.memory_space<vmem_shared>>
      %dma_wait3A_1662 = arith.constant 0 : i32
      %dma_wait3A_1663 = arith.constant 0 : i32
      %dma_wait3A_1664 = tpu.memref_slice %arg8[%cond3A_503, %dma_wait3A_1662, %dma_wait3A_1663] : memref<3x128x128xf32, #tpu.memory_space<vmem>> -> memref<1x128x128xf32, #tpu.memory_space<vmem>>
      %dma_wait3A_1665 = tpu.memref_squeeze %dma_wait3A_1664 : memref<1x128x128xf32, #tpu.memory_space<vmem>> -> memref<128x128xf32, #tpu.memory_space<vmem>>
      %dma_wait3A_1666 = arith.constant 0 : i32
      %dma_wait3A_1667 = arith.constant 0 : i32
      %dma_wait3A_1668 = tpu.memref_slice %dma_wait3A_1665[%dma_wait3A_1666, %dma_wait3A_1667] : memref<128x128xf32, #tpu.memory_space<vmem>> -> memref<64x128xf32, #tpu.memory_space<vmem>>
      tpu.wait_dma2 semaphore(%arg16 : memref<!tpu.dma_semaphore, #tpu.memory_space<semaphore_mem>>) src(%dma_wait3A_1668 : memref<64x128xf32, #tpu.memory_space<vmem>>) dst(%dma_wait3A_1661 : memref<64x128xf32, #tpu.memory_space<vmem_shared>>)
    } else {
    }
    %barrier3A = arith.constant 0 : index
    tpu.barrier barrier_id(%barrier3A)
    %dma_start3A_506 = arith.constant 0 : i32
    %dma_start3A_507 = arith.constant 0 : i32
    %dma_start3A_508 = arith.constant 0 : i32
    %dma_start3A_509 = arith.constant 0 : i32
    %dma_start3A_510 = tpu.memref_slice %arg8[%dma_start3A_507, %dma_start3A_508, %dma_start3A_509] : memref<3x128x128xf32, #tpu.memory_space<vmem>> -> memref<1x128x128xf32, #tpu.memory_space<vmem>>
    %dma_start3A_511 = tpu.memref_squeeze %dma_start3A_510 : memref<1x128x128xf32, #tpu.memory_space<vmem>> -> memref<128x128xf32, #tpu.memory_space<vmem>>
    %dma_start3A_512 = arith.constant 0 : i32
    %dma_start3A_513 = tpu.memref_slice %arg6[%dma_start3A_506, %dma_start3A_512] : memref<3x128xi32, #tpu.memory_space<vmem>> -> memref<1x128xi32, #tpu.memory_space<vmem>>
    %dma_start3A_514 = tpu.memref_squeeze %dma_start3A_513 : memref<1x128xi32, #tpu.memory_space<vmem>> -> memref<128xi32, #tpu.memory_space<vmem>>
    %dma_start3A_515 = arith.constant 0 : i32
    %dma_start3A_516 = arith.constant 0 : i32
    %dma_start3A_517 = tpu.memref_slice %arg3[%dma_start3A_515, %dma_start3A_516] : memref<10000x128xf32, #tpu.memory_space<hbm>> -> memref<10000x128xf32, #tpu.memory_space<hbm>>
    tpu.enqueue_indirect_dma source(%dma_start3A_517 : memref<10000x128xf32, #tpu.memory_space<hbm>>) target(%dma_start3A_511 : memref<128x128xf32, #tpu.memory_space<vmem>>) offsets(%dma_start3A_514 : memref<128xi32, #tpu.memory_space<vmem>>) semaphore(%arg12 : memref<!tpu.dma_semaphore, #tpu.memory_space<semaphore_mem>>)
    %dma_wait3A_518 = arith.constant 0 : i32
    %dma_wait3A_519 = arith.constant 0 : i32
    %dma_wait3A_520 = arith.constant 0 : i32
    %dma_wait3A_521 = arith.constant 0 : i32
    %dma_wait3A_522 = tpu.memref_slice %arg8[%dma_wait3A_519, %dma_wait3A_520, %dma_wait3A_521] : memref<3x128x128xf32, #tpu.memory_space<vmem>> -> memref<1x128x128xf32, #tpu.memory_space<vmem>>
    %dma_wait3A_523 = tpu.memref_squeeze %dma_wait3A_522 : memref<1x128x128xf32, #tpu.memory_space<vmem>> -> memref<128x128xf32, #tpu.memory_space<vmem>>
    %dma_wait3A_524 = arith.constant 0 : i32
    %dma_wait3A_525 = tpu.memref_slice %arg6[%dma_wait3A_518, %dma_wait3A_524] : memref<3x128xi32, #tpu.memory_space<vmem>> -> memref<1x128xi32, #tpu.memory_space<vmem>>
    %dma_wait3A_526 = tpu.memref_squeeze %dma_wait3A_525 : memref<1x128xi32, #tpu.memory_space<vmem>> -> memref<128xi32, #tpu.memory_space<vmem>>
    %dma_wait3A_527 = arith.constant 0 : i32
    %dma_wait3A_528 = arith.constant 0 : i32
    %dma_wait3A_529 = tpu.memref_slice %arg3[%dma_wait3A_527, %dma_wait3A_528] : memref<10000x128xf32, #tpu.memory_space<hbm>> -> memref<10000x128xf32, #tpu.memory_space<hbm>>
    tpu.wait_indirect_dma semaphore(%arg12 : memref<!tpu.dma_semaphore, #tpu.memory_space<semaphore_mem>>) src(%dma_wait3A_529 : memref<10000x128xf32, #tpu.memory_space<hbm>>) dst(%dma_wait3A_523 : memref<128x128xf32, #tpu.memory_space<vmem>>)
    %dma_start3A_530 = arith.constant 0 : i32
    %dma_start3A_531 = arith.constant 0 : i32
    %dma_start3A_532 = arith.constant 0 : i32
    %dma_start3A_533 = arith.constant 0 : i32
    %dma_start3A_534 = tpu.memref_slice %arg8[%dma_start3A_530, %dma_start3A_532, %dma_start3A_533] : memref<3x128x128xf32, #tpu.memory_space<vmem>> -> memref<1x128x128xf32, #tpu.memory_space<vmem>>
    %dma_start3A_535 = tpu.memref_squeeze %dma_start3A_534 : memref<1x128x128xf32, #tpu.memory_space<vmem>> -> memref<128x128xf32, #tpu.memory_space<vmem>>
    %dma_start3A_536 = arith.constant 0 : i32
    %dma_start3A_537 = tpu.memref_slice %arg7[%dma_start3A_531, %dma_start3A_536] : memref<3x128xi32, #tpu.memory_space<vmem>> -> memref<1x128xi32, #tpu.memory_space<vmem>>
    %dma_start3A_538 = tpu.memref_squeeze %dma_start3A_537 : memref<1x128xi32, #tpu.memory_space<vmem>> -> memref<128xi32, #tpu.memory_space<vmem>>
    %dma_start3A_539 = arith.constant 0 : i32
    %dma_start3A_540 = arith.constant 0 : i32
    %dma_start3A_541 = tpu.memref_slice %arg18[%dma_start3A_539, %dma_start3A_540] : memref<10048x128xf32, #tpu.memory_space<vmem_shared>> -> memref<10048x128xf32, #tpu.memory_space<vmem_shared>>
    tpu.enqueue_indirect_dma source(%dma_start3A_535 : memref<128x128xf32, #tpu.memory_space<vmem>>) target(%dma_start3A_541 : memref<10048x128xf32, #tpu.memory_space<vmem_shared>>) offsets(%dma_start3A_538 : memref<128xi32, #tpu.memory_space<vmem>>) semaphore(%arg15 : memref<!tpu.dma_semaphore, #tpu.memory_space<semaphore_mem>>) {add = true}
    %add3A_542 = arith.constant 2 : i32
    %add3A_543 = arith.addi %mul3A_2, %add3A_542 : i32
    %mul3A_544 = arith.constant 128 : i32
    %mul3A_545 = arith.muli %add3A_543, %mul3A_544 : i32
    %dma_wait3A_546 = arith.constant 2 : i32
    %dma_wait3A_547 = arith.constant 0 : i32
    %dma_wait3A_548 = tpu.memref_slice %arg5[%dma_wait3A_546, %dma_wait3A_547] : memref<3x128xi32, #tpu.memory_space<vmem>> -> memref<1x128xi32, #tpu.memory_space<vmem>>
    %dma_wait3A_549 = tpu.memref_squeeze %dma_wait3A_548 : memref<1x128xi32, #tpu.memory_space<vmem>> -> memref<128xi32, #tpu.memory_space<vmem>>
    %dma_wait3A_550 = tpu.memref_slice %arg2[%mul3A_545] : memref<331776xi32, #tpu.memory_space<hbm>> -> memref<128xi32, #tpu.memory_space<hbm>>
    %dma_wait3A_551 = arith.constant 0 : i32
    %dma_wait3A_552 = tpu.memref_slice %arg5[%dma_wait3A_546, %dma_wait3A_551] : memref<3x128xi32, #tpu.memory_space<vmem>> -> memref<1x128xi32, #tpu.memory_space<vmem>>
    %dma_wait3A_553 = tpu.memref_squeeze %dma_wait3A_552 : memref<1x128xi32, #tpu.memory_space<vmem>> -> memref<128xi32, #tpu.memory_space<vmem>>
    %dma_wait3A_554 = tpu.memref_slice %arg2[%mul3A_545] : memref<331776xi32, #tpu.memory_space<hbm>> -> memref<128xi32, #tpu.memory_space<hbm>>
    tpu.wait_dma2 semaphore(%arg11 : memref<!tpu.dma_semaphore, #tpu.memory_space<semaphore_mem>>) src(%dma_wait3A_554 : memref<128xi32, #tpu.memory_space<hbm>>) dst(%dma_wait3A_553 : memref<128xi32, #tpu.memory_space<vmem>>)
    %get3A_555 = arith.constant 2 : i32
    %get3A_556 = arith.index_cast %get3A_555 : i32 to index
    %get3A_557 = arith.constant 0 : index
    %get3A_558 = tpu.vector_load %arg5[%get3A_556, %get3A_557] {strides = array<i32>} : memref<3x128xi32, #tpu.memory_space<vmem>>, vector<1x16xi32>,
    %get3A_559 = vector.shape_cast %get3A_558 : vector<1x16xi32> to vector<16xi32>
    %and3A_560 = arith.constant 16383 : i32
    %and3A_561 = vector.broadcast %and3A_560 : i32 to vector<16xi32>
    %and3A_562 = arith.andi %get3A_559, %and3A_561 : vector<16xi32>
    %swap3A_563 = arith.constant 2 : i32
    %swap3A_564 = arith.index_cast %swap3A_563 : i32 to index
    %swap3A_565 = arith.constant 0 : index
    %swap3A_566 = tpu.vector_load %arg6[%swap3A_564, %swap3A_565] {strides = array<i32>} : memref<3x128xi32, #tpu.memory_space<vmem>>, vector<1x16xi32>,
    %swap3A_567 = vector.shape_cast %swap3A_566 : vector<1x16xi32> to vector<16xi32>
    %swap3A_568 = vector.shape_cast %and3A_562 : vector<16xi32> to vector<1x16xi32>
    tpu.vector_store %arg6[%swap3A_564, %swap3A_565], %swap3A_568 {strides = array<i32>} : memref<3x128xi32, #tpu.memory_space<vmem>>, vector<1x16xi32>,
    %shift_right_arithmetic3A_569 = arith.constant 14 : i32
    %shift_right_arithmetic3A_570 = vector.broadcast %shift_right_arithmetic3A_569 : i32 to vector<16xi32>
    %shift_right_arithmetic3A_571 = arith.shrsi %get3A_559, %shift_right_arithmetic3A_570 : vector<16xi32>
    %swap3A_572 = arith.constant 2 : i32
    %swap3A_573 = arith.index_cast %swap3A_572 : i32 to index
    %swap3A_574 = arith.constant 0 : index
    %swap3A_575 = tpu.vector_load %arg7[%swap3A_573, %swap3A_574] {strides = array<i32>} : memref<3x128xi32, #tpu.memory_space<vmem>>, vector<1x16xi32>,
    %swap3A_576 = vector.shape_cast %swap3A_575 : vector<1x16xi32> to vector<16xi32>
    %swap3A_577 = vector.shape_cast %shift_right_arithmetic3A_571 : vector<16xi32> to vector<1x16xi32>
    tpu.vector_store %arg7[%swap3A_573, %swap3A_574], %swap3A_577 {strides = array<i32>} : memref<3x128xi32, #tpu.memory_space<vmem>>, vector<1x16xi32>,
    %get3A_578 = arith.constant 2 : i32
    %get3A_579 = arith.index_cast %get3A_578 : i32 to index
    %get3A_580 = arith.constant 16 : index
    %get3A_581 = tpu.vector_load %arg5[%get3A_579, %get3A_580] {strides = array<i32>} : memref<3x128xi32, #tpu.memory_space<vmem>>, vector<1x16xi32>,
    %get3A_582 = vector.shape_cast %get3A_581 : vector<1x16xi32> to vector<16xi32>
    %and3A_583 = arith.constant 16383 : i32
    %and3A_584 = vector.broadcast %and3A_583 : i32 to vector<16xi32>
    %and3A_585 = arith.andi %get3A_582, %and3A_584 : vector<16xi32>
    %swap3A_586 = arith.constant 2 : i32
    %swap3A_587 = arith.index_cast %swap3A_586 : i32 to index
    %swap3A_588 = arith.constant 16 : index
    %swap3A_589 = tpu.vector_load %arg6[%swap3A_587, %swap3A_588] {strides = array<i32>} : memref<3x128xi32, #tpu.memory_space<vmem>>, vector<1x16xi32>,
    %swap3A_590 = vector.shape_cast %swap3A_589 : vector<1x16xi32> to vector<16xi32>
    %swap3A_591 = vector.shape_cast %and3A_585 : vector<16xi32> to vector<1x16xi32>
    tpu.vector_store %arg6[%swap3A_587, %swap3A_588], %swap3A_591 {strides = array<i32>} : memref<3x128xi32, #tpu.memory_space<vmem>>, vector<1x16xi32>,
    %shift_right_arithmetic3A_592 = arith.constant 14 : i32
    %shift_right_arithmetic3A_593 = vector.broadcast %shift_right_arithmetic3A_592 : i32 to vector<16xi32>
    %shift_right_arithmetic3A_594 = arith.shrsi %get3A_582, %shift_right_arithmetic3A_593 : vector<16xi32>
    %swap3A_595 = arith.constant 2 : i32
    %swap3A_596 = arith.index_cast %swap3A_595 : i32 to index
    %swap3A_597 = arith.constant 16 : index
    %swap3A_598 = tpu.vector_load %arg7[%swap3A_596, %swap3A_597] {strides = array<i32>} : memref<3x128xi32, #tpu.memory_space<vmem>>, vector<1x16xi32>,
    %swap3A_599 = vector.shape_cast %swap3A_598 : vector<1x16xi32> to vector<16xi32>
    %swap3A_600 = vector.shape_cast %shift_right_arithmetic3A_594 : vector<16xi32> to vector<1x16xi32>
    tpu.vector_store %arg7[%swap3A_596, %swap3A_597], %swap3A_600 {strides = array<i32>} : memref<3x128xi32, #tpu.memory_space<vmem>>, vector<1x16xi32>,
    %get3A_601 = arith.constant 2 : i32
    %get3A_602 = arith.index_cast %get3A_601 : i32 to index
    %get3A_603 = arith.constant 32 : index
    %get3A_604 = tpu.vector_load %arg5[%get3A_602, %get3A_603] {strides = array<i32>} : memref<3x128xi32, #tpu.memory_space<vmem>>, vector<1x16xi32>,
    %get3A_605 = vector.shape_cast %get3A_604 : vector<1x16xi32> to vector<16xi32>
    %and3A_606 = arith.constant 16383 : i32
    %and3A_607 = vector.broadcast %and3A_606 : i32 to vector<16xi32>
    %and3A_608 = arith.andi %get3A_605, %and3A_607 : vector<16xi32>
    %swap3A_609 = arith.constant 2 : i32
    %swap3A_610 = arith.index_cast %swap3A_609 : i32 to index
    %swap3A_611 = arith.constant 32 : index
    %swap3A_612 = tpu.vector_load %arg6[%swap3A_610, %swap3A_611] {strides = array<i32>} : memref<3x128xi32, #tpu.memory_space<vmem>>, vector<1x16xi32>,
    %swap3A_613 = vector.shape_cast %swap3A_612 : vector<1x16xi32> to vector<16xi32>
    %swap3A_614 = vector.shape_cast %and3A_608 : vector<16xi32> to vector<1x16xi32>
    tpu.vector_store %arg6[%swap3A_610, %swap3A_611], %swap3A_614 {strides = array<i32>} : memref<3x128xi32, #tpu.memory_space<vmem>>, vector<1x16xi32>,
    %shift_right_arithmetic3A_615 = arith.constant 14 : i32
    %shift_right_arithmetic3A_616 = vector.broadcast %shift_right_arithmetic3A_615 : i32 to vector<16xi32>
    %shift_right_arithmetic3A_617 = arith.shrsi %get3A_605, %shift_right_arithmetic3A_616 : vector<16xi32>
    %swap3A_618 = arith.constant 2 : i32
    %swap3A_619 = arith.index_cast %swap3A_618 : i32 to index
    %swap3A_620 = arith.constant 32 : index
    %swap3A_621 = tpu.vector_load %arg7[%swap3A_619, %swap3A_620] {strides = array<i32>} : memref<3x128xi32, #tpu.memory_space<vmem>>, vector<1x16xi32>,
    %swap3A_622 = vector.shape_cast %swap3A_621 : vector<1x16xi32> to vector<16xi32>
    %swap3A_623 = vector.shape_cast %shift_right_arithmetic3A_617 : vector<16xi32> to vector<1x16xi32>
    tpu.vector_store %arg7[%swap3A_619, %swap3A_620], %swap3A_623 {strides = array<i32>} : memref<3x128xi32, #tpu.memory_space<vmem>>, vector<1x16xi32>,
    %get3A_624 = arith.constant 2 : i32
    %get3A_625 = arith.index_cast %get3A_624 : i32 to index
    %get3A_626 = arith.constant 48 : index
    %get3A_627 = tpu.vector_load %arg5[%get3A_625, %get3A_626] {strides = array<i32>} : memref<3x128xi32, #tpu.memory_space<vmem>>, vector<1x16xi32>,
    %get3A_628 = vector.shape_cast %get3A_627 : vector<1x16xi32> to vector<16xi32>
    %and3A_629 = arith.constant 16383 : i32
    %and3A_630 = vector.broadcast %and3A_629 : i32 to vector<16xi32>
    %and3A_631 = arith.andi %get3A_628, %and3A_630 : vector<16xi32>
    %swap3A_632 = arith.constant 2 : i32
    %swap3A_633 = arith.index_cast %swap3A_632 : i32 to index
    %swap3A_634 = arith.constant 48 : index
    %swap3A_635 = tpu.vector_load %arg6[%swap3A_633, %swap3A_634] {strides = array<i32>} : memref<3x128xi32, #tpu.memory_space<vmem>>, vector<1x16xi32>,
    %swap3A_636 = vector.shape_cast %swap3A_635 : vector<1x16xi32> to vector<16xi32>
    %swap3A_637 = vector.shape_cast %and3A_631 : vector<16xi32> to vector<1x16xi32>
    tpu.vector_store %arg6[%swap3A_633, %swap3A_634], %swap3A_637 {strides = array<i32>} : memref<3x128xi32, #tpu.memory_space<vmem>>, vector<1x16xi32>,
    %shift_right_arithmetic3A_638 = arith.constant 14 : i32
    %shift_right_arithmetic3A_639 = vector.broadcast %shift_right_arithmetic3A_638 : i32 to vector<16xi32>
    %shift_right_arithmetic3A_640 = arith.shrsi %get3A_628, %shift_right_arithmetic3A_639 : vector<16xi32>
    %swap3A_641 = arith.constant 2 : i32
    %swap3A_642 = arith.index_cast %swap3A_641 : i32 to index
    %swap3A_643 = arith.constant 48 : index
    %swap3A_644 = tpu.vector_load %arg7[%swap3A_642, %swap3A_643] {strides = array<i32>} : memref<3x128xi32, #tpu.memory_space<vmem>>, vector<1x16xi32>,
    %swap3A_645 = vector.shape_cast %swap3A_644 : vector<1x16xi32> to vector<16xi32>
    %swap3A_646 = vector.shape_cast %shift_right_arithmetic3A_640 : vector<16xi32> to vector<1x16xi32>
    tpu.vector_store %arg7[%swap3A_642, %swap3A_643], %swap3A_646 {strides = array<i32>} : memref<3x128xi32, #tpu.memory_space<vmem>>, vector<1x16xi32>,
    %get3A_647 = arith.constant 2 : i32
    %get3A_648 = arith.index_cast %get3A_647 : i32 to index
    %get3A_649 = arith.constant 64 : index
    %get3A_650 = tpu.vector_load %arg5[%get3A_648, %get3A_649] {strides = array<i32>} : memref<3x128xi32, #tpu.memory_space<vmem>>, vector<1x16xi32>,
    %get3A_651 = vector.shape_cast %get3A_650 : vector<1x16xi32> to vector<16xi32>
    %and3A_652 = arith.constant 16383 : i32
    %and3A_653 = vector.broadcast %and3A_652 : i32 to vector<16xi32>
    %and3A_654 = arith.andi %get3A_651, %and3A_653 : vector<16xi32>
    %swap3A_655 = arith.constant 2 : i32
    %swap3A_656 = arith.index_cast %swap3A_655 : i32 to index
    %swap3A_657 = arith.constant 64 : index
    %swap3A_658 = tpu.vector_load %arg6[%swap3A_656, %swap3A_657] {strides = array<i32>} : memref<3x128xi32, #tpu.memory_space<vmem>>, vector<1x16xi32>,
    %swap3A_659 = vector.shape_cast %swap3A_658 : vector<1x16xi32> to vector<16xi32>
    %swap3A_660 = vector.shape_cast %and3A_654 : vector<16xi32> to vector<1x16xi32>
    tpu.vector_store %arg6[%swap3A_656, %swap3A_657], %swap3A_660 {strides = array<i32>} : memref<3x128xi32, #tpu.memory_space<vmem>>, vector<1x16xi32>,
    %shift_right_arithmetic3A_661 = arith.constant 14 : i32
    %shift_right_arithmetic3A_662 = vector.broadcast %shift_right_arithmetic3A_661 : i32 to vector<16xi32>
    %shift_right_arithmetic3A_663 = arith.shrsi %get3A_651, %shift_right_arithmetic3A_662 : vector<16xi32>
    %swap3A_664 = arith.constant 2 : i32
    %swap3A_665 = arith.index_cast %swap3A_664 : i32 to index
    %swap3A_666 = arith.constant 64 : index
    %swap3A_667 = tpu.vector_load %arg7[%swap3A_665, %swap3A_666] {strides = array<i32>} : memref<3x128xi32, #tpu.memory_space<vmem>>, vector<1x16xi32>,
    %swap3A_668 = vector.shape_cast %swap3A_667 : vector<1x16xi32> to vector<16xi32>
    %swap3A_669 = vector.shape_cast %shift_right_arithmetic3A_663 : vector<16xi32> to vector<1x16xi32>
    tpu.vector_store %arg7[%swap3A_665, %swap3A_666], %swap3A_669 {strides = array<i32>} : memref<3x128xi32, #tpu.memory_space<vmem>>, vector<1x16xi32>,
    %get3A_670 = arith.constant 2 : i32
    %get3A_671 = arith.index_cast %get3A_670 : i32 to index
    %get3A_672 = arith.constant 80 : index
    %get3A_673 = tpu.vector_load %arg5[%get3A_671, %get3A_672] {strides = array<i32>} : memref<3x128xi32, #tpu.memory_space<vmem>>, vector<1x16xi32>,
    %get3A_674 = vector.shape_cast %get3A_673 : vector<1x16xi32> to vector<16xi32>
    %and3A_675 = arith.constant 16383 : i32
    %and3A_676 = vector.broadcast %and3A_675 : i32 to vector<16xi32>
    %and3A_677 = arith.andi %get3A_674, %and3A_676 : vector<16xi32>
    %swap3A_678 = arith.constant 2 : i32
    %swap3A_679 = arith.index_cast %swap3A_678 : i32 to index
    %swap3A_680 = arith.constant 80 : index
    %swap3A_681 = tpu.vector_load %arg6[%swap3A_679, %swap3A_680] {strides = array<i32>} : memref<3x128xi32, #tpu.memory_space<vmem>>, vector<1x16xi32>,
    %swap3A_682 = vector.shape_cast %swap3A_681 : vector<1x16xi32> to vector<16xi32>
    %swap3A_683 = vector.shape_cast %and3A_677 : vector<16xi32> to vector<1x16xi32>
    tpu.vector_store %arg6[%swap3A_679, %swap3A_680], %swap3A_683 {strides = array<i32>} : memref<3x128xi32, #tpu.memory_space<vmem>>, vector<1x16xi32>,
    %shift_right_arithmetic3A_684 = arith.constant 14 : i32
    %shift_right_arithmetic3A_685 = vector.broadcast %shift_right_arithmetic3A_684 : i32 to vector<16xi32>
    %shift_right_arithmetic3A_686 = arith.shrsi %get3A_674, %shift_right_arithmetic3A_685 : vector<16xi32>
    %swap3A_687 = arith.constant 2 : i32
    %swap3A_688 = arith.index_cast %swap3A_687 : i32 to index
    %swap3A_689 = arith.constant 80 : index
    %swap3A_690 = tpu.vector_load %arg7[%swap3A_688, %swap3A_689] {strides = array<i32>} : memref<3x128xi32, #tpu.memory_space<vmem>>, vector<1x16xi32>,
    %swap3A_691 = vector.shape_cast %swap3A_690 : vector<1x16xi32> to vector<16xi32>
    %swap3A_692 = vector.shape_cast %shift_right_arithmetic3A_686 : vector<16xi32> to vector<1x16xi32>
    tpu.vector_store %arg7[%swap3A_688, %swap3A_689], %swap3A_692 {strides = array<i32>} : memref<3x128xi32, #tpu.memory_space<vmem>>, vector<1x16xi32>,
    %get3A_693 = arith.constant 2 : i32
    %get3A_694 = arith.index_cast %get3A_693 : i32 to index
    %get3A_695 = arith.constant 96 : index
    %get3A_696 = tpu.vector_load %arg5[%get3A_694, %get3A_695] {strides = array<i32>} : memref<3x128xi32, #tpu.memory_space<vmem>>, vector<1x16xi32>,
    %get3A_697 = vector.shape_cast %get3A_696 : vector<1x16xi32> to vector<16xi32>
    %and3A_698 = arith.constant 16383 : i32
    %and3A_699 = vector.broadcast %and3A_698 : i32 to vector<16xi32>
    %and3A_700 = arith.andi %get3A_697, %and3A_699 : vector<16xi32>
    %swap3A_701 = arith.constant 2 : i32
    %swap3A_702 = arith.index_cast %swap3A_701 : i32 to index
    %swap3A_703 = arith.constant 96 : index
    %swap3A_704 = tpu.vector_load %arg6[%swap3A_702, %swap3A_703] {strides = array<i32>} : memref<3x128xi32, #tpu.memory_space<vmem>>, vector<1x16xi32>,
    %swap3A_705 = vector.shape_cast %swap3A_704 : vector<1x16xi32> to vector<16xi32>
    %swap3A_706 = vector.shape_cast %and3A_700 : vector<16xi32> to vector<1x16xi32>
    tpu.vector_store %arg6[%swap3A_702, %swap3A_703], %swap3A_706 {strides = array<i32>} : memref<3x128xi32, #tpu.memory_space<vmem>>, vector<1x16xi32>,
    %shift_right_arithmetic3A_707 = arith.constant 14 : i32
    %shift_right_arithmetic3A_708 = vector.broadcast %shift_right_arithmetic3A_707 : i32 to vector<16xi32>
    %shift_right_arithmetic3A_709 = arith.shrsi %get3A_697, %shift_right_arithmetic3A_708 : vector<16xi32>
    %swap3A_710 = arith.constant 2 : i32
    %swap3A_711 = arith.index_cast %swap3A_710 : i32 to index
    %swap3A_712 = arith.constant 96 : index
    %swap3A_713 = tpu.vector_load %arg7[%swap3A_711, %swap3A_712] {strides = array<i32>} : memref<3x128xi32, #tpu.memory_space<vmem>>, vector<1x16xi32>,
    %swap3A_714 = vector.shape_cast %swap3A_713 : vector<1x16xi32> to vector<16xi32>
    %swap3A_715 = vector.shape_cast %shift_right_arithmetic3A_709 : vector<16xi32> to vector<1x16xi32>
    tpu.vector_store %arg7[%swap3A_711, %swap3A_712], %swap3A_715 {strides = array<i32>} : memref<3x128xi32, #tpu.memory_space<vmem>>, vector<1x16xi32>,
    %get3A_716 = arith.constant 2 : i32
    %get3A_717 = arith.index_cast %get3A_716 : i32 to index
    %get3A_718 = arith.constant 112 : index
    %get3A_719 = tpu.vector_load %arg5[%get3A_717, %get3A_718] {strides = array<i32>} : memref<3x128xi32, #tpu.memory_space<vmem>>, vector<1x16xi32>,
    %get3A_720 = vector.shape_cast %get3A_719 : vector<1x16xi32> to vector<16xi32>
    %and3A_721 = arith.constant 16383 : i32
    %and3A_722 = vector.broadcast %and3A_721 : i32 to vector<16xi32>
    %and3A_723 = arith.andi %get3A_720, %and3A_722 : vector<16xi32>
    %swap3A_724 = arith.constant 2 : i32
    %swap3A_725 = arith.index_cast %swap3A_724 : i32 to index
    %swap3A_726 = arith.constant 112 : index
    %swap3A_727 = tpu.vector_load %arg6[%swap3A_725, %swap3A_726] {strides = array<i32>} : memref<3x128xi32, #tpu.memory_space<vmem>>, vector<1x16xi32>,
    %swap3A_728 = vector.shape_cast %swap3A_727 : vector<1x16xi32> to vector<16xi32>
    %swap3A_729 = vector.shape_cast %and3A_723 : vector<16xi32> to vector<1x16xi32>
    tpu.vector_store %arg6[%swap3A_725, %swap3A_726], %swap3A_729 {strides = array<i32>} : memref<3x128xi32, #tpu.memory_space<vmem>>, vector<1x16xi32>,
    %shift_right_arithmetic3A_730 = arith.constant 14 : i32
    %shift_right_arithmetic3A_731 = vector.broadcast %shift_right_arithmetic3A_730 : i32 to vector<16xi32>
    %shift_right_arithmetic3A_732 = arith.shrsi %get3A_720, %shift_right_arithmetic3A_731 : vector<16xi32>
    %swap3A_733 = arith.constant 2 : i32
    %swap3A_734 = arith.index_cast %swap3A_733 : i32 to index
    %swap3A_735 = arith.constant 112 : index
    %swap3A_736 = tpu.vector_load %arg7[%swap3A_734, %swap3A_735] {strides = array<i32>} : memref<3x128xi32, #tpu.memory_space<vmem>>, vector<1x16xi32>,
    %swap3A_737 = vector.shape_cast %swap3A_736 : vector<1x16xi32> to vector<16xi32>
    %swap3A_738 = vector.shape_cast %shift_right_arithmetic3A_732 : vector<16xi32> to vector<1x16xi32>
    tpu.vector_store %arg7[%swap3A_734, %swap3A_735], %swap3A_738 {strides = array<i32>} : memref<3x128xi32, #tpu.memory_space<vmem>>, vector<1x16xi32>,
    %add3A_739 = arith.constant 5 : i32
    %add3A_740 = arith.addi %mul3A_2, %add3A_739 : i32
    %mul3A_741 = arith.constant 128 : i32
    %mul3A_742 = arith.muli %add3A_740, %mul3A_741 : i32
    %dma_start3A_743 = arith.constant 2 : i32
    %dma_start3A_744 = arith.constant 0 : i32
    %dma_start3A_745 = tpu.memref_slice %arg5[%dma_start3A_743, %dma_start3A_744] : memref<3x128xi32, #tpu.memory_space<vmem>> -> memref<1x128xi32, #tpu.memory_space<vmem>>
    %dma_start3A_746 = tpu.memref_squeeze %dma_start3A_745 : memref<1x128xi32, #tpu.memory_space<vmem>> -> memref<128xi32, #tpu.memory_space<vmem>>
    %dma_start3A_747 = tpu.memref_slice %arg2[%mul3A_742] : memref<331776xi32, #tpu.memory_space<hbm>> -> memref<128xi32, #tpu.memory_space<hbm>>
    %dma_start3A_748 = arith.constant 0 : i32
    %dma_start3A_749 = tpu.memref_slice %arg5[%dma_start3A_743, %dma_start3A_748] : memref<3x128xi32, #tpu.memory_space<vmem>> -> memref<1x128xi32, #tpu.memory_space<vmem>>
    %dma_start3A_750 = tpu.memref_squeeze %dma_start3A_749 : memref<1x128xi32, #tpu.memory_space<vmem>> -> memref<128xi32, #tpu.memory_space<vmem>>
    %dma_start3A_751 = tpu.memref_slice %arg2[%mul3A_742] : memref<331776xi32, #tpu.memory_space<hbm>> -> memref<128xi32, #tpu.memory_space<hbm>>
    tpu.enqueue_dma source(%dma_start3A_751 : memref<128xi32, #tpu.memory_space<hbm>>) target(%dma_start3A_750 : memref<128xi32, #tpu.memory_space<vmem>>) target_semaphore(%arg11 : memref<!tpu.dma_semaphore, #tpu.memory_space<semaphore_mem>>)
    %dma_start3A_752 = arith.constant 2 : i32
    %dma_start3A_753 = arith.constant 2 : i32
    %dma_start3A_754 = arith.constant 0 : i32
    %dma_start3A_755 = arith.constant 0 : i32
    %dma_start3A_756 = tpu.memref_slice %arg8[%dma_start3A_753, %dma_start3A_754, %dma_start3A_755] : memref<3x128x128xf32, #tpu.memory_space<vmem>> -> memref<1x128x128xf32, #tpu.memory_space<vmem>>
    %dma_start3A_757 = tpu.memref_squeeze %dma_start3A_756 : memref<1x128x128xf32, #tpu.memory_space<vmem>> -> memref<128x128xf32, #tpu.memory_space<vmem>>
    %dma_start3A_758 = arith.constant 0 : i32
    %dma_start3A_759 = tpu.memref_slice %arg6[%dma_start3A_752, %dma_start3A_758] : memref<3x128xi32, #tpu.memory_space<vmem>> -> memref<1x128xi32, #tpu.memory_space<vmem>>
    %dma_start3A_760 = tpu.memref_squeeze %dma_start3A_759 : memref<1x128xi32, #tpu.memory_space<vmem>> -> memref<128xi32, #tpu.memory_space<vmem>>
    %dma_start3A_761 = arith.constant 0 : i32
    %dma_start3A_762 = arith.constant 0 : i32
    %dma_start3A_763 = tpu.memref_slice %arg3[%dma_start3A_761, %dma_start3A_762] : memref<10000x128xf32, #tpu.memory_space<hbm>> -> memref<10000x128xf32, #tpu.memory_space<hbm>>
    tpu.enqueue_indirect_dma source(%dma_start3A_763 : memref<10000x128xf32, #tpu.memory_space<hbm>>) target(%dma_start3A_757 : memref<128x128xf32, #tpu.memory_space<vmem>>) offsets(%dma_start3A_760 : memref<128xi32, #tpu.memory_space<vmem>>) semaphore(%arg14 : memref<!tpu.dma_semaphore, #tpu.memory_space<semaphore_mem>>)
    %scan3A_764 = arith.constant 0 : i32
    %scan3A_765 = arith.constant 0 : i32
    %scan3A_766 = arith.constant 25 : i32
    %scan3A_767 = arith.addi %scan3A_765, %scan3A_766 : i32
    %scan3A_768 = arith.constant 1 : i32
    scf.for %scan3A_1649 = %scan3A_765 to %scan3A_767 step %scan3A_768  : i32 {
      %mul3A_1650 = arith.constant 3 : i32
      %mul3A_1651 = arith.muli %mul3A_1650, %scan3A_1649 : i32
      %dma_wait3A_1652 = arith.constant 1 : i32
      %dma_wait3A_1653 = arith.constant 1 : i32
      %dma_wait3A_1654 = arith.constant 0 : i32
      %dma_wait3A_1655 = arith.constant 0 : i32
      %dma_wait3A_1656 = tpu.memref_slice %arg8[%dma_wait3A_1653, %dma_wait3A_1654, %dma_wait3A_1655] : memref<3x128x128xf32, #tpu.memory_space<vmem>> -> memref<1x128x128xf32, #tpu.memory_space<vmem>>
      %dma_wait3A_1657 = tpu.memref_squeeze %dma_wait3A_1656 : memref<1x128x128xf32, #tpu.memory_space<vmem>> -> memref<128x128xf32, #tpu.memory_space<vmem>>
      %dma_wait3A_1658 = arith.constant 0 : i32
      %dma_wait3A_1659 = tpu.memref_slice %arg6[%dma_wait3A_1652, %dma_wait3A_1658] : memref<3x128xi32, #tpu.memory_space<vmem>> -> memref<1x128xi32, #tpu.memory_space<vmem>>
      %dma_wait3A_1660 = tpu.memref_squeeze %dma_wait3A_1659 : memref<1x128xi32, #tpu.memory_space<vmem>> -> memref<128xi32, #tpu.memory_space<vmem>>
      %dma_wait3A_1661 = arith.constant 0 : i32
      %dma_wait3A_1662 = arith.constant 0 : i32
      %dma_wait3A_1663 = tpu.memref_slice %arg3[%dma_wait3A_1661, %dma_wait3A_1662] : memref<10000x128xf32, #tpu.memory_space<hbm>> -> memref<10000x128xf32, #tpu.memory_space<hbm>>
      tpu.wait_indirect_dma semaphore(%arg13 : memref<!tpu.dma_semaphore, #tpu.memory_space<semaphore_mem>>) src(%dma_wait3A_1663 : memref<10000x128xf32, #tpu.memory_space<hbm>>) dst(%dma_wait3A_1657 : memref<128x128xf32, #tpu.memory_space<vmem>>)
      %dma_start3A_1664 = arith.constant 1 : i32
      %dma_start3A_1665 = arith.constant 1 : i32
      %dma_start3A_1666 = arith.constant 0 : i32
      %dma_start3A_1667 = arith.constant 0 : i32
      %dma_start3A_1668 = tpu.memref_slice %arg8[%dma_start3A_1664, %dma_start3A_1666, %dma_start3A_1667] : memref<3x128x128xf32, #tpu.memory_space<vmem>> -> memref<1x128x128xf32, #tpu.memory_space<vmem>>
      %dma_start3A_1669 = tpu.memref_squeeze %dma_start3A_1668 : memref<1x128x128xf32, #tpu.memory_space<vmem>> -> memref<128x128xf32, #tpu.memory_space<vmem>>
      %dma_start3A_1670 = arith.constant 0 : i32
      %dma_start3A_1671 = tpu.memref_slice %arg7[%dma_start3A_1665, %dma_start3A_1670] : memref<3x128xi32, #tpu.memory_space<vmem>> -> memref<1x128xi32, #tpu.memory_space<vmem>>
      %dma_start3A_1672 = tpu.memref_squeeze %dma_start3A_1671 : memref<1x128xi32, #tpu.memory_space<vmem>> -> memref<128xi32, #tpu.memory_space<vmem>>
      %dma_start3A_1673 = arith.constant 0 : i32
      %dma_start3A_1674 = arith.constant 0 : i32
      %dma_start3A_1675 = tpu.memref_slice %arg18[%dma_start3A_1673, %dma_start3A_1674] : memref<10048x128xf32, #tpu.memory_space<vmem_shared>> -> memref<10048x128xf32, #tpu.memory_space<vmem_shared>>
      tpu.enqueue_indirect_dma source(%dma_start3A_1669 : memref<128x128xf32, #tpu.memory_space<vmem>>) target(%dma_start3A_1675 : memref<10048x128xf32, #tpu.memory_space<vmem_shared>>) offsets(%dma_start3A_1672 : memref<128xi32, #tpu.memory_space<vmem>>) semaphore(%arg16 : memref<!tpu.dma_semaphore, #tpu.memory_space<semaphore_mem>>) {add = true}
      %dma_wait3A_1676 = arith.constant 0 : i32
      %dma_wait3A_1677 = arith.constant 0 : i32
      %dma_wait3A_1678 = arith.constant 0 : i32
      %dma_wait3A_1679 = arith.constant 0 : i32
      %dma_wait3A_1680 = tpu.memref_slice %arg8[%dma_wait3A_1676, %dma_wait3A_1678, %dma_wait3A_1679] : memref<3x128x128xf32, #tpu.memory_space<vmem>> -> memref<1x128x128xf32, #tpu.memory_space<vmem>>
      %dma_wait3A_1681 = tpu.memref_squeeze %dma_wait3A_1680 : memref<1x128x128xf32, #tpu.memory_space<vmem>> -> memref<128x128xf32, #tpu.memory_space<vmem>>
      %dma_wait3A_1682 = arith.constant 0 : i32
      %dma_wait3A_1683 = tpu.memref_slice %arg7[%dma_wait3A_1677, %dma_wait3A_1682] : memref<3x128xi32, #tpu.memory_space<vmem>> -> memref<1x128xi32, #tpu.memory_space<vmem>>
      %dma_wait3A_1684 = tpu.memref_squeeze %dma_wait3A_1683 : memref<1x128xi32, #tpu.memory_space<vmem>> -> memref<128xi32, #tpu.memory_space<vmem>>
      %dma_wait3A_1685 = arith.constant 0 : i32
      %dma_wait3A_1686 = arith.constant 0 : i32
      %dma_wait3A_1687 = tpu.memref_slice %arg18[%dma_wait3A_1685, %dma_wait3A_1686] : memref<10048x128xf32, #tpu.memory_space<vmem_shared>> -> memref<10048x128xf32, #tpu.memory_space<vmem_shared>>
      tpu.wait_indirect_dma semaphore(%arg15 : memref<!tpu.dma_semaphore, #tpu.memory_space<semaphore_mem>>) src(%dma_wait3A_1681 : memref<128x128xf32, #tpu.memory_space<vmem>>) dst(%dma_wait3A_1687 : memref<10048x128xf32, #tpu.memory_space<vmem_shared>>)
      %add3A_1688 = arith.constant 1 : i32
      %add3A_1689 = arith.addi %mul3A_1651, %add3A_1688 : i32
      %add3A_1690 = arith.constant 2 : i32
      %add3A_1691 = arith.addi %add3A_1689, %add3A_1690 : i32
      %add3A_1692 = arith.addi %mul3A_2, %add3A_1691 : i32
      %mul3A_1693 = arith.constant 128 : i32
      %mul3A_1694 = arith.muli %add3A_1692, %mul3A_1693 : i32
      %dma_wait3A_1695 = arith.constant 0 : i32
      %dma_wait3A_1696 = arith.constant 0 : i32
      %dma_wait3A_1697 = tpu.memref_slice %arg5[%dma_wait3A_1695, %dma_wait3A_1696] : memref<3x128xi32, #tpu.memory_space<vmem>> -> memref<1x128xi32, #tpu.memory_space<vmem>>
      %dma_wait3A_1698 = tpu.memref_squeeze %dma_wait3A_1697 : memref<1x128xi32, #tpu.memory_space<vmem>> -> memref<128xi32, #tpu.memory_space<vmem>>
      %dma_wait3A_1699 = tpu.memref_slice %arg2[%mul3A_1694] : memref<331776xi32, #tpu.memory_space<hbm>> -> memref<128xi32, #tpu.memory_space<hbm>>
      %dma_wait3A_1700 = arith.constant 0 : i32
      %dma_wait3A_1701 = tpu.memref_slice %arg5[%dma_wait3A_1695, %dma_wait3A_1700] : memref<3x128xi32, #tpu.memory_space<vmem>> -> memref<1x128xi32, #tpu.memory_space<vmem>>
      %dma_wait3A_1702 = tpu.memref_squeeze %dma_wait3A_1701 : memref<1x128xi32, #tpu.memory_space<vmem>> -> memref<128xi32, #tpu.memory_space<vmem>>
      %dma_wait3A_1703 = tpu.memref_slice %arg2[%mul3A_1694] : memref<331776xi32, #tpu.memory_space<hbm>> -> memref<128xi32, #tpu.memory_space<hbm>>
      tpu.wait_dma2 semaphore(%arg9 : memref<!tpu.dma_semaphore, #tpu.memory_space<semaphore_mem>>) src(%dma_wait3A_1703 : memref<128xi32, #tpu.memory_space<hbm>>) dst(%dma_wait3A_1702 : memref<128xi32, #tpu.memory_space<vmem>>)
      %get3A_1704 = arith.constant 0 : i32
      %get3A_1705 = arith.index_cast %get3A_1704 : i32 to index
      %get3A_1706 = arith.constant 0 : index
      %get3A_1707 = tpu.vector_load %arg5[%get3A_1705, %get3A_1706] {strides = array<i32>} : memref<3x128xi32, #tpu.memory_space<vmem>>, vector<1x16xi32>,
      %get3A_1708 = vector.shape_cast %get3A_1707 : vector<1x16xi32> to vector<16xi32>
      %and3A_1709 = arith.constant 16383 : i32
      %and3A_1710 = vector.broadcast %and3A_1709 : i32 to vector<16xi32>
      %and3A_1711 = arith.andi %get3A_1708, %and3A_1710 : vector<16xi32>
      %swap3A_1712 = arith.constant 0 : i32
      %swap3A_1713 = arith.index_cast %swap3A_1712 : i32 to index
      %swap3A_1714 = arith.constant 0 : index
      %swap3A_1715 = tpu.vector_load %arg6[%swap3A_1713, %swap3A_1714] {strides = array<i32>} : memref<3x128xi32, #tpu.memory_space<vmem>>, vector<1x16xi32>,
      %swap3A_1716 = vector.shape_cast %swap3A_1715 : vector<1x16xi32> to vector<16xi32>
      %swap3A_1717 = vector.shape_cast %and3A_1711 : vector<16xi32> to vector<1x16xi32>
      tpu.vector_store %arg6[%swap3A_1713, %swap3A_1714], %swap3A_1717 {strides = array<i32>} : memref<3x128xi32, #tpu.memory_space<vmem>>, vector<1x16xi32>,
      %shift_right_arithmetic3A_1718 = arith.constant 14 : i32
      %shift_right_arithmetic3A_1719 = vector.broadcast %shift_right_arithmetic3A_1718 : i32 to vector<16xi32>
      %shift_right_arithmetic3A_1720 = arith.shrsi %get3A_1708, %shift_right_arithmetic3A_1719 : vector<16xi32>
      %swap3A_1721 = arith.constant 0 : i32
      %swap3A_1722 = arith.index_cast %swap3A_1721 : i32 to index
      %swap3A_1723 = arith.constant 0 : index
      %swap3A_1724 = tpu.vector_load %arg7[%swap3A_1722, %swap3A_1723] {strides = array<i32>} : memref<3x128xi32, #tpu.memory_space<vmem>>, vector<1x16xi32>,
      %swap3A_1725 = vector.shape_cast %swap3A_1724 : vector<1x16xi32> to vector<16xi32>
      %swap3A_1726 = vector.shape_cast %shift_right_arithmetic3A_1720 : vector<16xi32> to vector<1x16xi32>
      tpu.vector_store %arg7[%swap3A_1722, %swap3A_1723], %swap3A_1726 {strides = array<i32>} : memref<3x128xi32, #tpu.memory_space<vmem>>, vector<1x16xi32>,
      %get3A_1727 = arith.constant 0 : i32
      %get3A_1728 = arith.index_cast %get3A_1727 : i32 to index
      %get3A_1729 = arith.constant 16 : index
      %get3A_1730 = tpu.vector_load %arg5[%get3A_1728, %get3A_1729] {strides = array<i32>} : memref<3x128xi32, #tpu.memory_space<vmem>>, vector<1x16xi32>,
      %get3A_1731 = vector.shape_cast %get3A_1730 : vector<1x16xi32> to vector<16xi32>
      %and3A_1732 = arith.constant 16383 : i32
      %and3A_1733 = vector.broadcast %and3A_1732 : i32 to vector<16xi32>
      %and3A_1734 = arith.andi %get3A_1731, %and3A_1733 : vector<16xi32>
      %swap3A_1735 = arith.constant 0 : i32
      %swap3A_1736 = arith.index_cast %swap3A_1735 : i32 to index
      %swap3A_1737 = arith.constant 16 : index
      %swap3A_1738 = tpu.vector_load %arg6[%swap3A_1736, %swap3A_1737] {strides = array<i32>} : memref<3x128xi32, #tpu.memory_space<vmem>>, vector<1x16xi32>,
      %swap3A_1739 = vector.shape_cast %swap3A_1738 : vector<1x16xi32> to vector<16xi32>
      %swap3A_1740 = vector.shape_cast %and3A_1734 : vector<16xi32> to vector<1x16xi32>
      tpu.vector_store %arg6[%swap3A_1736, %swap3A_1737], %swap3A_1740 {strides = array<i32>} : memref<3x128xi32, #tpu.memory_space<vmem>>, vector<1x16xi32>,
      %shift_right_arithmetic3A_1741 = arith.constant 14 : i32
      %shift_right_arithmetic3A_1742 = vector.broadcast %shift_right_arithmetic3A_1741 : i32 to vector<16xi32>
      %shift_right_arithmetic3A_1743 = arith.shrsi %get3A_1731, %shift_right_arithmetic3A_1742 : vector<16xi32>
      %swap3A_1744 = arith.constant 0 : i32
      %swap3A_1745 = arith.index_cast %swap3A_1744 : i32 to index
      %swap3A_1746 = arith.constant 16 : index
      %swap3A_1747 = tpu.vector_load %arg7[%swap3A_1745, %swap3A_1746] {strides = array<i32>} : memref<3x128xi32, #tpu.memory_space<vmem>>, vector<1x16xi32>,
      %swap3A_1748 = vector.shape_cast %swap3A_1747 : vector<1x16xi32> to vector<16xi32>
      %swap3A_1749 = vector.shape_cast %shift_right_arithmetic3A_1743 : vector<16xi32> to vector<1x16xi32>
      tpu.vector_store %arg7[%swap3A_1745, %swap3A_1746], %swap3A_1749 {strides = array<i32>} : memref<3x128xi32, #tpu.memory_space<vmem>>, vector<1x16xi32>,
      %get3A_1750 = arith.constant 0 : i32
      %get3A_1751 = arith.index_cast %get3A_1750 : i32 to index
      %get3A_1752 = arith.constant 32 : index
      %get3A_1753 = tpu.vector_load %arg5[%get3A_1751, %get3A_1752] {strides = array<i32>} : memref<3x128xi32, #tpu.memory_space<vmem>>, vector<1x16xi32>,
      %get3A_1754 = vector.shape_cast %get3A_1753 : vector<1x16xi32> to vector<16xi32>
      %and3A_1755 = arith.constant 16383 : i32
      %and3A_1756 = vector.broadcast %and3A_1755 : i32 to vector<16xi32>
      %and3A_1757 = arith.andi %get3A_1754, %and3A_1756 : vector<16xi32>
      %swap3A_1758 = arith.constant 0 : i32
      %swap3A_1759 = arith.index_cast %swap3A_1758 : i32 to index
      %swap3A_1760 = arith.constant 32 : index
      %swap3A_1761 = tpu.vector_load %arg6[%swap3A_1759, %swap3A_1760] {strides = array<i32>} : memref<3x128xi32, #tpu.memory_space<vmem>>, vector<1x16xi32>,
      %swap3A_1762 = vector.shape_cast %swap3A_1761 : vector<1x16xi32> to vector<16xi32>
      %swap3A_1763 = vector.shape_cast %and3A_1757 : vector<16xi32> to vector<1x16xi32>
      tpu.vector_store %arg6[%swap3A_1759, %swap3A_1760], %swap3A_1763 {strides = array<i32>} : memref<3x128xi32, #tpu.memory_space<vmem>>, vector<1x16xi32>,
      %shift_right_arithmetic3A_1764 = arith.constant 14 : i32
      %shift_right_arithmetic3A_1765 = vector.broadcast %shift_right_arithmetic3A_1764 : i32 to vector<16xi32>
      %shift_right_arithmetic3A_1766 = arith.shrsi %get3A_1754, %shift_right_arithmetic3A_1765 : vector<16xi32>
      %swap3A_1767 = arith.constant 0 : i32
      %swap3A_1768 = arith.index_cast %swap3A_1767 : i32 to index
      %swap3A_1769 = arith.constant 32 : index
      %swap3A_1770 = tpu.vector_load %arg7[%swap3A_1768, %swap3A_1769] {strides = array<i32>} : memref<3x128xi32, #tpu.memory_space<vmem>>, vector<1x16xi32>,
      %swap3A_1771 = vector.shape_cast %swap3A_1770 : vector<1x16xi32> to vector<16xi32>
      %swap3A_1772 = vector.shape_cast %shift_right_arithmetic3A_1766 : vector<16xi32> to vector<1x16xi32>
      tpu.vector_store %arg7[%swap3A_1768, %swap3A_1769], %swap3A_1772 {strides = array<i32>} : memref<3x128xi32, #tpu.memory_space<vmem>>, vector<1x16xi32>,
      %get3A_1773 = arith.constant 0 : i32
      %get3A_1774 = arith.index_cast %get3A_1773 : i32 to index
      %get3A_1775 = arith.constant 48 : index
      %get3A_1776 = tpu.vector_load %arg5[%get3A_1774, %get3A_1775] {strides = array<i32>} : memref<3x128xi32, #tpu.memory_space<vmem>>, vector<1x16xi32>,
      %get3A_1777 = vector.shape_cast %get3A_1776 : vector<1x16xi32> to vector<16xi32>
      %and3A_1778 = arith.constant 16383 : i32
      %and3A_1779 = vector.broadcast %and3A_1778 : i32 to vector<16xi32>
      %and3A_1780 = arith.andi %get3A_1777, %and3A_1779 : vector<16xi32>
      %swap3A_1781 = arith.constant 0 : i32
      %swap3A_1782 = arith.index_cast %swap3A_1781 : i32 to index
      %swap3A_1783 = arith.constant 48 : index
      %swap3A_1784 = tpu.vector_load %arg6[%swap3A_1782, %swap3A_1783] {strides = array<i32>} : memref<3x128xi32, #tpu.memory_space<vmem>>, vector<1x16xi32>,
      %swap3A_1785 = vector.shape_cast %swap3A_1784 : vector<1x16xi32> to vector<16xi32>
      %swap3A_1786 = vector.shape_cast %and3A_1780 : vector<16xi32> to vector<1x16xi32>
      tpu.vector_store %arg6[%swap3A_1782, %swap3A_1783], %swap3A_1786 {strides = array<i32>} : memref<3x128xi32, #tpu.memory_space<vmem>>, vector<1x16xi32>,
      %shift_right_arithmetic3A_1787 = arith.constant 14 : i32
      %shift_right_arithmetic3A_1788 = vector.broadcast %shift_right_arithmetic3A_1787 : i32 to vector<16xi32>
      %shift_right_arithmetic3A_1789 = arith.shrsi %get3A_1777, %shift_right_arithmetic3A_1788 : vector<16xi32>
      %swap3A_1790 = arith.constant 0 : i32
      %swap3A_1791 = arith.index_cast %swap3A_1790 : i32 to index
      %swap3A_1792 = arith.constant 48 : index
      %swap3A_1793 = tpu.vector_load %arg7[%swap3A_1791, %swap3A_1792] {strides = array<i32>} : memref<3x128xi32, #tpu.memory_space<vmem>>, vector<1x16xi32>,
      %swap3A_1794 = vector.shape_cast %swap3A_1793 : vector<1x16xi32> to vector<16xi32>
      %swap3A_1795 = vector.shape_cast %shift_right_arithmetic3A_1789 : vector<16xi32> to vector<1x16xi32>
      tpu.vector_store %arg7[%swap3A_1791, %swap3A_1792], %swap3A_1795 {strides = array<i32>} : memref<3x128xi32, #tpu.memory_space<vmem>>, vector<1x16xi32>,
      %get3A_1796 = arith.constant 0 : i32
      %get3A_1797 = arith.index_cast %get3A_1796 : i32 to index
      %get3A_1798 = arith.constant 64 : index
      %get3A_1799 = tpu.vector_load %arg5[%get3A_1797, %get3A_1798] {strides = array<i32>} : memref<3x128xi32, #tpu.memory_space<vmem>>, vector<1x16xi32>,
      %get3A_1800 = vector.shape_cast %get3A_1799 : vector<1x16xi32> to vector<16xi32>
      %and3A_1801 = arith.constant 16383 : i32
      %and3A_1802 = vector.broadcast %and3A_1801 : i32 to vector<16xi32>
      %and3A_1803 = arith.andi %get3A_1800, %and3A_1802 : vector<16xi32>
      %swap3A_1804 = arith.constant 0 : i32
      %swap3A_1805 = arith.index_cast %swap3A_1804 : i32 to index
      %swap3A_1806 = arith.constant 64 : index
      %swap3A_1807 = tpu.vector_load %arg6[%swap3A_1805, %swap3A_1806] {strides = array<i32>} : memref<3x128xi32, #tpu.memory_space<vmem>>, vector<1x16xi32>,
      %swap3A_1808 = vector.shape_cast %swap3A_1807 : vector<1x16xi32> to vector<16xi32>
      %swap3A_1809 = vector.shape_cast %and3A_1803 : vector<16xi32> to vector<1x16xi32>
      tpu.vector_store %arg6[%swap3A_1805, %swap3A_1806], %swap3A_1809 {strides = array<i32>} : memref<3x128xi32, #tpu.memory_space<vmem>>, vector<1x16xi32>,
      %shift_right_arithmetic3A_1810 = arith.constant 14 : i32
      %shift_right_arithmetic3A_1811 = vector.broadcast %shift_right_arithmetic3A_1810 : i32 to vector<16xi32>
      %shift_right_arithmetic3A_1812 = arith.shrsi %get3A_1800, %shift_right_arithmetic3A_1811 : vector<16xi32>
      %swap3A_1813 = arith.constant 0 : i32
      %swap3A_1814 = arith.index_cast %swap3A_1813 : i32 to index
      %swap3A_1815 = arith.constant 64 : index
      %swap3A_1816 = tpu.vector_load %arg7[%swap3A_1814, %swap3A_1815] {strides = array<i32>} : memref<3x128xi32, #tpu.memory_space<vmem>>, vector<1x16xi32>,
      %swap3A_1817 = vector.shape_cast %swap3A_1816 : vector<1x16xi32> to vector<16xi32>
      %swap3A_1818 = vector.shape_cast %shift_right_arithmetic3A_1812 : vector<16xi32> to vector<1x16xi32>
      tpu.vector_store %arg7[%swap3A_1814, %swap3A_1815], %swap3A_1818 {strides = array<i32>} : memref<3x128xi32, #tpu.memory_space<vmem>>, vector<1x16xi32>,
      %get3A_1819 = arith.constant 0 : i32
      %get3A_1820 = arith.index_cast %get3A_1819 : i32 to index
      %get3A_1821 = arith.constant 80 : index
      %get3A_1822 = tpu.vector_load %arg5[%get3A_1820, %get3A_1821] {strides = array<i32>} : memref<3x128xi32, #tpu.memory_space<vmem>>, vector<1x16xi32>,
      %get3A_1823 = vector.shape_cast %get3A_1822 : vector<1x16xi32> to vector<16xi32>
      %and3A_1824 = arith.constant 16383 : i32
      %and3A_1825 = vector.broadcast %and3A_1824 : i32 to vector<16xi32>
      %and3A_1826 = arith.andi %get3A_1823, %and3A_1825 : vector<16xi32>
      %swap3A_1827 = arith.constant 0 : i32
      %swap3A_1828 = arith.index_cast %swap3A_1827 : i32 to index
      %swap3A_1829 = arith.constant 80 : index
      %swap3A_1830 = tpu.vector_load %arg6[%swap3A_1828, %swap3A_1829] {strides = array<i32>} : memref<3x128xi32, #tpu.memory_space<vmem>>, vector<1x16xi32>,
      %swap3A_1831 = vector.shape_cast %swap3A_1830 : vector<1x16xi32> to vector<16xi32>
      %swap3A_1832 = vector.shape_cast %and3A_1826 : vector<16xi32> to vector<1x16xi32>
      tpu.vector_store %arg6[%swap3A_1828, %swap3A_1829], %swap3A_1832 {strides = array<i32>} : memref<3x128xi32, #tpu.memory_space<vmem>>, vector<1x16xi32>,
      %shift_right_arithmetic3A_1833 = arith.constant 14 : i32
      %shift_right_arithmetic3A_1834 = vector.broadcast %shift_right_arithmetic3A_1833 : i32 to vector<16xi32>
      %shift_right_arithmetic3A_1835 = arith.shrsi %get3A_1823, %shift_right_arithmetic3A_1834 : vector<16xi32>
      %swap3A_1836 = arith.constant 0 : i32
      %swap3A_1837 = arith.index_cast %swap3A_1836 : i32 to index
      %swap3A_1838 = arith.constant 80 : index
      %swap3A_1839 = tpu.vector_load %arg7[%swap3A_1837, %swap3A_1838] {strides = array<i32>} : memref<3x128xi32, #tpu.memory_space<vmem>>, vector<1x16xi32>,
      %swap3A_1840 = vector.shape_cast %swap3A_1839 : vector<1x16xi32> to vector<16xi32>
      %swap3A_1841 = vector.shape_cast %shift_right_arithmetic3A_1835 : vector<16xi32> to vector<1x16xi32>
      tpu.vector_store %arg7[%swap3A_1837, %swap3A_1838], %swap3A_1841 {strides = array<i32>} : memref<3x128xi32, #tpu.memory_space<vmem>>, vector<1x16xi32>,
      %get3A_1842 = arith.constant 0 : i32
      %get3A_1843 = arith.index_cast %get3A_1842 : i32 to index
      %get3A_1844 = arith.constant 96 : index
      %get3A_1845 = tpu.vector_load %arg5[%get3A_1843, %get3A_1844] {strides = array<i32>} : memref<3x128xi32, #tpu.memory_space<vmem>>, vector<1x16xi32>,
      %get3A_1846 = vector.shape_cast %get3A_1845 : vector<1x16xi32> to vector<16xi32>
      %and3A_1847 = arith.constant 16383 : i32
      %and3A_1848 = vector.broadcast %and3A_1847 : i32 to vector<16xi32>
      %and3A_1849 = arith.andi %get3A_1846, %and3A_1848 : vector<16xi32>
      %swap3A_1850 = arith.constant 0 : i32
      %swap3A_1851 = arith.index_cast %swap3A_1850 : i32 to index
      %swap3A_1852 = arith.constant 96 : index
      %swap3A_1853 = tpu.vector_load %arg6[%swap3A_1851, %swap3A_1852] {strides = array<i32>} : memref<3x128xi32, #tpu.memory_space<vmem>>, vector<1x16xi32>,
      %swap3A_1854 = vector.shape_cast %swap3A_1853 : vector<1x16xi32> to vector<16xi32>
      %swap3A_1855 = vector.shape_cast %and3A_1849 : vector<16xi32> to vector<1x16xi32>
      tpu.vector_store %arg6[%swap3A_1851, %swap3A_1852], %swap3A_1855 {strides = array<i32>} : memref<3x128xi32, #tpu.memory_space<vmem>>, vector<1x16xi32>,
      %shift_right_arithmetic3A_1856 = arith.constant 14 : i32
      %shift_right_arithmetic3A_1857 = vector.broadcast %shift_right_arithmetic3A_1856 : i32 to vector<16xi32>
      %shift_right_arithmetic3A_1858 = arith.shrsi %get3A_1846, %shift_right_arithmetic3A_1857 : vector<16xi32>
      %swap3A_1859 = arith.constant 0 : i32
      %swap3A_1860 = arith.index_cast %swap3A_1859 : i32 to index
      %swap3A_1861 = arith.constant 96 : index
      %swap3A_1862 = tpu.vector_load %arg7[%swap3A_1860, %swap3A_1861] {strides = array<i32>} : memref<3x128xi32, #tpu.memory_space<vmem>>, vector<1x16xi32>,
      %swap3A_1863 = vector.shape_cast %swap3A_1862 : vector<1x16xi32> to vector<16xi32>
      %swap3A_1864 = vector.shape_cast %shift_right_arithmetic3A_1858 : vector<16xi32> to vector<1x16xi32>
      tpu.vector_store %arg7[%swap3A_1860, %swap3A_1861], %swap3A_1864 {strides = array<i32>} : memref<3x128xi32, #tpu.memory_space<vmem>>, vector<1x16xi32>,
      %get3A_1865 = arith.constant 0 : i32
      %get3A_1866 = arith.index_cast %get3A_1865 : i32 to index
      %get3A_1867 = arith.constant 112 : index
      %get3A_1868 = tpu.vector_load %arg5[%get3A_1866, %get3A_1867] {strides = array<i32>} : memref<3x128xi32, #tpu.memory_space<vmem>>, vector<1x16xi32>,
      %get3A_1869 = vector.shape_cast %get3A_1868 : vector<1x16xi32> to vector<16xi32>
      %and3A_1870 = arith.constant 16383 : i32
      %and3A_1871 = vector.broadcast %and3A_1870 : i32 to vector<16xi32>
      %and3A_1872 = arith.andi %get3A_1869, %and3A_1871 : vector<16xi32>
      %swap3A_1873 = arith.constant 0 : i32
      %swap3A_1874 = arith.index_cast %swap3A_1873 : i32 to index
      %swap3A_1875 = arith.constant 112 : index
      %swap3A_1876 = tpu.vector_load %arg6[%swap3A_1874, %swap3A_1875] {strides = array<i32>} : memref<3x128xi32, #tpu.memory_space<vmem>>, vector<1x16xi32>,
      %swap3A_1877 = vector.shape_cast %swap3A_1876 : vector<1x16xi32> to vector<16xi32>
      %swap3A_1878 = vector.shape_cast %and3A_1872 : vector<16xi32> to vector<1x16xi32>
      tpu.vector_store %arg6[%swap3A_1874, %swap3A_1875], %swap3A_1878 {strides = array<i32>} : memref<3x128xi32, #tpu.memory_space<vmem>>, vector<1x16xi32>,
      %shift_right_arithmetic3A_1879 = arith.constant 14 : i32
      %shift_right_arithmetic3A_1880 = vector.broadcast %shift_right_arithmetic3A_1879 : i32 to vector<16xi32>
      %shift_right_arithmetic3A_1881 = arith.shrsi %get3A_1869, %shift_right_arithmetic3A_1880 : vector<16xi32>
      %swap3A_1882 = arith.constant 0 : i32
      %swap3A_1883 = arith.index_cast %swap3A_1882 : i32 to index
      %swap3A_1884 = arith.constant 112 : index
      %swap3A_1885 = tpu.vector_load %arg7[%swap3A_1883, %swap3A_1884] {strides = array<i32>} : memref<3x128xi32, #tpu.memory_space<vmem>>, vector<1x16xi32>,
      %swap3A_1886 = vector.shape_cast %swap3A_1885 : vector<1x16xi32> to vector<16xi32>
      %swap3A_1887 = vector.shape_cast %shift_right_arithmetic3A_1881 : vector<16xi32> to vector<1x16xi32>
      tpu.vector_store %arg7[%swap3A_1883, %swap3A_1884], %swap3A_1887 {strides = array<i32>} : memref<3x128xi32, #tpu.memory_space<vmem>>, vector<1x16xi32>,
      %add3A_1888 = arith.constant 1 : i32
      %add3A_1889 = arith.addi %mul3A_1651, %add3A_1888 : i32
      %add3A_1890 = arith.constant 5 : i32
      %add3A_1891 = arith.addi %add3A_1889, %add3A_1890 : i32
      %add3A_1892 = arith.addi %mul3A_2, %add3A_1891 : i32
      %mul3A_1893 = arith.constant 128 : i32
      %mul3A_1894 = arith.muli %add3A_1892, %mul3A_1893 : i32
      %dma_start3A_1895 = arith.constant 0 : i32
      %dma_start3A_1896 = arith.constant 0 : i32
      %dma_start3A_1897 = tpu.memref_slice %arg5[%dma_start3A_1895, %dma_start3A_1896] : memref<3x128xi32, #tpu.memory_space<vmem>> -> memref<1x128xi32, #tpu.memory_space<vmem>>
      %dma_start3A_1898 = tpu.memref_squeeze %dma_start3A_1897 : memref<1x128xi32, #tpu.memory_space<vmem>> -> memref<128xi32, #tpu.memory_space<vmem>>
      %dma_start3A_1899 = tpu.memref_slice %arg2[%mul3A_1894] : memref<331776xi32, #tpu.memory_space<hbm>> -> memref<128xi32, #tpu.memory_space<hbm>>
      %dma_start3A_1900 = arith.constant 0 : i32
      %dma_start3A_1901 = tpu.memref_slice %arg5[%dma_start3A_1895, %dma_start3A_1900] : memref<3x128xi32, #tpu.memory_space<vmem>> -> memref<1x128xi32, #tpu.memory_space<vmem>>
      %dma_start3A_1902 = tpu.memref_squeeze %dma_start3A_1901 : memref<1x128xi32, #tpu.memory_space<vmem>> -> memref<128xi32, #tpu.memory_space<vmem>>
      %dma_start3A_1903 = tpu.memref_slice %arg2[%mul3A_1894] : memref<331776xi32, #tpu.memory_space<hbm>> -> memref<128xi32, #tpu.memory_space<hbm>>
      tpu.enqueue_dma source(%dma_start3A_1903 : memref<128xi32, #tpu.memory_space<hbm>>) target(%dma_start3A_1902 : memref<128xi32, #tpu.memory_space<vmem>>) target_semaphore(%arg9 : memref<!tpu.dma_semaphore, #tpu.memory_space<semaphore_mem>>)
      %dma_start3A_1904 = arith.constant 0 : i32
      %dma_start3A_1905 = arith.constant 0 : i32
      %dma_start3A_1906 = arith.constant 0 : i32
      %dma_start3A_1907 = arith.constant 0 : i32
      %dma_start3A_1908 = tpu.memref_slice %arg8[%dma_start3A_1905, %dma_start3A_1906, %dma_start3A_1907] : memref<3x128x128xf32, #tpu.memory_space<vmem>> -> memref<1x128x128xf32, #tpu.memory_space<vmem>>
      %dma_start3A_1909 = tpu.memref_squeeze %dma_start3A_1908 : memref<1x128x128xf32, #tpu.memory_space<vmem>> -> memref<128x128xf32, #tpu.memory_space<vmem>>
      %dma_start3A_1910 = arith.constant 0 : i32
      %dma_start3A_1911 = tpu.memref_slice %arg6[%dma_start3A_1904, %dma_start3A_1910] : memref<3x128xi32, #tpu.memory_space<vmem>> -> memref<1x128xi32, #tpu.memory_space<vmem>>
      %dma_start3A_1912 = tpu.memref_squeeze %dma_start3A_1911 : memref<1x128xi32, #tpu.memory_space<vmem>> -> memref<128xi32, #tpu.memory_space<vmem>>
      %dma_start3A_1913 = arith.constant 0 : i32
      %dma_start3A_1914 = arith.constant 0 : i32
      %dma_start3A_1915 = tpu.memref_slice %arg3[%dma_start3A_1913, %dma_start3A_1914] : memref<10000x128xf32, #tpu.memory_space<hbm>> -> memref<10000x128xf32, #tpu.memory_space<hbm>>
      tpu.enqueue_indirect_dma source(%dma_start3A_1915 : memref<10000x128xf32, #tpu.memory_space<hbm>>) target(%dma_start3A_1909 : memref<128x128xf32, #tpu.memory_space<vmem>>) offsets(%dma_start3A_1912 : memref<128xi32, #tpu.memory_space<vmem>>) semaphore(%arg12 : memref<!tpu.dma_semaphore, #tpu.memory_space<semaphore_mem>>)
      %dma_wait3A_1916 = arith.constant 2 : i32
      %dma_wait3A_1917 = arith.constant 2 : i32
      %dma_wait3A_1918 = arith.constant 0 : i32
      %dma_wait3A_1919 = arith.constant 0 : i32
      %dma_wait3A_1920 = tpu.memref_slice %arg8[%dma_wait3A_1917, %dma_wait3A_1918, %dma_wait3A_1919] : memref<3x128x128xf32, #tpu.memory_space<vmem>> -> memref<1x128x128xf32, #tpu.memory_space<vmem>>
      %dma_wait3A_1921 = tpu.memref_squeeze %dma_wait3A_1920 : memref<1x128x128xf32, #tpu.memory_space<vmem>> -> memref<128x128xf32, #tpu.memory_space<vmem>>
      %dma_wait3A_1922 = arith.constant 0 : i32
      %dma_wait3A_1923 = tpu.memref_slice %arg6[%dma_wait3A_1916, %dma_wait3A_1922] : memref<3x128xi32, #tpu.memory_space<vmem>> -> memref<1x128xi32, #tpu.memory_space<vmem>>
      %dma_wait3A_1924 = tpu.memref_squeeze %dma_wait3A_1923 : memref<1x128xi32, #tpu.memory_space<vmem>> -> memref<128xi32, #tpu.memory_space<vmem>>
      %dma_wait3A_1925 = arith.constant 0 : i32
      %dma_wait3A_1926 = arith.constant 0 : i32
      %dma_wait3A_1927 = tpu.memref_slice %arg3[%dma_wait3A_1925, %dma_wait3A_1926] : memref<10000x128xf32, #tpu.memory_space<hbm>> -> memref<10000x128xf32, #tpu.memory_space<hbm>>
      tpu.wait_indirect_dma semaphore(%arg14 : memref<!tpu.dma_semaphore, #tpu.memory_space<semaphore_mem>>) src(%dma_wait3A_1927 : memref<10000x128xf32, #tpu.memory_space<hbm>>) dst(%dma_wait3A_1921 : memref<128x128xf32, #tpu.memory_space<vmem>>)
      %dma_start3A_1928 = arith.constant 2 : i32
      %dma_start3A_1929 = arith.constant 2 : i32
      %dma_start3A_1930 = arith.constant 0 : i32
      %dma_start3A_1931 = arith.constant 0 : i32
      %dma_start3A_1932 = tpu.memref_slice %arg8[%dma_start3A_1928, %dma_start3A_1930, %dma_start3A_1931] : memref<3x128x128xf32, #tpu.memory_space<vmem>> -> memref<1x128x128xf32, #tpu.memory_space<vmem>>
      %dma_start3A_1933 = tpu.memref_squeeze %dma_start3A_1932 : memref<1x128x128xf32, #tpu.memory_space<vmem>> -> memref<128x128xf32, #tpu.memory_space<vmem>>
      %dma_start3A_1934 = arith.constant 0 : i32
      %dma_start3A_1935 = tpu.memref_slice %arg7[%dma_start3A_1929, %dma_start3A_1934] : memref<3x128xi32, #tpu.memory_space<vmem>> -> memref<1x128xi32, #tpu.memory_space<vmem>>
      %dma_start3A_1936 = tpu.memref_squeeze %dma_start3A_1935 : memref<1x128xi32, #tpu.memory_space<vmem>> -> memref<128xi32, #tpu.memory_space<vmem>>
      %dma_start3A_1937 = arith.constant 0 : i32
      %dma_start3A_1938 = arith.constant 0 : i32
      %dma_start3A_1939 = tpu.memref_slice %arg18[%dma_start3A_1937, %dma_start3A_1938] : memref<10048x128xf32, #tpu.memory_space<vmem_shared>> -> memref<10048x128xf32, #tpu.memory_space<vmem_shared>>
      tpu.enqueue_indirect_dma source(%dma_start3A_1933 : memref<128x128xf32, #tpu.memory_space<vmem>>) target(%dma_start3A_1939 : memref<10048x128xf32, #tpu.memory_space<vmem_shared>>) offsets(%dma_start3A_1936 : memref<128xi32, #tpu.memory_space<vmem>>) semaphore(%arg17 : memref<!tpu.dma_semaphore, #tpu.memory_space<semaphore_mem>>) {add = true}
      %dma_wait3A_1940 = arith.constant 1 : i32
      %dma_wait3A_1941 = arith.constant 1 : i32
      %dma_wait3A_1942 = arith.constant 0 : i32
      %dma_wait3A_1943 = arith.constant 0 : i32
      %dma_wait3A_1944 = tpu.memref_slice %arg8[%dma_wait3A_1940, %dma_wait3A_1942, %dma_wait3A_1943] : memref<3x128x128xf32, #tpu.memory_space<vmem>> -> memref<1x128x128xf32, #tpu.memory_space<vmem>>
      %dma_wait3A_1945 = tpu.memref_squeeze %dma_wait3A_1944 : memref<1x128x128xf32, #tpu.memory_space<vmem>> -> memref<128x128xf32, #tpu.memory_space<vmem>>
      %dma_wait3A_1946 = arith.constant 0 : i32
      %dma_wait3A_1947 = tpu.memref_slice %arg7[%dma_wait3A_1941, %dma_wait3A_1946] : memref<3x128xi32, #tpu.memory_space<vmem>> -> memref<1x128xi32, #tpu.memory_space<vmem>>
      %dma_wait3A_1948 = tpu.memref_squeeze %dma_wait3A_1947 : memref<1x128xi32, #tpu.memory_space<vmem>> -> memref<128xi32, #tpu.memory_space<vmem>>
      %dma_wait3A_1949 = arith.constant 0 : i32
      %dma_wait3A_1950 = arith.constant 0 : i32
      %dma_wait3A_1951 = tpu.memref_slice %arg18[%dma_wait3A_1949, %dma_wait3A_1950] : memref<10048x128xf32, #tpu.memory_space<vmem_shared>> -> memref<10048x128xf32, #tpu.memory_space<vmem_shared>>
      tpu.wait_indirect_dma semaphore(%arg16 : memref<!tpu.dma_semaphore, #tpu.memory_space<semaphore_mem>>) src(%dma_wait3A_1945 : memref<128x128xf32, #tpu.memory_space<vmem>>) dst(%dma_wait3A_1951 : memref<10048x128xf32, #tpu.memory_space<vmem_shared>>)
      %add3A_1952 = arith.constant 2 : i32
      %add3A_1953 = arith.addi %mul3A_1651, %add3A_1952 : i32
      %add3A_1954 = arith.constant 2 : i32
      %add3A_1955 = arith.addi %add3A_1953, %add3A_1954 : i32
      %add3A_1956 = arith.addi %mul3A_2, %add3A_1955 : i32
      %mul3A_1957 = arith.constant 128 : i32
      %mul3A_1958 = arith.muli %add3A_1956, %mul3A_1957 : i32
      %dma_wait3A_1959 = arith.constant 1 : i32
      %dma_wait3A_1960 = arith.constant 0 : i32
      %dma_wait3A_1961 = tpu.memref_slice %arg5[%dma_wait3A_1959, %dma_wait3A_1960] : memref<3x128xi32, #tpu.memory_space<vmem>> -> memref<1x128xi32, #tpu.memory_space<vmem>>
      %dma_wait3A_1962 = tpu.memref_squeeze %dma_wait3A_1961 : memref<1x128xi32, #tpu.memory_space<vmem>> -> memref<128xi32, #tpu.memory_space<vmem>>
      %dma_wait3A_1963 = tpu.memref_slice %arg2[%mul3A_1958] : memref<331776xi32, #tpu.memory_space<hbm>> -> memref<128xi32, #tpu.memory_space<hbm>>
      %dma_wait3A_1964 = arith.constant 0 : i32
      %dma_wait3A_1965 = tpu.memref_slice %arg5[%dma_wait3A_1959, %dma_wait3A_1964] : memref<3x128xi32, #tpu.memory_space<vmem>> -> memref<1x128xi32, #tpu.memory_space<vmem>>
      %dma_wait3A_1966 = tpu.memref_squeeze %dma_wait3A_1965 : memref<1x128xi32, #tpu.memory_space<vmem>> -> memref<128xi32, #tpu.memory_space<vmem>>
      %dma_wait3A_1967 = tpu.memref_slice %arg2[%mul3A_1958] : memref<331776xi32, #tpu.memory_space<hbm>> -> memref<128xi32, #tpu.memory_space<hbm>>
      tpu.wait_dma2 semaphore(%arg10 : memref<!tpu.dma_semaphore, #tpu.memory_space<semaphore_mem>>) src(%dma_wait3A_1967 : memref<128xi32, #tpu.memory_space<hbm>>) dst(%dma_wait3A_1966 : memref<128xi32, #tpu.memory_space<vmem>>)
      %get3A_1968 = arith.constant 1 : i32
      %get3A_1969 = arith.index_cast %get3A_1968 : i32 to index
      %get3A_1970 = arith.constant 0 : index
      %get3A_1971 = tpu.vector_load %arg5[%get3A_1969, %get3A_1970] {strides = array<i32>} : memref<3x128xi32, #tpu.memory_space<vmem>>, vector<1x16xi32>,
      %get3A_1972 = vector.shape_cast %get3A_1971 : vector<1x16xi32> to vector<16xi32>
      %and3A_1973 = arith.constant 16383 : i32
      %and3A_1974 = vector.broadcast %and3A_1973 : i32 to vector<16xi32>
      %and3A_1975 = arith.andi %get3A_1972, %and3A_1974 : vector<16xi32>
      %swap3A_1976 = arith.constant 1 : i32
      %swap3A_1977 = arith.index_cast %swap3A_1976 : i32 to index
      %swap3A_1978 = arith.constant 0 : index
      %swap3A_1979 = tpu.vector_load %arg6[%swap3A_1977, %swap3A_1978] {strides = array<i32>} : memref<3x128xi32, #tpu.memory_space<vmem>>, vector<1x16xi32>,
      %swap3A_1980 = vector.shape_cast %swap3A_1979 : vector<1x16xi32> to vector<16xi32>
      %swap3A_1981 = vector.shape_cast %and3A_1975 : vector<16xi32> to vector<1x16xi32>
      tpu.vector_store %arg6[%swap3A_1977, %swap3A_1978], %swap3A_1981 {strides = array<i32>} : memref<3x128xi32, #tpu.memory_space<vmem>>, vector<1x16xi32>,
      %shift_right_arithmetic3A_1982 = arith.constant 14 : i32
      %shift_right_arithmetic3A_1983 = vector.broadcast %shift_right_arithmetic3A_1982 : i32 to vector<16xi32>
      %shift_right_arithmetic3A_1984 = arith.shrsi %get3A_1972, %shift_right_arithmetic3A_1983 : vector<16xi32>
      %swap3A_1985 = arith.constant 1 : i32
      %swap3A_1986 = arith.index_cast %swap3A_1985 : i32 to index
      %swap3A_1987 = arith.constant 0 : index
      %swap3A_1988 = tpu.vector_load %arg7[%swap3A_1986, %swap3A_1987] {strides = array<i32>} : memref<3x128xi32, #tpu.memory_space<vmem>>, vector<1x16xi32>,
      %swap3A_1989 = vector.shape_cast %swap3A_1988 : vector<1x16xi32> to vector<16xi32>
      %swap3A_1990 = vector.shape_cast %shift_right_arithmetic3A_1984 : vector<16xi32> to vector<1x16xi32>
      tpu.vector_store %arg7[%swap3A_1986, %swap3A_1987], %swap3A_1990 {strides = array<i32>} : memref<3x128xi32, #tpu.memory_space<vmem>>, vector<1x16xi32>,
      %get3A_1991 = arith.constant 1 : i32
      %get3A_1992 = arith.index_cast %get3A_1991 : i32 to index
      %get3A_1993 = arith.constant 16 : index
      %get3A_1994 = tpu.vector_load %arg5[%get3A_1992, %get3A_1993] {strides = array<i32>} : memref<3x128xi32, #tpu.memory_space<vmem>>, vector<1x16xi32>,
      %get3A_1995 = vector.shape_cast %get3A_1994 : vector<1x16xi32> to vector<16xi32>
      %and3A_1996 = arith.constant 16383 : i32
      %and3A_1997 = vector.broadcast %and3A_1996 : i32 to vector<16xi32>
      %and3A_1998 = arith.andi %get3A_1995, %and3A_1997 : vector<16xi32>
      %swap3A_1999 = arith.constant 1 : i32
      %swap3A_2000 = arith.index_cast %swap3A_1999 : i32 to index
      %swap3A_2001 = arith.constant 16 : index
      %swap3A_2002 = tpu.vector_load %arg6[%swap3A_2000, %swap3A_2001] {strides = array<i32>} : memref<3x128xi32, #tpu.memory_space<vmem>>, vector<1x16xi32>,
      %swap3A_2003 = vector.shape_cast %swap3A_2002 : vector<1x16xi32> to vector<16xi32>
      %swap3A_2004 = vector.shape_cast %and3A_1998 : vector<16xi32> to vector<1x16xi32>
      tpu.vector_store %arg6[%swap3A_2000, %swap3A_2001], %swap3A_2004 {strides = array<i32>} : memref<3x128xi32, #tpu.memory_space<vmem>>, vector<1x16xi32>,
      %shift_right_arithmetic3A_2005 = arith.constant 14 : i32
      %shift_right_arithmetic3A_2006 = vector.broadcast %shift_right_arithmetic3A_2005 : i32 to vector<16xi32>
      %shift_right_arithmetic3A_2007 = arith.shrsi %get3A_1995, %shift_right_arithmetic3A_2006 : vector<16xi32>
      %swap3A_2008 = arith.constant 1 : i32
      %swap3A_2009 = arith.index_cast %swap3A_2008 : i32 to index
      %swap3A_2010 = arith.constant 16 : index
      %swap3A_2011 = tpu.vector_load %arg7[%swap3A_2009, %swap3A_2010] {strides = array<i32>} : memref<3x128xi32, #tpu.memory_space<vmem>>, vector<1x16xi32>,
      %swap3A_2012 = vector.shape_cast %swap3A_2011 : vector<1x16xi32> to vector<16xi32>
      %swap3A_2013 = vector.shape_cast %shift_right_arithmetic3A_2007 : vector<16xi32> to vector<1x16xi32>
      tpu.vector_store %arg7[%swap3A_2009, %swap3A_2010], %swap3A_2013 {strides = array<i32>} : memref<3x128xi32, #tpu.memory_space<vmem>>, vector<1x16xi32>,
      %get3A_2014 = arith.constant 1 : i32
      %get3A_2015 = arith.index_cast %get3A_2014 : i32 to index
      %get3A_2016 = arith.constant 32 : index
      %get3A_2017 = tpu.vector_load %arg5[%get3A_2015, %get3A_2016] {strides = array<i32>} : memref<3x128xi32, #tpu.memory_space<vmem>>, vector<1x16xi32>,
      %get3A_2018 = vector.shape_cast %get3A_2017 : vector<1x16xi32> to vector<16xi32>
      %and3A_2019 = arith.constant 16383 : i32
      %and3A_2020 = vector.broadcast %and3A_2019 : i32 to vector<16xi32>
      %and3A_2021 = arith.andi %get3A_2018, %and3A_2020 : vector<16xi32>
      %swap3A_2022 = arith.constant 1 : i32
      %swap3A_2023 = arith.index_cast %swap3A_2022 : i32 to index
      %swap3A_2024 = arith.constant 32 : index
      %swap3A_2025 = tpu.vector_load %arg6[%swap3A_2023, %swap3A_2024] {strides = array<i32>} : memref<3x128xi32, #tpu.memory_space<vmem>>, vector<1x16xi32>,
      %swap3A_2026 = vector.shape_cast %swap3A_2025 : vector<1x16xi32> to vector<16xi32>
      %swap3A_2027 = vector.shape_cast %and3A_2021 : vector<16xi32> to vector<1x16xi32>
      tpu.vector_store %arg6[%swap3A_2023, %swap3A_2024], %swap3A_2027 {strides = array<i32>} : memref<3x128xi32, #tpu.memory_space<vmem>>, vector<1x16xi32>,
      %shift_right_arithmetic3A_2028 = arith.constant 14 : i32
      %shift_right_arithmetic3A_2029 = vector.broadcast %shift_right_arithmetic3A_2028 : i32 to vector<16xi32>
      %shift_right_arithmetic3A_2030 = arith.shrsi %get3A_2018, %shift_right_arithmetic3A_2029 : vector<16xi32>
      %swap3A_2031 = arith.constant 1 : i32
      %swap3A_2032 = arith.index_cast %swap3A_2031 : i32 to index
      %swap3A_2033 = arith.constant 32 : index
      %swap3A_2034 = tpu.vector_load %arg7[%swap3A_2032, %swap3A_2033] {strides = array<i32>} : memref<3x128xi32, #tpu.memory_space<vmem>>, vector<1x16xi32>,
      %swap3A_2035 = vector.shape_cast %swap3A_2034 : vector<1x16xi32> to vector<16xi32>
      %swap3A_2036 = vector.shape_cast %shift_right_arithmetic3A_2030 : vector<16xi32> to vector<1x16xi32>
      tpu.vector_store %arg7[%swap3A_2032, %swap3A_2033], %swap3A_2036 {strides = array<i32>} : memref<3x128xi32, #tpu.memory_space<vmem>>, vector<1x16xi32>,
      %get3A_2037 = arith.constant 1 : i32
      %get3A_2038 = arith.index_cast %get3A_2037 : i32 to index
      %get3A_2039 = arith.constant 48 : index
      %get3A_2040 = tpu.vector_load %arg5[%get3A_2038, %get3A_2039] {strides = array<i32>} : memref<3x128xi32, #tpu.memory_space<vmem>>, vector<1x16xi32>,
      %get3A_2041 = vector.shape_cast %get3A_2040 : vector<1x16xi32> to vector<16xi32>
      %and3A_2042 = arith.constant 16383 : i32
      %and3A_2043 = vector.broadcast %and3A_2042 : i32 to vector<16xi32>
      %and3A_2044 = arith.andi %get3A_2041, %and3A_2043 : vector<16xi32>
      %swap3A_2045 = arith.constant 1 : i32
      %swap3A_2046 = arith.index_cast %swap3A_2045 : i32 to index
      %swap3A_2047 = arith.constant 48 : index
      %swap3A_2048 = tpu.vector_load %arg6[%swap3A_2046, %swap3A_2047] {strides = array<i32>} : memref<3x128xi32, #tpu.memory_space<vmem>>, vector<1x16xi32>,
      %swap3A_2049 = vector.shape_cast %swap3A_2048 : vector<1x16xi32> to vector<16xi32>
      %swap3A_2050 = vector.shape_cast %and3A_2044 : vector<16xi32> to vector<1x16xi32>
      tpu.vector_store %arg6[%swap3A_2046, %swap3A_2047], %swap3A_2050 {strides = array<i32>} : memref<3x128xi32, #tpu.memory_space<vmem>>, vector<1x16xi32>,
      %shift_right_arithmetic3A_2051 = arith.constant 14 : i32
      %shift_right_arithmetic3A_2052 = vector.broadcast %shift_right_arithmetic3A_2051 : i32 to vector<16xi32>
      %shift_right_arithmetic3A_2053 = arith.shrsi %get3A_2041, %shift_right_arithmetic3A_2052 : vector<16xi32>
      %swap3A_2054 = arith.constant 1 : i32
      %swap3A_2055 = arith.index_cast %swap3A_2054 : i32 to index
      %swap3A_2056 = arith.constant 48 : index
      %swap3A_2057 = tpu.vector_load %arg7[%swap3A_2055, %swap3A_2056] {strides = array<i32>} : memref<3x128xi32, #tpu.memory_space<vmem>>, vector<1x16xi32>,
      %swap3A_2058 = vector.shape_cast %swap3A_2057 : vector<1x16xi32> to vector<16xi32>
      %swap3A_2059 = vector.shape_cast %shift_right_arithmetic3A_2053 : vector<16xi32> to vector<1x16xi32>
      tpu.vector_store %arg7[%swap3A_2055, %swap3A_2056], %swap3A_2059 {strides = array<i32>} : memref<3x128xi32, #tpu.memory_space<vmem>>, vector<1x16xi32>,
      %get3A_2060 = arith.constant 1 : i32
      %get3A_2061 = arith.index_cast %get3A_2060 : i32 to index
      %get3A_2062 = arith.constant 64 : index
      %get3A_2063 = tpu.vector_load %arg5[%get3A_2061, %get3A_2062] {strides = array<i32>} : memref<3x128xi32, #tpu.memory_space<vmem>>, vector<1x16xi32>,
      %get3A_2064 = vector.shape_cast %get3A_2063 : vector<1x16xi32> to vector<16xi32>
      %and3A_2065 = arith.constant 16383 : i32
      %and3A_2066 = vector.broadcast %and3A_2065 : i32 to vector<16xi32>
      %and3A_2067 = arith.andi %get3A_2064, %and3A_2066 : vector<16xi32>
      %swap3A_2068 = arith.constant 1 : i32
      %swap3A_2069 = arith.index_cast %swap3A_2068 : i32 to index
      %swap3A_2070 = arith.constant 64 : index
      %swap3A_2071 = tpu.vector_load %arg6[%swap3A_2069, %swap3A_2070] {strides = array<i32>} : memref<3x128xi32, #tpu.memory_space<vmem>>, vector<1x16xi32>,
      %swap3A_2072 = vector.shape_cast %swap3A_2071 : vector<1x16xi32> to vector<16xi32>
      %swap3A_2073 = vector.shape_cast %and3A_2067 : vector<16xi32> to vector<1x16xi32>
      tpu.vector_store %arg6[%swap3A_2069, %swap3A_2070], %swap3A_2073 {strides = array<i32>} : memref<3x128xi32, #tpu.memory_space<vmem>>, vector<1x16xi32>,
      %shift_right_arithmetic3A_2074 = arith.constant 14 : i32
      %shift_right_arithmetic3A_2075 = vector.broadcast %shift_right_arithmetic3A_2074 : i32 to vector<16xi32>
      %shift_right_arithmetic3A_2076 = arith.shrsi %get3A_2064, %shift_right_arithmetic3A_2075 : vector<16xi32>
      %swap3A_2077 = arith.constant 1 : i32
      %swap3A_2078 = arith.index_cast %swap3A_2077 : i32 to index
      %swap3A_2079 = arith.constant 64 : index
      %swap3A_2080 = tpu.vector_load %arg7[%swap3A_2078, %swap3A_2079] {strides = array<i32>} : memref<3x128xi32, #tpu.memory_space<vmem>>, vector<1x16xi32>,
      %swap3A_2081 = vector.shape_cast %swap3A_2080 : vector<1x16xi32> to vector<16xi32>
      %swap3A_2082 = vector.shape_cast %shift_right_arithmetic3A_2076 : vector<16xi32> to vector<1x16xi32>
      tpu.vector_store %arg7[%swap3A_2078, %swap3A_2079], %swap3A_2082 {strides = array<i32>} : memref<3x128xi32, #tpu.memory_space<vmem>>, vector<1x16xi32>,
      %get3A_2083 = arith.constant 1 : i32
      %get3A_2084 = arith.index_cast %get3A_2083 : i32 to index
      %get3A_2085 = arith.constant 80 : index
      %get3A_2086 = tpu.vector_load %arg5[%get3A_2084, %get3A_2085] {strides = array<i32>} : memref<3x128xi32, #tpu.memory_space<vmem>>, vector<1x16xi32>,
      %get3A_2087 = vector.shape_cast %get3A_2086 : vector<1x16xi32> to vector<16xi32>
      %and3A_2088 = arith.constant 16383 : i32
      %and3A_2089 = vector.broadcast %and3A_2088 : i32 to vector<16xi32>
      %and3A_2090 = arith.andi %get3A_2087, %and3A_2089 : vector<16xi32>
      %swap3A_2091 = arith.constant 1 : i32
      %swap3A_2092 = arith.index_cast %swap3A_2091 : i32 to index
      %swap3A_2093 = arith.constant 80 : index
      %swap3A_2094 = tpu.vector_load %arg6[%swap3A_2092, %swap3A_2093] {strides = array<i32>} : memref<3x128xi32, #tpu.memory_space<vmem>>, vector<1x16xi32>,
      %swap3A_2095 = vector.shape_cast %swap3A_2094 : vector<1x16xi32> to vector<16xi32>
      %swap3A_2096 = vector.shape_cast %and3A_2090 : vector<16xi32> to vector<1x16xi32>
      tpu.vector_store %arg6[%swap3A_2092, %swap3A_2093], %swap3A_2096 {strides = array<i32>} : memref<3x128xi32, #tpu.memory_space<vmem>>, vector<1x16xi32>,
      %shift_right_arithmetic3A_2097 = arith.constant 14 : i32
      %shift_right_arithmetic3A_2098 = vector.broadcast %shift_right_arithmetic3A_2097 : i32 to vector<16xi32>
      %shift_right_arithmetic3A_2099 = arith.shrsi %get3A_2087, %shift_right_arithmetic3A_2098 : vector<16xi32>
      %swap3A_2100 = arith.constant 1 : i32
      %swap3A_2101 = arith.index_cast %swap3A_2100 : i32 to index
      %swap3A_2102 = arith.constant 80 : index
      %swap3A_2103 = tpu.vector_load %arg7[%swap3A_2101, %swap3A_2102] {strides = array<i32>} : memref<3x128xi32, #tpu.memory_space<vmem>>, vector<1x16xi32>,
      %swap3A_2104 = vector.shape_cast %swap3A_2103 : vector<1x16xi32> to vector<16xi32>
      %swap3A_2105 = vector.shape_cast %shift_right_arithmetic3A_2099 : vector<16xi32> to vector<1x16xi32>
      tpu.vector_store %arg7[%swap3A_2101, %swap3A_2102], %swap3A_2105 {strides = array<i32>} : memref<3x128xi32, #tpu.memory_space<vmem>>, vector<1x16xi32>,
      %get3A_2106 = arith.constant 1 : i32
      %get3A_2107 = arith.index_cast %get3A_2106 : i32 to index
      %get3A_2108 = arith.constant 96 : index
      %get3A_2109 = tpu.vector_load %arg5[%get3A_2107, %get3A_2108] {strides = array<i32>} : memref<3x128xi32, #tpu.memory_space<vmem>>, vector<1x16xi32>,
      %get3A_2110 = vector.shape_cast %get3A_2109 : vector<1x16xi32> to vector<16xi32>
      %and3A_2111 = arith.constant 16383 : i32
      %and3A_2112 = vector.broadcast %and3A_2111 : i32 to vector<16xi32>
      %and3A_2113 = arith.andi %get3A_2110, %and3A_2112 : vector<16xi32>
      %swap3A_2114 = arith.constant 1 : i32
      %swap3A_2115 = arith.index_cast %swap3A_2114 : i32 to index
      %swap3A_2116 = arith.constant 96 : index
      %swap3A_2117 = tpu.vector_load %arg6[%swap3A_2115, %swap3A_2116] {strides = array<i32>} : memref<3x128xi32, #tpu.memory_space<vmem>>, vector<1x16xi32>,
      %swap3A_2118 = vector.shape_cast %swap3A_2117 : vector<1x16xi32> to vector<16xi32>
      %swap3A_2119 = vector.shape_cast %and3A_2113 : vector<16xi32> to vector<1x16xi32>
      tpu.vector_store %arg6[%swap3A_2115, %swap3A_2116], %swap3A_2119 {strides = array<i32>} : memref<3x128xi32, #tpu.memory_space<vmem>>, vector<1x16xi32>,
      %shift_right_arithmetic3A_2120 = arith.constant 14 : i32
      %shift_right_arithmetic3A_2121 = vector.broadcast %shift_right_arithmetic3A_2120 : i32 to vector<16xi32>
      %shift_right_arithmetic3A_2122 = arith.shrsi %get3A_2110, %shift_right_arithmetic3A_2121 : vector<16xi32>
      %swap3A_2123 = arith.constant 1 : i32
      %swap3A_2124 = arith.index_cast %swap3A_2123 : i32 to index
      %swap3A_2125 = arith.constant 96 : index
      %swap3A_2126 = tpu.vector_load %arg7[%swap3A_2124, %swap3A_2125] {strides = array<i32>} : memref<3x128xi32, #tpu.memory_space<vmem>>, vector<1x16xi32>,
      %swap3A_2127 = vector.shape_cast %swap3A_2126 : vector<1x16xi32> to vector<16xi32>
      %swap3A_2128 = vector.shape_cast %shift_right_arithmetic3A_2122 : vector<16xi32> to vector<1x16xi32>
      tpu.vector_store %arg7[%swap3A_2124, %swap3A_2125], %swap3A_2128 {strides = array<i32>} : memref<3x128xi32, #tpu.memory_space<vmem>>, vector<1x16xi32>,
      %get3A_2129 = arith.constant 1 : i32
      %get3A_2130 = arith.index_cast %get3A_2129 : i32 to index
      %get3A_2131 = arith.constant 112 : index
      %get3A_2132 = tpu.vector_load %arg5[%get3A_2130, %get3A_2131] {strides = array<i32>} : memref<3x128xi32, #tpu.memory_space<vmem>>, vector<1x16xi32>,
      %get3A_2133 = vector.shape_cast %get3A_2132 : vector<1x16xi32> to vector<16xi32>
      %and3A_2134 = arith.constant 16383 : i32
      %and3A_2135 = vector.broadcast %and3A_2134 : i32 to vector<16xi32>
      %and3A_2136 = arith.andi %get3A_2133, %and3A_2135 : vector<16xi32>
      %swap3A_2137 = arith.constant 1 : i32
      %swap3A_2138 = arith.index_cast %swap3A_2137 : i32 to index
      %swap3A_2139 = arith.constant 112 : index
      %swap3A_2140 = tpu.vector_load %arg6[%swap3A_2138, %swap3A_2139] {strides = array<i32>} : memref<3x128xi32, #tpu.memory_space<vmem>>, vector<1x16xi32>,
      %swap3A_2141 = vector.shape_cast %swap3A_2140 : vector<1x16xi32> to vector<16xi32>
      %swap3A_2142 = vector.shape_cast %and3A_2136 : vector<16xi32> to vector<1x16xi32>
      tpu.vector_store %arg6[%swap3A_2138, %swap3A_2139], %swap3A_2142 {strides = array<i32>} : memref<3x128xi32, #tpu.memory_space<vmem>>, vector<1x16xi32>,
      %shift_right_arithmetic3A_2143 = arith.constant 14 : i32
      %shift_right_arithmetic3A_2144 = vector.broadcast %shift_right_arithmetic3A_2143 : i32 to vector<16xi32>
      %shift_right_arithmetic3A_2145 = arith.shrsi %get3A_2133, %shift_right_arithmetic3A_2144 : vector<16xi32>
      %swap3A_2146 = arith.constant 1 : i32
      %swap3A_2147 = arith.index_cast %swap3A_2146 : i32 to index
      %swap3A_2148 = arith.constant 112 : index
      %swap3A_2149 = tpu.vector_load %arg7[%swap3A_2147, %swap3A_2148] {strides = array<i32>} : memref<3x128xi32, #tpu.memory_space<vmem>>, vector<1x16xi32>,
      %swap3A_2150 = vector.shape_cast %swap3A_2149 : vector<1x16xi32> to vector<16xi32>
      %swap3A_2151 = vector.shape_cast %shift_right_arithmetic3A_2145 : vector<16xi32> to vector<1x16xi32>
      tpu.vector_store %arg7[%swap3A_2147, %swap3A_2148], %swap3A_2151 {strides = array<i32>} : memref<3x128xi32, #tpu.memory_space<vmem>>, vector<1x16xi32>,
      %add3A_2152 = arith.constant 2 : i32
      %add3A_2153 = arith.addi %mul3A_1651, %add3A_2152 : i32
      %add3A_2154 = arith.constant 5 : i32
      %add3A_2155 = arith.addi %add3A_2153, %add3A_2154 : i32
      %add3A_2156 = arith.addi %mul3A_2, %add3A_2155 : i32
      %mul3A_2157 = arith.constant 128 : i32
      %mul3A_2158 = arith.muli %add3A_2156, %mul3A_2157 : i32
      %dma_start3A_2159 = arith.constant 1 : i32
      %dma_start3A_2160 = arith.constant 0 : i32
      %dma_start3A_2161 = tpu.memref_slice %arg5[%dma_start3A_2159, %dma_start3A_2160] : memref<3x128xi32, #tpu.memory_space<vmem>> -> memref<1x128xi32, #tpu.memory_space<vmem>>
      %dma_start3A_2162 = tpu.memref_squeeze %dma_start3A_2161 : memref<1x128xi32, #tpu.memory_space<vmem>> -> memref<128xi32, #tpu.memory_space<vmem>>
      %dma_start3A_2163 = tpu.memref_slice %arg2[%mul3A_2158] : memref<331776xi32, #tpu.memory_space<hbm>> -> memref<128xi32, #tpu.memory_space<hbm>>
      %dma_start3A_2164 = arith.constant 0 : i32
      %dma_start3A_2165 = tpu.memref_slice %arg5[%dma_start3A_2159, %dma_start3A_2164] : memref<3x128xi32, #tpu.memory_space<vmem>> -> memref<1x128xi32, #tpu.memory_space<vmem>>
      %dma_start3A_2166 = tpu.memref_squeeze %dma_start3A_2165 : memref<1x128xi32, #tpu.memory_space<vmem>> -> memref<128xi32, #tpu.memory_space<vmem>>
      %dma_start3A_2167 = tpu.memref_slice %arg2[%mul3A_2158] : memref<331776xi32, #tpu.memory_space<hbm>> -> memref<128xi32, #tpu.memory_space<hbm>>
      tpu.enqueue_dma source(%dma_start3A_2167 : memref<128xi32, #tpu.memory_space<hbm>>) target(%dma_start3A_2166 : memref<128xi32, #tpu.memory_space<vmem>>) target_semaphore(%arg10 : memref<!tpu.dma_semaphore, #tpu.memory_space<semaphore_mem>>)
      %dma_start3A_2168 = arith.constant 1 : i32
      %dma_start3A_2169 = arith.constant 1 : i32
      %dma_start3A_2170 = arith.constant 0 : i32
      %dma_start3A_2171 = arith.constant 0 : i32
      %dma_start3A_2172 = tpu.memref_slice %arg8[%dma_start3A_2169, %dma_start3A_2170, %dma_start3A_2171] : memref<3x128x128xf32, #tpu.memory_space<vmem>> -> memref<1x128x128xf32, #tpu.memory_space<vmem>>
      %dma_start3A_2173 = tpu.memref_squeeze %dma_start3A_2172 : memref<1x128x128xf32, #tpu.memory_space<vmem>> -> memref<128x128xf32, #tpu.memory_space<vmem>>
      %dma_start3A_2174 = arith.constant 0 : i32
      %dma_start3A_2175 = tpu.memref_slice %arg6[%dma_start3A_2168, %dma_start3A_2174] : memref<3x128xi32, #tpu.memory_space<vmem>> -> memref<1x128xi32, #tpu.memory_space<vmem>>
      %dma_start3A_2176 = tpu.memref_squeeze %dma_start3A_2175 : memref<1x128xi32, #tpu.memory_space<vmem>> -> memref<128xi32, #tpu.memory_space<vmem>>
      %dma_start3A_2177 = arith.constant 0 : i32
      %dma_start3A_2178 = arith.constant 0 : i32
      %dma_start3A_2179 = tpu.memref_slice %arg3[%dma_start3A_2177, %dma_start3A_2178] : memref<10000x128xf32, #tpu.memory_space<hbm>> -> memref<10000x128xf32, #tpu.memory_space<hbm>>
      tpu.enqueue_indirect_dma source(%dma_start3A_2179 : memref<10000x128xf32, #tpu.memory_space<hbm>>) target(%dma_start3A_2173 : memref<128x128xf32, #tpu.memory_space<vmem>>) offsets(%dma_start3A_2176 : memref<128xi32, #tpu.memory_space<vmem>>) semaphore(%arg13 : memref<!tpu.dma_semaphore, #tpu.memory_space<semaphore_mem>>)
      %dma_wait3A_2180 = arith.constant 0 : i32
      %dma_wait3A_2181 = arith.constant 0 : i32
      %dma_wait3A_2182 = arith.constant 0 : i32
      %dma_wait3A_2183 = arith.constant 0 : i32
      %dma_wait3A_2184 = tpu.memref_slice %arg8[%dma_wait3A_2181, %dma_wait3A_2182, %dma_wait3A_2183] : memref<3x128x128xf32, #tpu.memory_space<vmem>> -> memref<1x128x128xf32, #tpu.memory_space<vmem>>
      %dma_wait3A_2185 = tpu.memref_squeeze %dma_wait3A_2184 : memref<1x128x128xf32, #tpu.memory_space<vmem>> -> memref<128x128xf32, #tpu.memory_space<vmem>>
      %dma_wait3A_2186 = arith.constant 0 : i32
      %dma_wait3A_2187 = tpu.memref_slice %arg6[%dma_wait3A_2180, %dma_wait3A_2186] : memref<3x128xi32, #tpu.memory_space<vmem>> -> memref<1x128xi32, #tpu.memory_space<vmem>>
      %dma_wait3A_2188 = tpu.memref_squeeze %dma_wait3A_2187 : memref<1x128xi32, #tpu.memory_space<vmem>> -> memref<128xi32, #tpu.memory_space<vmem>>
      %dma_wait3A_2189 = arith.constant 0 : i32
      %dma_wait3A_2190 = arith.constant 0 : i32
      %dma_wait3A_2191 = tpu.memref_slice %arg3[%dma_wait3A_2189, %dma_wait3A_2190] : memref<10000x128xf32, #tpu.memory_space<hbm>> -> memref<10000x128xf32, #tpu.memory_space<hbm>>
      tpu.wait_indirect_dma semaphore(%arg12 : memref<!tpu.dma_semaphore, #tpu.memory_space<semaphore_mem>>) src(%dma_wait3A_2191 : memref<10000x128xf32, #tpu.memory_space<hbm>>) dst(%dma_wait3A_2185 : memref<128x128xf32, #tpu.memory_space<vmem>>)
      %dma_start3A_2192 = arith.constant 0 : i32
      %dma_start3A_2193 = arith.constant 0 : i32
      %dma_start3A_2194 = arith.constant 0 : i32
      %dma_start3A_2195 = arith.constant 0 : i32
      %dma_start3A_2196 = tpu.memref_slice %arg8[%dma_start3A_2192, %dma_start3A_2194, %dma_start3A_2195] : memref<3x128x128xf32, #tpu.memory_space<vmem>> -> memref<1x128x128xf32, #tpu.memory_space<vmem>>
      %dma_start3A_2197 = tpu.memref_squeeze %dma_start3A_2196 : memref<1x128x128xf32, #tpu.memory_space<vmem>> -> memref<128x128xf32, #tpu.memory_space<vmem>>
      %dma_start3A_2198 = arith.constant 0 : i32
      %dma_start3A_2199 = tpu.memref_slice %arg7[%dma_start3A_2193, %dma_start3A_2198] : memref<3x128xi32, #tpu.memory_space<vmem>> -> memref<1x128xi32, #tpu.memory_space<vmem>>
      %dma_start3A_2200 = tpu.memref_squeeze %dma_start3A_2199 : memref<1x128xi32, #tpu.memory_space<vmem>> -> memref<128xi32, #tpu.memory_space<vmem>>
      %dma_start3A_2201 = arith.constant 0 : i32
      %dma_start3A_2202 = arith.constant 0 : i32
      %dma_start3A_2203 = tpu.memref_slice %arg18[%dma_start3A_2201, %dma_start3A_2202] : memref<10048x128xf32, #tpu.memory_space<vmem_shared>> -> memref<10048x128xf32, #tpu.memory_space<vmem_shared>>
      tpu.enqueue_indirect_dma source(%dma_start3A_2197 : memref<128x128xf32, #tpu.memory_space<vmem>>) target(%dma_start3A_2203 : memref<10048x128xf32, #tpu.memory_space<vmem_shared>>) offsets(%dma_start3A_2200 : memref<128xi32, #tpu.memory_space<vmem>>) semaphore(%arg15 : memref<!tpu.dma_semaphore, #tpu.memory_space<semaphore_mem>>) {add = true}
      %dma_wait3A_2204 = arith.constant 2 : i32
      %dma_wait3A_2205 = arith.constant 2 : i32
      %dma_wait3A_2206 = arith.constant 0 : i32
      %dma_wait3A_2207 = arith.constant 0 : i32
      %dma_wait3A_2208 = tpu.memref_slice %arg8[%dma_wait3A_2204, %dma_wait3A_2206, %dma_wait3A_2207] : memref<3x128x128xf32, #tpu.memory_space<vmem>> -> memref<1x128x128xf32, #tpu.memory_space<vmem>>
      %dma_wait3A_2209 = tpu.memref_squeeze %dma_wait3A_2208 : memref<1x128x128xf32, #tpu.memory_space<vmem>> -> memref<128x128xf32, #tpu.memory_space<vmem>>
      %dma_wait3A_2210 = arith.constant 0 : i32
      %dma_wait3A_2211 = tpu.memref_slice %arg7[%dma_wait3A_2205, %dma_wait3A_2210] : memref<3x128xi32, #tpu.memory_space<vmem>> -> memref<1x128xi32, #tpu.memory_space<vmem>>
      %dma_wait3A_2212 = tpu.memref_squeeze %dma_wait3A_2211 : memref<1x128xi32, #tpu.memory_space<vmem>> -> memref<128xi32, #tpu.memory_space<vmem>>
      %dma_wait3A_2213 = arith.constant 0 : i32
      %dma_wait3A_2214 = arith.constant 0 : i32
      %dma_wait3A_2215 = tpu.memref_slice %arg18[%dma_wait3A_2213, %dma_wait3A_2214] : memref<10048x128xf32, #tpu.memory_space<vmem_shared>> -> memref<10048x128xf32, #tpu.memory_space<vmem_shared>>
      tpu.wait_indirect_dma semaphore(%arg17 : memref<!tpu.dma_semaphore, #tpu.memory_space<semaphore_mem>>) src(%dma_wait3A_2209 : memref<128x128xf32, #tpu.memory_space<vmem>>) dst(%dma_wait3A_2215 : memref<10048x128xf32, #tpu.memory_space<vmem_shared>>)
      %add3A_2216 = arith.constant 3 : i32
      %add3A_2217 = arith.addi %mul3A_1651, %add3A_2216 : i32
      %add3A_2218 = arith.constant 2 : i32
      %add3A_2219 = arith.addi %add3A_2217, %add3A_2218 : i32
      %add3A_2220 = arith.addi %mul3A_2, %add3A_2219 : i32
      %mul3A_2221 = arith.constant 128 : i32
      %mul3A_2222 = arith.muli %add3A_2220, %mul3A_2221 : i32
      %dma_wait3A_2223 = arith.constant 2 : i32
      %dma_wait3A_2224 = arith.constant 0 : i32
      %dma_wait3A_2225 = tpu.memref_slice %arg5[%dma_wait3A_2223, %dma_wait3A_2224] : memref<3x128xi32, #tpu.memory_space<vmem>> -> memref<1x128xi32, #tpu.memory_space<vmem>>
      %dma_wait3A_2226 = tpu.memref_squeeze %dma_wait3A_2225 : memref<1x128xi32, #tpu.memory_space<vmem>> -> memref<128xi32, #tpu.memory_space<vmem>>
      %dma_wait3A_2227 = tpu.memref_slice %arg2[%mul3A_2222] : memref<331776xi32, #tpu.memory_space<hbm>> -> memref<128xi32, #tpu.memory_space<hbm>>
      %dma_wait3A_2228 = arith.constant 0 : i32
      %dma_wait3A_2229 = tpu.memref_slice %arg5[%dma_wait3A_2223, %dma_wait3A_2228] : memref<3x128xi32, #tpu.memory_space<vmem>> -> memref<1x128xi32, #tpu.memory_space<vmem>>
      %dma_wait3A_2230 = tpu.memref_squeeze %dma_wait3A_2229 : memref<1x128xi32, #tpu.memory_space<vmem>> -> memref<128xi32, #tpu.memory_space<vmem>>
      %dma_wait3A_2231 = tpu.memref_slice %arg2[%mul3A_2222] : memref<331776xi32, #tpu.memory_space<hbm>> -> memref<128xi32, #tpu.memory_space<hbm>>
      tpu.wait_dma2 semaphore(%arg11 : memref<!tpu.dma_semaphore, #tpu.memory_space<semaphore_mem>>) src(%dma_wait3A_2231 : memref<128xi32, #tpu.memory_space<hbm>>) dst(%dma_wait3A_2230 : memref<128xi32, #tpu.memory_space<vmem>>)
      %get3A_2232 = arith.constant 2 : i32
      %get3A_2233 = arith.index_cast %get3A_2232 : i32 to index
      %get3A_2234 = arith.constant 0 : index
      %get3A_2235 = tpu.vector_load %arg5[%get3A_2233, %get3A_2234] {strides = array<i32>} : memref<3x128xi32, #tpu.memory_space<vmem>>, vector<1x16xi32>,
      %get3A_2236 = vector.shape_cast %get3A_2235 : vector<1x16xi32> to vector<16xi32>
      %and3A_2237 = arith.constant 16383 : i32
      %and3A_2238 = vector.broadcast %and3A_2237 : i32 to vector<16xi32>
      %and3A_2239 = arith.andi %get3A_2236, %and3A_2238 : vector<16xi32>
      %swap3A_2240 = arith.constant 2 : i32
      %swap3A_2241 = arith.index_cast %swap3A_2240 : i32 to index
      %swap3A_2242 = arith.constant 0 : index
      %swap3A_2243 = tpu.vector_load %arg6[%swap3A_2241, %swap3A_2242] {strides = array<i32>} : memref<3x128xi32, #tpu.memory_space<vmem>>, vector<1x16xi32>,
      %swap3A_2244 = vector.shape_cast %swap3A_2243 : vector<1x16xi32> to vector<16xi32>
      %swap3A_2245 = vector.shape_cast %and3A_2239 : vector<16xi32> to vector<1x16xi32>
      tpu.vector_store %arg6[%swap3A_2241, %swap3A_2242], %swap3A_2245 {strides = array<i32>} : memref<3x128xi32, #tpu.memory_space<vmem>>, vector<1x16xi32>,
      %shift_right_arithmetic3A_2246 = arith.constant 14 : i32
      %shift_right_arithmetic3A_2247 = vector.broadcast %shift_right_arithmetic3A_2246 : i32 to vector<16xi32>
      %shift_right_arithmetic3A_2248 = arith.shrsi %get3A_2236, %shift_right_arithmetic3A_2247 : vector<16xi32>
      %swap3A_2249 = arith.constant 2 : i32
      %swap3A_2250 = arith.index_cast %swap3A_2249 : i32 to index
      %swap3A_2251 = arith.constant 0 : index
      %swap3A_2252 = tpu.vector_load %arg7[%swap3A_2250, %swap3A_2251] {strides = array<i32>} : memref<3x128xi32, #tpu.memory_space<vmem>>, vector<1x16xi32>,
      %swap3A_2253 = vector.shape_cast %swap3A_2252 : vector<1x16xi32> to vector<16xi32>
      %swap3A_2254 = vector.shape_cast %shift_right_arithmetic3A_2248 : vector<16xi32> to vector<1x16xi32>
      tpu.vector_store %arg7[%swap3A_2250, %swap3A_2251], %swap3A_2254 {strides = array<i32>} : memref<3x128xi32, #tpu.memory_space<vmem>>, vector<1x16xi32>,
      %get3A_2255 = arith.constant 2 : i32
      %get3A_2256 = arith.index_cast %get3A_2255 : i32 to index
      %get3A_2257 = arith.constant 16 : index
      %get3A_2258 = tpu.vector_load %arg5[%get3A_2256, %get3A_2257] {strides = array<i32>} : memref<3x128xi32, #tpu.memory_space<vmem>>, vector<1x16xi32>,
      %get3A_2259 = vector.shape_cast %get3A_2258 : vector<1x16xi32> to vector<16xi32>
      %and3A_2260 = arith.constant 16383 : i32
      %and3A_2261 = vector.broadcast %and3A_2260 : i32 to vector<16xi32>
      %and3A_2262 = arith.andi %get3A_2259, %and3A_2261 : vector<16xi32>
      %swap3A_2263 = arith.constant 2 : i32
      %swap3A_2264 = arith.index_cast %swap3A_2263 : i32 to index
      %swap3A_2265 = arith.constant 16 : index
      %swap3A_2266 = tpu.vector_load %arg6[%swap3A_2264, %swap3A_2265] {strides = array<i32>} : memref<3x128xi32, #tpu.memory_space<vmem>>, vector<1x16xi32>,
      %swap3A_2267 = vector.shape_cast %swap3A_2266 : vector<1x16xi32> to vector<16xi32>
      %swap3A_2268 = vector.shape_cast %and3A_2262 : vector<16xi32> to vector<1x16xi32>
      tpu.vector_store %arg6[%swap3A_2264, %swap3A_2265], %swap3A_2268 {strides = array<i32>} : memref<3x128xi32, #tpu.memory_space<vmem>>, vector<1x16xi32>,
      %shift_right_arithmetic3A_2269 = arith.constant 14 : i32
      %shift_right_arithmetic3A_2270 = vector.broadcast %shift_right_arithmetic3A_2269 : i32 to vector<16xi32>
      %shift_right_arithmetic3A_2271 = arith.shrsi %get3A_2259, %shift_right_arithmetic3A_2270 : vector<16xi32>
      %swap3A_2272 = arith.constant 2 : i32
      %swap3A_2273 = arith.index_cast %swap3A_2272 : i32 to index
      %swap3A_2274 = arith.constant 16 : index
      %swap3A_2275 = tpu.vector_load %arg7[%swap3A_2273, %swap3A_2274] {strides = array<i32>} : memref<3x128xi32, #tpu.memory_space<vmem>>, vector<1x16xi32>,
      %swap3A_2276 = vector.shape_cast %swap3A_2275 : vector<1x16xi32> to vector<16xi32>
      %swap3A_2277 = vector.shape_cast %shift_right_arithmetic3A_2271 : vector<16xi32> to vector<1x16xi32>
      tpu.vector_store %arg7[%swap3A_2273, %swap3A_2274], %swap3A_2277 {strides = array<i32>} : memref<3x128xi32, #tpu.memory_space<vmem>>, vector<1x16xi32>,
      %get3A_2278 = arith.constant 2 : i32
      %get3A_2279 = arith.index_cast %get3A_2278 : i32 to index
      %get3A_2280 = arith.constant 32 : index
      %get3A_2281 = tpu.vector_load %arg5[%get3A_2279, %get3A_2280] {strides = array<i32>} : memref<3x128xi32, #tpu.memory_space<vmem>>, vector<1x16xi32>,
      %get3A_2282 = vector.shape_cast %get3A_2281 : vector<1x16xi32> to vector<16xi32>
      %and3A_2283 = arith.constant 16383 : i32
      %and3A_2284 = vector.broadcast %and3A_2283 : i32 to vector<16xi32>
      %and3A_2285 = arith.andi %get3A_2282, %and3A_2284 : vector<16xi32>
      %swap3A_2286 = arith.constant 2 : i32
      %swap3A_2287 = arith.index_cast %swap3A_2286 : i32 to index
      %swap3A_2288 = arith.constant 32 : index
      %swap3A_2289 = tpu.vector_load %arg6[%swap3A_2287, %swap3A_2288] {strides = array<i32>} : memref<3x128xi32, #tpu.memory_space<vmem>>, vector<1x16xi32>,
      %swap3A_2290 = vector.shape_cast %swap3A_2289 : vector<1x16xi32> to vector<16xi32>
      %swap3A_2291 = vector.shape_cast %and3A_2285 : vector<16xi32> to vector<1x16xi32>
      tpu.vector_store %arg6[%swap3A_2287, %swap3A_2288], %swap3A_2291 {strides = array<i32>} : memref<3x128xi32, #tpu.memory_space<vmem>>, vector<1x16xi32>,
      %shift_right_arithmetic3A_2292 = arith.constant 14 : i32
      %shift_right_arithmetic3A_2293 = vector.broadcast %shift_right_arithmetic3A_2292 : i32 to vector<16xi32>
      %shift_right_arithmetic3A_2294 = arith.shrsi %get3A_2282, %shift_right_arithmetic3A_2293 : vector<16xi32>
      %swap3A_2295 = arith.constant 2 : i32
      %swap3A_2296 = arith.index_cast %swap3A_2295 : i32 to index
      %swap3A_2297 = arith.constant 32 : index
      %swap3A_2298 = tpu.vector_load %arg7[%swap3A_2296, %swap3A_2297] {strides = array<i32>} : memref<3x128xi32, #tpu.memory_space<vmem>>, vector<1x16xi32>,
      %swap3A_2299 = vector.shape_cast %swap3A_2298 : vector<1x16xi32> to vector<16xi32>
      %swap3A_2300 = vector.shape_cast %shift_right_arithmetic3A_2294 : vector<16xi32> to vector<1x16xi32>
      tpu.vector_store %arg7[%swap3A_2296, %swap3A_2297], %swap3A_2300 {strides = array<i32>} : memref<3x128xi32, #tpu.memory_space<vmem>>, vector<1x16xi32>,
      %get3A_2301 = arith.constant 2 : i32
      %get3A_2302 = arith.index_cast %get3A_2301 : i32 to index
      %get3A_2303 = arith.constant 48 : index
      %get3A_2304 = tpu.vector_load %arg5[%get3A_2302, %get3A_2303] {strides = array<i32>} : memref<3x128xi32, #tpu.memory_space<vmem>>, vector<1x16xi32>,
      %get3A_2305 = vector.shape_cast %get3A_2304 : vector<1x16xi32> to vector<16xi32>
      %and3A_2306 = arith.constant 16383 : i32
      %and3A_2307 = vector.broadcast %and3A_2306 : i32 to vector<16xi32>
      %and3A_2308 = arith.andi %get3A_2305, %and3A_2307 : vector<16xi32>
      %swap3A_2309 = arith.constant 2 : i32
      %swap3A_2310 = arith.index_cast %swap3A_2309 : i32 to index
      %swap3A_2311 = arith.constant 48 : index
      %swap3A_2312 = tpu.vector_load %arg6[%swap3A_2310, %swap3A_2311] {strides = array<i32>} : memref<3x128xi32, #tpu.memory_space<vmem>>, vector<1x16xi32>,
      %swap3A_2313 = vector.shape_cast %swap3A_2312 : vector<1x16xi32> to vector<16xi32>
      %swap3A_2314 = vector.shape_cast %and3A_2308 : vector<16xi32> to vector<1x16xi32>
      tpu.vector_store %arg6[%swap3A_2310, %swap3A_2311], %swap3A_2314 {strides = array<i32>} : memref<3x128xi32, #tpu.memory_space<vmem>>, vector<1x16xi32>,
      %shift_right_arithmetic3A_2315 = arith.constant 14 : i32
      %shift_right_arithmetic3A_2316 = vector.broadcast %shift_right_arithmetic3A_2315 : i32 to vector<16xi32>
      %shift_right_arithmetic3A_2317 = arith.shrsi %get3A_2305, %shift_right_arithmetic3A_2316 : vector<16xi32>
      %swap3A_2318 = arith.constant 2 : i32
      %swap3A_2319 = arith.index_cast %swap3A_2318 : i32 to index
      %swap3A_2320 = arith.constant 48 : index
      %swap3A_2321 = tpu.vector_load %arg7[%swap3A_2319, %swap3A_2320] {strides = array<i32>} : memref<3x128xi32, #tpu.memory_space<vmem>>, vector<1x16xi32>,
      %swap3A_2322 = vector.shape_cast %swap3A_2321 : vector<1x16xi32> to vector<16xi32>
      %swap3A_2323 = vector.shape_cast %shift_right_arithmetic3A_2317 : vector<16xi32> to vector<1x16xi32>
      tpu.vector_store %arg7[%swap3A_2319, %swap3A_2320], %swap3A_2323 {strides = array<i32>} : memref<3x128xi32, #tpu.memory_space<vmem>>, vector<1x16xi32>,
      %get3A_2324 = arith.constant 2 : i32
      %get3A_2325 = arith.index_cast %get3A_2324 : i32 to index
      %get3A_2326 = arith.constant 64 : index
      %get3A_2327 = tpu.vector_load %arg5[%get3A_2325, %get3A_2326] {strides = array<i32>} : memref<3x128xi32, #tpu.memory_space<vmem>>, vector<1x16xi32>,
      %get3A_2328 = vector.shape_cast %get3A_2327 : vector<1x16xi32> to vector<16xi32>
      %and3A_2329 = arith.constant 16383 : i32
      %and3A_2330 = vector.broadcast %and3A_2329 : i32 to vector<16xi32>
      %and3A_2331 = arith.andi %get3A_2328, %and3A_2330 : vector<16xi32>
      %swap3A_2332 = arith.constant 2 : i32
      %swap3A_2333 = arith.index_cast %swap3A_2332 : i32 to index
      %swap3A_2334 = arith.constant 64 : index
      %swap3A_2335 = tpu.vector_load %arg6[%swap3A_2333, %swap3A_2334] {strides = array<i32>} : memref<3x128xi32, #tpu.memory_space<vmem>>, vector<1x16xi32>,
      %swap3A_2336 = vector.shape_cast %swap3A_2335 : vector<1x16xi32> to vector<16xi32>
      %swap3A_2337 = vector.shape_cast %and3A_2331 : vector<16xi32> to vector<1x16xi32>
      tpu.vector_store %arg6[%swap3A_2333, %swap3A_2334], %swap3A_2337 {strides = array<i32>} : memref<3x128xi32, #tpu.memory_space<vmem>>, vector<1x16xi32>,
      %shift_right_arithmetic3A_2338 = arith.constant 14 : i32
      %shift_right_arithmetic3A_2339 = vector.broadcast %shift_right_arithmetic3A_2338 : i32 to vector<16xi32>
      %shift_right_arithmetic3A_2340 = arith.shrsi %get3A_2328, %shift_right_arithmetic3A_2339 : vector<16xi32>
      %swap3A_2341 = arith.constant 2 : i32
      %swap3A_2342 = arith.index_cast %swap3A_2341 : i32 to index
      %swap3A_2343 = arith.constant 64 : index
      %swap3A_2344 = tpu.vector_load %arg7[%swap3A_2342, %swap3A_2343] {strides = array<i32>} : memref<3x128xi32, #tpu.memory_space<vmem>>, vector<1x16xi32>,
      %swap3A_2345 = vector.shape_cast %swap3A_2344 : vector<1x16xi32> to vector<16xi32>
      %swap3A_2346 = vector.shape_cast %shift_right_arithmetic3A_2340 : vector<16xi32> to vector<1x16xi32>
      tpu.vector_store %arg7[%swap3A_2342, %swap3A_2343], %swap3A_2346 {strides = array<i32>} : memref<3x128xi32, #tpu.memory_space<vmem>>, vector<1x16xi32>,
      %get3A_2347 = arith.constant 2 : i32
      %get3A_2348 = arith.index_cast %get3A_2347 : i32 to index
      %get3A_2349 = arith.constant 80 : index
      %get3A_2350 = tpu.vector_load %arg5[%get3A_2348, %get3A_2349] {strides = array<i32>} : memref<3x128xi32, #tpu.memory_space<vmem>>, vector<1x16xi32>,
      %get3A_2351 = vector.shape_cast %get3A_2350 : vector<1x16xi32> to vector<16xi32>
      %and3A_2352 = arith.constant 16383 : i32
      %and3A_2353 = vector.broadcast %and3A_2352 : i32 to vector<16xi32>
      %and3A_2354 = arith.andi %get3A_2351, %and3A_2353 : vector<16xi32>
      %swap3A_2355 = arith.constant 2 : i32
      %swap3A_2356 = arith.index_cast %swap3A_2355 : i32 to index
      %swap3A_2357 = arith.constant 80 : index
      %swap3A_2358 = tpu.vector_load %arg6[%swap3A_2356, %swap3A_2357] {strides = array<i32>} : memref<3x128xi32, #tpu.memory_space<vmem>>, vector<1x16xi32>,
      %swap3A_2359 = vector.shape_cast %swap3A_2358 : vector<1x16xi32> to vector<16xi32>
      %swap3A_2360 = vector.shape_cast %and3A_2354 : vector<16xi32> to vector<1x16xi32>
      tpu.vector_store %arg6[%swap3A_2356, %swap3A_2357], %swap3A_2360 {strides = array<i32>} : memref<3x128xi32, #tpu.memory_space<vmem>>, vector<1x16xi32>,
      %shift_right_arithmetic3A_2361 = arith.constant 14 : i32
      %shift_right_arithmetic3A_2362 = vector.broadcast %shift_right_arithmetic3A_2361 : i32 to vector<16xi32>
      %shift_right_arithmetic3A_2363 = arith.shrsi %get3A_2351, %shift_right_arithmetic3A_2362 : vector<16xi32>
      %swap3A_2364 = arith.constant 2 : i32
      %swap3A_2365 = arith.index_cast %swap3A_2364 : i32 to index
      %swap3A_2366 = arith.constant 80 : index
      %swap3A_2367 = tpu.vector_load %arg7[%swap3A_2365, %swap3A_2366] {strides = array<i32>} : memref<3x128xi32, #tpu.memory_space<vmem>>, vector<1x16xi32>,
      %swap3A_2368 = vector.shape_cast %swap3A_2367 : vector<1x16xi32> to vector<16xi32>
      %swap3A_2369 = vector.shape_cast %shift_right_arithmetic3A_2363 : vector<16xi32> to vector<1x16xi32>
      tpu.vector_store %arg7[%swap3A_2365, %swap3A_2366], %swap3A_2369 {strides = array<i32>} : memref<3x128xi32, #tpu.memory_space<vmem>>, vector<1x16xi32>,
      %get3A_2370 = arith.constant 2 : i32
      %get3A_2371 = arith.index_cast %get3A_2370 : i32 to index
      %get3A_2372 = arith.constant 96 : index
      %get3A_2373 = tpu.vector_load %arg5[%get3A_2371, %get3A_2372] {strides = array<i32>} : memref<3x128xi32, #tpu.memory_space<vmem>>, vector<1x16xi32>,
      %get3A_2374 = vector.shape_cast %get3A_2373 : vector<1x16xi32> to vector<16xi32>
      %and3A_2375 = arith.constant 16383 : i32
      %and3A_2376 = vector.broadcast %and3A_2375 : i32 to vector<16xi32>
      %and3A_2377 = arith.andi %get3A_2374, %and3A_2376 : vector<16xi32>
      %swap3A_2378 = arith.constant 2 : i32
      %swap3A_2379 = arith.index_cast %swap3A_2378 : i32 to index
      %swap3A_2380 = arith.constant 96 : index
      %swap3A_2381 = tpu.vector_load %arg6[%swap3A_2379, %swap3A_2380] {strides = array<i32>} : memref<3x128xi32, #tpu.memory_space<vmem>>, vector<1x16xi32>,
      %swap3A_2382 = vector.shape_cast %swap3A_2381 : vector<1x16xi32> to vector<16xi32>
      %swap3A_2383 = vector.shape_cast %and3A_2377 : vector<16xi32> to vector<1x16xi32>
      tpu.vector_store %arg6[%swap3A_2379, %swap3A_2380], %swap3A_2383 {strides = array<i32>} : memref<3x128xi32, #tpu.memory_space<vmem>>, vector<1x16xi32>,
      %shift_right_arithmetic3A_2384 = arith.constant 14 : i32
      %shift_right_arithmetic3A_2385 = vector.broadcast %shift_right_arithmetic3A_2384 : i32 to vector<16xi32>
      %shift_right_arithmetic3A_2386 = arith.shrsi %get3A_2374, %shift_right_arithmetic3A_2385 : vector<16xi32>
      %swap3A_2387 = arith.constant 2 : i32
      %swap3A_2388 = arith.index_cast %swap3A_2387 : i32 to index
      %swap3A_2389 = arith.constant 96 : index
      %swap3A_2390 = tpu.vector_load %arg7[%swap3A_2388, %swap3A_2389] {strides = array<i32>} : memref<3x128xi32, #tpu.memory_space<vmem>>, vector<1x16xi32>,
      %swap3A_2391 = vector.shape_cast %swap3A_2390 : vector<1x16xi32> to vector<16xi32>
      %swap3A_2392 = vector.shape_cast %shift_right_arithmetic3A_2386 : vector<16xi32> to vector<1x16xi32>
      tpu.vector_store %arg7[%swap3A_2388, %swap3A_2389], %swap3A_2392 {strides = array<i32>} : memref<3x128xi32, #tpu.memory_space<vmem>>, vector<1x16xi32>,
      %get3A_2393 = arith.constant 2 : i32
      %get3A_2394 = arith.index_cast %get3A_2393 : i32 to index
      %get3A_2395 = arith.constant 112 : index
      %get3A_2396 = tpu.vector_load %arg5[%get3A_2394, %get3A_2395] {strides = array<i32>} : memref<3x128xi32, #tpu.memory_space<vmem>>, vector<1x16xi32>,
      %get3A_2397 = vector.shape_cast %get3A_2396 : vector<1x16xi32> to vector<16xi32>
      %and3A_2398 = arith.constant 16383 : i32
      %and3A_2399 = vector.broadcast %and3A_2398 : i32 to vector<16xi32>
      %and3A_2400 = arith.andi %get3A_2397, %and3A_2399 : vector<16xi32>
      %swap3A_2401 = arith.constant 2 : i32
      %swap3A_2402 = arith.index_cast %swap3A_2401 : i32 to index
      %swap3A_2403 = arith.constant 112 : index
      %swap3A_2404 = tpu.vector_load %arg6[%swap3A_2402, %swap3A_2403] {strides = array<i32>} : memref<3x128xi32, #tpu.memory_space<vmem>>, vector<1x16xi32>,
      %swap3A_2405 = vector.shape_cast %swap3A_2404 : vector<1x16xi32> to vector<16xi32>
      %swap3A_2406 = vector.shape_cast %and3A_2400 : vector<16xi32> to vector<1x16xi32>
      tpu.vector_store %arg6[%swap3A_2402, %swap3A_2403], %swap3A_2406 {strides = array<i32>} : memref<3x128xi32, #tpu.memory_space<vmem>>, vector<1x16xi32>,
      %shift_right_arithmetic3A_2407 = arith.constant 14 : i32
      %shift_right_arithmetic3A_2408 = vector.broadcast %shift_right_arithmetic3A_2407 : i32 to vector<16xi32>
      %shift_right_arithmetic3A_2409 = arith.shrsi %get3A_2397, %shift_right_arithmetic3A_2408 : vector<16xi32>
      %swap3A_2410 = arith.constant 2 : i32
      %swap3A_2411 = arith.index_cast %swap3A_2410 : i32 to index
      %swap3A_2412 = arith.constant 112 : index
      %swap3A_2413 = tpu.vector_load %arg7[%swap3A_2411, %swap3A_2412] {strides = array<i32>} : memref<3x128xi32, #tpu.memory_space<vmem>>, vector<1x16xi32>,
      %swap3A_2414 = vector.shape_cast %swap3A_2413 : vector<1x16xi32> to vector<16xi32>
      %swap3A_2415 = vector.shape_cast %shift_right_arithmetic3A_2409 : vector<16xi32> to vector<1x16xi32>
      tpu.vector_store %arg7[%swap3A_2411, %swap3A_2412], %swap3A_2415 {strides = array<i32>} : memref<3x128xi32, #tpu.memory_space<vmem>>, vector<1x16xi32>,
      %add3A_2416 = arith.constant 3 : i32
      %add3A_2417 = arith.addi %mul3A_1651, %add3A_2416 : i32
      %add3A_2418 = arith.constant 5 : i32
      %add3A_2419 = arith.addi %add3A_2417, %add3A_2418 : i32
      %add3A_2420 = arith.addi %mul3A_2, %add3A_2419 : i32
      %mul3A_2421 = arith.constant 128 : i32
      %mul3A_2422 = arith.muli %add3A_2420, %mul3A_2421 : i32
      %dma_start3A_2423 = arith.constant 2 : i32
      %dma_start3A_2424 = arith.constant 0 : i32
      %dma_start3A_2425 = tpu.memref_slice %arg5[%dma_start3A_2423, %dma_start3A_2424] : memref<3x128xi32, #tpu.memory_space<vmem>> -> memref<1x128xi32, #tpu.memory_space<vmem>>
      %dma_start3A_2426 = tpu.memref_squeeze %dma_start3A_2425 : memref<1x128xi32, #tpu.memory_space<vmem>> -> memref<128xi32, #tpu.memory_space<vmem>>
      %dma_start3A_2427 = tpu.memref_slice %arg2[%mul3A_2422] : memref<331776xi32, #tpu.memory_space<hbm>> -> memref<128xi32, #tpu.memory_space<hbm>>
      %dma_start3A_2428 = arith.constant 0 : i32
      %dma_start3A_2429 = tpu.memref_slice %arg5[%dma_start3A_2423, %dma_start3A_2428] : memref<3x128xi32, #tpu.memory_space<vmem>> -> memref<1x128xi32, #tpu.memory_space<vmem>>
      %dma_start3A_2430 = tpu.memref_squeeze %dma_start3A_2429 : memref<1x128xi32, #tpu.memory_space<vmem>> -> memref<128xi32, #tpu.memory_space<vmem>>
      %dma_start3A_2431 = tpu.memref_slice %arg2[%mul3A_2422] : memref<331776xi32, #tpu.memory_space<hbm>> -> memref<128xi32, #tpu.memory_space<hbm>>
      tpu.enqueue_dma source(%dma_start3A_2431 : memref<128xi32, #tpu.memory_space<hbm>>) target(%dma_start3A_2430 : memref<128xi32, #tpu.memory_space<vmem>>) target_semaphore(%arg11 : memref<!tpu.dma_semaphore, #tpu.memory_space<semaphore_mem>>)
      %dma_start3A_2432 = arith.constant 2 : i32
      %dma_start3A_2433 = arith.constant 2 : i32
      %dma_start3A_2434 = arith.constant 0 : i32
      %dma_start3A_2435 = arith.constant 0 : i32
      %dma_start3A_2436 = tpu.memref_slice %arg8[%dma_start3A_2433, %dma_start3A_2434, %dma_start3A_2435] : memref<3x128x128xf32, #tpu.memory_space<vmem>> -> memref<1x128x128xf32, #tpu.memory_space<vmem>>
      %dma_start3A_2437 = tpu.memref_squeeze %dma_start3A_2436 : memref<1x128x128xf32, #tpu.memory_space<vmem>> -> memref<128x128xf32, #tpu.memory_space<vmem>>
      %dma_start3A_2438 = arith.constant 0 : i32
      %dma_start3A_2439 = tpu.memref_slice %arg6[%dma_start3A_2432, %dma_start3A_2438] : memref<3x128xi32, #tpu.memory_space<vmem>> -> memref<1x128xi32, #tpu.memory_space<vmem>>
      %dma_start3A_2440 = tpu.memref_squeeze %dma_start3A_2439 : memref<1x128xi32, #tpu.memory_space<vmem>> -> memref<128xi32, #tpu.memory_space<vmem>>
      %dma_start3A_2441 = arith.constant 0 : i32
      %dma_start3A_2442 = arith.constant 0 : i32
      %dma_start3A_2443 = tpu.memref_slice %arg3[%dma_start3A_2441, %dma_start3A_2442] : memref<10000x128xf32, #tpu.memory_space<hbm>> -> memref<10000x128xf32, #tpu.memory_space<hbm>>
      tpu.enqueue_indirect_dma source(%dma_start3A_2443 : memref<10000x128xf32, #tpu.memory_space<hbm>>) target(%dma_start3A_2437 : memref<128x128xf32, #tpu.memory_space<vmem>>) offsets(%dma_start3A_2440 : memref<128xi32, #tpu.memory_space<vmem>>) semaphore(%arg14 : memref<!tpu.dma_semaphore, #tpu.memory_space<semaphore_mem>>)
    }
    %scan3A_769 = arith.constant 25 : i32
    %dma_wait3A_770 = arith.constant 1 : i32
    %dma_wait3A_771 = arith.constant 1 : i32
    %dma_wait3A_772 = arith.constant 0 : i32
    %dma_wait3A_773 = arith.constant 0 : i32
    %dma_wait3A_774 = tpu.memref_slice %arg8[%dma_wait3A_771, %dma_wait3A_772, %dma_wait3A_773] : memref<3x128x128xf32, #tpu.memory_space<vmem>> -> memref<1x128x128xf32, #tpu.memory_space<vmem>>
    %dma_wait3A_775 = tpu.memref_squeeze %dma_wait3A_774 : memref<1x128x128xf32, #tpu.memory_space<vmem>> -> memref<128x128xf32, #tpu.memory_space<vmem>>
    %dma_wait3A_776 = arith.constant 0 : i32
    %dma_wait3A_777 = tpu.memref_slice %arg6[%dma_wait3A_770, %dma_wait3A_776] : memref<3x128xi32, #tpu.memory_space<vmem>> -> memref<1x128xi32, #tpu.memory_space<vmem>>
    %dma_wait3A_778 = tpu.memref_squeeze %dma_wait3A_777 : memref<1x128xi32, #tpu.memory_space<vmem>> -> memref<128xi32, #tpu.memory_space<vmem>>
    %dma_wait3A_779 = arith.constant 0 : i32
    %dma_wait3A_780 = arith.constant 0 : i32
    %dma_wait3A_781 = tpu.memref_slice %arg3[%dma_wait3A_779, %dma_wait3A_780] : memref<10000x128xf32, #tpu.memory_space<hbm>> -> memref<10000x128xf32, #tpu.memory_space<hbm>>
    tpu.wait_indirect_dma semaphore(%arg13 : memref<!tpu.dma_semaphore, #tpu.memory_space<semaphore_mem>>) src(%dma_wait3A_781 : memref<10000x128xf32, #tpu.memory_space<hbm>>) dst(%dma_wait3A_775 : memref<128x128xf32, #tpu.memory_space<vmem>>)
    %dma_start3A_782 = arith.constant 1 : i32
    %dma_start3A_783 = arith.constant 1 : i32
    %dma_start3A_784 = arith.constant 0 : i32
    %dma_start3A_785 = arith.constant 0 : i32
    %dma_start3A_786 = tpu.memref_slice %arg8[%dma_start3A_782, %dma_start3A_784, %dma_start3A_785] : memref<3x128x128xf32, #tpu.memory_space<vmem>> -> memref<1x128x128xf32, #tpu.memory_space<vmem>>
    %dma_start3A_787 = tpu.memref_squeeze %dma_start3A_786 : memref<1x128x128xf32, #tpu.memory_space<vmem>> -> memref<128x128xf32, #tpu.memory_space<vmem>>
    %dma_start3A_788 = arith.constant 0 : i32
    %dma_start3A_789 = tpu.memref_slice %arg7[%dma_start3A_783, %dma_start3A_788] : memref<3x128xi32, #tpu.memory_space<vmem>> -> memref<1x128xi32, #tpu.memory_space<vmem>>
    %dma_start3A_790 = tpu.memref_squeeze %dma_start3A_789 : memref<1x128xi32, #tpu.memory_space<vmem>> -> memref<128xi32, #tpu.memory_space<vmem>>
    %dma_start3A_791 = arith.constant 0 : i32
    %dma_start3A_792 = arith.constant 0 : i32
    %dma_start3A_793 = tpu.memref_slice %arg18[%dma_start3A_791, %dma_start3A_792] : memref<10048x128xf32, #tpu.memory_space<vmem_shared>> -> memref<10048x128xf32, #tpu.memory_space<vmem_shared>>
    tpu.enqueue_indirect_dma source(%dma_start3A_787 : memref<128x128xf32, #tpu.memory_space<vmem>>) target(%dma_start3A_793 : memref<10048x128xf32, #tpu.memory_space<vmem_shared>>) offsets(%dma_start3A_790 : memref<128xi32, #tpu.memory_space<vmem>>) semaphore(%arg16 : memref<!tpu.dma_semaphore, #tpu.memory_space<semaphore_mem>>) {add = true}
    %dma_wait3A_794 = arith.constant 0 : i32
    %dma_wait3A_795 = arith.constant 0 : i32
    %dma_wait3A_796 = arith.constant 0 : i32
    %dma_wait3A_797 = arith.constant 0 : i32
    %dma_wait3A_798 = tpu.memref_slice %arg8[%dma_wait3A_794, %dma_wait3A_796, %dma_wait3A_797] : memref<3x128x128xf32, #tpu.memory_space<vmem>> -> memref<1x128x128xf32, #tpu.memory_space<vmem>>
    %dma_wait3A_799 = tpu.memref_squeeze %dma_wait3A_798 : memref<1x128x128xf32, #tpu.memory_space<vmem>> -> memref<128x128xf32, #tpu.memory_space<vmem>>
    %dma_wait3A_800 = arith.constant 0 : i32
    %dma_wait3A_801 = tpu.memref_slice %arg7[%dma_wait3A_795, %dma_wait3A_800] : memref<3x128xi32, #tpu.memory_space<vmem>> -> memref<1x128xi32, #tpu.memory_space<vmem>>
    %dma_wait3A_802 = tpu.memref_squeeze %dma_wait3A_801 : memref<1x128xi32, #tpu.memory_space<vmem>> -> memref<128xi32, #tpu.memory_space<vmem>>
    %dma_wait3A_803 = arith.constant 0 : i32
    %dma_wait3A_804 = arith.constant 0 : i32
    %dma_wait3A_805 = tpu.memref_slice %arg18[%dma_wait3A_803, %dma_wait3A_804] : memref<10048x128xf32, #tpu.memory_space<vmem_shared>> -> memref<10048x128xf32, #tpu.memory_space<vmem_shared>>
    tpu.wait_indirect_dma semaphore(%arg15 : memref<!tpu.dma_semaphore, #tpu.memory_space<semaphore_mem>>) src(%dma_wait3A_799 : memref<128x128xf32, #tpu.memory_space<vmem>>) dst(%dma_wait3A_805 : memref<10048x128xf32, #tpu.memory_space<vmem_shared>>)
    %add3A_806 = arith.constant 78 : i32
    %add3A_807 = arith.addi %mul3A_2, %add3A_806 : i32
    %mul3A_808 = arith.constant 128 : i32
    %mul3A_809 = arith.muli %add3A_807, %mul3A_808 : i32
    %dma_wait3A_810 = arith.constant 0 : i32
    %dma_wait3A_811 = arith.constant 0 : i32
    %dma_wait3A_812 = tpu.memref_slice %arg5[%dma_wait3A_810, %dma_wait3A_811] : memref<3x128xi32, #tpu.memory_space<vmem>> -> memref<1x128xi32, #tpu.memory_space<vmem>>
    %dma_wait3A_813 = tpu.memref_squeeze %dma_wait3A_812 : memref<1x128xi32, #tpu.memory_space<vmem>> -> memref<128xi32, #tpu.memory_space<vmem>>
    %dma_wait3A_814 = tpu.memref_slice %arg2[%mul3A_809] : memref<331776xi32, #tpu.memory_space<hbm>> -> memref<128xi32, #tpu.memory_space<hbm>>
    %dma_wait3A_815 = arith.constant 0 : i32
    %dma_wait3A_816 = tpu.memref_slice %arg5[%dma_wait3A_810, %dma_wait3A_815] : memref<3x128xi32, #tpu.memory_space<vmem>> -> memref<1x128xi32, #tpu.memory_space<vmem>>
    %dma_wait3A_817 = tpu.memref_squeeze %dma_wait3A_816 : memref<1x128xi32, #tpu.memory_space<vmem>> -> memref<128xi32, #tpu.memory_space<vmem>>
    %dma_wait3A_818 = tpu.memref_slice %arg2[%mul3A_809] : memref<331776xi32, #tpu.memory_space<hbm>> -> memref<128xi32, #tpu.memory_space<hbm>>
    tpu.wait_dma2 semaphore(%arg9 : memref<!tpu.dma_semaphore, #tpu.memory_space<semaphore_mem>>) src(%dma_wait3A_818 : memref<128xi32, #tpu.memory_space<hbm>>) dst(%dma_wait3A_817 : memref<128xi32, #tpu.memory_space<vmem>>)
    %get3A_819 = arith.constant 0 : i32
    %get3A_820 = arith.index_cast %get3A_819 : i32 to index
    %get3A_821 = arith.constant 0 : index
    %get3A_822 = tpu.vector_load %arg5[%get3A_820, %get3A_821] {strides = array<i32>} : memref<3x128xi32, #tpu.memory_space<vmem>>, vector<1x16xi32>,
    %get3A_823 = vector.shape_cast %get3A_822 : vector<1x16xi32> to vector<16xi32>
    %and3A_824 = arith.constant 16383 : i32
    %and3A_825 = vector.broadcast %and3A_824 : i32 to vector<16xi32>
    %and3A_826 = arith.andi %get3A_823, %and3A_825 : vector<16xi32>
    %swap3A_827 = arith.constant 0 : i32
    %swap3A_828 = arith.index_cast %swap3A_827 : i32 to index
    %swap3A_829 = arith.constant 0 : index
    %swap3A_830 = tpu.vector_load %arg6[%swap3A_828, %swap3A_829] {strides = array<i32>} : memref<3x128xi32, #tpu.memory_space<vmem>>, vector<1x16xi32>,
    %swap3A_831 = vector.shape_cast %swap3A_830 : vector<1x16xi32> to vector<16xi32>
    %swap3A_832 = vector.shape_cast %and3A_826 : vector<16xi32> to vector<1x16xi32>
    tpu.vector_store %arg6[%swap3A_828, %swap3A_829], %swap3A_832 {strides = array<i32>} : memref<3x128xi32, #tpu.memory_space<vmem>>, vector<1x16xi32>,
    %shift_right_arithmetic3A_833 = arith.constant 14 : i32
    %shift_right_arithmetic3A_834 = vector.broadcast %shift_right_arithmetic3A_833 : i32 to vector<16xi32>
    %shift_right_arithmetic3A_835 = arith.shrsi %get3A_823, %shift_right_arithmetic3A_834 : vector<16xi32>
    %swap3A_836 = arith.constant 0 : i32
    %swap3A_837 = arith.index_cast %swap3A_836 : i32 to index
    %swap3A_838 = arith.constant 0 : index
    %swap3A_839 = tpu.vector_load %arg7[%swap3A_837, %swap3A_838] {strides = array<i32>} : memref<3x128xi32, #tpu.memory_space<vmem>>, vector<1x16xi32>,
    %swap3A_840 = vector.shape_cast %swap3A_839 : vector<1x16xi32> to vector<16xi32>
    %swap3A_841 = vector.shape_cast %shift_right_arithmetic3A_835 : vector<16xi32> to vector<1x16xi32>
    tpu.vector_store %arg7[%swap3A_837, %swap3A_838], %swap3A_841 {strides = array<i32>} : memref<3x128xi32, #tpu.memory_space<vmem>>, vector<1x16xi32>,
    %get3A_842 = arith.constant 0 : i32
    %get3A_843 = arith.index_cast %get3A_842 : i32 to index
    %get3A_844 = arith.constant 16 : index
    %get3A_845 = tpu.vector_load %arg5[%get3A_843, %get3A_844] {strides = array<i32>} : memref<3x128xi32, #tpu.memory_space<vmem>>, vector<1x16xi32>,
    %get3A_846 = vector.shape_cast %get3A_845 : vector<1x16xi32> to vector<16xi32>
    %and3A_847 = arith.constant 16383 : i32
    %and3A_848 = vector.broadcast %and3A_847 : i32 to vector<16xi32>
    %and3A_849 = arith.andi %get3A_846, %and3A_848 : vector<16xi32>
    %swap3A_850 = arith.constant 0 : i32
    %swap3A_851 = arith.index_cast %swap3A_850 : i32 to index
    %swap3A_852 = arith.constant 16 : index
    %swap3A_853 = tpu.vector_load %arg6[%swap3A_851, %swap3A_852] {strides = array<i32>} : memref<3x128xi32, #tpu.memory_space<vmem>>, vector<1x16xi32>,
    %swap3A_854 = vector.shape_cast %swap3A_853 : vector<1x16xi32> to vector<16xi32>
    %swap3A_855 = vector.shape_cast %and3A_849 : vector<16xi32> to vector<1x16xi32>
    tpu.vector_store %arg6[%swap3A_851, %swap3A_852], %swap3A_855 {strides = array<i32>} : memref<3x128xi32, #tpu.memory_space<vmem>>, vector<1x16xi32>,
    %shift_right_arithmetic3A_856 = arith.constant 14 : i32
    %shift_right_arithmetic3A_857 = vector.broadcast %shift_right_arithmetic3A_856 : i32 to vector<16xi32>
    %shift_right_arithmetic3A_858 = arith.shrsi %get3A_846, %shift_right_arithmetic3A_857 : vector<16xi32>
    %swap3A_859 = arith.constant 0 : i32
    %swap3A_860 = arith.index_cast %swap3A_859 : i32 to index
    %swap3A_861 = arith.constant 16 : index
    %swap3A_862 = tpu.vector_load %arg7[%swap3A_860, %swap3A_861] {strides = array<i32>} : memref<3x128xi32, #tpu.memory_space<vmem>>, vector<1x16xi32>,
    %swap3A_863 = vector.shape_cast %swap3A_862 : vector<1x16xi32> to vector<16xi32>
    %swap3A_864 = vector.shape_cast %shift_right_arithmetic3A_858 : vector<16xi32> to vector<1x16xi32>
    tpu.vector_store %arg7[%swap3A_860, %swap3A_861], %swap3A_864 {strides = array<i32>} : memref<3x128xi32, #tpu.memory_space<vmem>>, vector<1x16xi32>,
    %get3A_865 = arith.constant 0 : i32
    %get3A_866 = arith.index_cast %get3A_865 : i32 to index
    %get3A_867 = arith.constant 32 : index
    %get3A_868 = tpu.vector_load %arg5[%get3A_866, %get3A_867] {strides = array<i32>} : memref<3x128xi32, #tpu.memory_space<vmem>>, vector<1x16xi32>,
    %get3A_869 = vector.shape_cast %get3A_868 : vector<1x16xi32> to vector<16xi32>
    %and3A_870 = arith.constant 16383 : i32
    %and3A_871 = vector.broadcast %and3A_870 : i32 to vector<16xi32>
    %and3A_872 = arith.andi %get3A_869, %and3A_871 : vector<16xi32>
    %swap3A_873 = arith.constant 0 : i32
    %swap3A_874 = arith.index_cast %swap3A_873 : i32 to index
    %swap3A_875 = arith.constant 32 : index
    %swap3A_876 = tpu.vector_load %arg6[%swap3A_874, %swap3A_875] {strides = array<i32>} : memref<3x128xi32, #tpu.memory_space<vmem>>, vector<1x16xi32>,
    %swap3A_877 = vector.shape_cast %swap3A_876 : vector<1x16xi32> to vector<16xi32>
    %swap3A_878 = vector.shape_cast %and3A_872 : vector<16xi32> to vector<1x16xi32>
    tpu.vector_store %arg6[%swap3A_874, %swap3A_875], %swap3A_878 {strides = array<i32>} : memref<3x128xi32, #tpu.memory_space<vmem>>, vector<1x16xi32>,
    %shift_right_arithmetic3A_879 = arith.constant 14 : i32
    %shift_right_arithmetic3A_880 = vector.broadcast %shift_right_arithmetic3A_879 : i32 to vector<16xi32>
    %shift_right_arithmetic3A_881 = arith.shrsi %get3A_869, %shift_right_arithmetic3A_880 : vector<16xi32>
    %swap3A_882 = arith.constant 0 : i32
    %swap3A_883 = arith.index_cast %swap3A_882 : i32 to index
    %swap3A_884 = arith.constant 32 : index
    %swap3A_885 = tpu.vector_load %arg7[%swap3A_883, %swap3A_884] {strides = array<i32>} : memref<3x128xi32, #tpu.memory_space<vmem>>, vector<1x16xi32>,
    %swap3A_886 = vector.shape_cast %swap3A_885 : vector<1x16xi32> to vector<16xi32>
    %swap3A_887 = vector.shape_cast %shift_right_arithmetic3A_881 : vector<16xi32> to vector<1x16xi32>
    tpu.vector_store %arg7[%swap3A_883, %swap3A_884], %swap3A_887 {strides = array<i32>} : memref<3x128xi32, #tpu.memory_space<vmem>>, vector<1x16xi32>,
    %get3A_888 = arith.constant 0 : i32
    %get3A_889 = arith.index_cast %get3A_888 : i32 to index
    %get3A_890 = arith.constant 48 : index
    %get3A_891 = tpu.vector_load %arg5[%get3A_889, %get3A_890] {strides = array<i32>} : memref<3x128xi32, #tpu.memory_space<vmem>>, vector<1x16xi32>,
    %get3A_892 = vector.shape_cast %get3A_891 : vector<1x16xi32> to vector<16xi32>
    %and3A_893 = arith.constant 16383 : i32
    %and3A_894 = vector.broadcast %and3A_893 : i32 to vector<16xi32>
    %and3A_895 = arith.andi %get3A_892, %and3A_894 : vector<16xi32>
    %swap3A_896 = arith.constant 0 : i32
    %swap3A_897 = arith.index_cast %swap3A_896 : i32 to index
    %swap3A_898 = arith.constant 48 : index
    %swap3A_899 = tpu.vector_load %arg6[%swap3A_897, %swap3A_898] {strides = array<i32>} : memref<3x128xi32, #tpu.memory_space<vmem>>, vector<1x16xi32>,
    %swap3A_900 = vector.shape_cast %swap3A_899 : vector<1x16xi32> to vector<16xi32>
    %swap3A_901 = vector.shape_cast %and3A_895 : vector<16xi32> to vector<1x16xi32>
    tpu.vector_store %arg6[%swap3A_897, %swap3A_898], %swap3A_901 {strides = array<i32>} : memref<3x128xi32, #tpu.memory_space<vmem>>, vector<1x16xi32>,
    %shift_right_arithmetic3A_902 = arith.constant 14 : i32
    %shift_right_arithmetic3A_903 = vector.broadcast %shift_right_arithmetic3A_902 : i32 to vector<16xi32>
    %shift_right_arithmetic3A_904 = arith.shrsi %get3A_892, %shift_right_arithmetic3A_903 : vector<16xi32>
    %swap3A_905 = arith.constant 0 : i32
    %swap3A_906 = arith.index_cast %swap3A_905 : i32 to index
    %swap3A_907 = arith.constant 48 : index
    %swap3A_908 = tpu.vector_load %arg7[%swap3A_906, %swap3A_907] {strides = array<i32>} : memref<3x128xi32, #tpu.memory_space<vmem>>, vector<1x16xi32>,
    %swap3A_909 = vector.shape_cast %swap3A_908 : vector<1x16xi32> to vector<16xi32>
    %swap3A_910 = vector.shape_cast %shift_right_arithmetic3A_904 : vector<16xi32> to vector<1x16xi32>
    tpu.vector_store %arg7[%swap3A_906, %swap3A_907], %swap3A_910 {strides = array<i32>} : memref<3x128xi32, #tpu.memory_space<vmem>>, vector<1x16xi32>,
    %get3A_911 = arith.constant 0 : i32
    %get3A_912 = arith.index_cast %get3A_911 : i32 to index
    %get3A_913 = arith.constant 64 : index
    %get3A_914 = tpu.vector_load %arg5[%get3A_912, %get3A_913] {strides = array<i32>} : memref<3x128xi32, #tpu.memory_space<vmem>>, vector<1x16xi32>,
    %get3A_915 = vector.shape_cast %get3A_914 : vector<1x16xi32> to vector<16xi32>
    %and3A_916 = arith.constant 16383 : i32
    %and3A_917 = vector.broadcast %and3A_916 : i32 to vector<16xi32>
    %and3A_918 = arith.andi %get3A_915, %and3A_917 : vector<16xi32>
    %swap3A_919 = arith.constant 0 : i32
    %swap3A_920 = arith.index_cast %swap3A_919 : i32 to index
    %swap3A_921 = arith.constant 64 : index
    %swap3A_922 = tpu.vector_load %arg6[%swap3A_920, %swap3A_921] {strides = array<i32>} : memref<3x128xi32, #tpu.memory_space<vmem>>, vector<1x16xi32>,
    %swap3A_923 = vector.shape_cast %swap3A_922 : vector<1x16xi32> to vector<16xi32>
    %swap3A_924 = vector.shape_cast %and3A_918 : vector<16xi32> to vector<1x16xi32>
    tpu.vector_store %arg6[%swap3A_920, %swap3A_921], %swap3A_924 {strides = array<i32>} : memref<3x128xi32, #tpu.memory_space<vmem>>, vector<1x16xi32>,
    %shift_right_arithmetic3A_925 = arith.constant 14 : i32
    %shift_right_arithmetic3A_926 = vector.broadcast %shift_right_arithmetic3A_925 : i32 to vector<16xi32>
    %shift_right_arithmetic3A_927 = arith.shrsi %get3A_915, %shift_right_arithmetic3A_926 : vector<16xi32>
    %swap3A_928 = arith.constant 0 : i32
    %swap3A_929 = arith.index_cast %swap3A_928 : i32 to index
    %swap3A_930 = arith.constant 64 : index
    %swap3A_931 = tpu.vector_load %arg7[%swap3A_929, %swap3A_930] {strides = array<i32>} : memref<3x128xi32, #tpu.memory_space<vmem>>, vector<1x16xi32>,
    %swap3A_932 = vector.shape_cast %swap3A_931 : vector<1x16xi32> to vector<16xi32>
    %swap3A_933 = vector.shape_cast %shift_right_arithmetic3A_927 : vector<16xi32> to vector<1x16xi32>
    tpu.vector_store %arg7[%swap3A_929, %swap3A_930], %swap3A_933 {strides = array<i32>} : memref<3x128xi32, #tpu.memory_space<vmem>>, vector<1x16xi32>,
    %get3A_934 = arith.constant 0 : i32
    %get3A_935 = arith.index_cast %get3A_934 : i32 to index
    %get3A_936 = arith.constant 80 : index
    %get3A_937 = tpu.vector_load %arg5[%get3A_935, %get3A_936] {strides = array<i32>} : memref<3x128xi32, #tpu.memory_space<vmem>>, vector<1x16xi32>,
    %get3A_938 = vector.shape_cast %get3A_937 : vector<1x16xi32> to vector<16xi32>
    %and3A_939 = arith.constant 16383 : i32
    %and3A_940 = vector.broadcast %and3A_939 : i32 to vector<16xi32>
    %and3A_941 = arith.andi %get3A_938, %and3A_940 : vector<16xi32>
    %swap3A_942 = arith.constant 0 : i32
    %swap3A_943 = arith.index_cast %swap3A_942 : i32 to index
    %swap3A_944 = arith.constant 80 : index
    %swap3A_945 = tpu.vector_load %arg6[%swap3A_943, %swap3A_944] {strides = array<i32>} : memref<3x128xi32, #tpu.memory_space<vmem>>, vector<1x16xi32>,
    %swap3A_946 = vector.shape_cast %swap3A_945 : vector<1x16xi32> to vector<16xi32>
    %swap3A_947 = vector.shape_cast %and3A_941 : vector<16xi32> to vector<1x16xi32>
    tpu.vector_store %arg6[%swap3A_943, %swap3A_944], %swap3A_947 {strides = array<i32>} : memref<3x128xi32, #tpu.memory_space<vmem>>, vector<1x16xi32>,
    %shift_right_arithmetic3A_948 = arith.constant 14 : i32
    %shift_right_arithmetic3A_949 = vector.broadcast %shift_right_arithmetic3A_948 : i32 to vector<16xi32>
    %shift_right_arithmetic3A_950 = arith.shrsi %get3A_938, %shift_right_arithmetic3A_949 : vector<16xi32>
    %swap3A_951 = arith.constant 0 : i32
    %swap3A_952 = arith.index_cast %swap3A_951 : i32 to index
    %swap3A_953 = arith.constant 80 : index
    %swap3A_954 = tpu.vector_load %arg7[%swap3A_952, %swap3A_953] {strides = array<i32>} : memref<3x128xi32, #tpu.memory_space<vmem>>, vector<1x16xi32>,
    %swap3A_955 = vector.shape_cast %swap3A_954 : vector<1x16xi32> to vector<16xi32>
    %swap3A_956 = vector.shape_cast %shift_right_arithmetic3A_950 : vector<16xi32> to vector<1x16xi32>
    tpu.vector_store %arg7[%swap3A_952, %swap3A_953], %swap3A_956 {strides = array<i32>} : memref<3x128xi32, #tpu.memory_space<vmem>>, vector<1x16xi32>,
    %get3A_957 = arith.constant 0 : i32
    %get3A_958 = arith.index_cast %get3A_957 : i32 to index
    %get3A_959 = arith.constant 96 : index
    %get3A_960 = tpu.vector_load %arg5[%get3A_958, %get3A_959] {strides = array<i32>} : memref<3x128xi32, #tpu.memory_space<vmem>>, vector<1x16xi32>,
    %get3A_961 = vector.shape_cast %get3A_960 : vector<1x16xi32> to vector<16xi32>
    %and3A_962 = arith.constant 16383 : i32
    %and3A_963 = vector.broadcast %and3A_962 : i32 to vector<16xi32>
    %and3A_964 = arith.andi %get3A_961, %and3A_963 : vector<16xi32>
    %swap3A_965 = arith.constant 0 : i32
    %swap3A_966 = arith.index_cast %swap3A_965 : i32 to index
    %swap3A_967 = arith.constant 96 : index
    %swap3A_968 = tpu.vector_load %arg6[%swap3A_966, %swap3A_967] {strides = array<i32>} : memref<3x128xi32, #tpu.memory_space<vmem>>, vector<1x16xi32>,
    %swap3A_969 = vector.shape_cast %swap3A_968 : vector<1x16xi32> to vector<16xi32>
    %swap3A_970 = vector.shape_cast %and3A_964 : vector<16xi32> to vector<1x16xi32>
    tpu.vector_store %arg6[%swap3A_966, %swap3A_967], %swap3A_970 {strides = array<i32>} : memref<3x128xi32, #tpu.memory_space<vmem>>, vector<1x16xi32>,
    %shift_right_arithmetic3A_971 = arith.constant 14 : i32
    %shift_right_arithmetic3A_972 = vector.broadcast %shift_right_arithmetic3A_971 : i32 to vector<16xi32>
    %shift_right_arithmetic3A_973 = arith.shrsi %get3A_961, %shift_right_arithmetic3A_972 : vector<16xi32>
    %swap3A_974 = arith.constant 0 : i32
    %swap3A_975 = arith.index_cast %swap3A_974 : i32 to index
    %swap3A_976 = arith.constant 96 : index
    %swap3A_977 = tpu.vector_load %arg7[%swap3A_975, %swap3A_976] {strides = array<i32>} : memref<3x128xi32, #tpu.memory_space<vmem>>, vector<1x16xi32>,
    %swap3A_978 = vector.shape_cast %swap3A_977 : vector<1x16xi32> to vector<16xi32>
    %swap3A_979 = vector.shape_cast %shift_right_arithmetic3A_973 : vector<16xi32> to vector<1x16xi32>
    tpu.vector_store %arg7[%swap3A_975, %swap3A_976], %swap3A_979 {strides = array<i32>} : memref<3x128xi32, #tpu.memory_space<vmem>>, vector<1x16xi32>,
    %get3A_980 = arith.constant 0 : i32
    %get3A_981 = arith.index_cast %get3A_980 : i32 to index
    %get3A_982 = arith.constant 112 : index
    %get3A_983 = tpu.vector_load %arg5[%get3A_981, %get3A_982] {strides = array<i32>} : memref<3x128xi32, #tpu.memory_space<vmem>>, vector<1x16xi32>,
    %get3A_984 = vector.shape_cast %get3A_983 : vector<1x16xi32> to vector<16xi32>
    %and3A_985 = arith.constant 16383 : i32
    %and3A_986 = vector.broadcast %and3A_985 : i32 to vector<16xi32>
    %and3A_987 = arith.andi %get3A_984, %and3A_986 : vector<16xi32>
    %swap3A_988 = arith.constant 0 : i32
    %swap3A_989 = arith.index_cast %swap3A_988 : i32 to index
    %swap3A_990 = arith.constant 112 : index
    %swap3A_991 = tpu.vector_load %arg6[%swap3A_989, %swap3A_990] {strides = array<i32>} : memref<3x128xi32, #tpu.memory_space<vmem>>, vector<1x16xi32>,
    %swap3A_992 = vector.shape_cast %swap3A_991 : vector<1x16xi32> to vector<16xi32>
    %swap3A_993 = vector.shape_cast %and3A_987 : vector<16xi32> to vector<1x16xi32>
    tpu.vector_store %arg6[%swap3A_989, %swap3A_990], %swap3A_993 {strides = array<i32>} : memref<3x128xi32, #tpu.memory_space<vmem>>, vector<1x16xi32>,
    %shift_right_arithmetic3A_994 = arith.constant 14 : i32
    %shift_right_arithmetic3A_995 = vector.broadcast %shift_right_arithmetic3A_994 : i32 to vector<16xi32>
    %shift_right_arithmetic3A_996 = arith.shrsi %get3A_984, %shift_right_arithmetic3A_995 : vector<16xi32>
    %swap3A_997 = arith.constant 0 : i32
    %swap3A_998 = arith.index_cast %swap3A_997 : i32 to index
    %swap3A_999 = arith.constant 112 : index
    %swap3A_1000 = tpu.vector_load %arg7[%swap3A_998, %swap3A_999] {strides = array<i32>} : memref<3x128xi32, #tpu.memory_space<vmem>>, vector<1x16xi32>,
    %swap3A_1001 = vector.shape_cast %swap3A_1000 : vector<1x16xi32> to vector<16xi32>
    %swap3A_1002 = vector.shape_cast %shift_right_arithmetic3A_996 : vector<16xi32> to vector<1x16xi32>
    tpu.vector_store %arg7[%swap3A_998, %swap3A_999], %swap3A_1002 {strides = array<i32>} : memref<3x128xi32, #tpu.memory_space<vmem>>, vector<1x16xi32>,
    %dma_start3A_1003 = arith.constant 0 : i32
    %dma_start3A_1004 = arith.constant 0 : i32
    %dma_start3A_1005 = arith.constant 0 : i32
    %dma_start3A_1006 = arith.constant 0 : i32
    %dma_start3A_1007 = tpu.memref_slice %arg8[%dma_start3A_1004, %dma_start3A_1005, %dma_start3A_1006] : memref<3x128x128xf32, #tpu.memory_space<vmem>> -> memref<1x128x128xf32, #tpu.memory_space<vmem>>
    %dma_start3A_1008 = tpu.memref_squeeze %dma_start3A_1007 : memref<1x128x128xf32, #tpu.memory_space<vmem>> -> memref<128x128xf32, #tpu.memory_space<vmem>>
    %dma_start3A_1009 = arith.constant 0 : i32
    %dma_start3A_1010 = tpu.memref_slice %arg6[%dma_start3A_1003, %dma_start3A_1009] : memref<3x128xi32, #tpu.memory_space<vmem>> -> memref<1x128xi32, #tpu.memory_space<vmem>>
    %dma_start3A_1011 = tpu.memref_squeeze %dma_start3A_1010 : memref<1x128xi32, #tpu.memory_space<vmem>> -> memref<128xi32, #tpu.memory_space<vmem>>
    %dma_start3A_1012 = arith.constant 0 : i32
    %dma_start3A_1013 = arith.constant 0 : i32
    %dma_start3A_1014 = tpu.memref_slice %arg3[%dma_start3A_1012, %dma_start3A_1013] : memref<10000x128xf32, #tpu.memory_space<hbm>> -> memref<10000x128xf32, #tpu.memory_space<hbm>>
    tpu.enqueue_indirect_dma source(%dma_start3A_1014 : memref<10000x128xf32, #tpu.memory_space<hbm>>) target(%dma_start3A_1008 : memref<128x128xf32, #tpu.memory_space<vmem>>) offsets(%dma_start3A_1011 : memref<128xi32, #tpu.memory_space<vmem>>) semaphore(%arg12 : memref<!tpu.dma_semaphore, #tpu.memory_space<semaphore_mem>>)
    %dma_wait3A_1015 = arith.constant 2 : i32
    %dma_wait3A_1016 = arith.constant 2 : i32
    %dma_wait3A_1017 = arith.constant 0 : i32
    %dma_wait3A_1018 = arith.constant 0 : i32
    %dma_wait3A_1019 = tpu.memref_slice %arg8[%dma_wait3A_1016, %dma_wait3A_1017, %dma_wait3A_1018] : memref<3x128x128xf32, #tpu.memory_space<vmem>> -> memref<1x128x128xf32, #tpu.memory_space<vmem>>
    %dma_wait3A_1020 = tpu.memref_squeeze %dma_wait3A_1019 : memref<1x128x128xf32, #tpu.memory_space<vmem>> -> memref<128x128xf32, #tpu.memory_space<vmem>>
    %dma_wait3A_1021 = arith.constant 0 : i32
    %dma_wait3A_1022 = tpu.memref_slice %arg6[%dma_wait3A_1015, %dma_wait3A_1021] : memref<3x128xi32, #tpu.memory_space<vmem>> -> memref<1x128xi32, #tpu.memory_space<vmem>>
    %dma_wait3A_1023 = tpu.memref_squeeze %dma_wait3A_1022 : memref<1x128xi32, #tpu.memory_space<vmem>> -> memref<128xi32, #tpu.memory_space<vmem>>
    %dma_wait3A_1024 = arith.constant 0 : i32
    %dma_wait3A_1025 = arith.constant 0 : i32
    %dma_wait3A_1026 = tpu.memref_slice %arg3[%dma_wait3A_1024, %dma_wait3A_1025] : memref<10000x128xf32, #tpu.memory_space<hbm>> -> memref<10000x128xf32, #tpu.memory_space<hbm>>
    tpu.wait_indirect_dma semaphore(%arg14 : memref<!tpu.dma_semaphore, #tpu.memory_space<semaphore_mem>>) src(%dma_wait3A_1026 : memref<10000x128xf32, #tpu.memory_space<hbm>>) dst(%dma_wait3A_1020 : memref<128x128xf32, #tpu.memory_space<vmem>>)
    %dma_start3A_1027 = arith.constant 2 : i32
    %dma_start3A_1028 = arith.constant 2 : i32
    %dma_start3A_1029 = arith.constant 0 : i32
    %dma_start3A_1030 = arith.constant 0 : i32
    %dma_start3A_1031 = tpu.memref_slice %arg8[%dma_start3A_1027, %dma_start3A_1029, %dma_start3A_1030] : memref<3x128x128xf32, #tpu.memory_space<vmem>> -> memref<1x128x128xf32, #tpu.memory_space<vmem>>
    %dma_start3A_1032 = tpu.memref_squeeze %dma_start3A_1031 : memref<1x128x128xf32, #tpu.memory_space<vmem>> -> memref<128x128xf32, #tpu.memory_space<vmem>>
    %dma_start3A_1033 = arith.constant 0 : i32
    %dma_start3A_1034 = tpu.memref_slice %arg7[%dma_start3A_1028, %dma_start3A_1033] : memref<3x128xi32, #tpu.memory_space<vmem>> -> memref<1x128xi32, #tpu.memory_space<vmem>>
    %dma_start3A_1035 = tpu.memref_squeeze %dma_start3A_1034 : memref<1x128xi32, #tpu.memory_space<vmem>> -> memref<128xi32, #tpu.memory_space<vmem>>
    %dma_start3A_1036 = arith.constant 0 : i32
    %dma_start3A_1037 = arith.constant 0 : i32
    %dma_start3A_1038 = tpu.memref_slice %arg18[%dma_start3A_1036, %dma_start3A_1037] : memref<10048x128xf32, #tpu.memory_space<vmem_shared>> -> memref<10048x128xf32, #tpu.memory_space<vmem_shared>>
    tpu.enqueue_indirect_dma source(%dma_start3A_1032 : memref<128x128xf32, #tpu.memory_space<vmem>>) target(%dma_start3A_1038 : memref<10048x128xf32, #tpu.memory_space<vmem_shared>>) offsets(%dma_start3A_1035 : memref<128xi32, #tpu.memory_space<vmem>>) semaphore(%arg17 : memref<!tpu.dma_semaphore, #tpu.memory_space<semaphore_mem>>) {add = true}
    %dma_wait3A_1039 = arith.constant 1 : i32
    %dma_wait3A_1040 = arith.constant 1 : i32
    %dma_wait3A_1041 = arith.constant 0 : i32
    %dma_wait3A_1042 = arith.constant 0 : i32
    %dma_wait3A_1043 = tpu.memref_slice %arg8[%dma_wait3A_1039, %dma_wait3A_1041, %dma_wait3A_1042] : memref<3x128x128xf32, #tpu.memory_space<vmem>> -> memref<1x128x128xf32, #tpu.memory_space<vmem>>
    %dma_wait3A_1044 = tpu.memref_squeeze %dma_wait3A_1043 : memref<1x128x128xf32, #tpu.memory_space<vmem>> -> memref<128x128xf32, #tpu.memory_space<vmem>>
    %dma_wait3A_1045 = arith.constant 0 : i32
    %dma_wait3A_1046 = tpu.memref_slice %arg7[%dma_wait3A_1040, %dma_wait3A_1045] : memref<3x128xi32, #tpu.memory_space<vmem>> -> memref<1x128xi32, #tpu.memory_space<vmem>>
    %dma_wait3A_1047 = tpu.memref_squeeze %dma_wait3A_1046 : memref<1x128xi32, #tpu.memory_space<vmem>> -> memref<128xi32, #tpu.memory_space<vmem>>
    %dma_wait3A_1048 = arith.constant 0 : i32
    %dma_wait3A_1049 = arith.constant 0 : i32
    %dma_wait3A_1050 = tpu.memref_slice %arg18[%dma_wait3A_1048, %dma_wait3A_1049] : memref<10048x128xf32, #tpu.memory_space<vmem_shared>> -> memref<10048x128xf32, #tpu.memory_space<vmem_shared>>
    tpu.wait_indirect_dma semaphore(%arg16 : memref<!tpu.dma_semaphore, #tpu.memory_space<semaphore_mem>>) src(%dma_wait3A_1044 : memref<128x128xf32, #tpu.memory_space<vmem>>) dst(%dma_wait3A_1050 : memref<10048x128xf32, #tpu.memory_space<vmem_shared>>)
    %add3A_1051 = arith.constant 79 : i32
    %add3A_1052 = arith.addi %mul3A_2, %add3A_1051 : i32
    %mul3A_1053 = arith.constant 128 : i32
    %mul3A_1054 = arith.muli %add3A_1052, %mul3A_1053 : i32
    %dma_wait3A_1055 = arith.constant 1 : i32
    %dma_wait3A_1056 = arith.constant 0 : i32
    %dma_wait3A_1057 = tpu.memref_slice %arg5[%dma_wait3A_1055, %dma_wait3A_1056] : memref<3x128xi32, #tpu.memory_space<vmem>> -> memref<1x128xi32, #tpu.memory_space<vmem>>
    %dma_wait3A_1058 = tpu.memref_squeeze %dma_wait3A_1057 : memref<1x128xi32, #tpu.memory_space<vmem>> -> memref<128xi32, #tpu.memory_space<vmem>>
    %dma_wait3A_1059 = tpu.memref_slice %arg2[%mul3A_1054] : memref<331776xi32, #tpu.memory_space<hbm>> -> memref<128xi32, #tpu.memory_space<hbm>>
    %dma_wait3A_1060 = arith.constant 0 : i32
    %dma_wait3A_1061 = tpu.memref_slice %arg5[%dma_wait3A_1055, %dma_wait3A_1060] : memref<3x128xi32, #tpu.memory_space<vmem>> -> memref<1x128xi32, #tpu.memory_space<vmem>>
    %dma_wait3A_1062 = tpu.memref_squeeze %dma_wait3A_1061 : memref<1x128xi32, #tpu.memory_space<vmem>> -> memref<128xi32, #tpu.memory_space<vmem>>
    %dma_wait3A_1063 = tpu.memref_slice %arg2[%mul3A_1054] : memref<331776xi32, #tpu.memory_space<hbm>> -> memref<128xi32, #tpu.memory_space<hbm>>
    tpu.wait_dma2 semaphore(%arg10 : memref<!tpu.dma_semaphore, #tpu.memory_space<semaphore_mem>>) src(%dma_wait3A_1063 : memref<128xi32, #tpu.memory_space<hbm>>) dst(%dma_wait3A_1062 : memref<128xi32, #tpu.memory_space<vmem>>)
    %get3A_1064 = arith.constant 1 : i32
    %get3A_1065 = arith.index_cast %get3A_1064 : i32 to index
    %get3A_1066 = arith.constant 0 : index
    %get3A_1067 = tpu.vector_load %arg5[%get3A_1065, %get3A_1066] {strides = array<i32>} : memref<3x128xi32, #tpu.memory_space<vmem>>, vector<1x16xi32>,
    %get3A_1068 = vector.shape_cast %get3A_1067 : vector<1x16xi32> to vector<16xi32>
    %and3A_1069 = arith.constant 16383 : i32
    %and3A_1070 = vector.broadcast %and3A_1069 : i32 to vector<16xi32>
    %and3A_1071 = arith.andi %get3A_1068, %and3A_1070 : vector<16xi32>
    %swap3A_1072 = arith.constant 1 : i32
    %swap3A_1073 = arith.index_cast %swap3A_1072 : i32 to index
    %swap3A_1074 = arith.constant 0 : index
    %swap3A_1075 = tpu.vector_load %arg6[%swap3A_1073, %swap3A_1074] {strides = array<i32>} : memref<3x128xi32, #tpu.memory_space<vmem>>, vector<1x16xi32>,
    %swap3A_1076 = vector.shape_cast %swap3A_1075 : vector<1x16xi32> to vector<16xi32>
    %swap3A_1077 = vector.shape_cast %and3A_1071 : vector<16xi32> to vector<1x16xi32>
    tpu.vector_store %arg6[%swap3A_1073, %swap3A_1074], %swap3A_1077 {strides = array<i32>} : memref<3x128xi32, #tpu.memory_space<vmem>>, vector<1x16xi32>,
    %shift_right_arithmetic3A_1078 = arith.constant 14 : i32
    %shift_right_arithmetic3A_1079 = vector.broadcast %shift_right_arithmetic3A_1078 : i32 to vector<16xi32>
    %shift_right_arithmetic3A_1080 = arith.shrsi %get3A_1068, %shift_right_arithmetic3A_1079 : vector<16xi32>
    %swap3A_1081 = arith.constant 1 : i32
    %swap3A_1082 = arith.index_cast %swap3A_1081 : i32 to index
    %swap3A_1083 = arith.constant 0 : index
    %swap3A_1084 = tpu.vector_load %arg7[%swap3A_1082, %swap3A_1083] {strides = array<i32>} : memref<3x128xi32, #tpu.memory_space<vmem>>, vector<1x16xi32>,
    %swap3A_1085 = vector.shape_cast %swap3A_1084 : vector<1x16xi32> to vector<16xi32>
    %swap3A_1086 = vector.shape_cast %shift_right_arithmetic3A_1080 : vector<16xi32> to vector<1x16xi32>
    tpu.vector_store %arg7[%swap3A_1082, %swap3A_1083], %swap3A_1086 {strides = array<i32>} : memref<3x128xi32, #tpu.memory_space<vmem>>, vector<1x16xi32>,
    %get3A_1087 = arith.constant 1 : i32
    %get3A_1088 = arith.index_cast %get3A_1087 : i32 to index
    %get3A_1089 = arith.constant 16 : index
    %get3A_1090 = tpu.vector_load %arg5[%get3A_1088, %get3A_1089] {strides = array<i32>} : memref<3x128xi32, #tpu.memory_space<vmem>>, vector<1x16xi32>,
    %get3A_1091 = vector.shape_cast %get3A_1090 : vector<1x16xi32> to vector<16xi32>
    %and3A_1092 = arith.constant 16383 : i32
    %and3A_1093 = vector.broadcast %and3A_1092 : i32 to vector<16xi32>
    %and3A_1094 = arith.andi %get3A_1091, %and3A_1093 : vector<16xi32>
    %swap3A_1095 = arith.constant 1 : i32
    %swap3A_1096 = arith.index_cast %swap3A_1095 : i32 to index
    %swap3A_1097 = arith.constant 16 : index
    %swap3A_1098 = tpu.vector_load %arg6[%swap3A_1096, %swap3A_1097] {strides = array<i32>} : memref<3x128xi32, #tpu.memory_space<vmem>>, vector<1x16xi32>,
    %swap3A_1099 = vector.shape_cast %swap3A_1098 : vector<1x16xi32> to vector<16xi32>
    %swap3A_1100 = vector.shape_cast %and3A_1094 : vector<16xi32> to vector<1x16xi32>
    tpu.vector_store %arg6[%swap3A_1096, %swap3A_1097], %swap3A_1100 {strides = array<i32>} : memref<3x128xi32, #tpu.memory_space<vmem>>, vector<1x16xi32>,
    %shift_right_arithmetic3A_1101 = arith.constant 14 : i32
    %shift_right_arithmetic3A_1102 = vector.broadcast %shift_right_arithmetic3A_1101 : i32 to vector<16xi32>
    %shift_right_arithmetic3A_1103 = arith.shrsi %get3A_1091, %shift_right_arithmetic3A_1102 : vector<16xi32>
    %swap3A_1104 = arith.constant 1 : i32
    %swap3A_1105 = arith.index_cast %swap3A_1104 : i32 to index
    %swap3A_1106 = arith.constant 16 : index
    %swap3A_1107 = tpu.vector_load %arg7[%swap3A_1105, %swap3A_1106] {strides = array<i32>} : memref<3x128xi32, #tpu.memory_space<vmem>>, vector<1x16xi32>,
    %swap3A_1108 = vector.shape_cast %swap3A_1107 : vector<1x16xi32> to vector<16xi32>
    %swap3A_1109 = vector.shape_cast %shift_right_arithmetic3A_1103 : vector<16xi32> to vector<1x16xi32>
    tpu.vector_store %arg7[%swap3A_1105, %swap3A_1106], %swap3A_1109 {strides = array<i32>} : memref<3x128xi32, #tpu.memory_space<vmem>>, vector<1x16xi32>,
    %get3A_1110 = arith.constant 1 : i32
    %get3A_1111 = arith.index_cast %get3A_1110 : i32 to index
    %get3A_1112 = arith.constant 32 : index
    %get3A_1113 = tpu.vector_load %arg5[%get3A_1111, %get3A_1112] {strides = array<i32>} : memref<3x128xi32, #tpu.memory_space<vmem>>, vector<1x16xi32>,
    %get3A_1114 = vector.shape_cast %get3A_1113 : vector<1x16xi32> to vector<16xi32>
    %and3A_1115 = arith.constant 16383 : i32
    %and3A_1116 = vector.broadcast %and3A_1115 : i32 to vector<16xi32>
    %and3A_1117 = arith.andi %get3A_1114, %and3A_1116 : vector<16xi32>
    %swap3A_1118 = arith.constant 1 : i32
    %swap3A_1119 = arith.index_cast %swap3A_1118 : i32 to index
    %swap3A_1120 = arith.constant 32 : index
    %swap3A_1121 = tpu.vector_load %arg6[%swap3A_1119, %swap3A_1120] {strides = array<i32>} : memref<3x128xi32, #tpu.memory_space<vmem>>, vector<1x16xi32>,
    %swap3A_1122 = vector.shape_cast %swap3A_1121 : vector<1x16xi32> to vector<16xi32>
    %swap3A_1123 = vector.shape_cast %and3A_1117 : vector<16xi32> to vector<1x16xi32>
    tpu.vector_store %arg6[%swap3A_1119, %swap3A_1120], %swap3A_1123 {strides = array<i32>} : memref<3x128xi32, #tpu.memory_space<vmem>>, vector<1x16xi32>,
    %shift_right_arithmetic3A_1124 = arith.constant 14 : i32
    %shift_right_arithmetic3A_1125 = vector.broadcast %shift_right_arithmetic3A_1124 : i32 to vector<16xi32>
    %shift_right_arithmetic3A_1126 = arith.shrsi %get3A_1114, %shift_right_arithmetic3A_1125 : vector<16xi32>
    %swap3A_1127 = arith.constant 1 : i32
    %swap3A_1128 = arith.index_cast %swap3A_1127 : i32 to index
    %swap3A_1129 = arith.constant 32 : index
    %swap3A_1130 = tpu.vector_load %arg7[%swap3A_1128, %swap3A_1129] {strides = array<i32>} : memref<3x128xi32, #tpu.memory_space<vmem>>, vector<1x16xi32>,
    %swap3A_1131 = vector.shape_cast %swap3A_1130 : vector<1x16xi32> to vector<16xi32>
    %swap3A_1132 = vector.shape_cast %shift_right_arithmetic3A_1126 : vector<16xi32> to vector<1x16xi32>
    tpu.vector_store %arg7[%swap3A_1128, %swap3A_1129], %swap3A_1132 {strides = array<i32>} : memref<3x128xi32, #tpu.memory_space<vmem>>, vector<1x16xi32>,
    %get3A_1133 = arith.constant 1 : i32
    %get3A_1134 = arith.index_cast %get3A_1133 : i32 to index
    %get3A_1135 = arith.constant 48 : index
    %get3A_1136 = tpu.vector_load %arg5[%get3A_1134, %get3A_1135] {strides = array<i32>} : memref<3x128xi32, #tpu.memory_space<vmem>>, vector<1x16xi32>,
    %get3A_1137 = vector.shape_cast %get3A_1136 : vector<1x16xi32> to vector<16xi32>
    %and3A_1138 = arith.constant 16383 : i32
    %and3A_1139 = vector.broadcast %and3A_1138 : i32 to vector<16xi32>
    %and3A_1140 = arith.andi %get3A_1137, %and3A_1139 : vector<16xi32>
    %swap3A_1141 = arith.constant 1 : i32
    %swap3A_1142 = arith.index_cast %swap3A_1141 : i32 to index
    %swap3A_1143 = arith.constant 48 : index
    %swap3A_1144 = tpu.vector_load %arg6[%swap3A_1142, %swap3A_1143] {strides = array<i32>} : memref<3x128xi32, #tpu.memory_space<vmem>>, vector<1x16xi32>,
    %swap3A_1145 = vector.shape_cast %swap3A_1144 : vector<1x16xi32> to vector<16xi32>
    %swap3A_1146 = vector.shape_cast %and3A_1140 : vector<16xi32> to vector<1x16xi32>
    tpu.vector_store %arg6[%swap3A_1142, %swap3A_1143], %swap3A_1146 {strides = array<i32>} : memref<3x128xi32, #tpu.memory_space<vmem>>, vector<1x16xi32>,
    %shift_right_arithmetic3A_1147 = arith.constant 14 : i32
    %shift_right_arithmetic3A_1148 = vector.broadcast %shift_right_arithmetic3A_1147 : i32 to vector<16xi32>
    %shift_right_arithmetic3A_1149 = arith.shrsi %get3A_1137, %shift_right_arithmetic3A_1148 : vector<16xi32>
    %swap3A_1150 = arith.constant 1 : i32
    %swap3A_1151 = arith.index_cast %swap3A_1150 : i32 to index
    %swap3A_1152 = arith.constant 48 : index
    %swap3A_1153 = tpu.vector_load %arg7[%swap3A_1151, %swap3A_1152] {strides = array<i32>} : memref<3x128xi32, #tpu.memory_space<vmem>>, vector<1x16xi32>,
    %swap3A_1154 = vector.shape_cast %swap3A_1153 : vector<1x16xi32> to vector<16xi32>
    %swap3A_1155 = vector.shape_cast %shift_right_arithmetic3A_1149 : vector<16xi32> to vector<1x16xi32>
    tpu.vector_store %arg7[%swap3A_1151, %swap3A_1152], %swap3A_1155 {strides = array<i32>} : memref<3x128xi32, #tpu.memory_space<vmem>>, vector<1x16xi32>,
    %get3A_1156 = arith.constant 1 : i32
    %get3A_1157 = arith.index_cast %get3A_1156 : i32 to index
    %get3A_1158 = arith.constant 64 : index
    %get3A_1159 = tpu.vector_load %arg5[%get3A_1157, %get3A_1158] {strides = array<i32>} : memref<3x128xi32, #tpu.memory_space<vmem>>, vector<1x16xi32>,
    %get3A_1160 = vector.shape_cast %get3A_1159 : vector<1x16xi32> to vector<16xi32>
    %and3A_1161 = arith.constant 16383 : i32
    %and3A_1162 = vector.broadcast %and3A_1161 : i32 to vector<16xi32>
    %and3A_1163 = arith.andi %get3A_1160, %and3A_1162 : vector<16xi32>
    %swap3A_1164 = arith.constant 1 : i32
    %swap3A_1165 = arith.index_cast %swap3A_1164 : i32 to index
    %swap3A_1166 = arith.constant 64 : index
    %swap3A_1167 = tpu.vector_load %arg6[%swap3A_1165, %swap3A_1166] {strides = array<i32>} : memref<3x128xi32, #tpu.memory_space<vmem>>, vector<1x16xi32>,
    %swap3A_1168 = vector.shape_cast %swap3A_1167 : vector<1x16xi32> to vector<16xi32>
    %swap3A_1169 = vector.shape_cast %and3A_1163 : vector<16xi32> to vector<1x16xi32>
    tpu.vector_store %arg6[%swap3A_1165, %swap3A_1166], %swap3A_1169 {strides = array<i32>} : memref<3x128xi32, #tpu.memory_space<vmem>>, vector<1x16xi32>,
    %shift_right_arithmetic3A_1170 = arith.constant 14 : i32
    %shift_right_arithmetic3A_1171 = vector.broadcast %shift_right_arithmetic3A_1170 : i32 to vector<16xi32>
    %shift_right_arithmetic3A_1172 = arith.shrsi %get3A_1160, %shift_right_arithmetic3A_1171 : vector<16xi32>
    %swap3A_1173 = arith.constant 1 : i32
    %swap3A_1174 = arith.index_cast %swap3A_1173 : i32 to index
    %swap3A_1175 = arith.constant 64 : index
    %swap3A_1176 = tpu.vector_load %arg7[%swap3A_1174, %swap3A_1175] {strides = array<i32>} : memref<3x128xi32, #tpu.memory_space<vmem>>, vector<1x16xi32>,
    %swap3A_1177 = vector.shape_cast %swap3A_1176 : vector<1x16xi32> to vector<16xi32>
    %swap3A_1178 = vector.shape_cast %shift_right_arithmetic3A_1172 : vector<16xi32> to vector<1x16xi32>
    tpu.vector_store %arg7[%swap3A_1174, %swap3A_1175], %swap3A_1178 {strides = array<i32>} : memref<3x128xi32, #tpu.memory_space<vmem>>, vector<1x16xi32>,
    %get3A_1179 = arith.constant 1 : i32
    %get3A_1180 = arith.index_cast %get3A_1179 : i32 to index
    %get3A_1181 = arith.constant 80 : index
    %get3A_1182 = tpu.vector_load %arg5[%get3A_1180, %get3A_1181] {strides = array<i32>} : memref<3x128xi32, #tpu.memory_space<vmem>>, vector<1x16xi32>,
    %get3A_1183 = vector.shape_cast %get3A_1182 : vector<1x16xi32> to vector<16xi32>
    %and3A_1184 = arith.constant 16383 : i32
    %and3A_1185 = vector.broadcast %and3A_1184 : i32 to vector<16xi32>
    %and3A_1186 = arith.andi %get3A_1183, %and3A_1185 : vector<16xi32>
    %swap3A_1187 = arith.constant 1 : i32
    %swap3A_1188 = arith.index_cast %swap3A_1187 : i32 to index
    %swap3A_1189 = arith.constant 80 : index
    %swap3A_1190 = tpu.vector_load %arg6[%swap3A_1188, %swap3A_1189] {strides = array<i32>} : memref<3x128xi32, #tpu.memory_space<vmem>>, vector<1x16xi32>,
    %swap3A_1191 = vector.shape_cast %swap3A_1190 : vector<1x16xi32> to vector<16xi32>
    %swap3A_1192 = vector.shape_cast %and3A_1186 : vector<16xi32> to vector<1x16xi32>
    tpu.vector_store %arg6[%swap3A_1188, %swap3A_1189], %swap3A_1192 {strides = array<i32>} : memref<3x128xi32, #tpu.memory_space<vmem>>, vector<1x16xi32>,
    %shift_right_arithmetic3A_1193 = arith.constant 14 : i32
    %shift_right_arithmetic3A_1194 = vector.broadcast %shift_right_arithmetic3A_1193 : i32 to vector<16xi32>
    %shift_right_arithmetic3A_1195 = arith.shrsi %get3A_1183, %shift_right_arithmetic3A_1194 : vector<16xi32>
    %swap3A_1196 = arith.constant 1 : i32
    %swap3A_1197 = arith.index_cast %swap3A_1196 : i32 to index
    %swap3A_1198 = arith.constant 80 : index
    %swap3A_1199 = tpu.vector_load %arg7[%swap3A_1197, %swap3A_1198] {strides = array<i32>} : memref<3x128xi32, #tpu.memory_space<vmem>>, vector<1x16xi32>,
    %swap3A_1200 = vector.shape_cast %swap3A_1199 : vector<1x16xi32> to vector<16xi32>
    %swap3A_1201 = vector.shape_cast %shift_right_arithmetic3A_1195 : vector<16xi32> to vector<1x16xi32>
    tpu.vector_store %arg7[%swap3A_1197, %swap3A_1198], %swap3A_1201 {strides = array<i32>} : memref<3x128xi32, #tpu.memory_space<vmem>>, vector<1x16xi32>,
    %get3A_1202 = arith.constant 1 : i32
    %get3A_1203 = arith.index_cast %get3A_1202 : i32 to index
    %get3A_1204 = arith.constant 96 : index
    %get3A_1205 = tpu.vector_load %arg5[%get3A_1203, %get3A_1204] {strides = array<i32>} : memref<3x128xi32, #tpu.memory_space<vmem>>, vector<1x16xi32>,
    %get3A_1206 = vector.shape_cast %get3A_1205 : vector<1x16xi32> to vector<16xi32>
    %and3A_1207 = arith.constant 16383 : i32
    %and3A_1208 = vector.broadcast %and3A_1207 : i32 to vector<16xi32>
    %and3A_1209 = arith.andi %get3A_1206, %and3A_1208 : vector<16xi32>
    %swap3A_1210 = arith.constant 1 : i32
    %swap3A_1211 = arith.index_cast %swap3A_1210 : i32 to index
    %swap3A_1212 = arith.constant 96 : index
    %swap3A_1213 = tpu.vector_load %arg6[%swap3A_1211, %swap3A_1212] {strides = array<i32>} : memref<3x128xi32, #tpu.memory_space<vmem>>, vector<1x16xi32>,
    %swap3A_1214 = vector.shape_cast %swap3A_1213 : vector<1x16xi32> to vector<16xi32>
    %swap3A_1215 = vector.shape_cast %and3A_1209 : vector<16xi32> to vector<1x16xi32>
    tpu.vector_store %arg6[%swap3A_1211, %swap3A_1212], %swap3A_1215 {strides = array<i32>} : memref<3x128xi32, #tpu.memory_space<vmem>>, vector<1x16xi32>,
    %shift_right_arithmetic3A_1216 = arith.constant 14 : i32
    %shift_right_arithmetic3A_1217 = vector.broadcast %shift_right_arithmetic3A_1216 : i32 to vector<16xi32>
    %shift_right_arithmetic3A_1218 = arith.shrsi %get3A_1206, %shift_right_arithmetic3A_1217 : vector<16xi32>
    %swap3A_1219 = arith.constant 1 : i32
    %swap3A_1220 = arith.index_cast %swap3A_1219 : i32 to index
    %swap3A_1221 = arith.constant 96 : index
    %swap3A_1222 = tpu.vector_load %arg7[%swap3A_1220, %swap3A_1221] {strides = array<i32>} : memref<3x128xi32, #tpu.memory_space<vmem>>, vector<1x16xi32>,
    %swap3A_1223 = vector.shape_cast %swap3A_1222 : vector<1x16xi32> to vector<16xi32>
    %swap3A_1224 = vector.shape_cast %shift_right_arithmetic3A_1218 : vector<16xi32> to vector<1x16xi32>
    tpu.vector_store %arg7[%swap3A_1220, %swap3A_1221], %swap3A_1224 {strides = array<i32>} : memref<3x128xi32, #tpu.memory_space<vmem>>, vector<1x16xi32>,
    %get3A_1225 = arith.constant 1 : i32
    %get3A_1226 = arith.index_cast %get3A_1225 : i32 to index
    %get3A_1227 = arith.constant 112 : index
    %get3A_1228 = tpu.vector_load %arg5[%get3A_1226, %get3A_1227] {strides = array<i32>} : memref<3x128xi32, #tpu.memory_space<vmem>>, vector<1x16xi32>,
    %get3A_1229 = vector.shape_cast %get3A_1228 : vector<1x16xi32> to vector<16xi32>
    %and3A_1230 = arith.constant 16383 : i32
    %and3A_1231 = vector.broadcast %and3A_1230 : i32 to vector<16xi32>
    %and3A_1232 = arith.andi %get3A_1229, %and3A_1231 : vector<16xi32>
    %swap3A_1233 = arith.constant 1 : i32
    %swap3A_1234 = arith.index_cast %swap3A_1233 : i32 to index
    %swap3A_1235 = arith.constant 112 : index
    %swap3A_1236 = tpu.vector_load %arg6[%swap3A_1234, %swap3A_1235] {strides = array<i32>} : memref<3x128xi32, #tpu.memory_space<vmem>>, vector<1x16xi32>,
    %swap3A_1237 = vector.shape_cast %swap3A_1236 : vector<1x16xi32> to vector<16xi32>
    %swap3A_1238 = vector.shape_cast %and3A_1232 : vector<16xi32> to vector<1x16xi32>
    tpu.vector_store %arg6[%swap3A_1234, %swap3A_1235], %swap3A_1238 {strides = array<i32>} : memref<3x128xi32, #tpu.memory_space<vmem>>, vector<1x16xi32>,
    %shift_right_arithmetic3A_1239 = arith.constant 14 : i32
    %shift_right_arithmetic3A_1240 = vector.broadcast %shift_right_arithmetic3A_1239 : i32 to vector<16xi32>
    %shift_right_arithmetic3A_1241 = arith.shrsi %get3A_1229, %shift_right_arithmetic3A_1240 : vector<16xi32>
    %swap3A_1242 = arith.constant 1 : i32
    %swap3A_1243 = arith.index_cast %swap3A_1242 : i32 to index
    %swap3A_1244 = arith.constant 112 : index
    %swap3A_1245 = tpu.vector_load %arg7[%swap3A_1243, %swap3A_1244] {strides = array<i32>} : memref<3x128xi32, #tpu.memory_space<vmem>>, vector<1x16xi32>,
    %swap3A_1246 = vector.shape_cast %swap3A_1245 : vector<1x16xi32> to vector<16xi32>
    %swap3A_1247 = vector.shape_cast %shift_right_arithmetic3A_1241 : vector<16xi32> to vector<1x16xi32>
    tpu.vector_store %arg7[%swap3A_1243, %swap3A_1244], %swap3A_1247 {strides = array<i32>} : memref<3x128xi32, #tpu.memory_space<vmem>>, vector<1x16xi32>,
    %dma_start3A_1248 = arith.constant 1 : i32
    %dma_start3A_1249 = arith.constant 1 : i32
    %dma_start3A_1250 = arith.constant 0 : i32
    %dma_start3A_1251 = arith.constant 0 : i32
    %dma_start3A_1252 = tpu.memref_slice %arg8[%dma_start3A_1249, %dma_start3A_1250, %dma_start3A_1251] : memref<3x128x128xf32, #tpu.memory_space<vmem>> -> memref<1x128x128xf32, #tpu.memory_space<vmem>>
    %dma_start3A_1253 = tpu.memref_squeeze %dma_start3A_1252 : memref<1x128x128xf32, #tpu.memory_space<vmem>> -> memref<128x128xf32, #tpu.memory_space<vmem>>
    %dma_start3A_1254 = arith.constant 0 : i32
    %dma_start3A_1255 = tpu.memref_slice %arg6[%dma_start3A_1248, %dma_start3A_1254] : memref<3x128xi32, #tpu.memory_space<vmem>> -> memref<1x128xi32, #tpu.memory_space<vmem>>
    %dma_start3A_1256 = tpu.memref_squeeze %dma_start3A_1255 : memref<1x128xi32, #tpu.memory_space<vmem>> -> memref<128xi32, #tpu.memory_space<vmem>>
    %dma_start3A_1257 = arith.constant 0 : i32
    %dma_start3A_1258 = arith.constant 0 : i32
    %dma_start3A_1259 = tpu.memref_slice %arg3[%dma_start3A_1257, %dma_start3A_1258] : memref<10000x128xf32, #tpu.memory_space<hbm>> -> memref<10000x128xf32, #tpu.memory_space<hbm>>
    tpu.enqueue_indirect_dma source(%dma_start3A_1259 : memref<10000x128xf32, #tpu.memory_space<hbm>>) target(%dma_start3A_1253 : memref<128x128xf32, #tpu.memory_space<vmem>>) offsets(%dma_start3A_1256 : memref<128xi32, #tpu.memory_space<vmem>>) semaphore(%arg13 : memref<!tpu.dma_semaphore, #tpu.memory_space<semaphore_mem>>)
    %dma_wait3A_1260 = arith.constant 0 : i32
    %dma_wait3A_1261 = arith.constant 0 : i32
    %dma_wait3A_1262 = arith.constant 0 : i32
    %dma_wait3A_1263 = arith.constant 0 : i32
    %dma_wait3A_1264 = tpu.memref_slice %arg8[%dma_wait3A_1261, %dma_wait3A_1262, %dma_wait3A_1263] : memref<3x128x128xf32, #tpu.memory_space<vmem>> -> memref<1x128x128xf32, #tpu.memory_space<vmem>>
    %dma_wait3A_1265 = tpu.memref_squeeze %dma_wait3A_1264 : memref<1x128x128xf32, #tpu.memory_space<vmem>> -> memref<128x128xf32, #tpu.memory_space<vmem>>
    %dma_wait3A_1266 = arith.constant 0 : i32
    %dma_wait3A_1267 = tpu.memref_slice %arg6[%dma_wait3A_1260, %dma_wait3A_1266] : memref<3x128xi32, #tpu.memory_space<vmem>> -> memref<1x128xi32, #tpu.memory_space<vmem>>
    %dma_wait3A_1268 = tpu.memref_squeeze %dma_wait3A_1267 : memref<1x128xi32, #tpu.memory_space<vmem>> -> memref<128xi32, #tpu.memory_space<vmem>>
    %dma_wait3A_1269 = arith.constant 0 : i32
    %dma_wait3A_1270 = arith.constant 0 : i32
    %dma_wait3A_1271 = tpu.memref_slice %arg3[%dma_wait3A_1269, %dma_wait3A_1270] : memref<10000x128xf32, #tpu.memory_space<hbm>> -> memref<10000x128xf32, #tpu.memory_space<hbm>>
    tpu.wait_indirect_dma semaphore(%arg12 : memref<!tpu.dma_semaphore, #tpu.memory_space<semaphore_mem>>) src(%dma_wait3A_1271 : memref<10000x128xf32, #tpu.memory_space<hbm>>) dst(%dma_wait3A_1265 : memref<128x128xf32, #tpu.memory_space<vmem>>)
    %dma_start3A_1272 = arith.constant 0 : i32
    %dma_start3A_1273 = arith.constant 0 : i32
    %dma_start3A_1274 = arith.constant 0 : i32
    %dma_start3A_1275 = arith.constant 0 : i32
    %dma_start3A_1276 = tpu.memref_slice %arg8[%dma_start3A_1272, %dma_start3A_1274, %dma_start3A_1275] : memref<3x128x128xf32, #tpu.memory_space<vmem>> -> memref<1x128x128xf32, #tpu.memory_space<vmem>>
    %dma_start3A_1277 = tpu.memref_squeeze %dma_start3A_1276 : memref<1x128x128xf32, #tpu.memory_space<vmem>> -> memref<128x128xf32, #tpu.memory_space<vmem>>
    %dma_start3A_1278 = arith.constant 0 : i32
    %dma_start3A_1279 = tpu.memref_slice %arg7[%dma_start3A_1273, %dma_start3A_1278] : memref<3x128xi32, #tpu.memory_space<vmem>> -> memref<1x128xi32, #tpu.memory_space<vmem>>
    %dma_start3A_1280 = tpu.memref_squeeze %dma_start3A_1279 : memref<1x128xi32, #tpu.memory_space<vmem>> -> memref<128xi32, #tpu.memory_space<vmem>>
    %dma_start3A_1281 = arith.constant 0 : i32
    %dma_start3A_1282 = arith.constant 0 : i32
    %dma_start3A_1283 = tpu.memref_slice %arg18[%dma_start3A_1281, %dma_start3A_1282] : memref<10048x128xf32, #tpu.memory_space<vmem_shared>> -> memref<10048x128xf32, #tpu.memory_space<vmem_shared>>
    tpu.enqueue_indirect_dma source(%dma_start3A_1277 : memref<128x128xf32, #tpu.memory_space<vmem>>) target(%dma_start3A_1283 : memref<10048x128xf32, #tpu.memory_space<vmem_shared>>) offsets(%dma_start3A_1280 : memref<128xi32, #tpu.memory_space<vmem>>) semaphore(%arg15 : memref<!tpu.dma_semaphore, #tpu.memory_space<semaphore_mem>>) {add = true}
    %dma_wait3A_1284 = arith.constant 2 : i32
    %dma_wait3A_1285 = arith.constant 2 : i32
    %dma_wait3A_1286 = arith.constant 0 : i32
    %dma_wait3A_1287 = arith.constant 0 : i32
    %dma_wait3A_1288 = tpu.memref_slice %arg8[%dma_wait3A_1284, %dma_wait3A_1286, %dma_wait3A_1287] : memref<3x128x128xf32, #tpu.memory_space<vmem>> -> memref<1x128x128xf32, #tpu.memory_space<vmem>>
    %dma_wait3A_1289 = tpu.memref_squeeze %dma_wait3A_1288 : memref<1x128x128xf32, #tpu.memory_space<vmem>> -> memref<128x128xf32, #tpu.memory_space<vmem>>
    %dma_wait3A_1290 = arith.constant 0 : i32
    %dma_wait3A_1291 = tpu.memref_slice %arg7[%dma_wait3A_1285, %dma_wait3A_1290] : memref<3x128xi32, #tpu.memory_space<vmem>> -> memref<1x128xi32, #tpu.memory_space<vmem>>
    %dma_wait3A_1292 = tpu.memref_squeeze %dma_wait3A_1291 : memref<1x128xi32, #tpu.memory_space<vmem>> -> memref<128xi32, #tpu.memory_space<vmem>>
    %dma_wait3A_1293 = arith.constant 0 : i32
    %dma_wait3A_1294 = arith.constant 0 : i32
    %dma_wait3A_1295 = tpu.memref_slice %arg18[%dma_wait3A_1293, %dma_wait3A_1294] : memref<10048x128xf32, #tpu.memory_space<vmem_shared>> -> memref<10048x128xf32, #tpu.memory_space<vmem_shared>>
    tpu.wait_indirect_dma semaphore(%arg17 : memref<!tpu.dma_semaphore, #tpu.memory_space<semaphore_mem>>) src(%dma_wait3A_1289 : memref<128x128xf32, #tpu.memory_space<vmem>>) dst(%dma_wait3A_1295 : memref<10048x128xf32, #tpu.memory_space<vmem_shared>>)
    %add3A_1296 = arith.constant 80 : i32
    %add3A_1297 = arith.addi %mul3A_2, %add3A_1296 : i32
    %mul3A_1298 = arith.constant 128 : i32
    %mul3A_1299 = arith.muli %add3A_1297, %mul3A_1298 : i32
    %dma_wait3A_1300 = arith.constant 2 : i32
    %dma_wait3A_1301 = arith.constant 0 : i32
    %dma_wait3A_1302 = tpu.memref_slice %arg5[%dma_wait3A_1300, %dma_wait3A_1301] : memref<3x128xi32, #tpu.memory_space<vmem>> -> memref<1x128xi32, #tpu.memory_space<vmem>>
    %dma_wait3A_1303 = tpu.memref_squeeze %dma_wait3A_1302 : memref<1x128xi32, #tpu.memory_space<vmem>> -> memref<128xi32, #tpu.memory_space<vmem>>
    %dma_wait3A_1304 = tpu.memref_slice %arg2[%mul3A_1299] : memref<331776xi32, #tpu.memory_space<hbm>> -> memref<128xi32, #tpu.memory_space<hbm>>
    %dma_wait3A_1305 = arith.constant 0 : i32
    %dma_wait3A_1306 = tpu.memref_slice %arg5[%dma_wait3A_1300, %dma_wait3A_1305] : memref<3x128xi32, #tpu.memory_space<vmem>> -> memref<1x128xi32, #tpu.memory_space<vmem>>
    %dma_wait3A_1307 = tpu.memref_squeeze %dma_wait3A_1306 : memref<1x128xi32, #tpu.memory_space<vmem>> -> memref<128xi32, #tpu.memory_space<vmem>>
    %dma_wait3A_1308 = tpu.memref_slice %arg2[%mul3A_1299] : memref<331776xi32, #tpu.memory_space<hbm>> -> memref<128xi32, #tpu.memory_space<hbm>>
    tpu.wait_dma2 semaphore(%arg11 : memref<!tpu.dma_semaphore, #tpu.memory_space<semaphore_mem>>) src(%dma_wait3A_1308 : memref<128xi32, #tpu.memory_space<hbm>>) dst(%dma_wait3A_1307 : memref<128xi32, #tpu.memory_space<vmem>>)
    %get3A_1309 = arith.constant 2 : i32
    %get3A_1310 = arith.index_cast %get3A_1309 : i32 to index
    %get3A_1311 = arith.constant 0 : index
    %get3A_1312 = tpu.vector_load %arg5[%get3A_1310, %get3A_1311] {strides = array<i32>} : memref<3x128xi32, #tpu.memory_space<vmem>>, vector<1x16xi32>,
    %get3A_1313 = vector.shape_cast %get3A_1312 : vector<1x16xi32> to vector<16xi32>
    %and3A_1314 = arith.constant 16383 : i32
    %and3A_1315 = vector.broadcast %and3A_1314 : i32 to vector<16xi32>
    %and3A_1316 = arith.andi %get3A_1313, %and3A_1315 : vector<16xi32>
    %swap3A_1317 = arith.constant 2 : i32
    %swap3A_1318 = arith.index_cast %swap3A_1317 : i32 to index
    %swap3A_1319 = arith.constant 0 : index
    %swap3A_1320 = tpu.vector_load %arg6[%swap3A_1318, %swap3A_1319] {strides = array<i32>} : memref<3x128xi32, #tpu.memory_space<vmem>>, vector<1x16xi32>,
    %swap3A_1321 = vector.shape_cast %swap3A_1320 : vector<1x16xi32> to vector<16xi32>
    %swap3A_1322 = vector.shape_cast %and3A_1316 : vector<16xi32> to vector<1x16xi32>
    tpu.vector_store %arg6[%swap3A_1318, %swap3A_1319], %swap3A_1322 {strides = array<i32>} : memref<3x128xi32, #tpu.memory_space<vmem>>, vector<1x16xi32>,
    %shift_right_arithmetic3A_1323 = arith.constant 14 : i32
    %shift_right_arithmetic3A_1324 = vector.broadcast %shift_right_arithmetic3A_1323 : i32 to vector<16xi32>
    %shift_right_arithmetic3A_1325 = arith.shrsi %get3A_1313, %shift_right_arithmetic3A_1324 : vector<16xi32>
    %swap3A_1326 = arith.constant 2 : i32
    %swap3A_1327 = arith.index_cast %swap3A_1326 : i32 to index
    %swap3A_1328 = arith.constant 0 : index
    %swap3A_1329 = tpu.vector_load %arg7[%swap3A_1327, %swap3A_1328] {strides = array<i32>} : memref<3x128xi32, #tpu.memory_space<vmem>>, vector<1x16xi32>,
    %swap3A_1330 = vector.shape_cast %swap3A_1329 : vector<1x16xi32> to vector<16xi32>
    %swap3A_1331 = vector.shape_cast %shift_right_arithmetic3A_1325 : vector<16xi32> to vector<1x16xi32>
    tpu.vector_store %arg7[%swap3A_1327, %swap3A_1328], %swap3A_1331 {strides = array<i32>} : memref<3x128xi32, #tpu.memory_space<vmem>>, vector<1x16xi32>,
    %get3A_1332 = arith.constant 2 : i32
    %get3A_1333 = arith.index_cast %get3A_1332 : i32 to index
    %get3A_1334 = arith.constant 16 : index
    %get3A_1335 = tpu.vector_load %arg5[%get3A_1333, %get3A_1334] {strides = array<i32>} : memref<3x128xi32, #tpu.memory_space<vmem>>, vector<1x16xi32>,
    %get3A_1336 = vector.shape_cast %get3A_1335 : vector<1x16xi32> to vector<16xi32>
    %and3A_1337 = arith.constant 16383 : i32
    %and3A_1338 = vector.broadcast %and3A_1337 : i32 to vector<16xi32>
    %and3A_1339 = arith.andi %get3A_1336, %and3A_1338 : vector<16xi32>
    %swap3A_1340 = arith.constant 2 : i32
    %swap3A_1341 = arith.index_cast %swap3A_1340 : i32 to index
    %swap3A_1342 = arith.constant 16 : index
    %swap3A_1343 = tpu.vector_load %arg6[%swap3A_1341, %swap3A_1342] {strides = array<i32>} : memref<3x128xi32, #tpu.memory_space<vmem>>, vector<1x16xi32>,
    %swap3A_1344 = vector.shape_cast %swap3A_1343 : vector<1x16xi32> to vector<16xi32>
    %swap3A_1345 = vector.shape_cast %and3A_1339 : vector<16xi32> to vector<1x16xi32>
    tpu.vector_store %arg6[%swap3A_1341, %swap3A_1342], %swap3A_1345 {strides = array<i32>} : memref<3x128xi32, #tpu.memory_space<vmem>>, vector<1x16xi32>,
    %shift_right_arithmetic3A_1346 = arith.constant 14 : i32
    %shift_right_arithmetic3A_1347 = vector.broadcast %shift_right_arithmetic3A_1346 : i32 to vector<16xi32>
    %shift_right_arithmetic3A_1348 = arith.shrsi %get3A_1336, %shift_right_arithmetic3A_1347 : vector<16xi32>
    %swap3A_1349 = arith.constant 2 : i32
    %swap3A_1350 = arith.index_cast %swap3A_1349 : i32 to index
    %swap3A_1351 = arith.constant 16 : index
    %swap3A_1352 = tpu.vector_load %arg7[%swap3A_1350, %swap3A_1351] {strides = array<i32>} : memref<3x128xi32, #tpu.memory_space<vmem>>, vector<1x16xi32>,
    %swap3A_1353 = vector.shape_cast %swap3A_1352 : vector<1x16xi32> to vector<16xi32>
    %swap3A_1354 = vector.shape_cast %shift_right_arithmetic3A_1348 : vector<16xi32> to vector<1x16xi32>
    tpu.vector_store %arg7[%swap3A_1350, %swap3A_1351], %swap3A_1354 {strides = array<i32>} : memref<3x128xi32, #tpu.memory_space<vmem>>, vector<1x16xi32>,
    %get3A_1355 = arith.constant 2 : i32
    %get3A_1356 = arith.index_cast %get3A_1355 : i32 to index
    %get3A_1357 = arith.constant 32 : index
    %get3A_1358 = tpu.vector_load %arg5[%get3A_1356, %get3A_1357] {strides = array<i32>} : memref<3x128xi32, #tpu.memory_space<vmem>>, vector<1x16xi32>,
    %get3A_1359 = vector.shape_cast %get3A_1358 : vector<1x16xi32> to vector<16xi32>
    %and3A_1360 = arith.constant 16383 : i32
    %and3A_1361 = vector.broadcast %and3A_1360 : i32 to vector<16xi32>
    %and3A_1362 = arith.andi %get3A_1359, %and3A_1361 : vector<16xi32>
    %swap3A_1363 = arith.constant 2 : i32
    %swap3A_1364 = arith.index_cast %swap3A_1363 : i32 to index
    %swap3A_1365 = arith.constant 32 : index
    %swap3A_1366 = tpu.vector_load %arg6[%swap3A_1364, %swap3A_1365] {strides = array<i32>} : memref<3x128xi32, #tpu.memory_space<vmem>>, vector<1x16xi32>,
    %swap3A_1367 = vector.shape_cast %swap3A_1366 : vector<1x16xi32> to vector<16xi32>
    %swap3A_1368 = vector.shape_cast %and3A_1362 : vector<16xi32> to vector<1x16xi32>
    tpu.vector_store %arg6[%swap3A_1364, %swap3A_1365], %swap3A_1368 {strides = array<i32>} : memref<3x128xi32, #tpu.memory_space<vmem>>, vector<1x16xi32>,
    %shift_right_arithmetic3A_1369 = arith.constant 14 : i32
    %shift_right_arithmetic3A_1370 = vector.broadcast %shift_right_arithmetic3A_1369 : i32 to vector<16xi32>
    %shift_right_arithmetic3A_1371 = arith.shrsi %get3A_1359, %shift_right_arithmetic3A_1370 : vector<16xi32>
    %swap3A_1372 = arith.constant 2 : i32
    %swap3A_1373 = arith.index_cast %swap3A_1372 : i32 to index
    %swap3A_1374 = arith.constant 32 : index
    %swap3A_1375 = tpu.vector_load %arg7[%swap3A_1373, %swap3A_1374] {strides = array<i32>} : memref<3x128xi32, #tpu.memory_space<vmem>>, vector<1x16xi32>,
    %swap3A_1376 = vector.shape_cast %swap3A_1375 : vector<1x16xi32> to vector<16xi32>
    %swap3A_1377 = vector.shape_cast %shift_right_arithmetic3A_1371 : vector<16xi32> to vector<1x16xi32>
    tpu.vector_store %arg7[%swap3A_1373, %swap3A_1374], %swap3A_1377 {strides = array<i32>} : memref<3x128xi32, #tpu.memory_space<vmem>>, vector<1x16xi32>,
    %get3A_1378 = arith.constant 2 : i32
    %get3A_1379 = arith.index_cast %get3A_1378 : i32 to index
    %get3A_1380 = arith.constant 48 : index
    %get3A_1381 = tpu.vector_load %arg5[%get3A_1379, %get3A_1380] {strides = array<i32>} : memref<3x128xi32, #tpu.memory_space<vmem>>, vector<1x16xi32>,
    %get3A_1382 = vector.shape_cast %get3A_1381 : vector<1x16xi32> to vector<16xi32>
    %and3A_1383 = arith.constant 16383 : i32
    %and3A_1384 = vector.broadcast %and3A_1383 : i32 to vector<16xi32>
    %and3A_1385 = arith.andi %get3A_1382, %and3A_1384 : vector<16xi32>
    %swap3A_1386 = arith.constant 2 : i32
    %swap3A_1387 = arith.index_cast %swap3A_1386 : i32 to index
    %swap3A_1388 = arith.constant 48 : index
    %swap3A_1389 = tpu.vector_load %arg6[%swap3A_1387, %swap3A_1388] {strides = array<i32>} : memref<3x128xi32, #tpu.memory_space<vmem>>, vector<1x16xi32>,
    %swap3A_1390 = vector.shape_cast %swap3A_1389 : vector<1x16xi32> to vector<16xi32>
    %swap3A_1391 = vector.shape_cast %and3A_1385 : vector<16xi32> to vector<1x16xi32>
    tpu.vector_store %arg6[%swap3A_1387, %swap3A_1388], %swap3A_1391 {strides = array<i32>} : memref<3x128xi32, #tpu.memory_space<vmem>>, vector<1x16xi32>,
    %shift_right_arithmetic3A_1392 = arith.constant 14 : i32
    %shift_right_arithmetic3A_1393 = vector.broadcast %shift_right_arithmetic3A_1392 : i32 to vector<16xi32>
    %shift_right_arithmetic3A_1394 = arith.shrsi %get3A_1382, %shift_right_arithmetic3A_1393 : vector<16xi32>
    %swap3A_1395 = arith.constant 2 : i32
    %swap3A_1396 = arith.index_cast %swap3A_1395 : i32 to index
    %swap3A_1397 = arith.constant 48 : index
    %swap3A_1398 = tpu.vector_load %arg7[%swap3A_1396, %swap3A_1397] {strides = array<i32>} : memref<3x128xi32, #tpu.memory_space<vmem>>, vector<1x16xi32>,
    %swap3A_1399 = vector.shape_cast %swap3A_1398 : vector<1x16xi32> to vector<16xi32>
    %swap3A_1400 = vector.shape_cast %shift_right_arithmetic3A_1394 : vector<16xi32> to vector<1x16xi32>
    tpu.vector_store %arg7[%swap3A_1396, %swap3A_1397], %swap3A_1400 {strides = array<i32>} : memref<3x128xi32, #tpu.memory_space<vmem>>, vector<1x16xi32>,
    %get3A_1401 = arith.constant 2 : i32
    %get3A_1402 = arith.index_cast %get3A_1401 : i32 to index
    %get3A_1403 = arith.constant 64 : index
    %get3A_1404 = tpu.vector_load %arg5[%get3A_1402, %get3A_1403] {strides = array<i32>} : memref<3x128xi32, #tpu.memory_space<vmem>>, vector<1x16xi32>,
    %get3A_1405 = vector.shape_cast %get3A_1404 : vector<1x16xi32> to vector<16xi32>
    %and3A_1406 = arith.constant 16383 : i32
    %and3A_1407 = vector.broadcast %and3A_1406 : i32 to vector<16xi32>
    %and3A_1408 = arith.andi %get3A_1405, %and3A_1407 : vector<16xi32>
    %swap3A_1409 = arith.constant 2 : i32
    %swap3A_1410 = arith.index_cast %swap3A_1409 : i32 to index
    %swap3A_1411 = arith.constant 64 : index
    %swap3A_1412 = tpu.vector_load %arg6[%swap3A_1410, %swap3A_1411] {strides = array<i32>} : memref<3x128xi32, #tpu.memory_space<vmem>>, vector<1x16xi32>,
    %swap3A_1413 = vector.shape_cast %swap3A_1412 : vector<1x16xi32> to vector<16xi32>
    %swap3A_1414 = vector.shape_cast %and3A_1408 : vector<16xi32> to vector<1x16xi32>
    tpu.vector_store %arg6[%swap3A_1410, %swap3A_1411], %swap3A_1414 {strides = array<i32>} : memref<3x128xi32, #tpu.memory_space<vmem>>, vector<1x16xi32>,
    %shift_right_arithmetic3A_1415 = arith.constant 14 : i32
    %shift_right_arithmetic3A_1416 = vector.broadcast %shift_right_arithmetic3A_1415 : i32 to vector<16xi32>
    %shift_right_arithmetic3A_1417 = arith.shrsi %get3A_1405, %shift_right_arithmetic3A_1416 : vector<16xi32>
    %swap3A_1418 = arith.constant 2 : i32
    %swap3A_1419 = arith.index_cast %swap3A_1418 : i32 to index
    %swap3A_1420 = arith.constant 64 : index
    %swap3A_1421 = tpu.vector_load %arg7[%swap3A_1419, %swap3A_1420] {strides = array<i32>} : memref<3x128xi32, #tpu.memory_space<vmem>>, vector<1x16xi32>,
    %swap3A_1422 = vector.shape_cast %swap3A_1421 : vector<1x16xi32> to vector<16xi32>
    %swap3A_1423 = vector.shape_cast %shift_right_arithmetic3A_1417 : vector<16xi32> to vector<1x16xi32>
    tpu.vector_store %arg7[%swap3A_1419, %swap3A_1420], %swap3A_1423 {strides = array<i32>} : memref<3x128xi32, #tpu.memory_space<vmem>>, vector<1x16xi32>,
    %get3A_1424 = arith.constant 2 : i32
    %get3A_1425 = arith.index_cast %get3A_1424 : i32 to index
    %get3A_1426 = arith.constant 80 : index
    %get3A_1427 = tpu.vector_load %arg5[%get3A_1425, %get3A_1426] {strides = array<i32>} : memref<3x128xi32, #tpu.memory_space<vmem>>, vector<1x16xi32>,
    %get3A_1428 = vector.shape_cast %get3A_1427 : vector<1x16xi32> to vector<16xi32>
    %and3A_1429 = arith.constant 16383 : i32
    %and3A_1430 = vector.broadcast %and3A_1429 : i32 to vector<16xi32>
    %and3A_1431 = arith.andi %get3A_1428, %and3A_1430 : vector<16xi32>
    %swap3A_1432 = arith.constant 2 : i32
    %swap3A_1433 = arith.index_cast %swap3A_1432 : i32 to index
    %swap3A_1434 = arith.constant 80 : index
    %swap3A_1435 = tpu.vector_load %arg6[%swap3A_1433, %swap3A_1434] {strides = array<i32>} : memref<3x128xi32, #tpu.memory_space<vmem>>, vector<1x16xi32>,
    %swap3A_1436 = vector.shape_cast %swap3A_1435 : vector<1x16xi32> to vector<16xi32>
    %swap3A_1437 = vector.shape_cast %and3A_1431 : vector<16xi32> to vector<1x16xi32>
    tpu.vector_store %arg6[%swap3A_1433, %swap3A_1434], %swap3A_1437 {strides = array<i32>} : memref<3x128xi32, #tpu.memory_space<vmem>>, vector<1x16xi32>,
    %shift_right_arithmetic3A_1438 = arith.constant 14 : i32
    %shift_right_arithmetic3A_1439 = vector.broadcast %shift_right_arithmetic3A_1438 : i32 to vector<16xi32>
    %shift_right_arithmetic3A_1440 = arith.shrsi %get3A_1428, %shift_right_arithmetic3A_1439 : vector<16xi32>
    %swap3A_1441 = arith.constant 2 : i32
    %swap3A_1442 = arith.index_cast %swap3A_1441 : i32 to index
    %swap3A_1443 = arith.constant 80 : index
    %swap3A_1444 = tpu.vector_load %arg7[%swap3A_1442, %swap3A_1443] {strides = array<i32>} : memref<3x128xi32, #tpu.memory_space<vmem>>, vector<1x16xi32>,
    %swap3A_1445 = vector.shape_cast %swap3A_1444 : vector<1x16xi32> to vector<16xi32>
    %swap3A_1446 = vector.shape_cast %shift_right_arithmetic3A_1440 : vector<16xi32> to vector<1x16xi32>
    tpu.vector_store %arg7[%swap3A_1442, %swap3A_1443], %swap3A_1446 {strides = array<i32>} : memref<3x128xi32, #tpu.memory_space<vmem>>, vector<1x16xi32>,
    %get3A_1447 = arith.constant 2 : i32
    %get3A_1448 = arith.index_cast %get3A_1447 : i32 to index
    %get3A_1449 = arith.constant 96 : index
    %get3A_1450 = tpu.vector_load %arg5[%get3A_1448, %get3A_1449] {strides = array<i32>} : memref<3x128xi32, #tpu.memory_space<vmem>>, vector<1x16xi32>,
    %get3A_1451 = vector.shape_cast %get3A_1450 : vector<1x16xi32> to vector<16xi32>
    %and3A_1452 = arith.constant 16383 : i32
    %and3A_1453 = vector.broadcast %and3A_1452 : i32 to vector<16xi32>
    %and3A_1454 = arith.andi %get3A_1451, %and3A_1453 : vector<16xi32>
    %swap3A_1455 = arith.constant 2 : i32
    %swap3A_1456 = arith.index_cast %swap3A_1455 : i32 to index
    %swap3A_1457 = arith.constant 96 : index
    %swap3A_1458 = tpu.vector_load %arg6[%swap3A_1456, %swap3A_1457] {strides = array<i32>} : memref<3x128xi32, #tpu.memory_space<vmem>>, vector<1x16xi32>,
    %swap3A_1459 = vector.shape_cast %swap3A_1458 : vector<1x16xi32> to vector<16xi32>
    %swap3A_1460 = vector.shape_cast %and3A_1454 : vector<16xi32> to vector<1x16xi32>
    tpu.vector_store %arg6[%swap3A_1456, %swap3A_1457], %swap3A_1460 {strides = array<i32>} : memref<3x128xi32, #tpu.memory_space<vmem>>, vector<1x16xi32>,
    %shift_right_arithmetic3A_1461 = arith.constant 14 : i32
    %shift_right_arithmetic3A_1462 = vector.broadcast %shift_right_arithmetic3A_1461 : i32 to vector<16xi32>
    %shift_right_arithmetic3A_1463 = arith.shrsi %get3A_1451, %shift_right_arithmetic3A_1462 : vector<16xi32>
    %swap3A_1464 = arith.constant 2 : i32
    %swap3A_1465 = arith.index_cast %swap3A_1464 : i32 to index
    %swap3A_1466 = arith.constant 96 : index
    %swap3A_1467 = tpu.vector_load %arg7[%swap3A_1465, %swap3A_1466] {strides = array<i32>} : memref<3x128xi32, #tpu.memory_space<vmem>>, vector<1x16xi32>,
    %swap3A_1468 = vector.shape_cast %swap3A_1467 : vector<1x16xi32> to vector<16xi32>
    %swap3A_1469 = vector.shape_cast %shift_right_arithmetic3A_1463 : vector<16xi32> to vector<1x16xi32>
    tpu.vector_store %arg7[%swap3A_1465, %swap3A_1466], %swap3A_1469 {strides = array<i32>} : memref<3x128xi32, #tpu.memory_space<vmem>>, vector<1x16xi32>,
    %get3A_1470 = arith.constant 2 : i32
    %get3A_1471 = arith.index_cast %get3A_1470 : i32 to index
    %get3A_1472 = arith.constant 112 : index
    %get3A_1473 = tpu.vector_load %arg5[%get3A_1471, %get3A_1472] {strides = array<i32>} : memref<3x128xi32, #tpu.memory_space<vmem>>, vector<1x16xi32>,
    %get3A_1474 = vector.shape_cast %get3A_1473 : vector<1x16xi32> to vector<16xi32>
    %and3A_1475 = arith.constant 16383 : i32
    %and3A_1476 = vector.broadcast %and3A_1475 : i32 to vector<16xi32>
    %and3A_1477 = arith.andi %get3A_1474, %and3A_1476 : vector<16xi32>
    %swap3A_1478 = arith.constant 2 : i32
    %swap3A_1479 = arith.index_cast %swap3A_1478 : i32 to index
    %swap3A_1480 = arith.constant 112 : index
    %swap3A_1481 = tpu.vector_load %arg6[%swap3A_1479, %swap3A_1480] {strides = array<i32>} : memref<3x128xi32, #tpu.memory_space<vmem>>, vector<1x16xi32>,
    %swap3A_1482 = vector.shape_cast %swap3A_1481 : vector<1x16xi32> to vector<16xi32>
    %swap3A_1483 = vector.shape_cast %and3A_1477 : vector<16xi32> to vector<1x16xi32>
    tpu.vector_store %arg6[%swap3A_1479, %swap3A_1480], %swap3A_1483 {strides = array<i32>} : memref<3x128xi32, #tpu.memory_space<vmem>>, vector<1x16xi32>,
    %shift_right_arithmetic3A_1484 = arith.constant 14 : i32
    %shift_right_arithmetic3A_1485 = vector.broadcast %shift_right_arithmetic3A_1484 : i32 to vector<16xi32>
    %shift_right_arithmetic3A_1486 = arith.shrsi %get3A_1474, %shift_right_arithmetic3A_1485 : vector<16xi32>
    %swap3A_1487 = arith.constant 2 : i32
    %swap3A_1488 = arith.index_cast %swap3A_1487 : i32 to index
    %swap3A_1489 = arith.constant 112 : index
    %swap3A_1490 = tpu.vector_load %arg7[%swap3A_1488, %swap3A_1489] {strides = array<i32>} : memref<3x128xi32, #tpu.memory_space<vmem>>, vector<1x16xi32>,
    %swap3A_1491 = vector.shape_cast %swap3A_1490 : vector<1x16xi32> to vector<16xi32>
    %swap3A_1492 = vector.shape_cast %shift_right_arithmetic3A_1486 : vector<16xi32> to vector<1x16xi32>
    tpu.vector_store %arg7[%swap3A_1488, %swap3A_1489], %swap3A_1492 {strides = array<i32>} : memref<3x128xi32, #tpu.memory_space<vmem>>, vector<1x16xi32>,
    %dma_start3A_1493 = arith.constant 2 : i32
    %dma_start3A_1494 = arith.constant 2 : i32
    %dma_start3A_1495 = arith.constant 0 : i32
    %dma_start3A_1496 = arith.constant 0 : i32
    %dma_start3A_1497 = tpu.memref_slice %arg8[%dma_start3A_1494, %dma_start3A_1495, %dma_start3A_1496] : memref<3x128x128xf32, #tpu.memory_space<vmem>> -> memref<1x128x128xf32, #tpu.memory_space<vmem>>
    %dma_start3A_1498 = tpu.memref_squeeze %dma_start3A_1497 : memref<1x128x128xf32, #tpu.memory_space<vmem>> -> memref<128x128xf32, #tpu.memory_space<vmem>>
    %dma_start3A_1499 = arith.constant 0 : i32
    %dma_start3A_1500 = tpu.memref_slice %arg6[%dma_start3A_1493, %dma_start3A_1499] : memref<3x128xi32, #tpu.memory_space<vmem>> -> memref<1x128xi32, #tpu.memory_space<vmem>>
    %dma_start3A_1501 = tpu.memref_squeeze %dma_start3A_1500 : memref<1x128xi32, #tpu.memory_space<vmem>> -> memref<128xi32, #tpu.memory_space<vmem>>
    %dma_start3A_1502 = arith.constant 0 : i32
    %dma_start3A_1503 = arith.constant 0 : i32
    %dma_start3A_1504 = tpu.memref_slice %arg3[%dma_start3A_1502, %dma_start3A_1503] : memref<10000x128xf32, #tpu.memory_space<hbm>> -> memref<10000x128xf32, #tpu.memory_space<hbm>>
    tpu.enqueue_indirect_dma source(%dma_start3A_1504 : memref<10000x128xf32, #tpu.memory_space<hbm>>) target(%dma_start3A_1498 : memref<128x128xf32, #tpu.memory_space<vmem>>) offsets(%dma_start3A_1501 : memref<128xi32, #tpu.memory_space<vmem>>) semaphore(%arg14 : memref<!tpu.dma_semaphore, #tpu.memory_space<semaphore_mem>>)
    %dma_wait3A_1505 = arith.constant 1 : i32
    %dma_wait3A_1506 = arith.constant 1 : i32
    %dma_wait3A_1507 = arith.constant 0 : i32
    %dma_wait3A_1508 = arith.constant 0 : i32
    %dma_wait3A_1509 = tpu.memref_slice %arg8[%dma_wait3A_1506, %dma_wait3A_1507, %dma_wait3A_1508] : memref<3x128x128xf32, #tpu.memory_space<vmem>> -> memref<1x128x128xf32, #tpu.memory_space<vmem>>
    %dma_wait3A_1510 = tpu.memref_squeeze %dma_wait3A_1509 : memref<1x128x128xf32, #tpu.memory_space<vmem>> -> memref<128x128xf32, #tpu.memory_space<vmem>>
    %dma_wait3A_1511 = arith.constant 0 : i32
    %dma_wait3A_1512 = tpu.memref_slice %arg6[%dma_wait3A_1505, %dma_wait3A_1511] : memref<3x128xi32, #tpu.memory_space<vmem>> -> memref<1x128xi32, #tpu.memory_space<vmem>>
    %dma_wait3A_1513 = tpu.memref_squeeze %dma_wait3A_1512 : memref<1x128xi32, #tpu.memory_space<vmem>> -> memref<128xi32, #tpu.memory_space<vmem>>
    %dma_wait3A_1514 = arith.constant 0 : i32
    %dma_wait3A_1515 = arith.constant 0 : i32
    %dma_wait3A_1516 = tpu.memref_slice %arg3[%dma_wait3A_1514, %dma_wait3A_1515] : memref<10000x128xf32, #tpu.memory_space<hbm>> -> memref<10000x128xf32, #tpu.memory_space<hbm>>
    tpu.wait_indirect_dma semaphore(%arg13 : memref<!tpu.dma_semaphore, #tpu.memory_space<semaphore_mem>>) src(%dma_wait3A_1516 : memref<10000x128xf32, #tpu.memory_space<hbm>>) dst(%dma_wait3A_1510 : memref<128x128xf32, #tpu.memory_space<vmem>>)
    %dma_start3A_1517 = arith.constant 1 : i32
    %dma_start3A_1518 = arith.constant 1 : i32
    %dma_start3A_1519 = arith.constant 0 : i32
    %dma_start3A_1520 = arith.constant 0 : i32
    %dma_start3A_1521 = tpu.memref_slice %arg8[%dma_start3A_1517, %dma_start3A_1519, %dma_start3A_1520] : memref<3x128x128xf32, #tpu.memory_space<vmem>> -> memref<1x128x128xf32, #tpu.memory_space<vmem>>
    %dma_start3A_1522 = tpu.memref_squeeze %dma_start3A_1521 : memref<1x128x128xf32, #tpu.memory_space<vmem>> -> memref<128x128xf32, #tpu.memory_space<vmem>>
    %dma_start3A_1523 = arith.constant 0 : i32
    %dma_start3A_1524 = tpu.memref_slice %arg7[%dma_start3A_1518, %dma_start3A_1523] : memref<3x128xi32, #tpu.memory_space<vmem>> -> memref<1x128xi32, #tpu.memory_space<vmem>>
    %dma_start3A_1525 = tpu.memref_squeeze %dma_start3A_1524 : memref<1x128xi32, #tpu.memory_space<vmem>> -> memref<128xi32, #tpu.memory_space<vmem>>
    %dma_start3A_1526 = arith.constant 0 : i32
    %dma_start3A_1527 = arith.constant 0 : i32
    %dma_start3A_1528 = tpu.memref_slice %arg18[%dma_start3A_1526, %dma_start3A_1527] : memref<10048x128xf32, #tpu.memory_space<vmem_shared>> -> memref<10048x128xf32, #tpu.memory_space<vmem_shared>>
    tpu.enqueue_indirect_dma source(%dma_start3A_1522 : memref<128x128xf32, #tpu.memory_space<vmem>>) target(%dma_start3A_1528 : memref<10048x128xf32, #tpu.memory_space<vmem_shared>>) offsets(%dma_start3A_1525 : memref<128xi32, #tpu.memory_space<vmem>>) semaphore(%arg16 : memref<!tpu.dma_semaphore, #tpu.memory_space<semaphore_mem>>) {add = true}
    %dma_wait3A_1529 = arith.constant 0 : i32
    %dma_wait3A_1530 = arith.constant 0 : i32
    %dma_wait3A_1531 = arith.constant 0 : i32
    %dma_wait3A_1532 = arith.constant 0 : i32
    %dma_wait3A_1533 = tpu.memref_slice %arg8[%dma_wait3A_1529, %dma_wait3A_1531, %dma_wait3A_1532] : memref<3x128x128xf32, #tpu.memory_space<vmem>> -> memref<1x128x128xf32, #tpu.memory_space<vmem>>
    %dma_wait3A_1534 = tpu.memref_squeeze %dma_wait3A_1533 : memref<1x128x128xf32, #tpu.memory_space<vmem>> -> memref<128x128xf32, #tpu.memory_space<vmem>>
    %dma_wait3A_1535 = arith.constant 0 : i32
    %dma_wait3A_1536 = tpu.memref_slice %arg7[%dma_wait3A_1530, %dma_wait3A_1535] : memref<3x128xi32, #tpu.memory_space<vmem>> -> memref<1x128xi32, #tpu.memory_space<vmem>>
    %dma_wait3A_1537 = tpu.memref_squeeze %dma_wait3A_1536 : memref<1x128xi32, #tpu.memory_space<vmem>> -> memref<128xi32, #tpu.memory_space<vmem>>
    %dma_wait3A_1538 = arith.constant 0 : i32
    %dma_wait3A_1539 = arith.constant 0 : i32
    %dma_wait3A_1540 = tpu.memref_slice %arg18[%dma_wait3A_1538, %dma_wait3A_1539] : memref<10048x128xf32, #tpu.memory_space<vmem_shared>> -> memref<10048x128xf32, #tpu.memory_space<vmem_shared>>
    tpu.wait_indirect_dma semaphore(%arg15 : memref<!tpu.dma_semaphore, #tpu.memory_space<semaphore_mem>>) src(%dma_wait3A_1534 : memref<128x128xf32, #tpu.memory_space<vmem>>) dst(%dma_wait3A_1540 : memref<10048x128xf32, #tpu.memory_space<vmem_shared>>)
    %dma_wait3A_1541 = arith.constant 2 : i32
    %dma_wait3A_1542 = arith.constant 2 : i32
    %dma_wait3A_1543 = arith.constant 0 : i32
    %dma_wait3A_1544 = arith.constant 0 : i32
    %dma_wait3A_1545 = tpu.memref_slice %arg8[%dma_wait3A_1542, %dma_wait3A_1543, %dma_wait3A_1544] : memref<3x128x128xf32, #tpu.memory_space<vmem>> -> memref<1x128x128xf32, #tpu.memory_space<vmem>>
    %dma_wait3A_1546 = tpu.memref_squeeze %dma_wait3A_1545 : memref<1x128x128xf32, #tpu.memory_space<vmem>> -> memref<128x128xf32, #tpu.memory_space<vmem>>
    %dma_wait3A_1547 = arith.constant 0 : i32
    %dma_wait3A_1548 = tpu.memref_slice %arg6[%dma_wait3A_1541, %dma_wait3A_1547] : memref<3x128xi32, #tpu.memory_space<vmem>> -> memref<1x128xi32, #tpu.memory_space<vmem>>
    %dma_wait3A_1549 = tpu.memref_squeeze %dma_wait3A_1548 : memref<1x128xi32, #tpu.memory_space<vmem>> -> memref<128xi32, #tpu.memory_space<vmem>>
    %dma_wait3A_1550 = arith.constant 0 : i32
    %dma_wait3A_1551 = arith.constant 0 : i32
    %dma_wait3A_1552 = tpu.memref_slice %arg3[%dma_wait3A_1550, %dma_wait3A_1551] : memref<10000x128xf32, #tpu.memory_space<hbm>> -> memref<10000x128xf32, #tpu.memory_space<hbm>>
    tpu.wait_indirect_dma semaphore(%arg14 : memref<!tpu.dma_semaphore, #tpu.memory_space<semaphore_mem>>) src(%dma_wait3A_1552 : memref<10000x128xf32, #tpu.memory_space<hbm>>) dst(%dma_wait3A_1546 : memref<128x128xf32, #tpu.memory_space<vmem>>)
    %dma_start3A_1553 = arith.constant 2 : i32
    %dma_start3A_1554 = arith.constant 2 : i32
    %dma_start3A_1555 = arith.constant 0 : i32
    %dma_start3A_1556 = arith.constant 0 : i32
    %dma_start3A_1557 = tpu.memref_slice %arg8[%dma_start3A_1553, %dma_start3A_1555, %dma_start3A_1556] : memref<3x128x128xf32, #tpu.memory_space<vmem>> -> memref<1x128x128xf32, #tpu.memory_space<vmem>>
    %dma_start3A_1558 = tpu.memref_squeeze %dma_start3A_1557 : memref<1x128x128xf32, #tpu.memory_space<vmem>> -> memref<128x128xf32, #tpu.memory_space<vmem>>
    %dma_start3A_1559 = arith.constant 0 : i32
    %dma_start3A_1560 = tpu.memref_slice %arg7[%dma_start3A_1554, %dma_start3A_1559] : memref<3x128xi32, #tpu.memory_space<vmem>> -> memref<1x128xi32, #tpu.memory_space<vmem>>
    %dma_start3A_1561 = tpu.memref_squeeze %dma_start3A_1560 : memref<1x128xi32, #tpu.memory_space<vmem>> -> memref<128xi32, #tpu.memory_space<vmem>>
    %dma_start3A_1562 = arith.constant 0 : i32
    %dma_start3A_1563 = arith.constant 0 : i32
    %dma_start3A_1564 = tpu.memref_slice %arg18[%dma_start3A_1562, %dma_start3A_1563] : memref<10048x128xf32, #tpu.memory_space<vmem_shared>> -> memref<10048x128xf32, #tpu.memory_space<vmem_shared>>
    tpu.enqueue_indirect_dma source(%dma_start3A_1558 : memref<128x128xf32, #tpu.memory_space<vmem>>) target(%dma_start3A_1564 : memref<10048x128xf32, #tpu.memory_space<vmem_shared>>) offsets(%dma_start3A_1561 : memref<128xi32, #tpu.memory_space<vmem>>) semaphore(%arg17 : memref<!tpu.dma_semaphore, #tpu.memory_space<semaphore_mem>>) {add = true}
    %dma_wait3A_1565 = arith.constant 1 : i32
    %dma_wait3A_1566 = arith.constant 1 : i32
    %dma_wait3A_1567 = arith.constant 0 : i32
    %dma_wait3A_1568 = arith.constant 0 : i32
    %dma_wait3A_1569 = tpu.memref_slice %arg8[%dma_wait3A_1565, %dma_wait3A_1567, %dma_wait3A_1568] : memref<3x128x128xf32, #tpu.memory_space<vmem>> -> memref<1x128x128xf32, #tpu.memory_space<vmem>>
    %dma_wait3A_1570 = tpu.memref_squeeze %dma_wait3A_1569 : memref<1x128x128xf32, #tpu.memory_space<vmem>> -> memref<128x128xf32, #tpu.memory_space<vmem>>
    %dma_wait3A_1571 = arith.constant 0 : i32
    %dma_wait3A_1572 = tpu.memref_slice %arg7[%dma_wait3A_1566, %dma_wait3A_1571] : memref<3x128xi32, #tpu.memory_space<vmem>> -> memref<1x128xi32, #tpu.memory_space<vmem>>
    %dma_wait3A_1573 = tpu.memref_squeeze %dma_wait3A_1572 : memref<1x128xi32, #tpu.memory_space<vmem>> -> memref<128xi32, #tpu.memory_space<vmem>>
    %dma_wait3A_1574 = arith.constant 0 : i32
    %dma_wait3A_1575 = arith.constant 0 : i32
    %dma_wait3A_1576 = tpu.memref_slice %arg18[%dma_wait3A_1574, %dma_wait3A_1575] : memref<10048x128xf32, #tpu.memory_space<vmem_shared>> -> memref<10048x128xf32, #tpu.memory_space<vmem_shared>>
    tpu.wait_indirect_dma semaphore(%arg16 : memref<!tpu.dma_semaphore, #tpu.memory_space<semaphore_mem>>) src(%dma_wait3A_1570 : memref<128x128xf32, #tpu.memory_space<vmem>>) dst(%dma_wait3A_1576 : memref<10048x128xf32, #tpu.memory_space<vmem_shared>>)
    %dma_wait3A_1577 = arith.constant 2 : i32
    %dma_wait3A_1578 = arith.constant 2 : i32
    %dma_wait3A_1579 = arith.constant 0 : i32
    %dma_wait3A_1580 = arith.constant 0 : i32
    %dma_wait3A_1581 = tpu.memref_slice %arg8[%dma_wait3A_1577, %dma_wait3A_1579, %dma_wait3A_1580] : memref<3x128x128xf32, #tpu.memory_space<vmem>> -> memref<1x128x128xf32, #tpu.memory_space<vmem>>
    %dma_wait3A_1582 = tpu.memref_squeeze %dma_wait3A_1581 : memref<1x128x128xf32, #tpu.memory_space<vmem>> -> memref<128x128xf32, #tpu.memory_space<vmem>>
    %dma_wait3A_1583 = arith.constant 0 : i32
    %dma_wait3A_1584 = tpu.memref_slice %arg7[%dma_wait3A_1578, %dma_wait3A_1583] : memref<3x128xi32, #tpu.memory_space<vmem>> -> memref<1x128xi32, #tpu.memory_space<vmem>>
    %dma_wait3A_1585 = tpu.memref_squeeze %dma_wait3A_1584 : memref<1x128xi32, #tpu.memory_space<vmem>> -> memref<128xi32, #tpu.memory_space<vmem>>
    %dma_wait3A_1586 = arith.constant 0 : i32
    %dma_wait3A_1587 = arith.constant 0 : i32
    %dma_wait3A_1588 = tpu.memref_slice %arg18[%dma_wait3A_1586, %dma_wait3A_1587] : memref<10048x128xf32, #tpu.memory_space<vmem_shared>> -> memref<10048x128xf32, #tpu.memory_space<vmem_shared>>
    tpu.wait_indirect_dma semaphore(%arg17 : memref<!tpu.dma_semaphore, #tpu.memory_space<semaphore_mem>>) src(%dma_wait3A_1582 : memref<128x128xf32, #tpu.memory_space<vmem>>) dst(%dma_wait3A_1588 : memref<10048x128xf32, #tpu.memory_space<vmem_shared>>)
    %barrier3A_1589 = arith.constant 0 : index
    tpu.barrier barrier_id(%barrier3A_1589)
    %mul3A_1590 = arith.constant 10000 : i32
    %mul3A_1591 = arith.muli %arg0, %mul3A_1590 : i32
    %gt3A = arith.constant 0 : i32
    %gt3A_1592 = arith.cmpi sgt, %select_n3A, %gt3A : i32
    %convert_element_type3A_1593 = arith.extui %gt3A_1592 : i1 to i32
    %cond3A_1594 = arith.constant 0 : i32
    %cond3A_1595 = arith.cmpi ne, %convert_element_type3A_1593, %cond3A_1594 : i32
    scf.if %cond3A_1595 {
      %add3A_1649 = arith.constant 0 : i32
      %add3A_1650 = arith.addi %arg1, %add3A_1649 : i32
      %mul3A_1651 = arith.constant 128 : i32
      %mul3A_1652 = arith.muli %add3A_1650, %mul3A_1651 : i32
      %run_scoped3A = arith.constant 0 : i32
      "tpu.region"() ({
        %run_scoped3A_1667 = tpu.sem_alloc : memref<!tpu.dma_semaphore, #tpu.memory_space<semaphore_mem>>
        %dma_start3A_1668 = arith.constant 0 : i32
        %dma_start3A_1669 = arith.constant 0 : i32
        %dma_start3A_1670 = tpu.memref_slice %arg8[%run_scoped3A, %dma_start3A_1668, %dma_start3A_1669] : memref<3x128x128xf32, #tpu.memory_space<vmem>> -> memref<1x128x128xf32, #tpu.memory_space<vmem>>
        %dma_start3A_1671 = tpu.memref_squeeze %dma_start3A_1670 : memref<1x128x128xf32, #tpu.memory_space<vmem>> -> memref<128x128xf32, #tpu.memory_space<vmem>>
        %dma_start3A_1672 = arith.constant 0 : i32
        %dma_start3A_1673 = tpu.memref_slice %arg18[%mul3A_1652, %dma_start3A_1672] : memref<10048x128xf32, #tpu.memory_space<vmem_shared>> -> memref<128x128xf32, #tpu.memory_space<vmem_shared>>
        %dma_start3A_1674 = arith.constant 0 : i32
        %dma_start3A_1675 = arith.constant 0 : i32
        %dma_start3A_1676 = tpu.memref_slice %arg8[%run_scoped3A, %dma_start3A_1674, %dma_start3A_1675] : memref<3x128x128xf32, #tpu.memory_space<vmem>> -> memref<1x128x128xf32, #tpu.memory_space<vmem>>
        %dma_start3A_1677 = tpu.memref_squeeze %dma_start3A_1676 : memref<1x128x128xf32, #tpu.memory_space<vmem>> -> memref<128x128xf32, #tpu.memory_space<vmem>>
        %dma_start3A_1678 = arith.constant 0 : i32
        %dma_start3A_1679 = tpu.memref_slice %arg18[%mul3A_1652, %dma_start3A_1678] : memref<10048x128xf32, #tpu.memory_space<vmem_shared>> -> memref<128x128xf32, #tpu.memory_space<vmem_shared>>
        tpu.enqueue_dma source(%dma_start3A_1679 : memref<128x128xf32, #tpu.memory_space<vmem_shared>>) target(%dma_start3A_1677 : memref<128x128xf32, #tpu.memory_space<vmem>>) target_semaphore(%run_scoped3A_1667 : memref<!tpu.dma_semaphore, #tpu.memory_space<semaphore_mem>>)
        %dma_wait3A_1680 = arith.constant 0 : i32
        %dma_wait3A_1681 = arith.constant 0 : i32
        %dma_wait3A_1682 = tpu.memref_slice %arg8[%run_scoped3A, %dma_wait3A_1680, %dma_wait3A_1681] : memref<3x128x128xf32, #tpu.memory_space<vmem>> -> memref<1x128x128xf32, #tpu.memory_space<vmem>>
        %dma_wait3A_1683 = tpu.memref_squeeze %dma_wait3A_1682 : memref<1x128x128xf32, #tpu.memory_space<vmem>> -> memref<128x128xf32, #tpu.memory_space<vmem>>
        %dma_wait3A_1684 = arith.constant 0 : i32
        %dma_wait3A_1685 = tpu.memref_slice %arg18[%mul3A_1652, %dma_wait3A_1684] : memref<10048x128xf32, #tpu.memory_space<vmem_shared>> -> memref<128x128xf32, #tpu.memory_space<vmem_shared>>
        %dma_wait3A_1686 = arith.constant 0 : i32
        %dma_wait3A_1687 = arith.constant 0 : i32
        %dma_wait3A_1688 = tpu.memref_slice %arg8[%run_scoped3A, %dma_wait3A_1686, %dma_wait3A_1687] : memref<3x128x128xf32, #tpu.memory_space<vmem>> -> memref<1x128x128xf32, #tpu.memory_space<vmem>>
        %dma_wait3A_1689 = tpu.memref_squeeze %dma_wait3A_1688 : memref<1x128x128xf32, #tpu.memory_space<vmem>> -> memref<128x128xf32, #tpu.memory_space<vmem>>
        %dma_wait3A_1690 = arith.constant 0 : i32
        %dma_wait3A_1691 = tpu.memref_slice %arg18[%mul3A_1652, %dma_wait3A_1690] : memref<10048x128xf32, #tpu.memory_space<vmem_shared>> -> memref<128x128xf32, #tpu.memory_space<vmem_shared>>
        tpu.wait_dma2 semaphore(%run_scoped3A_1667 : memref<!tpu.dma_semaphore, #tpu.memory_space<semaphore_mem>>) src(%dma_wait3A_1691 : memref<128x128xf32, #tpu.memory_space<vmem_shared>>) dst(%dma_wait3A_1689 : memref<128x128xf32, #tpu.memory_space<vmem>>)
        tpu.yield
      }) : () -> ()
      %add3A_1653 = arith.addi %mul3A_1591, %mul3A_1652 : i32
      %dma_start3A_1654 = arith.constant 0 : i32
      %dma_start3A_1655 = arith.constant 0 : i32
      %dma_start3A_1656 = arith.constant 0 : i32
      %dma_start3A_1657 = tpu.memref_slice %arg8[%dma_start3A_1654, %dma_start3A_1655, %dma_start3A_1656] : memref<3x128x128xf32, #tpu.memory_space<vmem>> -> memref<1x128x128xf32, #tpu.memory_space<vmem>>
      %dma_start3A_1658 = tpu.memref_squeeze %dma_start3A_1657 : memref<1x128x128xf32, #tpu.memory_space<vmem>> -> memref<128x128xf32, #tpu.memory_space<vmem>>
      %dma_start3A_1659 = arith.constant 0 : i32
      %dma_start3A_1660 = tpu.memref_slice %arg4[%add3A_1653, %dma_start3A_1659] : memref<20000x128xf32, #tpu.memory_space<hbm>> -> memref<128x128xf32, #tpu.memory_space<hbm>>
      %dma_start3A_1661 = arith.constant 0 : i32
      %dma_start3A_1662 = tpu.memref_slice %arg4[%add3A_1653, %dma_start3A_1661] : memref<20000x128xf32, #tpu.memory_space<hbm>> -> memref<128x128xf32, #tpu.memory_space<hbm>>
      %dma_start3A_1663 = arith.constant 0 : i32
      %dma_start3A_1664 = arith.constant 0 : i32
      %dma_start3A_1665 = tpu.memref_slice %arg8[%dma_start3A_1654, %dma_start3A_1663, %dma_start3A_1664] : memref<3x128x128xf32, #tpu.memory_space<vmem>> -> memref<1x128x128xf32, #tpu.memory_space<vmem>>
      %dma_start3A_1666 = tpu.memref_squeeze %dma_start3A_1665 : memref<1x128x128xf32, #tpu.memory_space<vmem>> -> memref<128x128xf32, #tpu.memory_space<vmem>>
      tpu.enqueue_dma source(%dma_start3A_1666 : memref<128x128xf32, #tpu.memory_space<vmem>>) target(%dma_start3A_1662 : memref<128x128xf32, #tpu.memory_space<hbm>>) target_semaphore(%arg12 : memref<!tpu.dma_semaphore, #tpu.memory_space<semaphore_mem>>)
    } else {
    }
    %gt3A_1596 = arith.constant 1 : i32
    %gt3A_1597 = arith.cmpi sgt, %select_n3A, %gt3A_1596 : i32
    %convert_element_type3A_1598 = arith.extui %gt3A_1597 : i1 to i32
    %cond3A_1599 = arith.constant 0 : i32
    %cond3A_1600 = arith.cmpi ne, %convert_element_type3A_1598, %cond3A_1599 : i32
    scf.if %cond3A_1600 {
      %add3A_1649 = arith.constant 16 : i32
      %add3A_1650 = arith.addi %arg1, %add3A_1649 : i32
      %mul3A_1651 = arith.constant 128 : i32
      %mul3A_1652 = arith.muli %add3A_1650, %mul3A_1651 : i32
      %run_scoped3A = arith.constant 1 : i32
      "tpu.region"() ({
        %run_scoped3A_1667 = tpu.sem_alloc : memref<!tpu.dma_semaphore, #tpu.memory_space<semaphore_mem>>
        %dma_start3A_1668 = arith.constant 0 : i32
        %dma_start3A_1669 = arith.constant 0 : i32
        %dma_start3A_1670 = tpu.memref_slice %arg8[%run_scoped3A, %dma_start3A_1668, %dma_start3A_1669] : memref<3x128x128xf32, #tpu.memory_space<vmem>> -> memref<1x128x128xf32, #tpu.memory_space<vmem>>
        %dma_start3A_1671 = tpu.memref_squeeze %dma_start3A_1670 : memref<1x128x128xf32, #tpu.memory_space<vmem>> -> memref<128x128xf32, #tpu.memory_space<vmem>>
        %dma_start3A_1672 = arith.constant 0 : i32
        %dma_start3A_1673 = tpu.memref_slice %arg18[%mul3A_1652, %dma_start3A_1672] : memref<10048x128xf32, #tpu.memory_space<vmem_shared>> -> memref<128x128xf32, #tpu.memory_space<vmem_shared>>
        %dma_start3A_1674 = arith.constant 0 : i32
        %dma_start3A_1675 = arith.constant 0 : i32
        %dma_start3A_1676 = tpu.memref_slice %arg8[%run_scoped3A, %dma_start3A_1674, %dma_start3A_1675] : memref<3x128x128xf32, #tpu.memory_space<vmem>> -> memref<1x128x128xf32, #tpu.memory_space<vmem>>
        %dma_start3A_1677 = tpu.memref_squeeze %dma_start3A_1676 : memref<1x128x128xf32, #tpu.memory_space<vmem>> -> memref<128x128xf32, #tpu.memory_space<vmem>>
        %dma_start3A_1678 = arith.constant 0 : i32
        %dma_start3A_1679 = tpu.memref_slice %arg18[%mul3A_1652, %dma_start3A_1678] : memref<10048x128xf32, #tpu.memory_space<vmem_shared>> -> memref<128x128xf32, #tpu.memory_space<vmem_shared>>
        tpu.enqueue_dma source(%dma_start3A_1679 : memref<128x128xf32, #tpu.memory_space<vmem_shared>>) target(%dma_start3A_1677 : memref<128x128xf32, #tpu.memory_space<vmem>>) target_semaphore(%run_scoped3A_1667 : memref<!tpu.dma_semaphore, #tpu.memory_space<semaphore_mem>>)
        %dma_wait3A_1680 = arith.constant 0 : i32
        %dma_wait3A_1681 = arith.constant 0 : i32
        %dma_wait3A_1682 = tpu.memref_slice %arg8[%run_scoped3A, %dma_wait3A_1680, %dma_wait3A_1681] : memref<3x128x128xf32, #tpu.memory_space<vmem>> -> memref<1x128x128xf32, #tpu.memory_space<vmem>>
        %dma_wait3A_1683 = tpu.memref_squeeze %dma_wait3A_1682 : memref<1x128x128xf32, #tpu.memory_space<vmem>> -> memref<128x128xf32, #tpu.memory_space<vmem>>
        %dma_wait3A_1684 = arith.constant 0 : i32
        %dma_wait3A_1685 = tpu.memref_slice %arg18[%mul3A_1652, %dma_wait3A_1684] : memref<10048x128xf32, #tpu.memory_space<vmem_shared>> -> memref<128x128xf32, #tpu.memory_space<vmem_shared>>
        %dma_wait3A_1686 = arith.constant 0 : i32
        %dma_wait3A_1687 = arith.constant 0 : i32
        %dma_wait3A_1688 = tpu.memref_slice %arg8[%run_scoped3A, %dma_wait3A_1686, %dma_wait3A_1687] : memref<3x128x128xf32, #tpu.memory_space<vmem>> -> memref<1x128x128xf32, #tpu.memory_space<vmem>>
        %dma_wait3A_1689 = tpu.memref_squeeze %dma_wait3A_1688 : memref<1x128x128xf32, #tpu.memory_space<vmem>> -> memref<128x128xf32, #tpu.memory_space<vmem>>
        %dma_wait3A_1690 = arith.constant 0 : i32
        %dma_wait3A_1691 = tpu.memref_slice %arg18[%mul3A_1652, %dma_wait3A_1690] : memref<10048x128xf32, #tpu.memory_space<vmem_shared>> -> memref<128x128xf32, #tpu.memory_space<vmem_shared>>
        tpu.wait_dma2 semaphore(%run_scoped3A_1667 : memref<!tpu.dma_semaphore, #tpu.memory_space<semaphore_mem>>) src(%dma_wait3A_1691 : memref<128x128xf32, #tpu.memory_space<vmem_shared>>) dst(%dma_wait3A_1689 : memref<128x128xf32, #tpu.memory_space<vmem>>)
        tpu.yield
      }) : () -> ()
      %add3A_1653 = arith.addi %mul3A_1591, %mul3A_1652 : i32
      %dma_start3A_1654 = arith.constant 1 : i32
      %dma_start3A_1655 = arith.constant 0 : i32
      %dma_start3A_1656 = arith.constant 0 : i32
      %dma_start3A_1657 = tpu.memref_slice %arg8[%dma_start3A_1654, %dma_start3A_1655, %dma_start3A_1656] : memref<3x128x128xf32, #tpu.memory_space<vmem>> -> memref<1x128x128xf32, #tpu.memory_space<vmem>>
      %dma_start3A_1658 = tpu.memref_squeeze %dma_start3A_1657 : memref<1x128x128xf32, #tpu.memory_space<vmem>> -> memref<128x128xf32, #tpu.memory_space<vmem>>
      %dma_start3A_1659 = arith.constant 0 : i32
      %dma_start3A_1660 = tpu.memref_slice %arg4[%add3A_1653, %dma_start3A_1659] : memref<20000x128xf32, #tpu.memory_space<hbm>> -> memref<128x128xf32, #tpu.memory_space<hbm>>
      %dma_start3A_1661 = arith.constant 0 : i32
      %dma_start3A_1662 = tpu.memref_slice %arg4[%add3A_1653, %dma_start3A_1661] : memref<20000x128xf32, #tpu.memory_space<hbm>> -> memref<128x128xf32, #tpu.memory_space<hbm>>
      %dma_start3A_1663 = arith.constant 0 : i32
      %dma_start3A_1664 = arith.constant 0 : i32
      %dma_start3A_1665 = tpu.memref_slice %arg8[%dma_start3A_1654, %dma_start3A_1663, %dma_start3A_1664] : memref<3x128x128xf32, #tpu.memory_space<vmem>> -> memref<1x128x128xf32, #tpu.memory_space<vmem>>
      %dma_start3A_1666 = tpu.memref_squeeze %dma_start3A_1665 : memref<1x128x128xf32, #tpu.memory_space<vmem>> -> memref<128x128xf32, #tpu.memory_space<vmem>>
      tpu.enqueue_dma source(%dma_start3A_1666 : memref<128x128xf32, #tpu.memory_space<vmem>>) target(%dma_start3A_1662 : memref<128x128xf32, #tpu.memory_space<hbm>>) target_semaphore(%arg13 : memref<!tpu.dma_semaphore, #tpu.memory_space<semaphore_mem>>)
    } else {
    }
    %gt3A_1601 = arith.constant 2 : i32
    %gt3A_1602 = arith.cmpi sgt, %select_n3A, %gt3A_1601 : i32
    %convert_element_type3A_1603 = arith.extui %gt3A_1602 : i1 to i32
    %cond3A_1604 = arith.constant 0 : i32
    %cond3A_1605 = arith.cmpi ne, %convert_element_type3A_1603, %cond3A_1604 : i32
    scf.if %cond3A_1605 {
      %add3A_1649 = arith.constant 32 : i32
      %add3A_1650 = arith.addi %arg1, %add3A_1649 : i32
      %mul3A_1651 = arith.constant 128 : i32
      %mul3A_1652 = arith.muli %add3A_1650, %mul3A_1651 : i32
      %add3A_1653 = arith.constant 0 : i32
      %add3A_1654 = arith.addi %arg1, %add3A_1653 : i32
      %mul3A_1655 = arith.constant 128 : i32
      %mul3A_1656 = arith.muli %add3A_1654, %mul3A_1655 : i32
      %add3A_1657 = arith.addi %mul3A_1591, %mul3A_1656 : i32
      %dma_wait3A_1658 = arith.constant 0 : i32
      %dma_wait3A_1659 = arith.constant 0 : i32
      %dma_wait3A_1660 = arith.constant 0 : i32
      %dma_wait3A_1661 = tpu.memref_slice %arg8[%dma_wait3A_1658, %dma_wait3A_1659, %dma_wait3A_1660] : memref<3x128x128xf32, #tpu.memory_space<vmem>> -> memref<1x128x128xf32, #tpu.memory_space<vmem>>
      %dma_wait3A_1662 = tpu.memref_squeeze %dma_wait3A_1661 : memref<1x128x128xf32, #tpu.memory_space<vmem>> -> memref<128x128xf32, #tpu.memory_space<vmem>>
      %dma_wait3A_1663 = arith.constant 0 : i32
      %dma_wait3A_1664 = tpu.memref_slice %arg4[%add3A_1657, %dma_wait3A_1663] : memref<20000x128xf32, #tpu.memory_space<hbm>> -> memref<128x128xf32, #tpu.memory_space<hbm>>
      %dma_wait3A_1665 = arith.constant 0 : i32
      %dma_wait3A_1666 = tpu.memref_slice %arg4[%add3A_1657, %dma_wait3A_1665] : memref<20000x128xf32, #tpu.memory_space<hbm>> -> memref<128x128xf32, #tpu.memory_space<hbm>>
      %dma_wait3A_1667 = arith.constant 0 : i32
      %dma_wait3A_1668 = arith.constant 0 : i32
      %dma_wait3A_1669 = tpu.memref_slice %arg8[%dma_wait3A_1658, %dma_wait3A_1667, %dma_wait3A_1668] : memref<3x128x128xf32, #tpu.memory_space<vmem>> -> memref<1x128x128xf32, #tpu.memory_space<vmem>>
      %dma_wait3A_1670 = tpu.memref_squeeze %dma_wait3A_1669 : memref<1x128x128xf32, #tpu.memory_space<vmem>> -> memref<128x128xf32, #tpu.memory_space<vmem>>
      tpu.wait_dma2 semaphore(%arg12 : memref<!tpu.dma_semaphore, #tpu.memory_space<semaphore_mem>>) src(%dma_wait3A_1670 : memref<128x128xf32, #tpu.memory_space<vmem>>) dst(%dma_wait3A_1666 : memref<128x128xf32, #tpu.memory_space<hbm>>)
      %run_scoped3A = arith.constant 0 : i32
      "tpu.region"() ({
        %run_scoped3A_1685 = tpu.sem_alloc : memref<!tpu.dma_semaphore, #tpu.memory_space<semaphore_mem>>
        %dma_start3A_1686 = arith.constant 0 : i32
        %dma_start3A_1687 = arith.constant 0 : i32
        %dma_start3A_1688 = tpu.memref_slice %arg8[%run_scoped3A, %dma_start3A_1686, %dma_start3A_1687] : memref<3x128x128xf32, #tpu.memory_space<vmem>> -> memref<1x128x128xf32, #tpu.memory_space<vmem>>
        %dma_start3A_1689 = tpu.memref_squeeze %dma_start3A_1688 : memref<1x128x128xf32, #tpu.memory_space<vmem>> -> memref<128x128xf32, #tpu.memory_space<vmem>>
        %dma_start3A_1690 = arith.constant 0 : i32
        %dma_start3A_1691 = tpu.memref_slice %arg18[%mul3A_1652, %dma_start3A_1690] : memref<10048x128xf32, #tpu.memory_space<vmem_shared>> -> memref<128x128xf32, #tpu.memory_space<vmem_shared>>
        %dma_start3A_1692 = arith.constant 0 : i32
        %dma_start3A_1693 = arith.constant 0 : i32
        %dma_start3A_1694 = tpu.memref_slice %arg8[%run_scoped3A, %dma_start3A_1692, %dma_start3A_1693] : memref<3x128x128xf32, #tpu.memory_space<vmem>> -> memref<1x128x128xf32, #tpu.memory_space<vmem>>
        %dma_start3A_1695 = tpu.memref_squeeze %dma_start3A_1694 : memref<1x128x128xf32, #tpu.memory_space<vmem>> -> memref<128x128xf32, #tpu.memory_space<vmem>>
        %dma_start3A_1696 = arith.constant 0 : i32
        %dma_start3A_1697 = tpu.memref_slice %arg18[%mul3A_1652, %dma_start3A_1696] : memref<10048x128xf32, #tpu.memory_space<vmem_shared>> -> memref<128x128xf32, #tpu.memory_space<vmem_shared>>
        tpu.enqueue_dma source(%dma_start3A_1697 : memref<128x128xf32, #tpu.memory_space<vmem_shared>>) target(%dma_start3A_1695 : memref<128x128xf32, #tpu.memory_space<vmem>>) target_semaphore(%run_scoped3A_1685 : memref<!tpu.dma_semaphore, #tpu.memory_space<semaphore_mem>>)
        %dma_wait3A_1698 = arith.constant 0 : i32
        %dma_wait3A_1699 = arith.constant 0 : i32
        %dma_wait3A_1700 = tpu.memref_slice %arg8[%run_scoped3A, %dma_wait3A_1698, %dma_wait3A_1699] : memref<3x128x128xf32, #tpu.memory_space<vmem>> -> memref<1x128x128xf32, #tpu.memory_space<vmem>>
        %dma_wait3A_1701 = tpu.memref_squeeze %dma_wait3A_1700 : memref<1x128x128xf32, #tpu.memory_space<vmem>> -> memref<128x128xf32, #tpu.memory_space<vmem>>
        %dma_wait3A_1702 = arith.constant 0 : i32
        %dma_wait3A_1703 = tpu.memref_slice %arg18[%mul3A_1652, %dma_wait3A_1702] : memref<10048x128xf32, #tpu.memory_space<vmem_shared>> -> memref<128x128xf32, #tpu.memory_space<vmem_shared>>
        %dma_wait3A_1704 = arith.constant 0 : i32
        %dma_wait3A_1705 = arith.constant 0 : i32
        %dma_wait3A_1706 = tpu.memref_slice %arg8[%run_scoped3A, %dma_wait3A_1704, %dma_wait3A_1705] : memref<3x128x128xf32, #tpu.memory_space<vmem>> -> memref<1x128x128xf32, #tpu.memory_space<vmem>>
        %dma_wait3A_1707 = tpu.memref_squeeze %dma_wait3A_1706 : memref<1x128x128xf32, #tpu.memory_space<vmem>> -> memref<128x128xf32, #tpu.memory_space<vmem>>
        %dma_wait3A_1708 = arith.constant 0 : i32
        %dma_wait3A_1709 = tpu.memref_slice %arg18[%mul3A_1652, %dma_wait3A_1708] : memref<10048x128xf32, #tpu.memory_space<vmem_shared>> -> memref<128x128xf32, #tpu.memory_space<vmem_shared>>
        tpu.wait_dma2 semaphore(%run_scoped3A_1685 : memref<!tpu.dma_semaphore, #tpu.memory_space<semaphore_mem>>) src(%dma_wait3A_1709 : memref<128x128xf32, #tpu.memory_space<vmem_shared>>) dst(%dma_wait3A_1707 : memref<128x128xf32, #tpu.memory_space<vmem>>)
        tpu.yield
      }) : () -> ()
      %add3A_1671 = arith.addi %mul3A_1591, %mul3A_1652 : i32
      %dma_start3A_1672 = arith.constant 0 : i32
      %dma_start3A_1673 = arith.constant 0 : i32
      %dma_start3A_1674 = arith.constant 0 : i32
      %dma_start3A_1675 = tpu.memref_slice %arg8[%dma_start3A_1672, %dma_start3A_1673, %dma_start3A_1674] : memref<3x128x128xf32, #tpu.memory_space<vmem>> -> memref<1x128x128xf32, #tpu.memory_space<vmem>>
      %dma_start3A_1676 = tpu.memref_squeeze %dma_start3A_1675 : memref<1x128x128xf32, #tpu.memory_space<vmem>> -> memref<128x128xf32, #tpu.memory_space<vmem>>
      %dma_start3A_1677 = arith.constant 0 : i32
      %dma_start3A_1678 = tpu.memref_slice %arg4[%add3A_1671, %dma_start3A_1677] : memref<20000x128xf32, #tpu.memory_space<hbm>> -> memref<128x128xf32, #tpu.memory_space<hbm>>
      %dma_start3A_1679 = arith.constant 0 : i32
      %dma_start3A_1680 = tpu.memref_slice %arg4[%add3A_1671, %dma_start3A_1679] : memref<20000x128xf32, #tpu.memory_space<hbm>> -> memref<128x128xf32, #tpu.memory_space<hbm>>
      %dma_start3A_1681 = arith.constant 0 : i32
      %dma_start3A_1682 = arith.constant 0 : i32
      %dma_start3A_1683 = tpu.memref_slice %arg8[%dma_start3A_1672, %dma_start3A_1681, %dma_start3A_1682] : memref<3x128x128xf32, #tpu.memory_space<vmem>> -> memref<1x128x128xf32, #tpu.memory_space<vmem>>
      %dma_start3A_1684 = tpu.memref_squeeze %dma_start3A_1683 : memref<1x128x128xf32, #tpu.memory_space<vmem>> -> memref<128x128xf32, #tpu.memory_space<vmem>>
      tpu.enqueue_dma source(%dma_start3A_1684 : memref<128x128xf32, #tpu.memory_space<vmem>>) target(%dma_start3A_1680 : memref<128x128xf32, #tpu.memory_space<hbm>>) target_semaphore(%arg12 : memref<!tpu.dma_semaphore, #tpu.memory_space<semaphore_mem>>)
    } else {
    }
    %gt3A_1606 = arith.constant 3 : i32
    %gt3A_1607 = arith.cmpi sgt, %select_n3A, %gt3A_1606 : i32
    %convert_element_type3A_1608 = arith.extui %gt3A_1607 : i1 to i32
    %cond3A_1609 = arith.constant 0 : i32
    %cond3A_1610 = arith.cmpi ne, %convert_element_type3A_1608, %cond3A_1609 : i32
    scf.if %cond3A_1610 {
      %add3A_1649 = arith.constant 48 : i32
      %add3A_1650 = arith.addi %arg1, %add3A_1649 : i32
      %mul3A_1651 = arith.constant 128 : i32
      %mul3A_1652 = arith.muli %add3A_1650, %mul3A_1651 : i32
      %add3A_1653 = arith.constant 16 : i32
      %add3A_1654 = arith.addi %arg1, %add3A_1653 : i32
      %mul3A_1655 = arith.constant 128 : i32
      %mul3A_1656 = arith.muli %add3A_1654, %mul3A_1655 : i32
      %add3A_1657 = arith.addi %mul3A_1591, %mul3A_1656 : i32
      %dma_wait3A_1658 = arith.constant 1 : i32
      %dma_wait3A_1659 = arith.constant 0 : i32
      %dma_wait3A_1660 = arith.constant 0 : i32
      %dma_wait3A_1661 = tpu.memref_slice %arg8[%dma_wait3A_1658, %dma_wait3A_1659, %dma_wait3A_1660] : memref<3x128x128xf32, #tpu.memory_space<vmem>> -> memref<1x128x128xf32, #tpu.memory_space<vmem>>
      %dma_wait3A_1662 = tpu.memref_squeeze %dma_wait3A_1661 : memref<1x128x128xf32, #tpu.memory_space<vmem>> -> memref<128x128xf32, #tpu.memory_space<vmem>>
      %dma_wait3A_1663 = arith.constant 0 : i32
      %dma_wait3A_1664 = tpu.memref_slice %arg4[%add3A_1657, %dma_wait3A_1663] : memref<20000x128xf32, #tpu.memory_space<hbm>> -> memref<128x128xf32, #tpu.memory_space<hbm>>
      %dma_wait3A_1665 = arith.constant 0 : i32
      %dma_wait3A_1666 = tpu.memref_slice %arg4[%add3A_1657, %dma_wait3A_1665] : memref<20000x128xf32, #tpu.memory_space<hbm>> -> memref<128x128xf32, #tpu.memory_space<hbm>>
      %dma_wait3A_1667 = arith.constant 0 : i32
      %dma_wait3A_1668 = arith.constant 0 : i32
      %dma_wait3A_1669 = tpu.memref_slice %arg8[%dma_wait3A_1658, %dma_wait3A_1667, %dma_wait3A_1668] : memref<3x128x128xf32, #tpu.memory_space<vmem>> -> memref<1x128x128xf32, #tpu.memory_space<vmem>>
      %dma_wait3A_1670 = tpu.memref_squeeze %dma_wait3A_1669 : memref<1x128x128xf32, #tpu.memory_space<vmem>> -> memref<128x128xf32, #tpu.memory_space<vmem>>
      tpu.wait_dma2 semaphore(%arg13 : memref<!tpu.dma_semaphore, #tpu.memory_space<semaphore_mem>>) src(%dma_wait3A_1670 : memref<128x128xf32, #tpu.memory_space<vmem>>) dst(%dma_wait3A_1666 : memref<128x128xf32, #tpu.memory_space<hbm>>)
      %run_scoped3A = arith.constant 1 : i32
      "tpu.region"() ({
        %run_scoped3A_1685 = tpu.sem_alloc : memref<!tpu.dma_semaphore, #tpu.memory_space<semaphore_mem>>
        %dma_start3A_1686 = arith.constant 0 : i32
        %dma_start3A_1687 = arith.constant 0 : i32
        %dma_start3A_1688 = tpu.memref_slice %arg8[%run_scoped3A, %dma_start3A_1686, %dma_start3A_1687] : memref<3x128x128xf32, #tpu.memory_space<vmem>> -> memref<1x128x128xf32, #tpu.memory_space<vmem>>
        %dma_start3A_1689 = tpu.memref_squeeze %dma_start3A_1688 : memref<1x128x128xf32, #tpu.memory_space<vmem>> -> memref<128x128xf32, #tpu.memory_space<vmem>>
        %dma_start3A_1690 = arith.constant 0 : i32
        %dma_start3A_1691 = tpu.memref_slice %arg18[%mul3A_1652, %dma_start3A_1690] : memref<10048x128xf32, #tpu.memory_space<vmem_shared>> -> memref<128x128xf32, #tpu.memory_space<vmem_shared>>
        %dma_start3A_1692 = arith.constant 0 : i32
        %dma_start3A_1693 = arith.constant 0 : i32
        %dma_start3A_1694 = tpu.memref_slice %arg8[%run_scoped3A, %dma_start3A_1692, %dma_start3A_1693] : memref<3x128x128xf32, #tpu.memory_space<vmem>> -> memref<1x128x128xf32, #tpu.memory_space<vmem>>
        %dma_start3A_1695 = tpu.memref_squeeze %dma_start3A_1694 : memref<1x128x128xf32, #tpu.memory_space<vmem>> -> memref<128x128xf32, #tpu.memory_space<vmem>>
        %dma_start3A_1696 = arith.constant 0 : i32
        %dma_start3A_1697 = tpu.memref_slice %arg18[%mul3A_1652, %dma_start3A_1696] : memref<10048x128xf32, #tpu.memory_space<vmem_shared>> -> memref<128x128xf32, #tpu.memory_space<vmem_shared>>
        tpu.enqueue_dma source(%dma_start3A_1697 : memref<128x128xf32, #tpu.memory_space<vmem_shared>>) target(%dma_start3A_1695 : memref<128x128xf32, #tpu.memory_space<vmem>>) target_semaphore(%run_scoped3A_1685 : memref<!tpu.dma_semaphore, #tpu.memory_space<semaphore_mem>>)
        %dma_wait3A_1698 = arith.constant 0 : i32
        %dma_wait3A_1699 = arith.constant 0 : i32
        %dma_wait3A_1700 = tpu.memref_slice %arg8[%run_scoped3A, %dma_wait3A_1698, %dma_wait3A_1699] : memref<3x128x128xf32, #tpu.memory_space<vmem>> -> memref<1x128x128xf32, #tpu.memory_space<vmem>>
        %dma_wait3A_1701 = tpu.memref_squeeze %dma_wait3A_1700 : memref<1x128x128xf32, #tpu.memory_space<vmem>> -> memref<128x128xf32, #tpu.memory_space<vmem>>
        %dma_wait3A_1702 = arith.constant 0 : i32
        %dma_wait3A_1703 = tpu.memref_slice %arg18[%mul3A_1652, %dma_wait3A_1702] : memref<10048x128xf32, #tpu.memory_space<vmem_shared>> -> memref<128x128xf32, #tpu.memory_space<vmem_shared>>
        %dma_wait3A_1704 = arith.constant 0 : i32
        %dma_wait3A_1705 = arith.constant 0 : i32
        %dma_wait3A_1706 = tpu.memref_slice %arg8[%run_scoped3A, %dma_wait3A_1704, %dma_wait3A_1705] : memref<3x128x128xf32, #tpu.memory_space<vmem>> -> memref<1x128x128xf32, #tpu.memory_space<vmem>>
        %dma_wait3A_1707 = tpu.memref_squeeze %dma_wait3A_1706 : memref<1x128x128xf32, #tpu.memory_space<vmem>> -> memref<128x128xf32, #tpu.memory_space<vmem>>
        %dma_wait3A_1708 = arith.constant 0 : i32
        %dma_wait3A_1709 = tpu.memref_slice %arg18[%mul3A_1652, %dma_wait3A_1708] : memref<10048x128xf32, #tpu.memory_space<vmem_shared>> -> memref<128x128xf32, #tpu.memory_space<vmem_shared>>
        tpu.wait_dma2 semaphore(%run_scoped3A_1685 : memref<!tpu.dma_semaphore, #tpu.memory_space<semaphore_mem>>) src(%dma_wait3A_1709 : memref<128x128xf32, #tpu.memory_space<vmem_shared>>) dst(%dma_wait3A_1707 : memref<128x128xf32, #tpu.memory_space<vmem>>)
        tpu.yield
      }) : () -> ()
      %add3A_1671 = arith.addi %mul3A_1591, %mul3A_1652 : i32
      %dma_start3A_1672 = arith.constant 1 : i32
      %dma_start3A_1673 = arith.constant 0 : i32
      %dma_start3A_1674 = arith.constant 0 : i32
      %dma_start3A_1675 = tpu.memref_slice %arg8[%dma_start3A_1672, %dma_start3A_1673, %dma_start3A_1674] : memref<3x128x128xf32, #tpu.memory_space<vmem>> -> memref<1x128x128xf32, #tpu.memory_space<vmem>>
      %dma_start3A_1676 = tpu.memref_squeeze %dma_start3A_1675 : memref<1x128x128xf32, #tpu.memory_space<vmem>> -> memref<128x128xf32, #tpu.memory_space<vmem>>
      %dma_start3A_1677 = arith.constant 0 : i32
      %dma_start3A_1678 = tpu.memref_slice %arg4[%add3A_1671, %dma_start3A_1677] : memref<20000x128xf32, #tpu.memory_space<hbm>> -> memref<128x128xf32, #tpu.memory_space<hbm>>
      %dma_start3A_1679 = arith.constant 0 : i32
      %dma_start3A_1680 = tpu.memref_slice %arg4[%add3A_1671, %dma_start3A_1679] : memref<20000x128xf32, #tpu.memory_space<hbm>> -> memref<128x128xf32, #tpu.memory_space<hbm>>
      %dma_start3A_1681 = arith.constant 0 : i32
      %dma_start3A_1682 = arith.constant 0 : i32
      %dma_start3A_1683 = tpu.memref_slice %arg8[%dma_start3A_1672, %dma_start3A_1681, %dma_start3A_1682] : memref<3x128x128xf32, #tpu.memory_space<vmem>> -> memref<1x128x128xf32, #tpu.memory_space<vmem>>
      %dma_start3A_1684 = tpu.memref_squeeze %dma_start3A_1683 : memref<1x128x128xf32, #tpu.memory_space<vmem>> -> memref<128x128xf32, #tpu.memory_space<vmem>>
      tpu.enqueue_dma source(%dma_start3A_1684 : memref<128x128xf32, #tpu.memory_space<vmem>>) target(%dma_start3A_1680 : memref<128x128xf32, #tpu.memory_space<hbm>>) target_semaphore(%arg13 : memref<!tpu.dma_semaphore, #tpu.memory_space<semaphore_mem>>)
    } else {
    }
    %gt3A_1611 = arith.constant 4 : i32
    %gt3A_1612 = arith.cmpi sgt, %select_n3A, %gt3A_1611 : i32
    %convert_element_type3A_1613 = arith.extui %gt3A_1612 : i1 to i32
    %cond3A_1614 = arith.constant 0 : i32
    %cond3A_1615 = arith.cmpi ne, %convert_element_type3A_1613, %cond3A_1614 : i32
    scf.if %cond3A_1615 {
      %add3A_1649 = arith.constant 64 : i32
      %add3A_1650 = arith.addi %arg1, %add3A_1649 : i32
      %mul3A_1651 = arith.constant 128 : i32
      %mul3A_1652 = arith.muli %add3A_1650, %mul3A_1651 : i32
      %add3A_1653 = arith.constant 32 : i32
      %add3A_1654 = arith.addi %arg1, %add3A_1653 : i32
      %mul3A_1655 = arith.constant 128 : i32
      %mul3A_1656 = arith.muli %add3A_1654, %mul3A_1655 : i32
      %add3A_1657 = arith.addi %mul3A_1591, %mul3A_1656 : i32
      %dma_wait3A_1658 = arith.constant 0 : i32
      %dma_wait3A_1659 = arith.constant 0 : i32
      %dma_wait3A_1660 = arith.constant 0 : i32
      %dma_wait3A_1661 = tpu.memref_slice %arg8[%dma_wait3A_1658, %dma_wait3A_1659, %dma_wait3A_1660] : memref<3x128x128xf32, #tpu.memory_space<vmem>> -> memref<1x128x128xf32, #tpu.memory_space<vmem>>
      %dma_wait3A_1662 = tpu.memref_squeeze %dma_wait3A_1661 : memref<1x128x128xf32, #tpu.memory_space<vmem>> -> memref<128x128xf32, #tpu.memory_space<vmem>>
      %dma_wait3A_1663 = arith.constant 0 : i32
      %dma_wait3A_1664 = tpu.memref_slice %arg4[%add3A_1657, %dma_wait3A_1663] : memref<20000x128xf32, #tpu.memory_space<hbm>> -> memref<128x128xf32, #tpu.memory_space<hbm>>
      %dma_wait3A_1665 = arith.constant 0 : i32
      %dma_wait3A_1666 = tpu.memref_slice %arg4[%add3A_1657, %dma_wait3A_1665] : memref<20000x128xf32, #tpu.memory_space<hbm>> -> memref<128x128xf32, #tpu.memory_space<hbm>>
      %dma_wait3A_1667 = arith.constant 0 : i32
      %dma_wait3A_1668 = arith.constant 0 : i32
      %dma_wait3A_1669 = tpu.memref_slice %arg8[%dma_wait3A_1658, %dma_wait3A_1667, %dma_wait3A_1668] : memref<3x128x128xf32, #tpu.memory_space<vmem>> -> memref<1x128x128xf32, #tpu.memory_space<vmem>>
      %dma_wait3A_1670 = tpu.memref_squeeze %dma_wait3A_1669 : memref<1x128x128xf32, #tpu.memory_space<vmem>> -> memref<128x128xf32, #tpu.memory_space<vmem>>
      tpu.wait_dma2 semaphore(%arg12 : memref<!tpu.dma_semaphore, #tpu.memory_space<semaphore_mem>>) src(%dma_wait3A_1670 : memref<128x128xf32, #tpu.memory_space<vmem>>) dst(%dma_wait3A_1666 : memref<128x128xf32, #tpu.memory_space<hbm>>)
      %run_scoped3A = arith.constant 0 : i32
      "tpu.region"() ({
        %run_scoped3A_1685 = tpu.sem_alloc : memref<!tpu.dma_semaphore, #tpu.memory_space<semaphore_mem>>
        %dma_start3A_1686 = arith.constant 0 : i32
        %dma_start3A_1687 = arith.constant 0 : i32
        %dma_start3A_1688 = tpu.memref_slice %arg8[%run_scoped3A, %dma_start3A_1686, %dma_start3A_1687] : memref<3x128x128xf32, #tpu.memory_space<vmem>> -> memref<1x128x128xf32, #tpu.memory_space<vmem>>
        %dma_start3A_1689 = tpu.memref_squeeze %dma_start3A_1688 : memref<1x128x128xf32, #tpu.memory_space<vmem>> -> memref<128x128xf32, #tpu.memory_space<vmem>>
        %dma_start3A_1690 = arith.constant 0 : i32
        %dma_start3A_1691 = tpu.memref_slice %arg18[%mul3A_1652, %dma_start3A_1690] : memref<10048x128xf32, #tpu.memory_space<vmem_shared>> -> memref<128x128xf32, #tpu.memory_space<vmem_shared>>
        %dma_start3A_1692 = arith.constant 0 : i32
        %dma_start3A_1693 = arith.constant 0 : i32
        %dma_start3A_1694 = tpu.memref_slice %arg8[%run_scoped3A, %dma_start3A_1692, %dma_start3A_1693] : memref<3x128x128xf32, #tpu.memory_space<vmem>> -> memref<1x128x128xf32, #tpu.memory_space<vmem>>
        %dma_start3A_1695 = tpu.memref_squeeze %dma_start3A_1694 : memref<1x128x128xf32, #tpu.memory_space<vmem>> -> memref<128x128xf32, #tpu.memory_space<vmem>>
        %dma_start3A_1696 = arith.constant 0 : i32
        %dma_start3A_1697 = tpu.memref_slice %arg18[%mul3A_1652, %dma_start3A_1696] : memref<10048x128xf32, #tpu.memory_space<vmem_shared>> -> memref<128x128xf32, #tpu.memory_space<vmem_shared>>
        tpu.enqueue_dma source(%dma_start3A_1697 : memref<128x128xf32, #tpu.memory_space<vmem_shared>>) target(%dma_start3A_1695 : memref<128x128xf32, #tpu.memory_space<vmem>>) target_semaphore(%run_scoped3A_1685 : memref<!tpu.dma_semaphore, #tpu.memory_space<semaphore_mem>>)
        %dma_wait3A_1698 = arith.constant 0 : i32
        %dma_wait3A_1699 = arith.constant 0 : i32
        %dma_wait3A_1700 = tpu.memref_slice %arg8[%run_scoped3A, %dma_wait3A_1698, %dma_wait3A_1699] : memref<3x128x128xf32, #tpu.memory_space<vmem>> -> memref<1x128x128xf32, #tpu.memory_space<vmem>>
        %dma_wait3A_1701 = tpu.memref_squeeze %dma_wait3A_1700 : memref<1x128x128xf32, #tpu.memory_space<vmem>> -> memref<128x128xf32, #tpu.memory_space<vmem>>
        %dma_wait3A_1702 = arith.constant 0 : i32
        %dma_wait3A_1703 = tpu.memref_slice %arg18[%mul3A_1652, %dma_wait3A_1702] : memref<10048x128xf32, #tpu.memory_space<vmem_shared>> -> memref<128x128xf32, #tpu.memory_space<vmem_shared>>
        %dma_wait3A_1704 = arith.constant 0 : i32
        %dma_wait3A_1705 = arith.constant 0 : i32
        %dma_wait3A_1706 = tpu.memref_slice %arg8[%run_scoped3A, %dma_wait3A_1704, %dma_wait3A_1705] : memref<3x128x128xf32, #tpu.memory_space<vmem>> -> memref<1x128x128xf32, #tpu.memory_space<vmem>>
        %dma_wait3A_1707 = tpu.memref_squeeze %dma_wait3A_1706 : memref<1x128x128xf32, #tpu.memory_space<vmem>> -> memref<128x128xf32, #tpu.memory_space<vmem>>
        %dma_wait3A_1708 = arith.constant 0 : i32
        %dma_wait3A_1709 = tpu.memref_slice %arg18[%mul3A_1652, %dma_wait3A_1708] : memref<10048x128xf32, #tpu.memory_space<vmem_shared>> -> memref<128x128xf32, #tpu.memory_space<vmem_shared>>
        tpu.wait_dma2 semaphore(%run_scoped3A_1685 : memref<!tpu.dma_semaphore, #tpu.memory_space<semaphore_mem>>) src(%dma_wait3A_1709 : memref<128x128xf32, #tpu.memory_space<vmem_shared>>) dst(%dma_wait3A_1707 : memref<128x128xf32, #tpu.memory_space<vmem>>)
        tpu.yield
      }) : () -> ()
      %add3A_1671 = arith.addi %mul3A_1591, %mul3A_1652 : i32
      %dma_start3A_1672 = arith.constant 0 : i32
      %dma_start3A_1673 = arith.constant 0 : i32
      %dma_start3A_1674 = arith.constant 0 : i32
      %dma_start3A_1675 = tpu.memref_slice %arg8[%dma_start3A_1672, %dma_start3A_1673, %dma_start3A_1674] : memref<3x128x128xf32, #tpu.memory_space<vmem>> -> memref<1x128x128xf32, #tpu.memory_space<vmem>>
      %dma_start3A_1676 = tpu.memref_squeeze %dma_start3A_1675 : memref<1x128x128xf32, #tpu.memory_space<vmem>> -> memref<128x128xf32, #tpu.memory_space<vmem>>
      %dma_start3A_1677 = arith.constant 0 : i32
      %dma_start3A_1678 = tpu.memref_slice %arg4[%add3A_1671, %dma_start3A_1677] : memref<20000x128xf32, #tpu.memory_space<hbm>> -> memref<128x128xf32, #tpu.memory_space<hbm>>
      %dma_start3A_1679 = arith.constant 0 : i32
      %dma_start3A_1680 = tpu.memref_slice %arg4[%add3A_1671, %dma_start3A_1679] : memref<20000x128xf32, #tpu.memory_space<hbm>> -> memref<128x128xf32, #tpu.memory_space<hbm>>
      %dma_start3A_1681 = arith.constant 0 : i32
      %dma_start3A_1682 = arith.constant 0 : i32
      %dma_start3A_1683 = tpu.memref_slice %arg8[%dma_start3A_1672, %dma_start3A_1681, %dma_start3A_1682] : memref<3x128x128xf32, #tpu.memory_space<vmem>> -> memref<1x128x128xf32, #tpu.memory_space<vmem>>
      %dma_start3A_1684 = tpu.memref_squeeze %dma_start3A_1683 : memref<1x128x128xf32, #tpu.memory_space<vmem>> -> memref<128x128xf32, #tpu.memory_space<vmem>>
      tpu.enqueue_dma source(%dma_start3A_1684 : memref<128x128xf32, #tpu.memory_space<vmem>>) target(%dma_start3A_1680 : memref<128x128xf32, #tpu.memory_space<hbm>>) target_semaphore(%arg12 : memref<!tpu.dma_semaphore, #tpu.memory_space<semaphore_mem>>)
    } else {
    }
    %sub3A = arith.constant 2 : i32
    %sub3A_1616 = arith.subi %select_n3A, %sub3A : i32
    %le3A = arith.constant 2 : i32
    %le3A_1617 = arith.cmpi sle, %sub3A_1616, %le3A : i32
    %gt3A_1618 = arith.constant 2 : i32
    %gt3A_1619 = arith.cmpi sgt, %select_n3A, %gt3A_1618 : i32
    %and3A_1620 = arith.andi %le3A_1617, %gt3A_1619 : i1
    %convert_element_type3A_1621 = arith.extui %and3A_1620 : i1 to i32
    %cond3A_1622 = arith.constant 0 : i32
    %cond3A_1623 = arith.cmpi ne, %convert_element_type3A_1621, %cond3A_1622 : i32
    scf.if %cond3A_1623 {
      %add3A_1649 = arith.constant 32 : i32
      %add3A_1650 = arith.addi %arg1, %add3A_1649 : i32
      %mul3A_1651 = arith.constant 128 : i32
      %mul3A_1652 = arith.muli %add3A_1650, %mul3A_1651 : i32
      %add3A_1653 = arith.addi %mul3A_1591, %mul3A_1652 : i32
      %dma_wait3A_1654 = arith.constant 0 : i32
      %dma_wait3A_1655 = arith.constant 0 : i32
      %dma_wait3A_1656 = arith.constant 0 : i32
      %dma_wait3A_1657 = tpu.memref_slice %arg8[%dma_wait3A_1654, %dma_wait3A_1655, %dma_wait3A_1656] : memref<3x128x128xf32, #tpu.memory_space<vmem>> -> memref<1x128x128xf32, #tpu.memory_space<vmem>>
      %dma_wait3A_1658 = tpu.memref_squeeze %dma_wait3A_1657 : memref<1x128x128xf32, #tpu.memory_space<vmem>> -> memref<128x128xf32, #tpu.memory_space<vmem>>
      %dma_wait3A_1659 = arith.constant 0 : i32
      %dma_wait3A_1660 = tpu.memref_slice %arg4[%add3A_1653, %dma_wait3A_1659] : memref<20000x128xf32, #tpu.memory_space<hbm>> -> memref<128x128xf32, #tpu.memory_space<hbm>>
      %dma_wait3A_1661 = arith.constant 0 : i32
      %dma_wait3A_1662 = tpu.memref_slice %arg4[%add3A_1653, %dma_wait3A_1661] : memref<20000x128xf32, #tpu.memory_space<hbm>> -> memref<128x128xf32, #tpu.memory_space<hbm>>
      %dma_wait3A_1663 = arith.constant 0 : i32
      %dma_wait3A_1664 = arith.constant 0 : i32
      %dma_wait3A_1665 = tpu.memref_slice %arg8[%dma_wait3A_1654, %dma_wait3A_1663, %dma_wait3A_1664] : memref<3x128x128xf32, #tpu.memory_space<vmem>> -> memref<1x128x128xf32, #tpu.memory_space<vmem>>
      %dma_wait3A_1666 = tpu.memref_squeeze %dma_wait3A_1665 : memref<1x128x128xf32, #tpu.memory_space<vmem>> -> memref<128x128xf32, #tpu.memory_space<vmem>>
      tpu.wait_dma2 semaphore(%arg12 : memref<!tpu.dma_semaphore, #tpu.memory_space<semaphore_mem>>) src(%dma_wait3A_1666 : memref<128x128xf32, #tpu.memory_space<vmem>>) dst(%dma_wait3A_1662 : memref<128x128xf32, #tpu.memory_space<hbm>>)
    } else {
    }
    %sub3A_1624 = arith.constant 2 : i32
    %sub3A_1625 = arith.subi %select_n3A, %sub3A_1624 : i32
    %le3A_1626 = arith.constant 3 : i32
    %le3A_1627 = arith.cmpi sle, %sub3A_1625, %le3A_1626 : i32
    %gt3A_1628 = arith.constant 3 : i32
    %gt3A_1629 = arith.cmpi sgt, %select_n3A, %gt3A_1628 : i32
    %and3A_1630 = arith.andi %le3A_1627, %gt3A_1629 : i1
    %convert_element_type3A_1631 = arith.extui %and3A_1630 : i1 to i32
    %cond3A_1632 = arith.constant 0 : i32
    %cond3A_1633 = arith.cmpi ne, %convert_element_type3A_1631, %cond3A_1632 : i32
    scf.if %cond3A_1633 {
      %add3A_1649 = arith.constant 48 : i32
      %add3A_1650 = arith.addi %arg1, %add3A_1649 : i32
      %mul3A_1651 = arith.constant 128 : i32
      %mul3A_1652 = arith.muli %add3A_1650, %mul3A_1651 : i32
      %add3A_1653 = arith.addi %mul3A_1591, %mul3A_1652 : i32
      %dma_wait3A_1654 = arith.constant 1 : i32
      %dma_wait3A_1655 = arith.constant 0 : i32
      %dma_wait3A_1656 = arith.constant 0 : i32
      %dma_wait3A_1657 = tpu.memref_slice %arg8[%dma_wait3A_1654, %dma_wait3A_1655, %dma_wait3A_1656] : memref<3x128x128xf32, #tpu.memory_space<vmem>> -> memref<1x128x128xf32, #tpu.memory_space<vmem>>
      %dma_wait3A_1658 = tpu.memref_squeeze %dma_wait3A_1657 : memref<1x128x128xf32, #tpu.memory_space<vmem>> -> memref<128x128xf32, #tpu.memory_space<vmem>>
      %dma_wait3A_1659 = arith.constant 0 : i32
      %dma_wait3A_1660 = tpu.memref_slice %arg4[%add3A_1653, %dma_wait3A_1659] : memref<20000x128xf32, #tpu.memory_space<hbm>> -> memref<128x128xf32, #tpu.memory_space<hbm>>
      %dma_wait3A_1661 = arith.constant 0 : i32
      %dma_wait3A_1662 = tpu.memref_slice %arg4[%add3A_1653, %dma_wait3A_1661] : memref<20000x128xf32, #tpu.memory_space<hbm>> -> memref<128x128xf32, #tpu.memory_space<hbm>>
      %dma_wait3A_1663 = arith.constant 0 : i32
      %dma_wait3A_1664 = arith.constant 0 : i32
      %dma_wait3A_1665 = tpu.memref_slice %arg8[%dma_wait3A_1654, %dma_wait3A_1663, %dma_wait3A_1664] : memref<3x128x128xf32, #tpu.memory_space<vmem>> -> memref<1x128x128xf32, #tpu.memory_space<vmem>>
      %dma_wait3A_1666 = tpu.memref_squeeze %dma_wait3A_1665 : memref<1x128x128xf32, #tpu.memory_space<vmem>> -> memref<128x128xf32, #tpu.memory_space<vmem>>
      tpu.wait_dma2 semaphore(%arg13 : memref<!tpu.dma_semaphore, #tpu.memory_space<semaphore_mem>>) src(%dma_wait3A_1666 : memref<128x128xf32, #tpu.memory_space<vmem>>) dst(%dma_wait3A_1662 : memref<128x128xf32, #tpu.memory_space<hbm>>)
    } else {
    }
    %sub3A_1634 = arith.constant 2 : i32
    %sub3A_1635 = arith.subi %select_n3A, %sub3A_1634 : i32
    %le3A_1636 = arith.constant 4 : i32
    %le3A_1637 = arith.cmpi sle, %sub3A_1635, %le3A_1636 : i32
    %gt3A_1638 = arith.constant 4 : i32
    %gt3A_1639 = arith.cmpi sgt, %select_n3A, %gt3A_1638 : i32
    %and3A_1640 = arith.andi %le3A_1637, %gt3A_1639 : i1
    %convert_element_type3A_1641 = arith.extui %and3A_1640 : i1 to i32
    %cond3A_1642 = arith.constant 0 : i32
    %cond3A_1643 = arith.cmpi ne, %convert_element_type3A_1641, %cond3A_1642 : i32
    scf.if %cond3A_1643 {
      %add3A_1649 = arith.constant 64 : i32
      %add3A_1650 = arith.addi %arg1, %add3A_1649 : i32
      %mul3A_1651 = arith.constant 128 : i32
      %mul3A_1652 = arith.muli %add3A_1650, %mul3A_1651 : i32
      %add3A_1653 = arith.addi %mul3A_1591, %mul3A_1652 : i32
      %dma_wait3A_1654 = arith.constant 0 : i32
      %dma_wait3A_1655 = arith.constant 0 : i32
      %dma_wait3A_1656 = arith.constant 0 : i32
      %dma_wait3A_1657 = tpu.memref_slice %arg8[%dma_wait3A_1654, %dma_wait3A_1655, %dma_wait3A_1656] : memref<3x128x128xf32, #tpu.memory_space<vmem>> -> memref<1x128x128xf32, #tpu.memory_space<vmem>>
      %dma_wait3A_1658 = tpu.memref_squeeze %dma_wait3A_1657 : memref<1x128x128xf32, #tpu.memory_space<vmem>> -> memref<128x128xf32, #tpu.memory_space<vmem>>
      %dma_wait3A_1659 = arith.constant 0 : i32
      %dma_wait3A_1660 = tpu.memref_slice %arg4[%add3A_1653, %dma_wait3A_1659] : memref<20000x128xf32, #tpu.memory_space<hbm>> -> memref<128x128xf32, #tpu.memory_space<hbm>>
      %dma_wait3A_1661 = arith.constant 0 : i32
      %dma_wait3A_1662 = tpu.memref_slice %arg4[%add3A_1653, %dma_wait3A_1661] : memref<20000x128xf32, #tpu.memory_space<hbm>> -> memref<128x128xf32, #tpu.memory_space<hbm>>
      %dma_wait3A_1663 = arith.constant 0 : i32
      %dma_wait3A_1664 = arith.constant 0 : i32
      %dma_wait3A_1665 = tpu.memref_slice %arg8[%dma_wait3A_1654, %dma_wait3A_1663, %dma_wait3A_1664] : memref<3x128x128xf32, #tpu.memory_space<vmem>> -> memref<1x128x128xf32, #tpu.memory_space<vmem>>
      %dma_wait3A_1666 = tpu.memref_squeeze %dma_wait3A_1665 : memref<1x128x128xf32, #tpu.memory_space<vmem>> -> memref<128x128xf32, #tpu.memory_space<vmem>>
      tpu.wait_dma2 semaphore(%arg12 : memref<!tpu.dma_semaphore, #tpu.memory_space<semaphore_mem>>) src(%dma_wait3A_1666 : memref<128x128xf32, #tpu.memory_space<vmem>>) dst(%dma_wait3A_1662 : memref<128x128xf32, #tpu.memory_space<hbm>>)
    } else {
    }
    %eq3A_1644 = arith.constant 15 : i32
    %eq3A_1645 = arith.cmpi eq, %arg1, %eq3A_1644 : i32
    %convert_element_type3A_1646 = arith.extui %eq3A_1645 : i1 to i32
    %cond3A_1647 = arith.constant 0 : i32
    %cond3A_1648 = arith.cmpi ne, %convert_element_type3A_1646, %cond3A_1647 : i32
    scf.if %cond3A_1648 {
      %run_scoped3A = arith.constant 0 : i32
      "tpu.region"() ({
        %run_scoped3A_1652 = tpu.sem_alloc : memref<!tpu.dma_semaphore, #tpu.memory_space<semaphore_mem>>
        %dma_start3A_1653 = arith.constant 0 : i32
        %dma_start3A_1654 = arith.constant 0 : i32
        %dma_start3A_1655 = tpu.memref_slice %arg8[%run_scoped3A, %dma_start3A_1653, %dma_start3A_1654] : memref<3x128x128xf32, #tpu.memory_space<vmem>> -> memref<1x128x128xf32, #tpu.memory_space<vmem>>
        %dma_start3A_1656 = tpu.memref_squeeze %dma_start3A_1655 : memref<1x128x128xf32, #tpu.memory_space<vmem>> -> memref<128x128xf32, #tpu.memory_space<vmem>>
        %dma_start3A_1657 = arith.constant 0 : i32
        %dma_start3A_1658 = arith.constant 0 : i32
        %dma_start3A_1659 = tpu.memref_slice %dma_start3A_1656[%dma_start3A_1657, %dma_start3A_1658] : memref<128x128xf32, #tpu.memory_space<vmem>> -> memref<16x128xf32, #tpu.memory_space<vmem>>
        %dma_start3A_1660 = arith.constant 9984 : i32
        %dma_start3A_1661 = arith.constant 0 : i32
        %dma_start3A_1662 = tpu.memref_slice %arg18[%dma_start3A_1660, %dma_start3A_1661] : memref<10048x128xf32, #tpu.memory_space<vmem_shared>> -> memref<16x128xf32, #tpu.memory_space<vmem_shared>>
        %dma_start3A_1663 = arith.constant 0 : i32
        %dma_start3A_1664 = arith.constant 0 : i32
        %dma_start3A_1665 = tpu.memref_slice %arg8[%run_scoped3A, %dma_start3A_1663, %dma_start3A_1664] : memref<3x128x128xf32, #tpu.memory_space<vmem>> -> memref<1x128x128xf32, #tpu.memory_space<vmem>>
        %dma_start3A_1666 = tpu.memref_squeeze %dma_start3A_1665 : memref<1x128x128xf32, #tpu.memory_space<vmem>> -> memref<128x128xf32, #tpu.memory_space<vmem>>
        %dma_start3A_1667 = arith.constant 0 : i32
        %dma_start3A_1668 = arith.constant 0 : i32
        %dma_start3A_1669 = tpu.memref_slice %dma_start3A_1666[%dma_start3A_1667, %dma_start3A_1668] : memref<128x128xf32, #tpu.memory_space<vmem>> -> memref<16x128xf32, #tpu.memory_space<vmem>>
        %dma_start3A_1670 = arith.constant 9984 : i32
        %dma_start3A_1671 = arith.constant 0 : i32
        %dma_start3A_1672 = tpu.memref_slice %arg18[%dma_start3A_1670, %dma_start3A_1671] : memref<10048x128xf32, #tpu.memory_space<vmem_shared>> -> memref<16x128xf32, #tpu.memory_space<vmem_shared>>
        tpu.enqueue_dma source(%dma_start3A_1672 : memref<16x128xf32, #tpu.memory_space<vmem_shared>>) target(%dma_start3A_1669 : memref<16x128xf32, #tpu.memory_space<vmem>>) target_semaphore(%run_scoped3A_1652 : memref<!tpu.dma_semaphore, #tpu.memory_space<semaphore_mem>>)
        %dma_wait3A_1673 = arith.constant 0 : i32
        %dma_wait3A_1674 = arith.constant 0 : i32
        %dma_wait3A_1675 = tpu.memref_slice %arg8[%run_scoped3A, %dma_wait3A_1673, %dma_wait3A_1674] : memref<3x128x128xf32, #tpu.memory_space<vmem>> -> memref<1x128x128xf32, #tpu.memory_space<vmem>>
        %dma_wait3A_1676 = tpu.memref_squeeze %dma_wait3A_1675 : memref<1x128x128xf32, #tpu.memory_space<vmem>> -> memref<128x128xf32, #tpu.memory_space<vmem>>
        %dma_wait3A_1677 = arith.constant 0 : i32
        %dma_wait3A_1678 = arith.constant 0 : i32
        %dma_wait3A_1679 = tpu.memref_slice %dma_wait3A_1676[%dma_wait3A_1677, %dma_wait3A_1678] : memref<128x128xf32, #tpu.memory_space<vmem>> -> memref<16x128xf32, #tpu.memory_space<vmem>>
        %dma_wait3A_1680 = arith.constant 9984 : i32
        %dma_wait3A_1681 = arith.constant 0 : i32
        %dma_wait3A_1682 = tpu.memref_slice %arg18[%dma_wait3A_1680, %dma_wait3A_1681] : memref<10048x128xf32, #tpu.memory_space<vmem_shared>> -> memref<16x128xf32, #tpu.memory_space<vmem_shared>>
        %dma_wait3A_1683 = arith.constant 0 : i32
        %dma_wait3A_1684 = arith.constant 0 : i32
        %dma_wait3A_1685 = tpu.memref_slice %arg8[%run_scoped3A, %dma_wait3A_1683, %dma_wait3A_1684] : memref<3x128x128xf32, #tpu.memory_space<vmem>> -> memref<1x128x128xf32, #tpu.memory_space<vmem>>
        %dma_wait3A_1686 = tpu.memref_squeeze %dma_wait3A_1685 : memref<1x128x128xf32, #tpu.memory_space<vmem>> -> memref<128x128xf32, #tpu.memory_space<vmem>>
        %dma_wait3A_1687 = arith.constant 0 : i32
        %dma_wait3A_1688 = arith.constant 0 : i32
        %dma_wait3A_1689 = tpu.memref_slice %dma_wait3A_1686[%dma_wait3A_1687, %dma_wait3A_1688] : memref<128x128xf32, #tpu.memory_space<vmem>> -> memref<16x128xf32, #tpu.memory_space<vmem>>
        %dma_wait3A_1690 = arith.constant 9984 : i32
        %dma_wait3A_1691 = arith.constant 0 : i32
        %dma_wait3A_1692 = tpu.memref_slice %arg18[%dma_wait3A_1690, %dma_wait3A_1691] : memref<10048x128xf32, #tpu.memory_space<vmem_shared>> -> memref<16x128xf32, #tpu.memory_space<vmem_shared>>
        tpu.wait_dma2 semaphore(%run_scoped3A_1652 : memref<!tpu.dma_semaphore, #tpu.memory_space<semaphore_mem>>) src(%dma_wait3A_1692 : memref<16x128xf32, #tpu.memory_space<vmem_shared>>) dst(%dma_wait3A_1689 : memref<16x128xf32, #tpu.memory_space<vmem>>)
        tpu.yield
      }) : () -> ()
      %add3A_1649 = arith.constant 9984 : i32
      %add3A_1650 = arith.addi %mul3A_1591, %add3A_1649 : i32
      %run_scoped3A_1651 = arith.constant 0 : i32
      "tpu.region"() ({
        %run_scoped3A_1652 = tpu.sem_alloc : memref<!tpu.dma_semaphore, #tpu.memory_space<semaphore_mem>>
        %dma_start3A_1653 = arith.constant 0 : i32
        %dma_start3A_1654 = arith.constant 0 : i32
        %dma_start3A_1655 = tpu.memref_slice %arg8[%run_scoped3A_1651, %dma_start3A_1653, %dma_start3A_1654] : memref<3x128x128xf32, #tpu.memory_space<vmem>> -> memref<1x128x128xf32, #tpu.memory_space<vmem>>
        %dma_start3A_1656 = tpu.memref_squeeze %dma_start3A_1655 : memref<1x128x128xf32, #tpu.memory_space<vmem>> -> memref<128x128xf32, #tpu.memory_space<vmem>>
        %dma_start3A_1657 = arith.constant 0 : i32
        %dma_start3A_1658 = arith.constant 0 : i32
        %dma_start3A_1659 = tpu.memref_slice %dma_start3A_1656[%dma_start3A_1657, %dma_start3A_1658] : memref<128x128xf32, #tpu.memory_space<vmem>> -> memref<16x128xf32, #tpu.memory_space<vmem>>
        %dma_start3A_1660 = arith.constant 0 : i32
        %dma_start3A_1661 = tpu.memref_slice %arg4[%add3A_1650, %dma_start3A_1660] : memref<20000x128xf32, #tpu.memory_space<hbm>> -> memref<16x128xf32, #tpu.memory_space<hbm>>
        %dma_start3A_1662 = arith.constant 0 : i32
        %dma_start3A_1663 = tpu.memref_slice %arg4[%add3A_1650, %dma_start3A_1662] : memref<20000x128xf32, #tpu.memory_space<hbm>> -> memref<16x128xf32, #tpu.memory_space<hbm>>
        %dma_start3A_1664 = arith.constant 0 : i32
        %dma_start3A_1665 = arith.constant 0 : i32
        %dma_start3A_1666 = tpu.memref_slice %arg8[%run_scoped3A_1651, %dma_start3A_1664, %dma_start3A_1665] : memref<3x128x128xf32, #tpu.memory_space<vmem>> -> memref<1x128x128xf32, #tpu.memory_space<vmem>>
        %dma_start3A_1667 = tpu.memref_squeeze %dma_start3A_1666 : memref<1x128x128xf32, #tpu.memory_space<vmem>> -> memref<128x128xf32, #tpu.memory_space<vmem>>
        %dma_start3A_1668 = arith.constant 0 : i32
        %dma_start3A_1669 = arith.constant 0 : i32
        %dma_start3A_1670 = tpu.memref_slice %dma_start3A_1667[%dma_start3A_1668, %dma_start3A_1669] : memref<128x128xf32, #tpu.memory_space<vmem>> -> memref<16x128xf32, #tpu.memory_space<vmem>>
        tpu.enqueue_dma source(%dma_start3A_1670 : memref<16x128xf32, #tpu.memory_space<vmem>>) target(%dma_start3A_1663 : memref<16x128xf32, #tpu.memory_space<hbm>>) target_semaphore(%run_scoped3A_1652 : memref<!tpu.dma_semaphore, #tpu.memory_space<semaphore_mem>>)
        %dma_wait3A_1671 = arith.constant 0 : i32
        %dma_wait3A_1672 = arith.constant 0 : i32
        %dma_wait3A_1673 = tpu.memref_slice %arg8[%run_scoped3A_1651, %dma_wait3A_1671, %dma_wait3A_1672] : memref<3x128x128xf32, #tpu.memory_space<vmem>> -> memref<1x128x128xf32, #tpu.memory_space<vmem>>
        %dma_wait3A_1674 = tpu.memref_squeeze %dma_wait3A_1673 : memref<1x128x128xf32, #tpu.memory_space<vmem>> -> memref<128x128xf32, #tpu.memory_space<vmem>>
        %dma_wait3A_1675 = arith.constant 0 : i32
        %dma_wait3A_1676 = arith.constant 0 : i32
        %dma_wait3A_1677 = tpu.memref_slice %dma_wait3A_1674[%dma_wait3A_1675, %dma_wait3A_1676] : memref<128x128xf32, #tpu.memory_space<vmem>> -> memref<16x128xf32, #tpu.memory_space<vmem>>
        %dma_wait3A_1678 = arith.constant 0 : i32
        %dma_wait3A_1679 = tpu.memref_slice %arg4[%add3A_1650, %dma_wait3A_1678] : memref<20000x128xf32, #tpu.memory_space<hbm>> -> memref<16x128xf32, #tpu.memory_space<hbm>>
        %dma_wait3A_1680 = arith.constant 0 : i32
        %dma_wait3A_1681 = tpu.memref_slice %arg4[%add3A_1650, %dma_wait3A_1680] : memref<20000x128xf32, #tpu.memory_space<hbm>> -> memref<16x128xf32, #tpu.memory_space<hbm>>
        %dma_wait3A_1682 = arith.constant 0 : i32
        %dma_wait3A_1683 = arith.constant 0 : i32
        %dma_wait3A_1684 = tpu.memref_slice %arg8[%run_scoped3A_1651, %dma_wait3A_1682, %dma_wait3A_1683] : memref<3x128x128xf32, #tpu.memory_space<vmem>> -> memref<1x128x128xf32, #tpu.memory_space<vmem>>
        %dma_wait3A_1685 = tpu.memref_squeeze %dma_wait3A_1684 : memref<1x128x128xf32, #tpu.memory_space<vmem>> -> memref<128x128xf32, #tpu.memory_space<vmem>>
        %dma_wait3A_1686 = arith.constant 0 : i32
        %dma_wait3A_1687 = arith.constant 0 : i32
        %dma_wait3A_1688 = tpu.memref_slice %dma_wait3A_1685[%dma_wait3A_1686, %dma_wait3A_1687] : memref<128x128xf32, #tpu.memory_space<vmem>> -> memref<16x128xf32, #tpu.memory_space<vmem>>
        tpu.wait_dma2 semaphore(%run_scoped3A_1652 : memref<!tpu.dma_semaphore, #tpu.memory_space<semaphore_mem>>) src(%dma_wait3A_1688 : memref<16x128xf32, #tpu.memory_space<vmem>>) dst(%dma_wait3A_1681 : memref<16x128xf32, #tpu.memory_space<hbm>>)
        tpu.yield
      }) : () -> ()
    } else {
    }
    return
  }
}

module attributes {stable_mosaic.version = 14 : i64} {
  func.func @_tc_agg_body(%arg0: i32, %arg1: memref<10000x128xf32, #tpu.memory_space<vmem>>, %arg2: memref<10000x128xf32, #tpu.memory_space<vmem>>, %arg3: memref<10000x128xf32, #tpu.memory_space<vmem>>, %arg4: memref<128x128xf32, #tpu.memory_space<vmem>>, %arg5: memref<10000x128xf32, #tpu.memory_space<vmem>>) attributes {dimension_semantics = [#tpu.dimension_semantics<arbitrary>], iteration_bounds = array<i64: 1>, scalar_prefetch = 0 : i64, scratch_operands = 0 : i64, tpu.core_type = #tpu.core_type<tc>, window_params = [{transform_indices = @transform_0, window_bounds = array<i64: 10000, 128>}, {transform_indices = @transform_1, window_bounds = array<i64: 10000, 128>}, {transform_indices = @transform_2, window_bounds = array<i64: 10000, 128>}, {pipeline_mode = #tpu.pipeline_mode<synchronous>, transform_indices = @transform_3, window_bounds = array<i64: 128, 128>}, {transform_indices = @transform_4, window_bounds = array<i64: 10000, 128>}]} {
    %get3A = arith.constant 0 : index
    %get3A_0 = arith.constant 0 : index
    %get3A_1 = vector.load %arg2[%get3A, %get3A_0] : memref<10000x128xf32, #tpu.memory_space<vmem>>, vector<10000x128xf32>
    %get3A_2 = arith.constant 0 : index
    %get3A_3 = arith.constant 0 : index
    %get3A_4 = vector.load %arg3[%get3A_2, %get3A_3] : memref<10000x128xf32, #tpu.memory_space<vmem>>, vector<10000x128xf32>
    %add3A = arith.addf %get3A_1, %get3A_4 : vector<10000x128xf32>
    %get3A_5 = arith.constant 0 : index
    %get3A_6 = arith.constant 0 : index
    %get3A_7 = vector.load %arg1[%get3A_5, %get3A_6] : memref<10000x128xf32, #tpu.memory_space<vmem>>, vector<10000x128xf32>
    %get3A_8 = arith.constant 0 : index
    %get3A_9 = arith.constant 0 : index
    %get3A_10 = vector.load %arg4[%get3A_8, %get3A_9] : memref<128x128xf32, #tpu.memory_space<vmem>>, vector<128x128xf32>
    %dot_general3A = arith.constant dense<0.000000e+00> : vector<10000x128xf32>
    %dot_general3A_11 = tpu.matmul %add3A, %get3A_10, %dot_general3A {dimension_numbers = #tpu.dot_dimension_numbers<[1], [0], [0], [1], [0, 0, 1, 1], [], []>, transpose_lhs_hint = false} : vector<10000x128xf32>, vector<128x128xf32>, vector<10000x128xf32> -> vector<10000x128xf32>
    %add3A_12 = arith.addf %get3A_7, %dot_general3A_11 : vector<10000x128xf32>
    %swap3A = arith.constant 0 : index
    %swap3A_13 = arith.constant 0 : index
    %swap3A_14 = vector.load %arg5[%swap3A, %swap3A_13] : memref<10000x128xf32, #tpu.memory_space<vmem>>, vector<10000x128xf32>
    tpu.vector_store %arg5[%swap3A, %swap3A_13], %add3A_12 {strides = array<i32>} : memref<10000x128xf32, #tpu.memory_space<vmem>>, vector<10000x128xf32>,
    return
  }
  func.func @transform_0(%arg0: i32) -> (i32, i32) {
    %c0_i32 = arith.constant 0 : i32
    %c0_i32_0 = arith.constant 0 : i32
    return %arg0, %c0_i32 : i32, i32
  }
  func.func @transform_1(%arg0: i32) -> (i32, i32) {
    %c0_i32 = arith.constant 0 : i32
    %c0_i32_0 = arith.constant 0 : i32
    return %arg0, %c0_i32 : i32, i32
  }
  func.func @transform_2(%arg0: i32) -> (i32, i32) {
    %add3A = arith.constant 1 : i32
    %add3A_0 = arith.addi %arg0, %add3A : i32
    %c0_i32 = arith.constant 0 : i32
    %c0_i32_1 = arith.constant 0 : i32
    return %add3A_0, %c0_i32 : i32, i32
  }
  func.func @transform_3(%arg0: i32) -> (i32, i32) {
    %c0_i32 = arith.constant 0 : i32
    %c0_i32_0 = arith.constant 0 : i32
    %c0_i32_1 = arith.constant 0 : i32
    return %c0_i32, %c0_i32_0 : i32, i32
  }
  func.func @transform_4(%arg0: i32) -> (i32, i32) {
    %c0_i32 = arith.constant 0 : i32
    %c0_i32_0 = arith.constant 0 : i32
    return %arg0, %c0_i32 : i32, i32
  }
}

module attributes {stable_mosaic.version = 14 : i64} {
  func.func @_tc_xw_body(%arg0: i32, %arg1: memref<10000x128xf32, #tpu.memory_space<vmem>>, %arg2: memref<128x128xf32, #tpu.memory_space<vmem>>, %arg3: memref<1x128xf32, #tpu.memory_space<vmem>>, %arg4: memref<10000x128xf32, #tpu.memory_space<vmem>>) attributes {dimension_semantics = [#tpu.dimension_semantics<arbitrary>], iteration_bounds = array<i64: 1>, scalar_prefetch = 0 : i64, scratch_operands = 0 : i64, tpu.core_type = #tpu.core_type<tc>, window_params = [{transform_indices = @transform_0, window_bounds = array<i64: 10000, 128>}, {pipeline_mode = #tpu.pipeline_mode<synchronous>, transform_indices = @transform_1, window_bounds = array<i64: 128, 128>}, {pipeline_mode = #tpu.pipeline_mode<synchronous>, transform_indices = @transform_2, window_bounds = array<i64: 1, 128>}, {transform_indices = @transform_3, window_bounds = array<i64: 10000, 128>}]} {
    %get3A = arith.constant 0 : index
    %get3A_0 = arith.constant 0 : index
    %get3A_1 = vector.load %arg1[%get3A, %get3A_0] : memref<10000x128xf32, #tpu.memory_space<vmem>>, vector<10000x128xf32>
    %get3A_2 = arith.constant 0 : index
    %get3A_3 = arith.constant 0 : index
    %get3A_4 = vector.load %arg2[%get3A_2, %get3A_3] : memref<128x128xf32, #tpu.memory_space<vmem>>, vector<128x128xf32>
    %dot_general3A = arith.constant dense<0.000000e+00> : vector<10000x128xf32>
    %dot_general3A_5 = tpu.matmul %get3A_1, %get3A_4, %dot_general3A {dimension_numbers = #tpu.dot_dimension_numbers<[1], [0], [0], [1], [0, 0, 1, 1], [], []>, transpose_lhs_hint = false} : vector<10000x128xf32>, vector<128x128xf32>, vector<10000x128xf32> -> vector<10000x128xf32>
    %get3A_6 = arith.constant 0 : index
    %get3A_7 = arith.constant 0 : index
    %get3A_8 = vector.load %arg3[%get3A_6, %get3A_7] : memref<1x128xf32, #tpu.memory_space<vmem>>, vector<1x128xf32>
    %add3A = vector.broadcast %get3A_8 : vector<1x128xf32> to vector<10000x128xf32>
    %add3A_9 = arith.addf %dot_general3A_5, %add3A : vector<10000x128xf32>
    %swap3A = arith.constant 0 : index
    %swap3A_10 = arith.constant 0 : index
    %swap3A_11 = vector.load %arg4[%swap3A, %swap3A_10] : memref<10000x128xf32, #tpu.memory_space<vmem>>, vector<10000x128xf32>
    tpu.vector_store %arg4[%swap3A, %swap3A_10], %add3A_9 {strides = array<i32>} : memref<10000x128xf32, #tpu.memory_space<vmem>>, vector<10000x128xf32>,
    return
  }
  func.func @transform_0(%arg0: i32) -> (i32, i32) {
    %c0_i32 = arith.constant 0 : i32
    %c0_i32_0 = arith.constant 0 : i32
    return %arg0, %c0_i32 : i32, i32
  }
  func.func @transform_1(%arg0: i32) -> (i32, i32) {
    %c0_i32 = arith.constant 0 : i32
    %c0_i32_0 = arith.constant 0 : i32
    %c0_i32_1 = arith.constant 0 : i32
    return %c0_i32, %c0_i32_0 : i32, i32
  }
  func.func @transform_2(%arg0: i32) -> (i32, i32) {
    %c0_i32 = arith.constant 0 : i32
    %c0_i32_0 = arith.constant 0 : i32
    %c0_i32_1 = arith.constant 0 : i32
    return %c0_i32, %c0_i32_0 : i32, i32
  }
  func.func @transform_3(%arg0: i32) -> (i32, i32) {
    %c0_i32 = arith.constant 0 : i32
    %c0_i32_0 = arith.constant 0 : i32
    return %arg0, %c0_i32 : i32, i32
  }
}

</mosaic_0001>

<sc_bundles>
// kernel: kernel.5.cloned.1.call-start
scs
__scs_entry_jumppad:
0x0: {  	(pc) =	sbr.rel $0x88, $3  }
0x1: {  	(tag) =	ssettag $0x0;
	lr =	simm.s32 $0x1  }
0x2: {  	[smem:$0x3F9D] =	sst lr;
	_ =	strace $0xD0000000  }
0x3: {  	_ = 	snop  }
0x4: {  	_ = 	snop  }
0x5: {  	_ = 	snop  }
0x6: {  	_ = 	snop  }
0x7: {  	_ = 	snop  }
__scs_overlays_trampoline_lowered:
0x8: {  	[smem:$0x3FAC] =	sst s0  }
0x9: {  	[smem:$0x3FAD] =	sst s1  }
0xa: {  	[smem:$0x3FAE] =	sst s2  }
0xb: {  	[smem:$0x3FAF] =	sst s3  }
0xc: {  	[smem:$0x3FB0] =	sst s4  }
0xd: {  	[smem:$0x3FB1] =	sst s5  }
0xe: {  	[smem:$0x3FB2] =	sst s6  }
0xf: {  	[smem:$0x3FB3] =	sst s7  }
0x10: {  	[smem:$0x3FB4] =	sst s8  }
0x11: {  	[smem:$0x3FB5] =	sst s9;
	s0 =	simm.s32 @!p0 $0x0  }
0x12: {  	s1 =	sld [smem:$0x3F9B];
	s0 =	simm.s32 @p0 $0x1  }
0x13: {  	[smem:$0x3FB6] =	sst s0;
	s0 =	simm.s32 @!p1 $0x0  }
0x14: {  	s2 =	sld [smem:$0x3F9A];
	s0 =	simm.s32 @p1 $0x1  }
0x15: {  	[smem:$0x3FB7] =	sst s0;
	s0 =	simm.s32 @!p2 $0x0  }
0x16: {  	s3 =	sld [smem:$0x3FDB];
	s0 =	simm.s32 @p2 $0x1  }
0x17: {  	s4 =	simm.s32 $0x1BF5;
	[smem:$0x3FB9] =	sst s0  }
0x18: {  	s0 =	sld [smem:$0x3F9C];
	_ =	swait.ge [sflag:s4], $0x0  }
0x19: {  	s7 =	sld [smem:$0x3F9D]  }
0x1a: {  	s8 =	sadd.s32 $0xFFFFE003, lr  }
0x1b: {  	s9 =	sadd.s32 $0xFFFFFEF7, lr;
	s5 =	simm.s32 $0xFFFFFFFF;
	p2 =	slt.u32 s8, $0xFFFFF086  }
0x1c: {  	p1 =	slt.u32 s9, $0xF7A;
	s5 =	simm.s32 @!p2 $0x0  }
0x1d: {  	s5 =	simm.s32 @p1 $0x1;
	p0 =	seq.s32 s7, s2  }
0x1e: {  	s7 =	smul.u32 @!p0 $0xF7A, s2;
	p2 =	seq.s32 @!p0 s5, $0x0  }
0x1f: {  	s9 =	smul.u32 $0xF7A, s1;
	s8 =	simm.s32 @!p0 $0x1BF5;
	p2 =	por !p2, p0  }
0x20: {  	[sflag:s8] =	ssyncset.s32 @!p0 $0xFFFFF086;
	s6 =	sadd.s32 @!p0 s3, s7;
	s7 =	simm.s32 @!p0 $0x108  }
0x21: {  	s3 =	sadd.s32 s3, s9;
	s6 =	sadd.s32 @!p0 $0x88, s6;
	s7 =	simm.s32 @p2 $0x1082  }
0x22: {  	[simem:s7], [sflag:s8] =	dma.local @!p0 [hbm:s6], $0xF7A  }
0x23: {  	s9 =	sor.u32 $0xD0000000, s2;
	s6 =	simm.s32 $0x108;
	_ =	swait.ge @!p0 [sflag:s8], $0x0  }
0x24: {  	s3 =	sadd.s32 $0x88, s3;
	s6 =	simm.s32 @!p1 $0x1082;
	[sflag:s4] =	ssyncset.s32 $0xFFFFF086  }
0x25: {  	[simem:s6], [sflag:s4] =	dma.local [hbm:s3], $0xF7A  }
0x26: {  	[smem:$0x3F9D] =	sst s1;
	(tag) =	ssettag s2;
	_ =	strace s9  }
0x27: {  	s1 =	sld [smem:$0x3FAD]  }
0x28: {  	s2 =	sld [smem:$0x3FAE]  }
0x29: {  	s4 =	sld [smem:$0x3FB0]  }
0x2a: {  	p0 =	seq.s32 s5, $0x0;
	s5 =	sld [smem:$0x3FB1]  }
0x2b: {  	s6 =	sld [smem:$0x3FB2]  }
0x2c: {  	s7 =	sld [smem:$0x3FB3]  }
0x2d: {  	s3 =	simm.s32 $0x108;
	s8 =	sld [smem:$0x3FB4]  }
0x2e: {  	s3 =	simm.s32 @!p0 $0x1082;
	s9 =	sld [smem:$0x3FB5]  }
0x2f: {  	lr =	sadd.s32 s0, s3;
	s0 =	sld [smem:$0x3FAC]  }
0x30: {  	s3 =	sld [smem:$0x3FAF]  }
0x31: {  	[smem:$0x3FB8] =	sst s10  }
0x32: {  	s10 =	sld [smem:$0x3FB6];
	_ =	sdelay $0x3  }
0x33: {  	p0 =	seq.s32 s10, $0x1;
	s10 =	sld [smem:$0x3FB8];
	_ =	sdelay $0x3  }
0x34: {  	[smem:$0x3FB8] =	sst s10  }
0x35: {  	s10 =	sld [smem:$0x3FB7];
	_ =	sdelay $0x3  }
0x36: {  	p1 =	seq.s32 s10, $0x1;
	s10 =	sld [smem:$0x3FB8];
	_ =	sdelay $0x3  }
0x37: {  	[smem:$0x3FB8] =	sst s10  }
0x38: {  	s10 =	sld [smem:$0x3FB9]  }
0x39: {  	_ = 	snop;
	(pc) =	sbr.ind lr, $3  }
0x3a: {  	_ = 	snop  }
0x3b: {  	_ = 	snop  }
0x3c: {  	p2 =	seq.s32 s10, $0x1;
	s10 =	sld [smem:$0x3FB8]  }
0x3d: {  	_ =	shalt  }
0x3e: {  	_ =	shalt  }
0x3f: {  	_ =	shalt  }
0x40: {  	_ =	shalt  }
0x41: {  	_ =	shalt  }
0x42: {  	_ =	shalt  }
0x43: {  	_ =	shalt  }
0x44: {  	_ =	shalt  }
0x45: {  	_ =	shalt  }
0x46: {  	_ =	shalt  }
0x47: {  	_ =	shalt  }
0x48: {  	_ =	shalt  }
0x49: {  	_ =	shalt  }
0x4a: {  	_ =	shalt  }
0x4b: {  	_ =	shalt  }
0x4c: {  	_ =	shalt  }
0x4d: {  	_ =	shalt  }
0x4e: {  	_ =	shalt  }
0x4f: {  	_ =	shalt  }
0x50: {  	_ =	shalt  }
0x51: {  	_ =	shalt  }
0x52: {  	_ =	shalt  }
0x53: {  	_ =	shalt  }
0x54: {  	_ =	shalt  }
0x55: {  	_ =	shalt  }
0x56: {  	_ =	shalt  }
0x57: {  	_ =	shalt  }
0x58: {  	_ =	shalt  }
0x59: {  	_ =	shalt  }
0x5a: {  	_ =	shalt  }
0x5b: {  	_ =	shalt  }
0x5c: {  	_ =	shalt  }
0x5d: {  	_ =	shalt  }
0x5e: {  	_ =	shalt  }
0x5f: {  	_ =	shalt  }
0x60: {  	_ =	shalt  }
0x61: {  	_ =	shalt  }
0x62: {  	_ =	shalt  }
0x63: {  	_ =	shalt  }
0x64: {  	_ =	shalt  }
0x65: {  	_ =	shalt  }
0x66: {  	_ =	shalt  }
0x67: {  	_ =	shalt  }
0x68: {  	_ =	shalt  }
0x69: {  	_ =	shalt  }
0x6a: {  	_ =	shalt  }
0x6b: {  	_ =	shalt  }
0x6c: {  	_ =	shalt  }
0x6d: {  	_ =	shalt  }
0x6e: {  	_ =	shalt  }
0x6f: {  	_ =	shalt  }
0x70: {  	_ =	shalt  }
0x71: {  	_ =	shalt  }
0x72: {  	_ =	shalt  }
0x73: {  	_ =	shalt  }
0x74: {  	_ =	shalt  }
0x75: {  	_ =	shalt  }
0x76: {  	_ =	shalt  }
0x77: {  	_ =	shalt  }
0x78: {  	_ =	shalt  }
0x79: {  	_ =	shalt  }
0x7a: {  	_ =	shalt  }
0x7b: {  	_ =	shalt  }
0x7c: {  	_ =	shalt  }
0x7d: {  	_ =	shalt  }
0x7e: {  	_ =	shalt  }
0x7f: {  	_ =	shalt  }
0x80: {  	_ =	shalt  }
0x81: {  	_ =	shalt  }
0x82: {  	_ =	shalt  }
0x83: {  	_ =	shalt  }
0x84: {  	_ =	shalt  }
0x85: {  	_ =	shalt  }
0x86: {  	_ =	shalt  }
0x87: {  	_ =	shalt  }
.Lfunc_end0:
.L_simem_size_0:
called_computation_lowered:
.L_overlay_start_0:
0x88: {  	s2 =	sld [smem:$0x3FD9]  }
0x89: {  	s3 =	sld [smem:$0x3FFE];
	_ =	sdelay $0x1  }
0x8a: {  	s1 =	srdreg.scid  }
0x8b: {  	s0 =	sand.u32 $0x1, s1  }
0x8c: {  	s17 =	sshll.u32 s0, $0xA;
	s2 =	sadd.s32 s3, s2  }
0x8d: {  	s2 =	sadd.s32 s2, s17  }
0x8e: {  	[smem:$0x3FC4] =	sst s2  }
0x8f: {  	_ = 	snop  }
0x90: {  	s2 =	sld [smem:$0x3FC9]  }
0x91: {  	s18 =	sld [smem:$0x3FD0];
	(tm) =	ssettm $0x1  }
0x92: {  	s4 =	sld [smem:$0x3FFB];
	_ =	sdelay $0x3  }
0x93: {  	_ =	strace s4  }
0x94: {  	s4 =	sld [smem:$0x3FFC];
	_ =	sdelay $0x3  }
0x95: {  	_ =	strace s4  }
0x96: {  	s4 =	sld [smem:$0x3FFD];
	_ =	sdelay $0x3  }
0x97: {  	_ =	strace s4  }
0x98: {  	_ =	strace $0x8FFFFFFF  }
0x99: {  	s19 =	sld [smem:$0x3FDB];
	_ =	sdelay $0x1  }
0x9a: {  	s5 =	simm.s32 $_scs_section_size  }
0x9b: {  	s6 =	simm.s32 $_size__tile_overlayer_lowered;
	s7 =	simm.s32 $_tile_overlayer_lowered  }
0x9c: {  	s22 =	simm.s32 $0x1BFF;
	s21 =	sshll.u32 s7, $0x1;
	s4 =	sadd.s32 s5, s19  }
0x9d: {  	s8 =	simm.s32 $0x0;
	s20 =	sshll.u32 s6, $0x1;
	s6 =	sadd.s32 s21, s4  }
0x9e: {  	[timem:s8], [sflag:s22] =	dma.local [hbm:s6], s20  }
0x9f: {  	_ =	swait.ge [sflag:s22], s20  }
0xa0: {  	s5 =	ssub.s32 $0x0, s20;
	[sflag:s22] =	ssyncset.done $0x0  }
0xa1: {  	[sflag:s22] =	ssyncadd.s32 s5;
	_ =	sdelay $0x1  }
0xa2: {  	s23 =	simm.s32 $0x1B8B  }
0xa3: {  	_ =	swait.ge [sflag:s23], $0x1  }
0xa4: {  	[sflag:s23] =	ssyncset.done $0x0  }
0xa5: {  	s25 =	simm.s32 $0x1B8E;
	s24 =	sld [smem:$0x3FFE];
	[sflag:s23] =	ssyncadd.s32 $0xFFFFFFFF  }
0xa6: {  	s26 =	simm.s32 $execute0_lowered;
	[smem:$0x3FD2] =	sst s25  }
0xa7: {  	s6 =	sshll.u32 s26, $0x1;
	_ =	strace $0x80000046;
	[dreg:$0x1] =	wrdreg $0xFFFFFFFF  }
0xa8: {  	s28 =	simm.s32 $_size_execute0_lowered;
	s4 =	sadd.s32 s4, s6;
	[dreg:$0x0] =	wrdreg $0x0  }
0xa9: {  	s6 =	sshll.u32 s28, $0x1;
	[dreg:$0x2] =	wrdreg s4  }
0xaa: {  	[dreg:$0x3] =	wrdreg s6  }
0xab: {  	[dreg:$0x4] =	wrdreg $0xC0  }
0xac: {  	_ =	task [dreg:s8], $0x5FFFF  }
0xad: {  	[dreg:$0x1] =	wrdreg $0xFFFFFFFF  }
0xae: {  	[dreg:$0x0] =	wrdreg $0x60  }
0xaf: {  	[dreg:$0x2] =	wrdreg s18  }
0xb0: {  	[dreg:$0x3] =	wrdreg s2  }
0xb1: {  	[dreg:$0x4] =	wrdreg s24  }
0xb2: {  	[dreg:$0x5] =	wrdreg $0xC6000  }
0xb3: {  	[dreg:$0x6] =	wrdreg $0x9  }
0xb4: {  	_ =	task.clear_ibuf [dreg:s8], $0x7FFFF;
	_ =	strace $0x90000046  }
0xb5: {  	s29 =	simm.s32 $0x9;
	_ =	strace $0x80000048  }
0xb6: {  	_ =	swait.ge [sflag:s29], $0x1  }
0xb7: {  	[sflag:s29] =	ssyncadd.s32 $0xFFFFFFFF  }
0xb8: {  	_ =	strace $0x90000048  }
0xb9: {  	_ =	sfence  }
0xba: {  	s30 =	sld [smem:$0x0];
	_ =	sdelay $0x2  }
0xbb: {  	s31 =	sshll.u32 s1, $0xD;
	s1 =	sshrl.u32 s1, $0x2  }
0xbc: {  	s3 =	sand.u32 $0x4000, s31;
	s1 =	sadd.s32 s1, s30  }
0xbd: {  	s0 =	sor.u32 s3, s0;
	s1 =	sshll.u32 s1, $0x11  }
0xbe: {  	s0 =	sor.u32 s1, s0  }
0xbf: {  	s0 =	sadd.s32 $0x8F2B, s0  }
0xc0: {  	[sflag:s0] =	ssyncadd.remote.s32 $0x1  }
0xc1: {  	_ =	sfence.sel $0xFFFF  }
0xc2: {  	[dreg:$0x0] =	wrdreg $0xFFFFFFFF;
	(pc) =	sbr.abs _section_cstart, $3  }
0xc3: {  	[dreg:$0x1] =	wrdreg $0xFFFFFFFF  }
0xc4: {  	_ =	task.clear_ibuf [dreg:s8], $0x2FFFF;
	_ =	strace $0x9FFFFFFF  }
0xc5: {  	(tm) =	ssettm $0x7FFFFFFF  }
tec
execute0_lowered:
.L_overlay_start_1:
0x0: {  	(tag) =	ssettag $0x1  }
0x1: {  	s0 =	rddreg [dreg:$0x0]  }
0x2: {  	s1 =	rddreg [dreg:$0x1]  }
0x3: {  	s3 =	rddreg [dreg:$0x2]  }
0x4: {  	s2 =	rddreg [dreg:$0x3];
	s4 =	simm.s32 $0x0;
	s5 =	srdreg.scid  }
0x5: {  	s14 =	stileid.u32;
	s10 =	simm.s32 $0x5;
	s29 =	simm.s32 $0x600  }
0x6: {  	s30 =	simm.s32 $0x80;
	s31 =	simm.s32 $0x100;
	[smem:$0x7FF] =	sst s4  }
0x7: {  	s5 =	sand.u32 $0x1, s5;
	p0 =	slt.u32 s14, $0xE;
	s3 =	sadd.s32 $0xC00, s3  }
0x8: {  	s19 =	sshll.u32 s14, $0xE;
	s11 =	sshll.u32 s14, $0x7;
	p1 =	sne.s32 s14, $0xF  }
0x9: {  	s6 =	ssub.s32 $0x2, s5;
	s7 =	sshll.u32 s5, $0x4;
	s21 =	smul.u32 $0x138800, s5  }
0xa: {  	_ =	strace $0x80000047;
	s10 =	simm.s32 @!p0 $0x4;
	s28 =	smul.u32 $0x2710, s5  }
0xb: {  	s20 =	sadd.s32 s19, s2;
	s13 =	sor.u32 $0x800, s11;
	s5 =	smul.u32 $0x510, s5  }
0xc: {  	s12 =	sor.u32 $0x1000, s11;
	s18 =	sor.u32 $0x1800, s11;
	p0 =	sgt.u32 s14, $0xD  }
0xd: {  	s8 =	sshrl.u32 s6, $0x1;
	s7 =	sor.u32 s14, s7;
	[dreg:$0x6] =	wrdreg s10  }
0xe: {  	[dreg:$0x7] =	wrdreg s20;
	s15 =	sshll.u32 s13, $0x7;
	s9 =	smul.u32 $0x2880, s7  }
0xf: {  	s16 =	sshll.u32 s12, $0x7;
	p2 =	sne.s32 @p0 s14, $0xF;
	s7 =	smul.u32 $0x510, s7  }
0x10: {  	s10 =	simm.s32 $0x200;
	s6 =	ssub.s32 s6, s8;
	s9 =	sshrl.u32 s9, $0x3  }
0x11: {  	s26 =	sadd.s32 s21, s19;
	s7 =	sadd.s32 s0, s7;
	s9 =	sadd.s32 s0, s9  }
0x12: {  	s17 =	sadd.s32 s28, s12;
	[dreg:$0x8] =	wrdreg s7;
	s22 =	sadd.s32 $0x10, s9  }
0x13: {  	s19 =	sshll.u32 s18, $0x7;
	s23 =	sadd.s32 $0x20, s9;
	[dreg:$0x9] =	wrdreg s22  }
0x14: {  	s21 =	sshrl.u32 s21, $0x3;
	s24 =	sadd.s32 $0x30, s9;
	[dreg:$0xa] =	wrdreg s23  }
0x15: {  	p2 =	por p2, !p0;
	s25 =	sadd.s32 $0x40, s9;
	[dreg:$0xb] =	wrdreg s24  }
0x16: {  	s7 =	sshrl.u32 s26, $0x3;
	s9 =	sadd.s32 $0x50, s9;
	[dreg:$0xc] =	wrdreg s25  }
0x17: {  	s12 =	simm.s32 $0x400;
	s7 =	sadd.s32 s3, s7;
	[dreg:$0xd] =	wrdreg s9  }
0x18: {  	[dreg:$0xe] =	wrdreg s7;
	s7 =	sadd.s32 s28, s13;
	s13 =	smul.u32 $0x51, s14  }
0x19: {  	s9 =	sadd.s32 s15, s2;
	s22 =	sor.u32 $0x2000, s11;
	s25 =	smax.u32 s6, $0x1  }
0x1a: {  	s11 =	simm.s32 $0x4;
	s14 =	simm.s32 $0x300;
	s15 =	simm.s32 $0x8600  }
0x1b: {  	s7 =	sshll.u32 s7, $0x4;
	[dreg:$0xf] =	wrdreg s9;
	s9 =	sadd.s32 s28, s18  }
0x1c: {  	s8 =	sadd.s32 s28, s22;
	[dreg:$0x18] =	wrdreg s25;
	s28 =	sadd.s32 $0x138000, s2  }
0x1d: {  	s18 =	simm.s32 $0x500;
	s7 =	sadd.s32 s3, s7;
	s5 =	sadd.s32 s13, s5  }
0x1e: {  	s20 =	sshll.u32 s9, $0x4;
	s24 =	sshll.u32 s8, $0x4;
	[dreg:$0x19] =	wrdreg s28  }
0x1f: {  	s8 =	simm.s32 $0x4600;
	s9 =	simm.s32 $0x7;
	s13 =	simm.s32 $0x3  }
0x20: {  	[dreg:$0x10] =	wrdreg s7;
	s7 =	sadd.s32 s16, s2;
	s5 =	sshll.u32 s5, $0x4  }
0x21: {  	s16 =	simm.s32 $0x480;
	[dreg:$0x11] =	wrdreg s7;
	s7 =	sshll.u32 s17, $0x4  }
0x22: {  	s0 =	sadd.s32 s0, s5;
	s5 =	sadd.s32 s19, s2;
	s17 =	simm.s32 $0x6  }
0x23: {  	s19 =	simm.s32 $0x8;
	s7 =	sadd.s32 s3, s7;
	[dreg:$0x13] =	wrdreg s5  }
0x24: {  	s5 =	sadd.s32 s3, s20;
	s26 =	sadd.s32 $0x80, s0;
	[dreg:$0x12] =	wrdreg s7  }
0x25: {  	s25 =	sadd.s32 $0x60, s0;
	s20 =	simm.s32 $0x9;
	[dreg:$0x14] =	wrdreg s5  }
0x26: {  	s5 =	sadd.s32 s3, s21;
	s7 =	sshll.u32 s22, $0x7;
	s3 =	sadd.s32 s3, s24  }
0x27: {  	[dreg:$0x5] =	wrdreg s26;
	s24 =	sadd.s32 $0x70, s0;
	s26 =	simm.s32 $0x5  }
0x28: {  	s0 =	simm.s32 $0x1;
	s5 =	sadd.s32 $0x27000, s5;
	[dreg:$0x17] =	wrdreg s3  }
0x29: {  	s22 =	simm.s32 $0x0;
	s23 =	sadd.s32 s7, s2;
	[dreg:$0x15] =	wrdreg s5  }
0x2a: {  	v0 =	vimm.f32 $0.0e+00;
	s3 =	simm.s32 $0x2;
	s7 =	simm.s32 $0x280;
	[dreg:$0x16] =	wrdreg s23  }
.LBB2_1:
0x2b: {  	s5 =	simm.s32 $0x0  }
0x2c: {  	s6 =	sand.u32 $0xFFFFFF80, s5  }
0x2d: {  	s6 =	ssub.s32 $0x0, s6  }
0x2e: {  	s5 =	sand.u32 $0x3FFFFF80, s5;
	s6 =	sand.u32 $0xFFFFFF80, s6  }
0x2f: {  	s23 =	sand.u32 $0x70, s4;
	s6 =	sadd.s32 s6, s5  }
0x30: {  	s5 =	simm.s32 $0x1;
	s23 =	sor.u32 s23, s6;
	s6 =	simm.s32 $0x0  }
.LBB2_2:
0x31: {  	s28 =	sshll.u32 s5, $0x4;
	p3 =	sne.s32 s5, $0x3FF;
	s5 =	sadd.s32 $0x1, s5;
	[tilespmem:s23+$0x600] =	vst v0  }
.Ltmp0:
0x32: {  	s6 =	sadd.s32 $0x10, s6;
	s23 =	sand.u32 $0xFFFFFF80, s28;
	(pc) =	sbr.rel @p3 .LBB2_2-.Ltmp0, $4  }
0x33: {  	s23 =	ssub.s32 s6, s23  }
0x34: {  	s28 =	sand.u32 $0x3FFFFF80, s28;
	s23 =	sand.u32 $0xFFFFFF80, s23  }
0x35: {  	s21 =	sand.u32 $0x70, s6;
	s23 =	sadd.s32 s23, s28  }
0x36: {  	s23 =	sor.u32 s21, s23  }
0x37: {  	s5 =	rddreg [dreg:$0x6]  }
0x38: {  	p3 =	sne.s32 s5, $0x1  }
.Ltmp1:
0x39: {  	_ = 	snop;
	(pc) =	sbr.rel @!p3 .LBB2_5-.Ltmp1, $4  }
0x3a: {  	_ = 	snop  }
0x3b: {  	[tilespmem:s23+$0x600] =	vst v0;
	s6 =	rddreg [dreg:$0x7]  }
0x3c: {  	[spmem:s6] =	stream.linear.scatter [tilespmem:s29], [sflag:$0x7], $0x4000, $0x38;
	v63 =	vld [tilespmem:$0x0]  }
0x3d: {  	s5 =	sadd.s32 $0xFFFFFFFF, s5  }
.LBB2_4:
0x3e: {  	p4 =	sne.s32 s5, $0x1  }
.Ltmp2:
0x3f: {  	_ = 	snop;
	(pc) =	sbr.rel @p4 .LBB2_4-.Ltmp2, $3  }
0x40: {  	_ = 	snop  }
0x41: {  	s5 =	sadd.s32 $0xFFFFFFFF, s5;
	s6 =	sadd.s32 $0x40000, s6;
	_ =	sdelay $0x1  }
0x42: {  	[spmem:s6] =	stream.linear.scatter [tilespmem:s29], [sflag:$0x7], $0x4000, $0x38;
	v63 =	vld [tilespmem:$0x0]  }
.LBB2_5:
0x43: {  	s5 =	simm.s32 @!p1 $0x600;
	s6 =	rddreg [dreg:$0x19]  }
0x44: {  	[spmem:s6] =	stream.linear.scatter @!p1 [tilespmem:s5], [sflag:$0x8], $0x2000, $0x38;
	v63 =	vld [tilespmem:$0x0]  }
0x45: {  	s23 =	rddreg [dreg:$0x8]  }
0x46: {  	[tilespmem:s4], [sflag:$0x1] =	stream.linear.gather [hbm4b:s23+s4], $0x80, $0x38;
	v63 =	vld [tilespmem:$0x0]  }
0x47: {  	s28 =	rddreg [dreg:$0x9]  }
0x48: {  	[tilespmem:s30], [sflag:$0x2] =	stream.linear.gather [hbm4b:s28+s4], $0x80, $0x38;
	v63 =	vld [tilespmem:$0x0]  }
0x49: {  	s6 =	rddreg [dreg:$0xa]  }
0x4a: {  	[tilespmem:s31], [sflag:$0x3] =	stream.linear.gather [hbm4b:s6+s4], $0x80, $0x38;
	v63 =	vld [tilespmem:$0x0]  }
0x4b: {  	_ =	swait.ge [sflag:s0], $0x80  }
0x4c: {  	[sflag:s0] =	ssyncset.done $0x0  }
0x4d: {  	[sflag:s0] =	ssyncadd.s32 $0xFFFFFF80  }
0x4e: {  	v1 =	vld [tilespmem:$0x0];
	_ =	sdelay $0x1  }
0x4f: {  	v2 =	vld [tilespmem:$0x10];
	_ =	sdelay $0x1  }
0x50: {  	v3 =	vld [tilespmem:$0x20]  }
0x51: {  	v4 =	vand.u32 $0x3FFF, v1  }
0x52: {  	v58 =	vld [tilespmem:$0x30];
	v1 =	vshra.s32 v1, $0xE;
	[tilespmem:$0x200] =	vst v4  }
0x53: {  	[tilespmem:$0x400] =	vst v1;
	v1 =	vand.u32 $0x3FFF, v2  }
0x54: {  	[tilespmem:$0x210] =	vst v1;
	v1 =	vshra.s32 v2, $0xE;
	v2 =	vld [tilespmem:$0x40]  }
0x55: {  	[tilespmem:$0x410] =	vst v1;
	v1 =	vand.u32 $0x3FFF, v3  }
0x56: {  	[tilespmem:$0x220] =	vst v1;
	v1 =	vshra.s32 v3, $0xE;
	v3 =	vld [tilespmem:$0x50]  }
0x57: {  	[tilespmem:$0x420] =	vst v1;
	v1 =	vand.u32 $0x3FFF, v58  }
0x58: {  	v59 =	vld [tilespmem:$0x60];
	[tilespmem:$0x230] =	vst v1;
	v1 =	vshra.s32 v58, $0xE  }
0x59: {  	[tilespmem:$0x430] =	vst v1;
	v1 =	vand.u32 $0x3FFF, v2  }
0x5a: {  	[tilespmem:$0x240] =	vst v1;
	v1 =	vshra.s32 v2, $0xE;
	v2 =	vld [tilespmem:$0x70]  }
0x5b: {  	[tilespmem:$0x440] =	vst v1;
	v1 =	vand.u32 $0x3FFF, v3  }
0x5c: {  	[tilespmem:$0x250] =	vst v1;
	v1 =	vshra.s32 v3, $0xE  }
0x5d: {  	[tilespmem:$0x450] =	vst v1;
	v1 =	vand.u32 $0x3FFF, v59  }
0x5e: {  	[tilespmem:$0x260] =	vst v1;
	v1 =	vshra.s32 v59, $0xE  }
0x5f: {  	[tilespmem:$0x460] =	vst v1;
	v1 =	vand.u32 $0x3FFF, v2  }
0x60: {  	[tilespmem:$0x270] =	vst v1;
	v1 =	vshra.s32 v2, $0xE  }
0x61: {  	s21 =	rddreg [dreg:$0xb];
	[tilespmem:$0x470] =	vst v1  }
0x62: {  	[tilespmem:s4], [sflag:$0x1] =	stream.linear.gather [hbm4b:s21+s4], $0x80, $0x38;
	v63 =	vld [tilespmem:$0x0]  }
0x63: {  	_ =	swait.ge [sflag:s3], $0x80  }
0x64: {  	[sflag:s3] =	ssyncset.done $0x0  }
0x65: {  	[sflag:s3] =	ssyncadd.s32 $0xFFFFFF80  }
0x66: {  	v1 =	vld [tilespmem:$0x80];
	_ =	sdelay $0x1  }
0x67: {  	v2 =	vld [tilespmem:$0x90];
	_ =	sdelay $0x1  }
0x68: {  	v3 =	vld [tilespmem:$0xA0]  }
0x69: {  	v60 =	vand.u32 $0x3FFF, v1  }
0x6a: {  	v61 =	vld [tilespmem:$0xB0];
	v1 =	vshra.s32 v1, $0xE;
	[tilespmem:$0x280] =	vst v60  }
0x6b: {  	[tilespmem:$0x480] =	vst v1;
	v1 =	vand.u32 $0x3FFF, v2  }
0x6c: {  	[tilespmem:$0x290] =	vst v1;
	v1 =	vshra.s32 v2, $0xE;
	v2 =	vld [tilespmem:$0xC0]  }
0x6d: {  	[tilespmem:$0x490] =	vst v1;
	v1 =	vand.u32 $0x3FFF, v3  }
0x6e: {  	[tilespmem:$0x2A0] =	vst v1;
	v1 =	vshra.s32 v3, $0xE;
	v3 =	vld [tilespmem:$0xD0]  }
0x6f: {  	[tilespmem:$0x4A0] =	vst v1;
	v1 =	vand.u32 $0x3FFF, v61  }
0x70: {  	v62 =	vld [tilespmem:$0xE0];
	[tilespmem:$0x2B0] =	vst v1;
	v1 =	vshra.s32 v61, $0xE  }
0x71: {  	[tilespmem:$0x4B0] =	vst v1;
	v1 =	vand.u32 $0x3FFF, v2  }
0x72: {  	[tilespmem:$0x2C0] =	vst v1;
	v1 =	vshra.s32 v2, $0xE;
	v2 =	vld [tilespmem:$0xF0]  }
0x73: {  	[tilespmem:$0x4C0] =	vst v1;
	v1 =	vand.u32 $0x3FFF, v3  }
0x74: {  	[tilespmem:$0x2D0] =	vst v1;
	v1 =	vshra.s32 v3, $0xE  }
0x75: {  	[tilespmem:$0x4D0] =	vst v1;
	v1 =	vand.u32 $0x3FFF, v62  }
0x76: {  	[tilespmem:$0x2E0] =	vst v1;
	v1 =	vshra.s32 v62, $0xE  }
0x77: {  	[tilespmem:$0x4E0] =	vst v1;
	v1 =	vand.u32 $0x3FFF, v2  }
0x78: {  	[tilespmem:$0x2F0] =	vst v1;
	v1 =	vshra.s32 v2, $0xE  }
0x79: {  	s23 =	rddreg [dreg:$0xc];
	[tilespmem:$0x4F0] =	vst v1  }
0x7a: {  	[tilespmem:s30], [sflag:$0x2] =	stream.linear.gather [hbm4b:s23+s4], $0x80, $0x38;
	v63 =	vld [tilespmem:$0x0]  }
.Ltmp3:
0x7b: {  	_ = 	snop;
	(pc) =	sbr.rel @!p3 .LBB2_7-.Ltmp3, $4  }
0x7c: {  	[tilespmem:s8], [sflag:$0x5] =	stream.indirect.gather [hbm4b:s1+s30], $0x80, s7, s30, $0xb8;
	v63 =	vld [tilespmem:$0x0]  }
0x7d: {  	_ =	swait.ge [sflag:s9], $0x4000  }
0x7e: {  	s28 =	rddreg [dreg:$0x6]  }
0x7f: {  	[sflag:s9] =	ssyncset.done $0x0;
	s5 =	sadd.s32 $0xFFFFFFFF, s28  }
.LBB2_6:
0x80: {  	p3 =	sne.s32 s5, $0x1;
	s5 =	sadd.s32 $0xFFFFFFFF, s5;
	[sflag:s9] =	ssyncadd.s32 $0xFFFFC000  }
.Ltmp4:
0x81: {  	(pc) =	sbr.rel @p3 .LBB2_6-.Ltmp4, $3  }
0x82: {  	_ =	sdelay $0x1  }
0x83: {  	_ =	swait.ge [sflag:s9], $0x4000  }
0x84: {  	[sflag:s9] =	ssyncset.done $0x0  }
.LBB2_7:
0x85: {  	[sflag:s9] =	ssyncadd.s32 $0xFFFFC000;
	s5 =	simm.s32 @!p1 $0x8  }
0x86: {  	_ =	swait.ge @!p1 [sflag:s5], $0x2000  }
0x87: {  	[sflag:s5] =	ssyncset.done @!p1 $0x0  }
0x88: {  	[sflag:s5] =	ssyncadd.s32 @!p1 $0xFFFFE000  }
0x89: {  	[bflag:$0x0] =	sbarrier.arrive $0xFFFF  }
0x8a: {  	[tilespmem:s29], [sflag:$0x4] =	stream.indirect.gather [hbm4b:s1+s30], $0x80, s10, s30, $0xb8;
	v63 =	vld [tilespmem:$0x0]  }
0x8b: {  	_ =	swait.ge [sflag:s11], $0x4000  }
0x8c: {  	[sflag:s11] =	ssyncset.done $0x0  }
0x8d: {  	[sflag:s11] =	ssyncadd.s32 $0xFFFFC000  }
0x8e: {  	[spmem:s2] =	stream.indirect.scatter.add.f32 [tilespmem:s29], [sflag:$0x7], $0x80, s12, s30, $0xb8;
	v63 =	vld [tilespmem:$0x0]  }
0x8f: {  	_ =	swait.ge [sflag:s13], $0x80  }
0x90: {  	[sflag:s13] =	ssyncset.done $0x0  }
0x91: {  	[sflag:s13] =	ssyncadd.s32 $0xFFFFFF80  }
0x92: {  	v1 =	vld [tilespmem:$0x100];
	_ =	sdelay $0x1  }
0x93: {  	v2 =	vld [tilespmem:$0x110];
	_ =	sdelay $0x1  }
0x94: {  	v3 =	vld [tilespmem:$0x120]  }
0x95: {  	v4 =	vand.u32 $0x3FFF, v1  }
0x96: {  	v1 =	vshra.s32 v1, $0xE;
	[tilespmem:$0x300] =	vst v4;
	v4 =	vld [tilespmem:$0x130]  }
0x97: {  	[tilespmem:$0x500] =	vst v1;
	v1 =	vand.u32 $0x3FFF, v2  }
0x98: {  	[tilespmem:$0x310] =	vst v1;
	v1 =	vshra.s32 v2, $0xE;
	v2 =	vld [tilespmem:$0x140]  }
0x99: {  	[tilespmem:$0x510] =	vst v1;
	v1 =	vand.u32 $0x3FFF, v3  }
0x9a: {  	[tilespmem:$0x320] =	vst v1;
	v1 =	vshra.s32 v3, $0xE;
	v3 =	vld [tilespmem:$0x150]  }
0x9b: {  	[tilespmem:$0x520] =	vst v1;
	v1 =	vand.u32 $0x3FFF, v4  }
0x9c: {  	[tilespmem:$0x330] =	vst v1;
	v1 =	vshra.s32 v4, $0xE;
	v4 =	vld [tilespmem:$0x160]  }
0x9d: {  	[tilespmem:$0x530] =	vst v1;
	v1 =	vand.u32 $0x3FFF, v2  }
0x9e: {  	[tilespmem:$0x340] =	vst v1;
	v1 =	vshra.s32 v2, $0xE;
	v2 =	vld [tilespmem:$0x170]  }
0x9f: {  	[tilespmem:$0x540] =	vst v1;
	v1 =	vand.u32 $0x3FFF, v3  }
0xa0: {  	[tilespmem:$0x350] =	vst v1;
	v1 =	vshra.s32 v3, $0xE  }
0xa1: {  	[tilespmem:$0x550] =	vst v1;
	v1 =	vand.u32 $0x3FFF, v4  }
0xa2: {  	[tilespmem:$0x360] =	vst v1;
	v1 =	vshra.s32 v4, $0xE  }
0xa3: {  	[tilespmem:$0x560] =	vst v1;
	v1 =	vand.u32 $0x3FFF, v2  }
0xa4: {  	[tilespmem:$0x370] =	vst v1;
	v1 =	vshra.s32 v2, $0xE  }
0xa5: {  	s23 =	simm.s32 $0x0;
	s6 =	rddreg [dreg:$0xd];
	[tilespmem:$0x570] =	vst v1  }
0xa6: {  	[tilespmem:s31], [sflag:$0x3] =	stream.linear.gather [hbm4b:s6+s23], $0x80, $0x38;
	v63 =	vld [tilespmem:$0x0]  }
0xa7: {  	_ = 	snop  }
0xa8: {  	[tilespmem:s15], [sflag:$0x6] =	stream.indirect.gather [hbm4b:s1+s30], $0x80, s14, s30, $0xb8;
	v63 =	vld [tilespmem:$0x0]  }
0xa9: {  	_ =	swait.ge [sflag:s26], $0x4000  }
0xaa: {  	[sflag:s26] =	ssyncset.done $0x0  }
0xab: {  	[sflag:s26] =	ssyncadd.s32 $0xFFFFC000  }
0xac: {  	[spmem:s2] =	stream.indirect.scatter.add.f32 [tilespmem:s8], [sflag:$0x8], $0x80, s16, s30, $0xb8;
	v63 =	vld [tilespmem:$0x0]  }
0xad: {  	_ =	swait.ge [sflag:s9], $0x4000  }
0xae: {  	[sflag:s9] =	ssyncset.done $0x0  }
0xaf: {  	[sflag:s9] =	ssyncadd.s32 $0xFFFFC000  }
0xb0: {  	_ =	swait.ge [sflag:s0], $0x80  }
0xb1: {  	[sflag:s0] =	ssyncset.done $0x0  }
0xb2: {  	[sflag:s0] =	ssyncadd.s32 $0xFFFFFF80  }
0xb3: {  	v1 =	vld [tilespmem:$0x70];
	_ =	sdelay $0x1  }
0xb4: {  	v2 =	vld [tilespmem:$0x60]  }
0xb5: {  	v3 =	vld [tilespmem:$0x40];
	_ =	sdelay $0x1  }
0xb6: {  	v4 =	vand.u32 $0x3FFF, v1  }
0xb7: {  	v5 =	vld [tilespmem:$0x0];
	v1 =	vshra.s32 v1, $0xE;
	[tilespmem:$0x270] =	vst v4  }
0xb8: {  	v6 =	vand.u32 $0x3FFF, v2;
	v4 =	vld [tilespmem:$0x10];
	[tilespmem:$0x470] =	vst v1  }
0xb9: {  	v7 =	vshra.s32 v3, $0xE;
	v1 =	vld [tilespmem:$0x30];
	[tilespmem:$0x260] =	vst v6  }
0xba: {  	v3 =	vand.u32 $0x3FFF, v3;
	[tilespmem:$0x440] =	vst v7  }
0xbb: {  	v2 =	vshra.s32 v2, $0xE;
	[tilespmem:$0x240] =	vst v3  }
0xbc: {  	v3 =	vand.u32 $0x3FFF, v5;
	[tilespmem:$0x460] =	vst v2  }
0xbd: {  	v6 =	vld [tilespmem:$0x50];
	[tilespmem:$0x200] =	vst v3;
	v2 =	vshra.s32 v4, $0xE  }
0xbe: {  	v3 =	vand.u32 $0x3FFF, v1;
	[tilespmem:$0x410] =	vst v2  }
0xbf: {  	v7 =	vld [tilespmem:$0x20];
	v1 =	vshra.s32 v1, $0xE;
	[tilespmem:$0x230] =	vst v3  }
0xc0: {  	v2 =	vand.u32 $0x3FFF, v4;
	[tilespmem:$0x430] =	vst v1  }
0xc1: {  	v3 =	vshra.s32 v5, $0xE;
	[tilespmem:$0x210] =	vst v2  }
0xc2: {  	v1 =	vshra.s32 v6, $0xE;
	[tilespmem:$0x400] =	vst v3  }
0xc3: {  	v2 =	vand.u32 $0x3FFF, v6;
	[tilespmem:$0x450] =	vst v1  }
0xc4: {  	[tilespmem:$0x250] =	vst v2;
	v2 =	vshra.s32 v7, $0xE  }
0xc5: {  	[tilespmem:$0x420] =	vst v2;
	v2 =	vand.u32 $0x3FFF, v7  }
0xc6: {  	s21 =	sadd.s32 $0x0, s25;
	[tilespmem:$0x220] =	vst v2  }
0xc7: {  	[tilespmem:s4], [sflag:$0x1] =	stream.linear.gather [hbm4b:s21+s4], $0x80, $0x38;
	v63 =	vld [tilespmem:$0x0]  }
0xc8: {  	_ = 	snop  }
0xc9: {  	[tilespmem:s29], [sflag:$0x4] =	stream.indirect.gather [hbm4b:s1+s30], $0x80, s10, s30, $0xb8;
	v63 =	vld [tilespmem:$0x0]  }
0xca: {  	_ =	swait.ge [sflag:s17], $0x4000  }
0xcb: {  	[sflag:s17] =	ssyncset.done $0x0  }
0xcc: {  	[sflag:s17] =	ssyncadd.s32 $0xFFFFC000  }
0xcd: {  	[spmem:s2] =	stream.indirect.scatter.add.f32 [tilespmem:s15], [sflag:$0x9], $0x80, s18, s30, $0xb8;
	v63 =	vld [tilespmem:$0x0]  }
0xce: {  	_ =	swait.ge [sflag:s19], $0x4000  }
0xcf: {  	[sflag:s19] =	ssyncset.done $0x0  }
0xd0: {  	[sflag:s19] =	ssyncadd.s32 $0xFFFFC000  }
0xd1: {  	_ =	swait.ge [sflag:s3], $0x80  }
0xd2: {  	[sflag:s3] =	ssyncset.done $0x0  }
0xd3: {  	[sflag:s3] =	ssyncadd.s32 $0xFFFFFF80  }
0xd4: {  	v1 =	vld [tilespmem:$0x90];
	_ =	sdelay $0x1  }
0xd5: {  	v4 =	vld [tilespmem:$0xB0]  }
0xd6: {  	v3 =	vld [tilespmem:$0x80]  }
0xd7: {  	v2 =	vld [tilespmem:$0xA0]  }
0xd8: {  	v6 =	vld [tilespmem:$0xC0];
	v5 =	vshra.s32 v1, $0xE  }
0xd9: {  	v8 =	vld [tilespmem:$0xD0];
	v1 =	vand.u32 $0x3FFF, v1;
	[tilespmem:$0x490] =	vst v5  }
0xda: {  	v9 =	vld [tilespmem:$0xE0];
	v11 =	vand.u32 $0x3FFF, v4;
	[tilespmem:$0x290] =	vst v1  }
0xdb: {  	v10 =	vand.u32 $0x3FFF, v3;
	[tilespmem:$0x2B0] =	vst v11  }
0xdc: {  	v5 =	vshra.s32 v2, $0xE;
	[tilespmem:$0x280] =	vst v10  }
0xdd: {  	v7 =	vshra.s32 v6, $0xE;
	v1 =	vand.u32 $0x3FFF, v2;
	v2 =	vshra.s32 v3, $0xE;
	[tilespmem:$0x4A0] =	vst v5  }
0xde: {  	v3 =	vand.u32 $0x3FFF, v8;
	[tilespmem:$0x2A0] =	vst v1;
	v5 =	vshra.s32 v4, $0xE;
	v1 =	vand.u32 $0x3FFF, v6  }
0xdf: {  	s28 =	simm.s32 $0x30;
	[tilespmem:$0x480] =	vst v2;
	v4 =	vshra.s32 v8, $0xE;
	v8 =	vld [tilespmem:$0xF0];
	v6 =	vand.u32 $0x3FFF, v9;
	v2 =	vshra.s32 v9, $0xE  }
.LBB2_8:
0xe0: {  	[tilespmem:$0x4B0] =	vst v5  }
0xe1: {  	[tilespmem:$0x4C0] =	vst v7  }
0xe2: {  	[tilespmem:$0x2C0] =	vst v1  }
0xe3: {  	[tilespmem:$0x2D0] =	vst v3  }
0xe4: {  	[tilespmem:$0x4D0] =	vst v4  }
0xe5: {  	[tilespmem:$0x2E0] =	vst v6  }
0xe6: {  	[tilespmem:$0x4E0] =	vst v2;
	v7 =	vshra.s32 v8, $0xE  }
0xe7: {  	v5 =	vand.u32 $0x3FFF, v8;
	[tilespmem:$0x4F0] =	vst v7  }
0xe8: {  	s5 =	sadd.s32 s23, s24;
	[tilespmem:$0x2F0] =	vst v5  }
0xe9: {  	[tilespmem:s30], [sflag:$0x2] =	stream.linear.gather [hbm4b:s5+s4], $0x80, $0x38;
	v63 =	vld [tilespmem:$0x0]  }
0xea: {  	_ = 	snop  }
0xeb: {  	[tilespmem:s8], [sflag:$0x5] =	stream.indirect.gather [hbm4b:s1+s30], $0x80, s7, s30, $0xb8;
	v63 =	vld [tilespmem:$0x0]  }
0xec: {  	_ =	swait.ge [sflag:s11], $0x4000  }
0xed: {  	[sflag:s11] =	ssyncset.done $0x0  }
0xee: {  	[sflag:s11] =	ssyncadd.s32 $0xFFFFC000  }
0xef: {  	[spmem:s2] =	stream.indirect.scatter.add.f32 [tilespmem:s29], [sflag:$0x7], $0x80, s12, s30, $0xb8;
	v63 =	vld [tilespmem:$0x0]  }
0xf0: {  	_ =	swait.ge [sflag:s20], $0x4000  }
0xf1: {  	[sflag:s20] =	ssyncset.done $0x0  }
0xf2: {  	[sflag:s20] =	ssyncadd.s32 $0xFFFFC000  }
0xf3: {  	_ =	swait.ge [sflag:s13], $0x80  }
0xf4: {  	[sflag:s13] =	ssyncset.done $0x0  }
0xf5: {  	[sflag:s13] =	ssyncadd.s32 $0xFFFFFF80  }
0xf6: {  	v1 =	vld [tilespmem:$0x110];
	_ =	sdelay $0x1  }
0xf7: {  	v2 =	vld [tilespmem:$0x100];
	_ =	sdelay $0x1  }
0xf8: {  	v3 =	vld [tilespmem:$0x120]  }
0xf9: {  	v6 =	vand.u32 $0x3FFF, v1  }
0xfa: {  	v4 =	vld [tilespmem:$0x130];
	v1 =	vshra.s32 v1, $0xE;
	[tilespmem:$0x310] =	vst v6  }
0xfb: {  	v5 =	vld [tilespmem:$0x170];
	v8 =	vand.u32 $0x3FFF, v2;
	v2 =	vshra.s32 v2, $0xE;
	[tilespmem:$0x510] =	vst v1  }
0xfc: {  	[tilespmem:$0x500] =	vst v2  }
0xfd: {  	v1 =	vand.u32 $0x3FFF, v3;
	v3 =	vshra.s32 v3, $0xE;
	[tilespmem:$0x300] =	vst v8  }
0xfe: {  	v9 =	vld [tilespmem:$0x160];
	[tilespmem:$0x520] =	vst v3  }
0xff: {  	v3 =	vand.u32 $0x3FFF, v4;
	v4 =	vshra.s32 v4, $0xE;
	[tilespmem:$0x320] =	vst v1  }
0x100: {  	v7 =	vld [tilespmem:$0x140];
	v1 =	vand.u32 $0x3FFF, v5;
	v5 =	vshra.s32 v5, $0xE;
	[tilespmem:$0x530] =	vst v4  }
0x101: {  	[tilespmem:$0x570] =	vst v5  }
0x102: {  	v6 =	vld [tilespmem:$0x150];
	[tilespmem:$0x330] =	vst v3  }
0x103: {  	v5 =	vand.u32 $0x3FFF, v9;
	v9 =	vshra.s32 v9, $0xE;
	[tilespmem:$0x370] =	vst v1  }
0x104: {  	[tilespmem:$0x560] =	vst v9  }
0x105: {  	v4 =	vand.u32 $0x3FFF, v7;
	v7 =	vshra.s32 v7, $0xE;
	[tilespmem:$0x360] =	vst v5  }
0x106: {  	[tilespmem:$0x540] =	vst v7  }
0x107: {  	[tilespmem:$0x340] =	vst v4;
	v10 =	vand.u32 $0x3FFF, v6  }
0x108: {  	s21 =	rddreg [dreg:$0x5];
	v6 =	vshra.s32 v6, $0xE;
	[tilespmem:$0x350] =	vst v10  }
0x109: {  	s5 =	sadd.s32 s23, s21;
	[tilespmem:$0x550] =	vst v6  }
0x10a: {  	[tilespmem:s31], [sflag:$0x3] =	stream.linear.gather [hbm4b:s5+s4], $0x80, $0x38;
	v63 =	vld [tilespmem:$0x0]  }
0x10b: {  	_ = 	snop  }
0x10c: {  	[tilespmem:s15], [sflag:$0x6] =	stream.indirect.gather [hbm4b:s1+s30], $0x80, s14, s30, $0xb8;
	v63 =	vld [tilespmem:$0x0]  }
0x10d: {  	_ =	swait.ge [sflag:s26], $0x4000  }
0x10e: {  	[sflag:s26] =	ssyncset.done $0x0  }
0x10f: {  	[sflag:s26] =	ssyncadd.s32 $0xFFFFC000  }
0x110: {  	[spmem:s2] =	stream.indirect.scatter.add.f32 [tilespmem:s8], [sflag:$0x8], $0x80, s16, s30, $0xb8;
	v63 =	vld [tilespmem:$0x0]  }
0x111: {  	_ =	swait.ge [sflag:s9], $0x4000  }
0x112: {  	[sflag:s9] =	ssyncset.done $0x0  }
0x113: {  	[sflag:s9] =	ssyncadd.s32 $0xFFFFC000  }
0x114: {  	_ =	swait.ge [sflag:s0], $0x80  }
0x115: {  	[sflag:s0] =	ssyncset.done $0x0  }
0x116: {  	[sflag:s0] =	ssyncadd.s32 $0xFFFFFF80  }
0x117: {  	v1 =	vld [tilespmem:$0x70];
	_ =	sdelay $0x1  }
0x118: {  	v2 =	vld [tilespmem:$0x60];
	_ =	sdelay $0x1  }
0x119: {  	v6 =	vld [tilespmem:$0x30]  }
0x11a: {  	v7 =	vand.u32 $0x3FFF, v1  }
0x11b: {  	v4 =	vld [tilespmem:$0x40];
	v1 =	vshra.s32 v1, $0xE;
	[tilespmem:$0x270] =	vst v7  }
0x11c: {  	v8 =	vand.u32 $0x3FFF, v2;
	[tilespmem:$0x470] =	vst v1  }
0x11d: {  	v5 =	vld [tilespmem:$0x0];
	v2 =	vshra.s32 v2, $0xE;
	[tilespmem:$0x260] =	vst v8  }
0x11e: {  	v3 =	vld [tilespmem:$0x10];
	v9 =	vand.u32 $0x3FFF, v6;
	[tilespmem:$0x460] =	vst v2  }
0x11f: {  	v6 =	vshra.s32 v6, $0xE;
	[tilespmem:$0x230] =	vst v9  }
0x120: {  	v1 =	vand.u32 $0x3FFF, v4;
	v4 =	vshra.s32 v4, $0xE;
	[tilespmem:$0x430] =	vst v6  }
0x121: {  	[tilespmem:$0x440] =	vst v4;
	v4 =	vld [tilespmem:$0x50]  }
0x122: {  	v7 =	vand.u32 $0x3FFF, v5;
	[tilespmem:$0x240] =	vst v1;
	v1 =	vld [tilespmem:$0x20]  }
0x123: {  	v8 =	vand.u32 $0x3FFF, v3;
	v3 =	vshra.s32 v3, $0xE;
	[tilespmem:$0x200] =	vst v7  }
0x124: {  	[tilespmem:$0x410] =	vst v3  }
0x125: {  	v5 =	vshra.s32 v5, $0xE;
	[tilespmem:$0x210] =	vst v8  }
0x126: {  	[tilespmem:$0x400] =	vst v5;
	v2 =	vand.u32 $0x3FFF, v4  }
0x127: {  	v3 =	vshra.s32 v4, $0xE;
	v4 =	vand.u32 $0x3FFF, v1;
	v1 =	vshra.s32 v1, $0xE;
	[tilespmem:$0x250] =	vst v2  }
0x128: {  	s6 =	smov.u32 s28;
	[tilespmem:$0x420] =	vst v1  }
0x129: {  	s23 =	smov.u32 s6;
	[tilespmem:$0x450] =	vst v3  }
0x12a: {  	s21 =	sadd.s32 s23, s25;
	[tilespmem:$0x220] =	vst v4  }
0x12b: {  	[tilespmem:s4], [sflag:$0x1] =	stream.linear.gather [hbm4b:s21+s4], $0x80, $0x38;
	v63 =	vld [tilespmem:$0x0]  }
0x12c: {  	_ = 	snop  }
0x12d: {  	[tilespmem:s29], [sflag:$0x4] =	stream.indirect.gather [hbm4b:s1+s30], $0x80, s10, s30, $0xb8;
	v63 =	vld [tilespmem:$0x0]  }
0x12e: {  	_ =	swait.ge [sflag:s17], $0x4000  }
0x12f: {  	[sflag:s17] =	ssyncset.done $0x0  }
0x130: {  	[sflag:s17] =	ssyncadd.s32 $0xFFFFC000  }
0x131: {  	[spmem:s2] =	stream.indirect.scatter.add.f32 [tilespmem:s15], [sflag:$0x9], $0x80, s18, s30, $0xb8;
	v63 =	vld [tilespmem:$0x0]  }
0x132: {  	_ =	swait.ge [sflag:s19], $0x4000  }
0x133: {  	[sflag:s19] =	ssyncset.done $0x0  }
0x134: {  	[sflag:s19] =	ssyncadd.s32 $0xFFFFC000  }
0x135: {  	_ =	swait.ge [sflag:s3], $0x80  }
0x136: {  	[sflag:s3] =	ssyncset.done $0x0  }
0x137: {  	[sflag:s3] =	ssyncadd.s32 $0xFFFFFF80  }
0x138: {  	v2 =	vld [tilespmem:$0x90];
	_ =	sdelay $0x1  }
0x139: {  	v3 =	vld [tilespmem:$0x80]  }
0x13a: {  	v4 =	vld [tilespmem:$0xB0]  }
0x13b: {  	v1 =	vld [tilespmem:$0xA0]  }
0x13c: {  	v6 =	vld [tilespmem:$0xC0];
	v5 =	vand.u32 $0x3FFF, v2;
	v2 =	vshra.s32 v2, $0xE  }
0x13d: {  	v8 =	vld [tilespmem:$0xD0];
	[tilespmem:$0x490] =	vst v2  }
0x13e: {  	p3 =	sne.s32 s28, $0x480;
	v9 =	vld [tilespmem:$0xE0];
	v10 =	vshra.s32 v3, $0xE;
	[tilespmem:$0x290] =	vst v5  }
.Ltmp5:
0x13f: {  	v12 =	vand.u32 $0x3FFF, v4;
	[tilespmem:$0x480] =	vst v10;
	(pc) =	sbr.rel @p3 .LBB2_8-.Ltmp5, $4  }
0x140: {  	v11 =	vand.u32 $0x3FFF, v3;
	[tilespmem:$0x2B0] =	vst v12  }
0x141: {  	v7 =	vshra.s32 v6, $0xE;
	v2 =	vand.u32 $0x3FFF, v1;
	v1 =	vshra.s32 v1, $0xE;
	[tilespmem:$0x280] =	vst v11  }
0x142: {  	v3 =	vand.u32 $0x3FFF, v8;
	v5 =	vshra.s32 v4, $0xE;
	v4 =	vshra.s32 v8, $0xE;
	[tilespmem:$0x4A0] =	vst v1  }
0x143: {  	s28 =	sadd.s32 $0x30, s28;
	v8 =	vld [tilespmem:$0xF0];
	v1 =	vand.u32 $0x3FFF, v6;
	[tilespmem:$0x2A0] =	vst v2;
	v6 =	vand.u32 $0x3FFF, v9;
	v2 =	vshra.s32 v9, $0xE  }
0x144: {  	[tilespmem:$0x4B0] =	vst v5  }
0x145: {  	[tilespmem:$0x4C0] =	vst v7  }
0x146: {  	[tilespmem:$0x2C0] =	vst v1  }
0x147: {  	[tilespmem:$0x2D0] =	vst v3  }
0x148: {  	[tilespmem:$0x4D0] =	vst v4  }
0x149: {  	[tilespmem:$0x2E0] =	vst v6  }
0x14a: {  	[tilespmem:$0x4E0] =	vst v2;
	v1 =	vshra.s32 v8, $0xE  }
0x14b: {  	[tilespmem:$0x4F0] =	vst v1;
	v1 =	vand.u32 $0x3FFF, v8  }
0x14c: {  	s5 =	sadd.s32 s23, s24;
	[tilespmem:$0x2F0] =	vst v1  }
0x14d: {  	[tilespmem:s30], [sflag:$0x2] =	stream.linear.gather [hbm4b:s5+s4], $0x80, $0x38;
	v63 =	vld [tilespmem:$0x0]  }
0x14e: {  	_ = 	snop  }
0x14f: {  	[tilespmem:s8], [sflag:$0x5] =	stream.indirect.gather [hbm4b:s1+s30], $0x80, s7, s30, $0xb8;
	v63 =	vld [tilespmem:$0x0]  }
0x150: {  	_ =	swait.ge [sflag:s11], $0x4000  }
0x151: {  	[sflag:s11] =	ssyncset.done $0x0  }
0x152: {  	[sflag:s11] =	ssyncadd.s32 $0xFFFFC000  }
0x153: {  	[spmem:s2] =	stream.indirect.scatter.add.f32 [tilespmem:s29], [sflag:$0x7], $0x80, s12, s30, $0xb8;
	v63 =	vld [tilespmem:$0x0]  }
0x154: {  	_ =	swait.ge [sflag:s20], $0x4000  }
0x155: {  	[sflag:s20] =	ssyncset.done $0x0  }
0x156: {  	[sflag:s20] =	ssyncadd.s32 $0xFFFFC000  }
0x157: {  	_ =	swait.ge [sflag:s13], $0x80  }
0x158: {  	[sflag:s13] =	ssyncset.done $0x0  }
0x159: {  	[sflag:s13] =	ssyncadd.s32 $0xFFFFFF80  }
0x15a: {  	v1 =	vld [tilespmem:$0x110];
	_ =	sdelay $0x1  }
0x15b: {  	v49 =	vld [tilespmem:$0x150]  }
0x15c: {  	v51 =	vld [tilespmem:$0x160]  }
0x15d: {  	v2 =	vld [tilespmem:$0x120]  }
0x15e: {  	v48 =	vand.u32 $0x3FFF, v1  }
0x15f: {  	v3 =	vld [tilespmem:$0x130];
	v1 =	vshra.s32 v1, $0xE;
	[tilespmem:$0x310] =	vst v48  }
0x160: {  	v47 =	vld [tilespmem:$0x170];
	v52 =	vand.u32 $0x3FFF, v49;
	[tilespmem:$0x510] =	vst v1  }
0x161: {  	v53 =	vshra.s32 v51, $0xE;
	[tilespmem:$0x350] =	vst v52  }
0x162: {  	v50 =	vld [tilespmem:$0x100];
	v1 =	vshra.s32 v2, $0xE;
	[tilespmem:$0x560] =	vst v53  }
0x163: {  	v2 =	vand.u32 $0x3FFF, v2;
	[tilespmem:$0x520] =	vst v1  }
0x164: {  	v1 =	vshra.s32 v3, $0xE;
	[tilespmem:$0x320] =	vst v2  }
0x165: {  	v2 =	vshra.s32 v47, $0xE;
	[tilespmem:$0x530] =	vst v1;
	v1 =	vld [tilespmem:$0x140]  }
0x166: {  	v3 =	vand.u32 $0x3FFF, v3;
	[tilespmem:$0x570] =	vst v2  }
0x167: {  	v2 =	vshra.s32 v50, $0xE;
	[tilespmem:$0x330] =	vst v3  }
0x168: {  	v3 =	vand.u32 $0x3FFF, v47;
	[tilespmem:$0x500] =	vst v2  }
0x169: {  	v2 =	vand.u32 $0x3FFF, v51;
	[tilespmem:$0x370] =	vst v3  }
0x16a: {  	[tilespmem:$0x360] =	vst v2;
	v2 =	vshra.s32 v1, $0xE  }
0x16b: {  	v1 =	vand.u32 $0x3FFF, v1;
	[tilespmem:$0x540] =	vst v2  }
0x16c: {  	v2 =	vand.u32 $0x3FFF, v50;
	[tilespmem:$0x340] =	vst v1  }
0x16d: {  	s6 =	rddreg [dreg:$0x5];
	v1 =	vshra.s32 v49, $0xE;
	[tilespmem:$0x300] =	vst v2  }
0x16e: {  	s5 =	sadd.s32 s23, s6;
	[tilespmem:$0x550] =	vst v1  }
0x16f: {  	[tilespmem:s31], [sflag:$0x3] =	stream.linear.gather [hbm4b:s5+s4], $0x80, $0x38;
	v63 =	vld [tilespmem:$0x0]  }
0x170: {  	_ = 	snop  }
0x171: {  	[tilespmem:s15], [sflag:$0x6] =	stream.indirect.gather [hbm4b:s1+s30], $0x80, s14, s30, $0xb8;
	v63 =	vld [tilespmem:$0x0]  }
0x172: {  	_ =	swait.ge [sflag:s26], $0x4000  }
0x173: {  	[sflag:s26] =	ssyncset.done $0x0  }
0x174: {  	[sflag:s26] =	ssyncadd.s32 $0xFFFFC000  }
0x175: {  	[spmem:s2] =	stream.indirect.scatter.add.f32 [tilespmem:s8], [sflag:$0x8], $0x80, s16, s30, $0xb8;
	v63 =	vld [tilespmem:$0x0]  }
0x176: {  	_ =	swait.ge [sflag:s9], $0x4000  }
0x177: {  	[sflag:s9] =	ssyncset.done $0x0  }
0x178: {  	[sflag:s9] =	ssyncadd.s32 $0xFFFFC000  }
0x179: {  	_ =	swait.ge [sflag:s0], $0x80  }
0x17a: {  	[sflag:s0] =	ssyncset.done $0x0  }
0x17b: {  	[sflag:s0] =	ssyncadd.s32 $0xFFFFFF80  }
0x17c: {  	v1 =	vld [tilespmem:$0x0];
	_ =	sdelay $0x1  }
0x17d: {  	v2 =	vld [tilespmem:$0x10];
	_ =	sdelay $0x1  }
0x17e: {  	v3 =	vld [tilespmem:$0x20]  }
0x17f: {  	v54 =	vand.u32 $0x3FFF, v1  }
0x180: {  	v55 =	vld [tilespmem:$0x30];
	v1 =	vshra.s32 v1, $0xE;
	[tilespmem:$0x200] =	vst v54  }
0x181: {  	[tilespmem:$0x400] =	vst v1;
	v1 =	vand.u32 $0x3FFF, v2  }
0x182: {  	[tilespmem:$0x210] =	vst v1;
	v1 =	vshra.s32 v2, $0xE;
	v2 =	vld [tilespmem:$0x40]  }
0x183: {  	[tilespmem:$0x410] =	vst v1;
	v1 =	vand.u32 $0x3FFF, v3  }
0x184: {  	[tilespmem:$0x220] =	vst v1;
	v1 =	vshra.s32 v3, $0xE;
	v3 =	vld [tilespmem:$0x50]  }
0x185: {  	[tilespmem:$0x420] =	vst v1;
	v1 =	vand.u32 $0x3FFF, v55  }
0x186: {  	v56 =	vld [tilespmem:$0x60];
	[tilespmem:$0x230] =	vst v1;
	v1 =	vshra.s32 v55, $0xE  }
0x187: {  	[tilespmem:$0x430] =	vst v1;
	v1 =	vand.u32 $0x3FFF, v2  }
0x188: {  	[tilespmem:$0x240] =	vst v1;
	v1 =	vshra.s32 v2, $0xE;
	v2 =	vld [tilespmem:$0x70]  }
0x189: {  	[tilespmem:$0x440] =	vst v1;
	v1 =	vand.u32 $0x3FFF, v3  }
0x18a: {  	[tilespmem:$0x250] =	vst v1;
	v1 =	vshra.s32 v3, $0xE  }
0x18b: {  	[tilespmem:$0x450] =	vst v1;
	v1 =	vand.u32 $0x3FFF, v56  }
0x18c: {  	[tilespmem:$0x260] =	vst v1;
	v1 =	vshra.s32 v56, $0xE  }
0x18d: {  	[tilespmem:$0x460] =	vst v1;
	v1 =	vand.u32 $0x3FFF, v2  }
0x18e: {  	[tilespmem:$0x270] =	vst v1;
	v1 =	vshra.s32 v2, $0xE  }
0x18f: {  	[tilespmem:$0x470] =	vst v1  }
0x190: {  	[tilespmem:s29], [sflag:$0x4] =	stream.indirect.gather [hbm4b:s1+s30], $0x80, s10, s30, $0xb8;
	v63 =	vld [tilespmem:$0x0]  }
0x191: {  	_ =	swait.ge [sflag:s17], $0x4000  }
0x192: {  	[sflag:s17] =	ssyncset.done $0x0  }
0x193: {  	[sflag:s17] =	ssyncadd.s32 $0xFFFFC000  }
0x194: {  	[spmem:s2] =	stream.indirect.scatter.add.f32 [tilespmem:s15], [sflag:$0x9], $0x80, s18, s30, $0xb8;
	v63 =	vld [tilespmem:$0x0]  }
0x195: {  	_ =	swait.ge [sflag:s19], $0x4000  }
0x196: {  	[sflag:s19] =	ssyncset.done $0x0  }
0x197: {  	[sflag:s19] =	ssyncadd.s32 $0xFFFFC000  }
0x198: {  	_ =	swait.ge [sflag:s3], $0x80  }
0x199: {  	[sflag:s3] =	ssyncset.done $0x0  }
0x19a: {  	[sflag:s3] =	ssyncadd.s32 $0xFFFFFF80  }
0x19b: {  	v1 =	vld [tilespmem:$0x80];
	_ =	sdelay $0x1  }
0x19c: {  	v2 =	vld [tilespmem:$0x90];
	_ =	sdelay $0x1  }
0x19d: {  	v3 =	vld [tilespmem:$0xA0]  }
0x19e: {  	v57 =	vand.u32 $0x3FFF, v1  }
0x19f: {  	v58 =	vld [tilespmem:$0xB0];
	v1 =	vshra.s32 v1, $0xE;
	[tilespmem:$0x280] =	vst v57  }
0x1a0: {  	[tilespmem:$0x480] =	vst v1;
	v1 =	vand.u32 $0x3FFF, v2  }
0x1a1: {  	[tilespmem:$0x290] =	vst v1;
	v1 =	vshra.s32 v2, $0xE;
	v2 =	vld [tilespmem:$0xC0]  }
0x1a2: {  	[tilespmem:$0x490] =	vst v1;
	v1 =	vand.u32 $0x3FFF, v3  }
0x1a3: {  	[tilespmem:$0x2A0] =	vst v1;
	v1 =	vshra.s32 v3, $0xE;
	v3 =	vld [tilespmem:$0xD0]  }
0x1a4: {  	[tilespmem:$0x4A0] =	vst v1;
	v1 =	vand.u32 $0x3FFF, v58  }
0x1a5: {  	v59 =	vld [tilespmem:$0xE0];
	[tilespmem:$0x2B0] =	vst v1;
	v1 =	vshra.s32 v58, $0xE  }
0x1a6: {  	[tilespmem:$0x4B0] =	vst v1;
	v1 =	vand.u32 $0x3FFF, v2  }
0x1a7: {  	[tilespmem:$0x2C0] =	vst v1;
	v1 =	vshra.s32 v2, $0xE;
	v2 =	vld [tilespmem:$0xF0]  }
0x1a8: {  	[tilespmem:$0x4C0] =	vst v1;
	v1 =	vand.u32 $0x3FFF, v3  }
0x1a9: {  	[tilespmem:$0x2D0] =	vst v1;
	v1 =	vshra.s32 v3, $0xE  }
0x1aa: {  	[tilespmem:$0x4D0] =	vst v1;
	v1 =	vand.u32 $0x3FFF, v59  }
0x1ab: {  	[tilespmem:$0x2E0] =	vst v1;
	v1 =	vshra.s32 v59, $0xE  }
0x1ac: {  	[tilespmem:$0x4E0] =	vst v1;
	v1 =	vand.u32 $0x3FFF, v2  }
0x1ad: {  	[tilespmem:$0x2F0] =	vst v1;
	v1 =	vshra.s32 v2, $0xE  }
0x1ae: {  	[tilespmem:$0x4F0] =	vst v1  }
0x1af: {  	[tilespmem:s8], [sflag:$0x5] =	stream.indirect.gather [hbm4b:s1+s30], $0x80, s7, s30, $0xb8;
	v63 =	vld [tilespmem:$0x0]  }
0x1b0: {  	_ =	swait.ge [sflag:s11], $0x4000  }
0x1b1: {  	[sflag:s11] =	ssyncset.done $0x0  }
0x1b2: {  	[sflag:s11] =	ssyncadd.s32 $0xFFFFC000  }
0x1b3: {  	[spmem:s2] =	stream.indirect.scatter.add.f32 [tilespmem:s29], [sflag:$0x7], $0x80, s12, s30, $0xb8;
	v63 =	vld [tilespmem:$0x0]  }
0x1b4: {  	_ =	swait.ge [sflag:s20], $0x4000  }
0x1b5: {  	[sflag:s20] =	ssyncset.done $0x0  }
0x1b6: {  	[sflag:s20] =	ssyncadd.s32 $0xFFFFC000  }
0x1b7: {  	_ =	swait.ge [sflag:s13], $0x80  }
0x1b8: {  	[sflag:s13] =	ssyncset.done $0x0  }
0x1b9: {  	[sflag:s13] =	ssyncadd.s32 $0xFFFFFF80  }
0x1ba: {  	v1 =	vld [tilespmem:$0x100];
	_ =	sdelay $0x1  }
0x1bb: {  	v2 =	vld [tilespmem:$0x110];
	_ =	sdelay $0x1  }
0x1bc: {  	v3 =	vld [tilespmem:$0x120]  }
0x1bd: {  	v60 =	vand.u32 $0x3FFF, v1  }
0x1be: {  	v61 =	vld [tilespmem:$0x130];
	v1 =	vshra.s32 v1, $0xE;
	[tilespmem:$0x300] =	vst v60  }
0x1bf: {  	[tilespmem:$0x500] =	vst v1;
	v1 =	vand.u32 $0x3FFF, v2  }
0x1c0: {  	[tilespmem:$0x310] =	vst v1;
	v1 =	vshra.s32 v2, $0xE;
	v2 =	vld [tilespmem:$0x140]  }
0x1c1: {  	[tilespmem:$0x510] =	vst v1;
	v1 =	vand.u32 $0x3FFF, v3  }
0x1c2: {  	[tilespmem:$0x320] =	vst v1;
	v1 =	vshra.s32 v3, $0xE;
	v3 =	vld [tilespmem:$0x150]  }
0x1c3: {  	[tilespmem:$0x520] =	vst v1;
	v1 =	vand.u32 $0x3FFF, v61  }
0x1c4: {  	v62 =	vld [tilespmem:$0x160];
	[tilespmem:$0x330] =	vst v1;
	v1 =	vshra.s32 v61, $0xE  }
0x1c5: {  	[tilespmem:$0x530] =	vst v1;
	v1 =	vand.u32 $0x3FFF, v2  }
0x1c6: {  	[tilespmem:$0x340] =	vst v1;
	v1 =	vshra.s32 v2, $0xE;
	v2 =	vld [tilespmem:$0x170]  }
0x1c7: {  	[tilespmem:$0x540] =	vst v1;
	v1 =	vand.u32 $0x3FFF, v3  }
0x1c8: {  	[tilespmem:$0x350] =	vst v1;
	v1 =	vshra.s32 v3, $0xE  }
0x1c9: {  	[tilespmem:$0x550] =	vst v1;
	v1 =	vand.u32 $0x3FFF, v62  }
0x1ca: {  	[tilespmem:$0x360] =	vst v1;
	v1 =	vshra.s32 v62, $0xE  }
0x1cb: {  	[tilespmem:$0x560] =	vst v1;
	v1 =	vand.u32 $0x3FFF, v2  }
0x1cc: {  	[tilespmem:$0x370] =	vst v1;
	v1 =	vshra.s32 v2, $0xE  }
0x1cd: {  	[tilespmem:$0x570] =	vst v1  }
0x1ce: {  	[tilespmem:s15], [sflag:$0x6] =	stream.indirect.gather [hbm4b:s1+s30], $0x80, s14, s30, $0xb8;
	v63 =	vld [tilespmem:$0x0]  }
0x1cf: {  	_ =	swait.ge [sflag:s26], $0x4000  }
0x1d0: {  	[sflag:s26] =	ssyncset.done $0x0  }
0x1d1: {  	[sflag:s26] =	ssyncadd.s32 $0xFFFFC000  }
0x1d2: {  	[spmem:s2] =	stream.indirect.scatter.add.f32 [tilespmem:s8], [sflag:$0x8], $0x80, s16, s30, $0xb8;
	v63 =	vld [tilespmem:$0x0]  }
0x1d3: {  	_ =	swait.ge [sflag:s9], $0x4000  }
0x1d4: {  	[sflag:s9] =	ssyncset.done $0x0  }
0x1d5: {  	[sflag:s9] =	ssyncadd.s32 $0xFFFFC000  }
0x1d6: {  	_ =	swait.ge [sflag:s17], $0x4000  }
0x1d7: {  	[sflag:s17] =	ssyncset.done $0x0  }
0x1d8: {  	[sflag:s17] =	ssyncadd.s32 $0xFFFFC000  }
0x1d9: {  	[spmem:s2] =	stream.indirect.scatter.add.f32 [tilespmem:s15], [sflag:$0x9], $0x80, s18, s30, $0xb8;
	v63 =	vld [tilespmem:$0x0]  }
0x1da: {  	_ =	swait.ge [sflag:s19], $0x4000  }
0x1db: {  	[sflag:s19] =	ssyncset.done $0x0  }
0x1dc: {  	[sflag:s19] =	ssyncadd.s32 $0xFFFFC000  }
0x1dd: {  	_ =	swait.ge [sflag:s20], $0x4000  }
0x1de: {  	[sflag:s20] =	ssyncset.done $0x0  }
0x1df: {  	[sflag:s20] =	ssyncadd.s32 $0xFFFFC000  }
0x1e0: {  	[bflag:$0x0] =	sbarrier.arrive $0xFFFF  }
0x1e1: {  	s6 =	simm.s32 $0xA;
	s21 =	rddreg [dreg:$0x7]  }
0x1e2: {  	[tilespmem:s29], [sflag:$0xA] =	stream.linear.gather [spmem:s21], $0x4000, $0x38;
	v63 =	vld [tilespmem:$0x0]  }
0x1e3: {  	_ =	swait.ge [sflag:s6], $0x4000  }
0x1e4: {  	[sflag:s6] =	ssyncset.done $0x0  }
0x1e5: {  	s23 =	rddreg [dreg:$0xe];
	[sflag:s6] =	ssyncadd.s32 $0xFFFFC000  }
0x1e6: {  	[hbm4b:s23+s4] =	stream.linear.scatter [tilespmem:s29], [sflag:$0x4], $0x4000, $0x38;
	v63 =	vld [tilespmem:$0x0]  }
0x1e7: {  	s28 =	rddreg [dreg:$0xf]  }
0x1e8: {  	[tilespmem:s8], [sflag:$0xA] =	stream.linear.gather [spmem:s28], $0x4000, $0x38;
	v63 =	vld [tilespmem:$0x0]  }
0x1e9: {  	_ =	swait.ge [sflag:s6], $0x4000  }
0x1ea: {  	[sflag:s6] =	ssyncset.done $0x0  }
0x1eb: {  	s21 =	rddreg [dreg:$0x10];
	[sflag:s6] =	ssyncadd.s32 $0xFFFFC000  }
0x1ec: {  	[hbm4b:s21+s4] =	stream.linear.scatter [tilespmem:s8], [sflag:$0x5], $0x4000, $0x38;
	v63 =	vld [tilespmem:$0x0]  }
0x1ed: {  	_ =	swait.ge [sflag:s11], $0x4000  }
0x1ee: {  	[sflag:s11] =	ssyncset.done $0x0  }
0x1ef: {  	s23 =	rddreg [dreg:$0x11];
	[sflag:s11] =	ssyncadd.s32 $0xFFFFC000  }
0x1f0: {  	[tilespmem:s29], [sflag:$0xA] =	stream.linear.gather [spmem:s23], $0x4000, $0x38;
	v63 =	vld [tilespmem:$0x0]  }
0x1f1: {  	_ =	swait.ge [sflag:s6], $0x4000  }
0x1f2: {  	[sflag:s6] =	ssyncset.done $0x0  }
0x1f3: {  	s28 =	rddreg [dreg:$0x12];
	[sflag:s6] =	ssyncadd.s32 $0xFFFFC000  }
0x1f4: {  	[hbm4b:s28+s4] =	stream.linear.scatter [tilespmem:s29], [sflag:$0x4], $0x4000, $0x38;
	v63 =	vld [tilespmem:$0x0]  }
0x1f5: {  	_ =	swait.ge [sflag:s26], $0x4000  }
0x1f6: {  	[sflag:s26] =	ssyncset.done $0x0  }
0x1f7: {  	s21 =	rddreg [dreg:$0x13];
	[sflag:s26] =	ssyncadd.s32 $0xFFFFC000  }
0x1f8: {  	[tilespmem:s8], [sflag:$0xA] =	stream.linear.gather [spmem:s21], $0x4000, $0x38;
	v63 =	vld [tilespmem:$0x0]  }
0x1f9: {  	_ =	swait.ge [sflag:s6], $0x4000  }
0x1fa: {  	[sflag:s6] =	ssyncset.done $0x0  }
0x1fb: {  	s23 =	rddreg [dreg:$0x14];
	[sflag:s6] =	ssyncadd.s32 $0xFFFFC000  }
0x1fc: {  	[hbm4b:s23+s4] =	stream.linear.scatter [tilespmem:s8], [sflag:$0x5], $0x4000, $0x38;
	v63 =	vld [tilespmem:$0x0]  }
0x1fd: {  	_ =	swait.ge [sflag:s11], $0x4000  }
0x1fe: {  	[sflag:s11] =	ssyncset.done $0x0  }
0x1ff: {  	s5 =	simm.s32 @p0 $0x5;
	[sflag:s11] =	ssyncadd.s32 $0xFFFFC000  }
0x200: {  	_ =	swait.ge @p0 [sflag:s5], $0x4000  }
0x201: {  	[sflag:s5] =	ssyncset.done @p0 $0x0  }
0x202: {  	s6 =	rddreg [dreg:$0x19];
	[sflag:s5] =	ssyncadd.s32 @p0 $0xFFFFC000;
	s5 =	simm.s32 @!p2 $0x600  }
0x203: {  	[tilespmem:s5], [sflag:$0xA] =	stream.linear.gather @!p2 [spmem:s6], $0x800, $0x38;
	v63 =	vld [tilespmem:$0x0]  }
0x204: {  	s6 =	simm.s32 @!p2 $0xA  }
0x205: {  	_ =	swait.ge @!p2 [sflag:s6], $0x800  }
0x206: {  	[sflag:s6] =	ssyncset.done @!p2 $0x0  }
0x207: {  	s21 =	simm.s32 @!p2 $0x0;
	s23 =	rddreg [dreg:$0x15];
	[sflag:s6] =	ssyncadd.s32 @!p2 $0xFFFFF800  }
0x208: {  	[hbm4b:s23+s21] =	stream.linear.scatter @!p2 [tilespmem:s5], [sflag:$0xA], $0x800, $0x38;
	v63 =	vld [tilespmem:$0x0]  }
0x209: {  	_ =	swait.ge @!p2 [sflag:s6], $0x800  }
0x20a: {  	[sflag:s6] =	ssyncset.done @!p2 $0x0  }
0x20b: {  	s5 =	simm.s32 @!p0 $0x600;
	[sflag:s6] =	ssyncadd.s32 @!p2 $0xFFFFF800;
	s6 =	rddreg [dreg:$0x16]  }
0x20c: {  	[tilespmem:s5], [sflag:$0xA] =	stream.linear.gather @!p0 [spmem:s6], $0x4000, $0x38;
	v63 =	vld [tilespmem:$0x0]  }
0x20d: {  	s6 =	simm.s32 @!p0 $0xA  }
0x20e: {  	_ =	swait.ge @!p0 [sflag:s6], $0x4000  }
0x20f: {  	[sflag:s6] =	ssyncset.done @!p0 $0x0  }
0x210: {  	s21 =	rddreg [dreg:$0x17];
	[sflag:s6] =	ssyncadd.s32 @!p0 $0xFFFFC000;
	s6 =	simm.s32 @!p0 $0x0  }
0x211: {  	[hbm4b:s21+s6] =	stream.linear.scatter @!p0 [tilespmem:s5], [sflag:$0x4], $0x4000, $0x38;
	v63 =	vld [tilespmem:$0x0]  }
0x212: {  	s5 =	simm.s32 @!p0 $0x5  }
0x213: {  	_ =	swait.ge @!p0 [sflag:s5], $0x4000  }
0x214: {  	[sflag:s5] =	ssyncset.done @!p0 $0x0  }
0x215: {  	[sflag:s5] =	ssyncadd.s32 @!p0 $0xFFFFC000;
	s5 =	simm.s32 @!p0 $0x4  }
0x216: {  	_ =	swait.ge @!p0 [sflag:s5], $0x4000  }
0x217: {  	s22 =	sadd.s32 $0x1, s22;
	s28 =	rddreg [dreg:$0x18]  }
0x218: {  	p3 =	sne.s32 s22, s28  }
.Ltmp6:
0x219: {  	_ = 	snop;
	(pc) =	sbr.rel @p3 .LBB2_1-.Ltmp6, $3  }
0x21a: {  	_ =	sdelay $0x1  }
0x21b: {  	[sflag:s5] =	ssyncset.done @!p0 $0x0  }
0x21c: {  	[sflag:s5] =	ssyncadd.s32 @!p0 $0xFFFFC000  }
0x21d: {  	_ =	sfence.sel $0x180000  }
0x21e: {  	[bflag:$0x0] =	sbarrier.arrive $0xFFFF  }
0x21f: {  	_ =	strace $0x90000047  }
0x220: {  	s0 =	stileid.u32;
	[bflag:$0x2] =	sbarrier.arrive $0xFFFF  }
0x221: {  	p0 =	sne.s32 s0, $0x0;
	s0 =	rddreg [dreg:$0x4]  }
0x222: {  	s0 =	sadd.s32 @!p0 $0x100000, s0  }
0x223: {  	[sflag:s0] =	ssyncadd.tile.s32 @!p0 $0x1;
	_ =	shalt  }
.Lfunc_end2:
_tile_overlayer_lowered:
.L_overlay_start_2:
0x224: {  	(tag) =	ssettag $0x2  }
0x225: {  	s0 =	rddreg [dreg:$0x0];
	s2 =	stileid.u32  }
0x226: {  	s1 =	rddreg [dreg:$0x1];
	p0 =	sne.s32 s2, $0x0  }
0x227: {  	s3 =	rddreg [dreg:$0x2];
	[bflag:$0x3] =	sbarrier.arrive $0xFFFF;
	s2 =	simm.s32 @!p0 $0x1C0A  }
0x228: {  	[timem:s3], [sflag:s2] =	dma.local @!p0 [hbm:s0], s1  }
0x229: {  	s0 =	simm.s32 @!p0 $0xA  }
0x22a: {  	_ =	swait.ge @!p0 [sflag:s0], s1  }
0x22b: {  	s1 =	ssub.s32 @!p0 $0x0, s1;
	[sflag:s0] =	ssyncset.done @!p0 $0x0  }
0x22c: {  	[sflag:s0] =	ssyncadd.s32 @!p0 s1  }
0x22d: {  	[bflag:$0x3] =	sbarrier.arrive $0xFFFF  }
0x22e: {  	_ =	shalt  }

</sc_bundles>
